<compile_context>
chip_gen: v7x
topology: tpu7x:2x2x1
jax: 0.10.2.dev20260603
libtpu: 0.0.44.dev20260713+nightly
codegen_flags: <defaults>
</compile_context>

<pallas_src>
import functools

import numpy as np
import jax
import jax.numpy as jnp
from jax import lax
from jax.experimental import pallas as pl
from jax.experimental.pallas import tpu as pltpu
from jax.experimental.pallas import tpu_sc as plsc

B, N_NUM, N_CAT, D = 16384, 13, 26, 32
NF = N_NUM + N_CAT
WN, WC, WT = N_NUM * D, N_CAT * D, NF * D

NC, NS = 2, 16
NW = NC * NS
ROWS = B * N_CAT
CHUNK = 128
CPW = ROWS // (NW * CHUNK)
ROWS_PW = ROWS // NW


def _sc_gather(table, idx_flat):
    idx2d = idx_flat.reshape(ROWS // CHUNK, CHUNK)
    mesh = plsc.VectorSubcoreMesh(
        core_axis_name="c", subcore_axis_name="s", num_cores=NC, num_subcores=NS
    )

    NBUF = 4

    @functools.partial(
        pl.kernel,
        out_type=jax.ShapeDtypeStruct((ROWS, D), jnp.float32),
        mesh=mesh,
        scratch_types=[
            pltpu.VMEM((CPW, CHUNK), jnp.int32),
            [pltpu.VMEM((CHUNK, D), jnp.float32) for _ in range(NBUF)],
            [pltpu.SemaphoreType.DMA for _ in range(NBUF)],
        ],
        compiler_params=pltpu.CompilerParams(use_tc_tiling_on_sc=False),
    )
    def gather_k(idx_hbm, table_hbm, out_hbm, idx_v, rows, sems):
        wid = lax.axis_index("s") * NC + lax.axis_index("c")
        pltpu.sync_copy(idx_hbm.at[pl.ds(wid * CPW, CPW)], idx_v)
        base = wid * ROWS_PW

        copies = [
            pltpu.async_copy(table_hbm.at[idx_v.at[j]], rows[j], sems[j])
            for j in range(NBUF)
        ]
        for j in range(CPW):
            b = j % NBUF
            copies[j].wait()
            pltpu.sync_copy(rows[b], out_hbm.at[pl.ds(base + j * CHUNK, CHUNK)])
            if j + NBUF < CPW:
                copies.append(
                    pltpu.async_copy(
                        table_hbm.at[idx_v.at[j + NBUF]], rows[b], sems[b]
                    )
                )

    return gather_k(idx2d, table)


def _build_mats():
    l_t = np.arange(WT)
    g_t = np.arange(NF)
    GsT = ((l_t[None, :] // D == g_t[:, None]).astype(np.float32) / D)
    GbT = (l_t[:, None] // D == g_t[None, :]).astype(np.float32)
    PrA = np.zeros((NF, NF), np.float32)
    for f in range(N_NUM):
        PrA[f, 3 * f] = 1.0
    PrB = np.zeros((NF, N_CAT), np.float32)
    for f in range(N_CAT):
        PrB[N_NUM + f, f] = 1.0
    M1a = np.zeros((2 * NF, NF), np.float32)
    for f in range(N_NUM):
        M1a[2 * f, 3 * f + 1] = 1.0
        M1a[2 * f + 1, 3 * f + 2] = 1.0
    M1b = np.zeros((2 * NF, 2 * N_CAT), np.float32)
    for j in range(2 * N_CAT):
        M1b[2 * N_NUM + j, j] = 1.0
    E1 = np.zeros((2 * NF, N_CAT), np.float32)
    for f in range(N_CAT):
        E1[2 * N_NUM + 2 * f, f] = 1.0
    return GsT, GbT, PrA, PrB, M1a, M1b, E1


_MATS = _build_mats()

TB = 512


def _dot(a, b, hi=False):
    prec = lax.Precision.HIGHEST if hi else lax.Precision.DEFAULT
    return jnp.dot(a, b, precision=prec, preferred_element_type=jnp.float32)


def _tc_body(xnT_ref, idxT_ref, metaT_ref, emb_ref, w1_ref, w2_ref, bias_ref,
             fid_ref, gam_ref, bet_ref, gs_ref, gb_ref, pra_ref, prb_ref,
             m1a_ref, m1b_ref, e1_ref,
             h0_ref, raw_ref, mask_ref, md_ref):
    xnT = xnT_ref[...]
    idxT = idxT_ref[...]
    metaT = metaT_ref[...]
    emb = emb_ref[...]

    gelu = lambda t: 0.5 * t * (1.0 + lax.erf(t * 0.7071067811865476))
    r_i = lax.broadcasted_iota(jnp.int32, (TB, TB), 0)
    c_i = lax.broadcasted_iota(jnp.int32, (TB, TB), 1)
    ident = jnp.where(r_i == c_i, 1.0, 0.0)
    embT = lax.dot_general(emb, ident, (((0,), (0,)), ((), ())),
                           precision=lax.Precision.DEFAULT,
                           preferred_element_type=jnp.float32)

    projN = _dot(w1_ref[...], xnT)
    projC = _dot(w2_ref[...], metaT)
    pre = jnp.concatenate([projN, projC + embT], axis=0) + bias_ref[...]
    h = gelu(pre) + fid_ref[...]

    GsT, GbT = gs_ref[...], gb_ref[...]
    mean_b = _dot(GbT, _dot(GsT, h))
    hc = h - mean_b
    rstd = lax.rsqrt(_dot(GsT, hc * hc) + 1e-5)
    h0_ref[...] = hc * _dot(GbT, rstd) * gam_ref[...] + bet_ref[...]

    idxfT = idxT.astype(jnp.float32)
    raw_ref[...] = _dot(pra_ref[...], xnT, hi=True) + _dot(prb_ref[...], idxfT, hi=True)
    row39 = lax.broadcasted_iota(jnp.int32, (NF, TB), 0)
    mask_ref[...] = jnp.where(row39 < N_NUM, 1.0, 0.0)

    sgnf = ((idxT & 1) * 2 - 1).astype(jnp.float32)
    r1 = _dot(m1a_ref[...], xnT, hi=True) + _dot(m1b_ref[...], metaT, hi=True)
    sE = _dot(e1_ref[...], sgnf)
    row78 = lax.broadcasted_iota(jnp.int32, (2 * NF, TB), 0)
    is_ce = (row78 >= 2 * N_NUM) & (row78 % 2 == 0)
    md_ref[...] = jnp.where(is_ce, 0.5 + sE * 0.5 * (1.0 - r1), r1)


def _tc_fused(xnT, idxT, metaT, emb2, W1, W2, biasT, fidT, gamT, betT):
    grid = (B // TB,)
    col_spec = lambda r: pl.BlockSpec((r, TB), lambda i: (0, i))
    full_spec = lambda r, c: pl.BlockSpec((r, c), lambda i: (0, 0))
    GsT, GbT, PrA, PrB, M1a, M1b, E1 = _MATS
    return pl.pallas_call(
        _tc_body,
        grid=grid,
        in_specs=[
            col_spec(NF), col_spec(N_CAT), col_spec(2 * N_CAT),
            pl.BlockSpec((TB, WC), lambda i: (i, 0)),
            full_spec(WN, NF), full_spec(WC, 2 * N_CAT), full_spec(WT, 1),
            full_spec(WT, 1), full_spec(WT, 1), full_spec(WT, 1),
            full_spec(NF, WT), full_spec(WT, NF),
            full_spec(NF, NF), full_spec(NF, N_CAT),
            full_spec(2 * NF, NF), full_spec(2 * NF, 2 * N_CAT),
            full_spec(2 * NF, N_CAT),
        ],
        out_specs=[col_spec(WT), col_spec(NF), col_spec(NF), col_spec(2 * NF)],
        out_shape=[
            jax.ShapeDtypeStruct((WT, B), jnp.float32),
            jax.ShapeDtypeStruct((NF, B), jnp.float32),
            jax.ShapeDtypeStruct((NF, B), jnp.float32),
            jax.ShapeDtypeStruct((2 * NF, B), jnp.float32),
        ],
        compiler_params=pltpu.CompilerParams(dimension_semantics=("parallel",)),
    )(xnT, idxT, metaT, emb2, W1, W2, biasT, fidT, gamT, betT,
      GsT, GbT, PrA, PrB, M1a, M1b, E1)


def kernel(x_numerical, x_categorical_idx, x_categorical_meta, W_num, b_num,
           table, W_meta, b_meta, feature_identity, gamma, beta):
    idx = x_categorical_idx.astype(jnp.int32)
    emb2 = _sc_gather(table, idx.reshape(-1)).reshape(B, WC)
    eye_n = jnp.eye(N_NUM, dtype=jnp.float32)
    eye_c = jnp.eye(N_CAT, dtype=jnp.float32)
    biasT = jnp.concatenate([jnp.tile(b_num, N_NUM), jnp.tile(b_meta, N_CAT)])
    h0T, rawT, maskT, mdT = _tc_fused(
        x_numerical.transpose(1, 2, 0).reshape(NF, B), idx.T,
        x_categorical_meta.transpose(1, 2, 0).reshape(2 * N_CAT, B), emb2,
        jnp.kron(eye_n, W_num).T, jnp.kron(eye_c, W_meta).T,
        biasT.reshape(WT, 1), feature_identity.reshape(WT, 1),
        jnp.tile(gamma, NF).reshape(WT, 1), jnp.tile(beta, NF).reshape(WT, 1),
    )
    h0 = h0T.reshape(NF, D, B).transpose(2, 0, 1)
    raw = rawT.T[:, :, None]
    md = mdT.reshape(NF, 2, B).transpose(2, 0, 1)
    return (h0, raw, maskT.T, md)

# --- scband reference (transcript-rebuilt; emitter-appended) ---
"""Pipeline reference for scband-dafembedding-32495722561932 (READ-ONLY COPY).

The authoritative reference and input builder live on the scoring server;
editing this copy changes nothing except your own understanding.
"""

import jax, jax.numpy as jnp
import numpy as np

B, N_NUM, N_CAT, D, V = 16384, 13, 26, 32, 1000000


def setup_inputs(seed: int = 0) -> dict:
    key = jax.random.key(seed)
    ks = jax.random.split(key, 8)
    x_numerical = jax.random.normal(ks[0], (B, N_NUM, 3), dtype=jnp.float32)
    x_categorical_idx = jax.random.randint(ks[1], (B, N_CAT), 0, V, dtype=jnp.int64 if jax.config.jax_enable_x64 else jnp.int32)
    x_categorical_meta = jax.random.uniform(ks[2], (B, N_CAT, 2), dtype=jnp.float32)
    W_num = jax.random.normal(ks[3], (3, D), dtype=jnp.float32) * (1.0 / np.sqrt(3.0))
    b_num = jnp.zeros((D,), dtype=jnp.float32)
    table = jax.random.normal(ks[4], (V, D), dtype=jnp.float32)
    W_meta = jax.random.normal(ks[5], (2, D), dtype=jnp.float32) * (1.0 / np.sqrt(2.0))
    b_meta = jnp.zeros((D,), dtype=jnp.float32)
    feature_identity = jax.random.normal(ks[6], (1, N_NUM + N_CAT, D), dtype=jnp.float32)
    gamma = jnp.ones((D,), dtype=jnp.float32)
    beta = jnp.zeros((D,), dtype=jnp.float32)
    return {"x_numerical": x_numerical, "x_categorical_idx": x_categorical_idx, "x_categorical_meta": x_categorical_meta, "W_num": W_num, "b_num": b_num, "table": table, "W_meta": W_meta, "b_meta": b_meta, "feature_identity": feature_identity, "gamma": gamma, "beta": beta}


def _layer_norm(z, gamma, beta, eps=1e-5):
    mean = jnp.mean(z, axis=-1, keepdims=True)
    var = jnp.mean((z - mean) ** 2, axis=-1, keepdims=True)
    return (z - mean) / jnp.sqrt(var + eps) * gamma + beta


def reference(x_numerical, x_categorical_idx, x_categorical_meta, W_num, b_num, table, W_meta, b_meta, feature_identity, gamma, beta):
    gelu = lambda t: jax.nn.gelu(t, approximate=False)
    h_num = gelu(x_numerical @ W_num + b_num)
    emb = jnp.take(table, x_categorical_idx, axis=0)
    h_cat = gelu(emb + x_categorical_meta @ W_meta + b_meta)
    h_merged = jnp.concatenate([h_num, h_cat], axis=1)
    h_0 = _layer_norm(h_merged + feature_identity, gamma, beta)
    raw_values = jnp.concatenate([x_numerical[:, :, 0:1], x_categorical_idx[..., None].astype(jnp.float32)], axis=1)
    b = x_numerical.shape[0]
    n_num = x_numerical.shape[1]
    n_cat = x_categorical_idx.shape[1]
    feature_mask = jnp.concatenate([jnp.ones((b, n_num), dtype=jnp.float32), jnp.zeros((b, n_cat), dtype=jnp.float32)], axis=1)
    meta_num = x_numerical[:, :, 1:]
    cat_freq = x_categorical_meta[:, :, 0:1]
    cat_card = x_categorical_meta[:, :, 1:2]
    sign = (x_categorical_idx[..., None] % 2 * 2 - 1).astype(jnp.float32)
    transformed_freq = 0.5 + sign * 0.5 * (1.0 - cat_freq)
    unified_metadata = jnp.concatenate([meta_num, jnp.concatenate([transformed_freq, cat_card], axis=-1)], axis=1)
    unified_metadata = jax.lax.stop_gradient(unified_metadata)
    return (h_0, raw_values, feature_mask, unified_metadata)

if __name__ == "__main__":
    import jax
    _d = setup_inputs()
    print(jax.jit(kernel)(*tuple(_d.values())))

</pallas_src>

<mosaic_0001>
#map = affine_map<(d0, d1) -> (0, 0)>
module attributes {stable_mosaic.version = 14 : i64} {
  func.func @gather_k(%arg0: i32, %arg1: i32, %arg2: memref<3328x128xi32, #tpu.memory_space<hbm>>, %arg3: memref<1000000x32xf32, #tpu.memory_space<hbm>>, %arg4: memref<425984x32xf32, #tpu.memory_space<hbm>>, %arg5: memref<104x128xi32, #tpu.memory_space<vmem>>, %arg6: memref<128x32xf32, #tpu.memory_space<vmem>>, %arg7: memref<128x32xf32, #tpu.memory_space<vmem>>, %arg8: memref<128x32xf32, #tpu.memory_space<vmem>>, %arg9: memref<128x32xf32, #tpu.memory_space<vmem>>, %arg10: memref<!tpu.dma_semaphore, #tpu.memory_space<semaphore_mem>>, %arg11: memref<!tpu.dma_semaphore, #tpu.memory_space<semaphore_mem>>, %arg12: memref<!tpu.dma_semaphore, #tpu.memory_space<semaphore_mem>>, %arg13: memref<!tpu.dma_semaphore, #tpu.memory_space<semaphore_mem>>) attributes {dimension_semantics = [#tpu.dimension_semantics<core_parallel>, #tpu.dimension_semantics<subcore_parallel>], iteration_bounds = array<i64: 2, 16>, scalar_prefetch = 0 : i64, scratch_operands = 9 : i64, tpu.core_type = #tpu.core_type<sc_vector_subcore>, window_params = [{transform_indices = #map}, {transform_indices = #map}, {transform_indices = #map}]} {
    %mul3A = arith.constant 2 : i32
    %mul3A_0 = arith.muli %arg1, %mul3A : i32
    %add3A = arith.addi %mul3A_0, %arg0 : i32
    %mul3A_1 = arith.constant 104 : i32
    %mul3A_2 = arith.muli %add3A, %mul3A_1 : i32
    "tpu.region"() ({
      %run_scoped3A = tpu.sem_alloc : memref<!tpu.dma_semaphore, #tpu.memory_space<semaphore_mem>>
      %dma_start3A_1667 = arith.constant 0 : i32
      %dma_start3A_1668 = tpu.memref_slice %arg2[%mul3A_2, %dma_start3A_1667] : memref<3328x128xi32, #tpu.memory_space<hbm>> -> memref<104x128xi32, #tpu.memory_space<hbm>>
      %dma_start3A_1669 = arith.constant 0 : i32
      %dma_start3A_1670 = tpu.memref_slice %arg2[%mul3A_2, %dma_start3A_1669] : memref<3328x128xi32, #tpu.memory_space<hbm>> -> memref<104x128xi32, #tpu.memory_space<hbm>>
      tpu.enqueue_dma source(%dma_start3A_1670 : memref<104x128xi32, #tpu.memory_space<hbm>>) target(%arg5 : memref<104x128xi32, #tpu.memory_space<vmem>>) target_semaphore(%run_scoped3A : memref<!tpu.dma_semaphore, #tpu.memory_space<semaphore_mem>>)
      %dma_wait3A_1671 = arith.constant 0 : i32
      %dma_wait3A_1672 = tpu.memref_slice %arg2[%mul3A_2, %dma_wait3A_1671] : memref<3328x128xi32, #tpu.memory_space<hbm>> -> memref<104x128xi32, #tpu.memory_space<hbm>>
      %dma_wait3A_1673 = arith.constant 0 : i32
      %dma_wait3A_1674 = tpu.memref_slice %arg2[%mul3A_2, %dma_wait3A_1673] : memref<3328x128xi32, #tpu.memory_space<hbm>> -> memref<104x128xi32, #tpu.memory_space<hbm>>
      tpu.wait_dma2 semaphore(%run_scoped3A : memref<!tpu.dma_semaphore, #tpu.memory_space<semaphore_mem>>) src(%dma_wait3A_1674 : memref<104x128xi32, #tpu.memory_space<hbm>>) dst(%arg5 : memref<104x128xi32, #tpu.memory_space<vmem>>)
      tpu.yield
    }) : () -> ()
    %mul3A_3 = arith.constant 13312 : i32
    %mul3A_4 = arith.muli %add3A, %mul3A_3 : i32
    %dma_start3A = arith.constant 0 : i32
    %dma_start3A_5 = arith.constant 0 : i32
    %dma_start3A_6 = tpu.memref_slice %arg5[%dma_start3A, %dma_start3A_5] : memref<104x128xi32, #tpu.memory_space<vmem>> -> memref<1x128xi32, #tpu.memory_space<vmem>>
    %dma_start3A_7 = tpu.memref_squeeze %dma_start3A_6 : memref<1x128xi32, #tpu.memory_space<vmem>> -> memref<128xi32, #tpu.memory_space<vmem>>
    %dma_start3A_8 = arith.constant 0 : i32
    %dma_start3A_9 = arith.constant 0 : i32
    %dma_start3A_10 = tpu.memref_slice %arg3[%dma_start3A_8, %dma_start3A_9] : memref<1000000x32xf32, #tpu.memory_space<hbm>> -> memref<1000000x32xf32, #tpu.memory_space<hbm>>
    tpu.enqueue_indirect_dma source(%dma_start3A_10 : memref<1000000x32xf32, #tpu.memory_space<hbm>>) target(%arg6 : memref<128x32xf32, #tpu.memory_space<vmem>>) offsets(%dma_start3A_7 : memref<128xi32, #tpu.memory_space<vmem>>) semaphore(%arg10 : memref<!tpu.dma_semaphore, #tpu.memory_space<semaphore_mem>>)
    %dma_start3A_11 = arith.constant 1 : i32
    %dma_start3A_12 = arith.constant 0 : i32
    %dma_start3A_13 = tpu.memref_slice %arg5[%dma_start3A_11, %dma_start3A_12] : memref<104x128xi32, #tpu.memory_space<vmem>> -> memref<1x128xi32, #tpu.memory_space<vmem>>
    %dma_start3A_14 = tpu.memref_squeeze %dma_start3A_13 : memref<1x128xi32, #tpu.memory_space<vmem>> -> memref<128xi32, #tpu.memory_space<vmem>>
    %dma_start3A_15 = arith.constant 0 : i32
    %dma_start3A_16 = arith.constant 0 : i32
    %dma_start3A_17 = tpu.memref_slice %arg3[%dma_start3A_15, %dma_start3A_16] : memref<1000000x32xf32, #tpu.memory_space<hbm>> -> memref<1000000x32xf32, #tpu.memory_space<hbm>>
    tpu.enqueue_indirect_dma source(%dma_start3A_17 : memref<1000000x32xf32, #tpu.memory_space<hbm>>) target(%arg7 : memref<128x32xf32, #tpu.memory_space<vmem>>) offsets(%dma_start3A_14 : memref<128xi32, #tpu.memory_space<vmem>>) semaphore(%arg11 : memref<!tpu.dma_semaphore, #tpu.memory_space<semaphore_mem>>)
    %dma_start3A_18 = arith.constant 2 : i32
    %dma_start3A_19 = arith.constant 0 : i32
    %dma_start3A_20 = tpu.memref_slice %arg5[%dma_start3A_18, %dma_start3A_19] : memref<104x128xi32, #tpu.memory_space<vmem>> -> memref<1x128xi32, #tpu.memory_space<vmem>>
    %dma_start3A_21 = tpu.memref_squeeze %dma_start3A_20 : memref<1x128xi32, #tpu.memory_space<vmem>> -> memref<128xi32, #tpu.memory_space<vmem>>
    %dma_start3A_22 = arith.constant 0 : i32
    %dma_start3A_23 = arith.constant 0 : i32
    %dma_start3A_24 = tpu.memref_slice %arg3[%dma_start3A_22, %dma_start3A_23] : memref<1000000x32xf32, #tpu.memory_space<hbm>> -> memref<1000000x32xf32, #tpu.memory_space<hbm>>
    tpu.enqueue_indirect_dma source(%dma_start3A_24 : memref<1000000x32xf32, #tpu.memory_space<hbm>>) target(%arg8 : memref<128x32xf32, #tpu.memory_space<vmem>>) offsets(%dma_start3A_21 : memref<128xi32, #tpu.memory_space<vmem>>) semaphore(%arg12 : memref<!tpu.dma_semaphore, #tpu.memory_space<semaphore_mem>>)
    %dma_start3A_25 = arith.constant 3 : i32
    %dma_start3A_26 = arith.constant 0 : i32
    %dma_start3A_27 = tpu.memref_slice %arg5[%dma_start3A_25, %dma_start3A_26] : memref<104x128xi32, #tpu.memory_space<vmem>> -> memref<1x128xi32, #tpu.memory_space<vmem>>
    %dma_start3A_28 = tpu.memref_squeeze %dma_start3A_27 : memref<1x128xi32, #tpu.memory_space<vmem>> -> memref<128xi32, #tpu.memory_space<vmem>>
    %dma_start3A_29 = arith.constant 0 : i32
    %dma_start3A_30 = arith.constant 0 : i32
    %dma_start3A_31 = tpu.memref_slice %arg3[%dma_start3A_29, %dma_start3A_30] : memref<1000000x32xf32, #tpu.memory_space<hbm>> -> memref<1000000x32xf32, #tpu.memory_space<hbm>>
    tpu.enqueue_indirect_dma source(%dma_start3A_31 : memref<1000000x32xf32, #tpu.memory_space<hbm>>) target(%arg9 : memref<128x32xf32, #tpu.memory_space<vmem>>) offsets(%dma_start3A_28 : memref<128xi32, #tpu.memory_space<vmem>>) semaphore(%arg13 : memref<!tpu.dma_semaphore, #tpu.memory_space<semaphore_mem>>)
    %dma_wait3A = arith.constant 0 : i32
    %dma_wait3A_32 = arith.constant 0 : i32
    %dma_wait3A_33 = tpu.memref_slice %arg5[%dma_wait3A, %dma_wait3A_32] : memref<104x128xi32, #tpu.memory_space<vmem>> -> memref<1x128xi32, #tpu.memory_space<vmem>>
    %dma_wait3A_34 = tpu.memref_squeeze %dma_wait3A_33 : memref<1x128xi32, #tpu.memory_space<vmem>> -> memref<128xi32, #tpu.memory_space<vmem>>
    %dma_wait3A_35 = arith.constant 0 : i32
    %dma_wait3A_36 = arith.constant 0 : i32
    %dma_wait3A_37 = tpu.memref_slice %arg3[%dma_wait3A_35, %dma_wait3A_36] : memref<1000000x32xf32, #tpu.memory_space<hbm>> -> memref<1000000x32xf32, #tpu.memory_space<hbm>>
    tpu.wait_indirect_dma semaphore(%arg10 : memref<!tpu.dma_semaphore, #tpu.memory_space<semaphore_mem>>) src(%dma_wait3A_37 : memref<1000000x32xf32, #tpu.memory_space<hbm>>) dst(%arg6 : memref<128x32xf32, #tpu.memory_space<vmem>>)
    %add3A_38 = arith.constant 0 : i32
    %add3A_39 = arith.addi %mul3A_4, %add3A_38 : i32
    "tpu.region"() ({
      %run_scoped3A = tpu.sem_alloc : memref<!tpu.dma_semaphore, #tpu.memory_space<semaphore_mem>>
      %dma_start3A_1667 = arith.constant 0 : i32
      %dma_start3A_1668 = tpu.memref_slice %arg4[%add3A_39, %dma_start3A_1667] : memref<425984x32xf32, #tpu.memory_space<hbm>> -> memref<128x32xf32, #tpu.memory_space<hbm>>
      %dma_start3A_1669 = arith.constant 0 : i32
      %dma_start3A_1670 = tpu.memref_slice %arg4[%add3A_39, %dma_start3A_1669] : memref<425984x32xf32, #tpu.memory_space<hbm>> -> memref<128x32xf32, #tpu.memory_space<hbm>>
      tpu.enqueue_dma source(%arg6 : memref<128x32xf32, #tpu.memory_space<vmem>>) target(%dma_start3A_1670 : memref<128x32xf32, #tpu.memory_space<hbm>>) target_semaphore(%run_scoped3A : memref<!tpu.dma_semaphore, #tpu.memory_space<semaphore_mem>>)
      %dma_wait3A_1671 = arith.constant 0 : i32
      %dma_wait3A_1672 = tpu.memref_slice %arg4[%add3A_39, %dma_wait3A_1671] : memref<425984x32xf32, #tpu.memory_space<hbm>> -> memref<128x32xf32, #tpu.memory_space<hbm>>
      %dma_wait3A_1673 = arith.constant 0 : i32
      %dma_wait3A_1674 = tpu.memref_slice %arg4[%add3A_39, %dma_wait3A_1673] : memref<425984x32xf32, #tpu.memory_space<hbm>> -> memref<128x32xf32, #tpu.memory_space<hbm>>
      tpu.wait_dma2 semaphore(%run_scoped3A : memref<!tpu.dma_semaphore, #tpu.memory_space<semaphore_mem>>) src(%arg6 : memref<128x32xf32, #tpu.memory_space<vmem>>) dst(%dma_wait3A_1674 : memref<128x32xf32, #tpu.memory_space<hbm>>)
      tpu.yield
    }) : () -> ()
    %dma_start3A_40 = arith.constant 4 : i32
    %dma_start3A_41 = arith.constant 0 : i32
    %dma_start3A_42 = tpu.memref_slice %arg5[%dma_start3A_40, %dma_start3A_41] : memref<104x128xi32, #tpu.memory_space<vmem>> -> memref<1x128xi32, #tpu.memory_space<vmem>>
    %dma_start3A_43 = tpu.memref_squeeze %dma_start3A_42 : memref<1x128xi32, #tpu.memory_space<vmem>> -> memref<128xi32, #tpu.memory_space<vmem>>
    %dma_start3A_44 = arith.constant 0 : i32
    %dma_start3A_45 = arith.constant 0 : i32
    %dma_start3A_46 = tpu.memref_slice %arg3[%dma_start3A_44, %dma_start3A_45] : memref<1000000x32xf32, #tpu.memory_space<hbm>> -> memref<1000000x32xf32, #tpu.memory_space<hbm>>
    tpu.enqueue_indirect_dma source(%dma_start3A_46 : memref<1000000x32xf32, #tpu.memory_space<hbm>>) target(%arg6 : memref<128x32xf32, #tpu.memory_space<vmem>>) offsets(%dma_start3A_43 : memref<128xi32, #tpu.memory_space<vmem>>) semaphore(%arg10 : memref<!tpu.dma_semaphore, #tpu.memory_space<semaphore_mem>>)
    %dma_wait3A_47 = arith.constant 1 : i32
    %dma_wait3A_48 = arith.constant 0 : i32
    %dma_wait3A_49 = tpu.memref_slice %arg5[%dma_wait3A_47, %dma_wait3A_48] : memref<104x128xi32, #tpu.memory_space<vmem>> -> memref<1x128xi32, #tpu.memory_space<vmem>>
    %dma_wait3A_50 = tpu.memref_squeeze %dma_wait3A_49 : memref<1x128xi32, #tpu.memory_space<vmem>> -> memref<128xi32, #tpu.memory_space<vmem>>
    %dma_wait3A_51 = arith.constant 0 : i32
    %dma_wait3A_52 = arith.constant 0 : i32
    %dma_wait3A_53 = tpu.memref_slice %arg3[%dma_wait3A_51, %dma_wait3A_52] : memref<1000000x32xf32, #tpu.memory_space<hbm>> -> memref<1000000x32xf32, #tpu.memory_space<hbm>>
    tpu.wait_indirect_dma semaphore(%arg11 : memref<!tpu.dma_semaphore, #tpu.memory_space<semaphore_mem>>) src(%dma_wait3A_53 : memref<1000000x32xf32, #tpu.memory_space<hbm>>) dst(%arg7 : memref<128x32xf32, #tpu.memory_space<vmem>>)
    %add3A_54 = arith.constant 128 : i32
    %add3A_55 = arith.addi %mul3A_4, %add3A_54 : i32
    "tpu.region"() ({
      %run_scoped3A = tpu.sem_alloc : memref<!tpu.dma_semaphore, #tpu.memory_space<semaphore_mem>>
      %dma_start3A_1667 = arith.constant 0 : i32
      %dma_start3A_1668 = tpu.memref_slice %arg4[%add3A_55, %dma_start3A_1667] : memref<425984x32xf32, #tpu.memory_space<hbm>> -> memref<128x32xf32, #tpu.memory_space<hbm>>
      %dma_start3A_1669 = arith.constant 0 : i32
      %dma_start3A_1670 = tpu.memref_slice %arg4[%add3A_55, %dma_start3A_1669] : memref<425984x32xf32, #tpu.memory_space<hbm>> -> memref<128x32xf32, #tpu.memory_space<hbm>>
      tpu.enqueue_dma source(%arg7 : memref<128x32xf32, #tpu.memory_space<vmem>>) target(%dma_start3A_1670 : memref<128x32xf32, #tpu.memory_space<hbm>>) target_semaphore(%run_scoped3A : memref<!tpu.dma_semaphore, #tpu.memory_space<semaphore_mem>>)
      %dma_wait3A_1671 = arith.constant 0 : i32
      %dma_wait3A_1672 = tpu.memref_slice %arg4[%add3A_55, %dma_wait3A_1671] : memref<425984x32xf32, #tpu.memory_space<hbm>> -> memref<128x32xf32, #tpu.memory_space<hbm>>
      %dma_wait3A_1673 = arith.constant 0 : i32
      %dma_wait3A_1674 = tpu.memref_slice %arg4[%add3A_55, %dma_wait3A_1673] : memref<425984x32xf32, #tpu.memory_space<hbm>> -> memref<128x32xf32, #tpu.memory_space<hbm>>
      tpu.wait_dma2 semaphore(%run_scoped3A : memref<!tpu.dma_semaphore, #tpu.memory_space<semaphore_mem>>) src(%arg7 : memref<128x32xf32, #tpu.memory_space<vmem>>) dst(%dma_wait3A_1674 : memref<128x32xf32, #tpu.memory_space<hbm>>)
      tpu.yield
    }) : () -> ()
    %dma_start3A_56 = arith.constant 5 : i32
    %dma_start3A_57 = arith.constant 0 : i32
    %dma_start3A_58 = tpu.memref_slice %arg5[%dma_start3A_56, %dma_start3A_57] : memref<104x128xi32, #tpu.memory_space<vmem>> -> memref<1x128xi32, #tpu.memory_space<vmem>>
    %dma_start3A_59 = tpu.memref_squeeze %dma_start3A_58 : memref<1x128xi32, #tpu.memory_space<vmem>> -> memref<128xi32, #tpu.memory_space<vmem>>
    %dma_start3A_60 = arith.constant 0 : i32
    %dma_start3A_61 = arith.constant 0 : i32
    %dma_start3A_62 = tpu.memref_slice %arg3[%dma_start3A_60, %dma_start3A_61] : memref<1000000x32xf32, #tpu.memory_space<hbm>> -> memref<1000000x32xf32, #tpu.memory_space<hbm>>
    tpu.enqueue_indirect_dma source(%dma_start3A_62 : memref<1000000x32xf32, #tpu.memory_space<hbm>>) target(%arg7 : memref<128x32xf32, #tpu.memory_space<vmem>>) offsets(%dma_start3A_59 : memref<128xi32, #tpu.memory_space<vmem>>) semaphore(%arg11 : memref<!tpu.dma_semaphore, #tpu.memory_space<semaphore_mem>>)
    %dma_wait3A_63 = arith.constant 2 : i32
    %dma_wait3A_64 = arith.constant 0 : i32
    %dma_wait3A_65 = tpu.memref_slice %arg5[%dma_wait3A_63, %dma_wait3A_64] : memref<104x128xi32, #tpu.memory_space<vmem>> -> memref<1x128xi32, #tpu.memory_space<vmem>>
    %dma_wait3A_66 = tpu.memref_squeeze %dma_wait3A_65 : memref<1x128xi32, #tpu.memory_space<vmem>> -> memref<128xi32, #tpu.memory_space<vmem>>
    %dma_wait3A_67 = arith.constant 0 : i32
    %dma_wait3A_68 = arith.constant 0 : i32
    %dma_wait3A_69 = tpu.memref_slice %arg3[%dma_wait3A_67, %dma_wait3A_68] : memref<1000000x32xf32, #tpu.memory_space<hbm>> -> memref<1000000x32xf32, #tpu.memory_space<hbm>>
    tpu.wait_indirect_dma semaphore(%arg12 : memref<!tpu.dma_semaphore, #tpu.memory_space<semaphore_mem>>) src(%dma_wait3A_69 : memref<1000000x32xf32, #tpu.memory_space<hbm>>) dst(%arg8 : memref<128x32xf32, #tpu.memory_space<vmem>>)
    %add3A_70 = arith.constant 256 : i32
    %add3A_71 = arith.addi %mul3A_4, %add3A_70 : i32
    "tpu.region"() ({
      %run_scoped3A = tpu.sem_alloc : memref<!tpu.dma_semaphore, #tpu.memory_space<semaphore_mem>>
      %dma_start3A_1667 = arith.constant 0 : i32
      %dma_start3A_1668 = tpu.memref_slice %arg4[%add3A_71, %dma_start3A_1667] : memref<425984x32xf32, #tpu.memory_space<hbm>> -> memref<128x32xf32, #tpu.memory_space<hbm>>
      %dma_start3A_1669 = arith.constant 0 : i32
      %dma_start3A_1670 = tpu.memref_slice %arg4[%add3A_71, %dma_start3A_1669] : memref<425984x32xf32, #tpu.memory_space<hbm>> -> memref<128x32xf32, #tpu.memory_space<hbm>>
      tpu.enqueue_dma source(%arg8 : memref<128x32xf32, #tpu.memory_space<vmem>>) target(%dma_start3A_1670 : memref<128x32xf32, #tpu.memory_space<hbm>>) target_semaphore(%run_scoped3A : memref<!tpu.dma_semaphore, #tpu.memory_space<semaphore_mem>>)
      %dma_wait3A_1671 = arith.constant 0 : i32
      %dma_wait3A_1672 = tpu.memref_slice %arg4[%add3A_71, %dma_wait3A_1671] : memref<425984x32xf32, #tpu.memory_space<hbm>> -> memref<128x32xf32, #tpu.memory_space<hbm>>
      %dma_wait3A_1673 = arith.constant 0 : i32
      %dma_wait3A_1674 = tpu.memref_slice %arg4[%add3A_71, %dma_wait3A_1673] : memref<425984x32xf32, #tpu.memory_space<hbm>> -> memref<128x32xf32, #tpu.memory_space<hbm>>
      tpu.wait_dma2 semaphore(%run_scoped3A : memref<!tpu.dma_semaphore, #tpu.memory_space<semaphore_mem>>) src(%arg8 : memref<128x32xf32, #tpu.memory_space<vmem>>) dst(%dma_wait3A_1674 : memref<128x32xf32, #tpu.memory_space<hbm>>)
      tpu.yield
    }) : () -> ()
    %dma_start3A_72 = arith.constant 6 : i32
    %dma_start3A_73 = arith.constant 0 : i32
    %dma_start3A_74 = tpu.memref_slice %arg5[%dma_start3A_72, %dma_start3A_73] : memref<104x128xi32, #tpu.memory_space<vmem>> -> memref<1x128xi32, #tpu.memory_space<vmem>>
    %dma_start3A_75 = tpu.memref_squeeze %dma_start3A_74 : memref<1x128xi32, #tpu.memory_space<vmem>> -> memref<128xi32, #tpu.memory_space<vmem>>
    %dma_start3A_76 = arith.constant 0 : i32
    %dma_start3A_77 = arith.constant 0 : i32
    %dma_start3A_78 = tpu.memref_slice %arg3[%dma_start3A_76, %dma_start3A_77] : memref<1000000x32xf32, #tpu.memory_space<hbm>> -> memref<1000000x32xf32, #tpu.memory_space<hbm>>
    tpu.enqueue_indirect_dma source(%dma_start3A_78 : memref<1000000x32xf32, #tpu.memory_space<hbm>>) target(%arg8 : memref<128x32xf32, #tpu.memory_space<vmem>>) offsets(%dma_start3A_75 : memref<128xi32, #tpu.memory_space<vmem>>) semaphore(%arg12 : memref<!tpu.dma_semaphore, #tpu.memory_space<semaphore_mem>>)
    %dma_wait3A_79 = arith.constant 3 : i32
    %dma_wait3A_80 = arith.constant 0 : i32
    %dma_wait3A_81 = tpu.memref_slice %arg5[%dma_wait3A_79, %dma_wait3A_80] : memref<104x128xi32, #tpu.memory_space<vmem>> -> memref<1x128xi32, #tpu.memory_space<vmem>>
    %dma_wait3A_82 = tpu.memref_squeeze %dma_wait3A_81 : memref<1x128xi32, #tpu.memory_space<vmem>> -> memref<128xi32, #tpu.memory_space<vmem>>
    %dma_wait3A_83 = arith.constant 0 : i32
    %dma_wait3A_84 = arith.constant 0 : i32
    %dma_wait3A_85 = tpu.memref_slice %arg3[%dma_wait3A_83, %dma_wait3A_84] : memref<1000000x32xf32, #tpu.memory_space<hbm>> -> memref<1000000x32xf32, #tpu.memory_space<hbm>>
    tpu.wait_indirect_dma semaphore(%arg13 : memref<!tpu.dma_semaphore, #tpu.memory_space<semaphore_mem>>) src(%dma_wait3A_85 : memref<1000000x32xf32, #tpu.memory_space<hbm>>) dst(%arg9 : memref<128x32xf32, #tpu.memory_space<vmem>>)
    %add3A_86 = arith.constant 384 : i32
    %add3A_87 = arith.addi %mul3A_4, %add3A_86 : i32
    "tpu.region"() ({
      %run_scoped3A = tpu.sem_alloc : memref<!tpu.dma_semaphore, #tpu.memory_space<semaphore_mem>>
      %dma_start3A_1667 = arith.constant 0 : i32
      %dma_start3A_1668 = tpu.memref_slice %arg4[%add3A_87, %dma_start3A_1667] : memref<425984x32xf32, #tpu.memory_space<hbm>> -> memref<128x32xf32, #tpu.memory_space<hbm>>
      %dma_start3A_1669 = arith.constant 0 : i32
      %dma_start3A_1670 = tpu.memref_slice %arg4[%add3A_87, %dma_start3A_1669] : memref<425984x32xf32, #tpu.memory_space<hbm>> -> memref<128x32xf32, #tpu.memory_space<hbm>>
      tpu.enqueue_dma source(%arg9 : memref<128x32xf32, #tpu.memory_space<vmem>>) target(%dma_start3A_1670 : memref<128x32xf32, #tpu.memory_space<hbm>>) target_semaphore(%run_scoped3A : memref<!tpu.dma_semaphore, #tpu.memory_space<semaphore_mem>>)
      %dma_wait3A_1671 = arith.constant 0 : i32
      %dma_wait3A_1672 = tpu.memref_slice %arg4[%add3A_87, %dma_wait3A_1671] : memref<425984x32xf32, #tpu.memory_space<hbm>> -> memref<128x32xf32, #tpu.memory_space<hbm>>
      %dma_wait3A_1673 = arith.constant 0 : i32
      %dma_wait3A_1674 = tpu.memref_slice %arg4[%add3A_87, %dma_wait3A_1673] : memref<425984x32xf32, #tpu.memory_space<hbm>> -> memref<128x32xf32, #tpu.memory_space<hbm>>
      tpu.wait_dma2 semaphore(%run_scoped3A : memref<!tpu.dma_semaphore, #tpu.memory_space<semaphore_mem>>) src(%arg9 : memref<128x32xf32, #tpu.memory_space<vmem>>) dst(%dma_wait3A_1674 : memref<128x32xf32, #tpu.memory_space<hbm>>)
      tpu.yield
    }) : () -> ()
    %dma_start3A_88 = arith.constant 7 : i32
    %dma_start3A_89 = arith.constant 0 : i32
    %dma_start3A_90 = tpu.memref_slice %arg5[%dma_start3A_88, %dma_start3A_89] : memref<104x128xi32, #tpu.memory_space<vmem>> -> memref<1x128xi32, #tpu.memory_space<vmem>>
    %dma_start3A_91 = tpu.memref_squeeze %dma_start3A_90 : memref<1x128xi32, #tpu.memory_space<vmem>> -> memref<128xi32, #tpu.memory_space<vmem>>
    %dma_start3A_92 = arith.constant 0 : i32
    %dma_start3A_93 = arith.constant 0 : i32
    %dma_start3A_94 = tpu.memref_slice %arg3[%dma_start3A_92, %dma_start3A_93] : memref<1000000x32xf32, #tpu.memory_space<hbm>> -> memref<1000000x32xf32, #tpu.memory_space<hbm>>
    tpu.enqueue_indirect_dma source(%dma_start3A_94 : memref<1000000x32xf32, #tpu.memory_space<hbm>>) target(%arg9 : memref<128x32xf32, #tpu.memory_space<vmem>>) offsets(%dma_start3A_91 : memref<128xi32, #tpu.memory_space<vmem>>) semaphore(%arg13 : memref<!tpu.dma_semaphore, #tpu.memory_space<semaphore_mem>>)
    %dma_wait3A_95 = arith.constant 4 : i32
    %dma_wait3A_96 = arith.constant 0 : i32
    %dma_wait3A_97 = tpu.memref_slice %arg5[%dma_wait3A_95, %dma_wait3A_96] : memref<104x128xi32, #tpu.memory_space<vmem>> -> memref<1x128xi32, #tpu.memory_space<vmem>>
    %dma_wait3A_98 = tpu.memref_squeeze %dma_wait3A_97 : memref<1x128xi32, #tpu.memory_space<vmem>> -> memref<128xi32, #tpu.memory_space<vmem>>
    %dma_wait3A_99 = arith.constant 0 : i32
    %dma_wait3A_100 = arith.constant 0 : i32
    %dma_wait3A_101 = tpu.memref_slice %arg3[%dma_wait3A_99, %dma_wait3A_100] : memref<1000000x32xf32, #tpu.memory_space<hbm>> -> memref<1000000x32xf32, #tpu.memory_space<hbm>>
    tpu.wait_indirect_dma semaphore(%arg10 : memref<!tpu.dma_semaphore, #tpu.memory_space<semaphore_mem>>) src(%dma_wait3A_101 : memref<1000000x32xf32, #tpu.memory_space<hbm>>) dst(%arg6 : memref<128x32xf32, #tpu.memory_space<vmem>>)
    %add3A_102 = arith.constant 512 : i32
    %add3A_103 = arith.addi %mul3A_4, %add3A_102 : i32
    "tpu.region"() ({
      %run_scoped3A = tpu.sem_alloc : memref<!tpu.dma_semaphore, #tpu.memory_space<semaphore_mem>>
      %dma_start3A_1667 = arith.constant 0 : i32
      %dma_start3A_1668 = tpu.memref_slice %arg4[%add3A_103, %dma_start3A_1667] : memref<425984x32xf32, #tpu.memory_space<hbm>> -> memref<128x32xf32, #tpu.memory_space<hbm>>
      %dma_start3A_1669 = arith.constant 0 : i32
      %dma_start3A_1670 = tpu.memref_slice %arg4[%add3A_103, %dma_start3A_1669] : memref<425984x32xf32, #tpu.memory_space<hbm>> -> memref<128x32xf32, #tpu.memory_space<hbm>>
      tpu.enqueue_dma source(%arg6 : memref<128x32xf32, #tpu.memory_space<vmem>>) target(%dma_start3A_1670 : memref<128x32xf32, #tpu.memory_space<hbm>>) target_semaphore(%run_scoped3A : memref<!tpu.dma_semaphore, #tpu.memory_space<semaphore_mem>>)
      %dma_wait3A_1671 = arith.constant 0 : i32
      %dma_wait3A_1672 = tpu.memref_slice %arg4[%add3A_103, %dma_wait3A_1671] : memref<425984x32xf32, #tpu.memory_space<hbm>> -> memref<128x32xf32, #tpu.memory_space<hbm>>
      %dma_wait3A_1673 = arith.constant 0 : i32
      %dma_wait3A_1674 = tpu.memref_slice %arg4[%add3A_103, %dma_wait3A_1673] : memref<425984x32xf32, #tpu.memory_space<hbm>> -> memref<128x32xf32, #tpu.memory_space<hbm>>
      tpu.wait_dma2 semaphore(%run_scoped3A : memref<!tpu.dma_semaphore, #tpu.memory_space<semaphore_mem>>) src(%arg6 : memref<128x32xf32, #tpu.memory_space<vmem>>) dst(%dma_wait3A_1674 : memref<128x32xf32, #tpu.memory_space<hbm>>)
      tpu.yield
    }) : () -> ()
    %dma_start3A_104 = arith.constant 8 : i32
    %dma_start3A_105 = arith.constant 0 : i32
    %dma_start3A_106 = tpu.memref_slice %arg5[%dma_start3A_104, %dma_start3A_105] : memref<104x128xi32, #tpu.memory_space<vmem>> -> memref<1x128xi32, #tpu.memory_space<vmem>>
    %dma_start3A_107 = tpu.memref_squeeze %dma_start3A_106 : memref<1x128xi32, #tpu.memory_space<vmem>> -> memref<128xi32, #tpu.memory_space<vmem>>
    %dma_start3A_108 = arith.constant 0 : i32
    %dma_start3A_109 = arith.constant 0 : i32
    %dma_start3A_110 = tpu.memref_slice %arg3[%dma_start3A_108, %dma_start3A_109] : memref<1000000x32xf32, #tpu.memory_space<hbm>> -> memref<1000000x32xf32, #tpu.memory_space<hbm>>
    tpu.enqueue_indirect_dma source(%dma_start3A_110 : memref<1000000x32xf32, #tpu.memory_space<hbm>>) target(%arg6 : memref<128x32xf32, #tpu.memory_space<vmem>>) offsets(%dma_start3A_107 : memref<128xi32, #tpu.memory_space<vmem>>) semaphore(%arg10 : memref<!tpu.dma_semaphore, #tpu.memory_space<semaphore_mem>>)
    %dma_wait3A_111 = arith.constant 5 : i32
    %dma_wait3A_112 = arith.constant 0 : i32
    %dma_wait3A_113 = tpu.memref_slice %arg5[%dma_wait3A_111, %dma_wait3A_112] : memref<104x128xi32, #tpu.memory_space<vmem>> -> memref<1x128xi32, #tpu.memory_space<vmem>>
    %dma_wait3A_114 = tpu.memref_squeeze %dma_wait3A_113 : memref<1x128xi32, #tpu.memory_space<vmem>> -> memref<128xi32, #tpu.memory_space<vmem>>
    %dma_wait3A_115 = arith.constant 0 : i32
    %dma_wait3A_116 = arith.constant 0 : i32
    %dma_wait3A_117 = tpu.memref_slice %arg3[%dma_wait3A_115, %dma_wait3A_116] : memref<1000000x32xf32, #tpu.memory_space<hbm>> -> memref<1000000x32xf32, #tpu.memory_space<hbm>>
    tpu.wait_indirect_dma semaphore(%arg11 : memref<!tpu.dma_semaphore, #tpu.memory_space<semaphore_mem>>) src(%dma_wait3A_117 : memref<1000000x32xf32, #tpu.memory_space<hbm>>) dst(%arg7 : memref<128x32xf32, #tpu.memory_space<vmem>>)
    %add3A_118 = arith.constant 640 : i32
    %add3A_119 = arith.addi %mul3A_4, %add3A_118 : i32
    "tpu.region"() ({
      %run_scoped3A = tpu.sem_alloc : memref<!tpu.dma_semaphore, #tpu.memory_space<semaphore_mem>>
      %dma_start3A_1667 = arith.constant 0 : i32
      %dma_start3A_1668 = tpu.memref_slice %arg4[%add3A_119, %dma_start3A_1667] : memref<425984x32xf32, #tpu.memory_space<hbm>> -> memref<128x32xf32, #tpu.memory_space<hbm>>
      %dma_start3A_1669 = arith.constant 0 : i32
      %dma_start3A_1670 = tpu.memref_slice %arg4[%add3A_119, %dma_start3A_1669] : memref<425984x32xf32, #tpu.memory_space<hbm>> -> memref<128x32xf32, #tpu.memory_space<hbm>>
      tpu.enqueue_dma source(%arg7 : memref<128x32xf32, #tpu.memory_space<vmem>>) target(%dma_start3A_1670 : memref<128x32xf32, #tpu.memory_space<hbm>>) target_semaphore(%run_scoped3A : memref<!tpu.dma_semaphore, #tpu.memory_space<semaphore_mem>>)
      %dma_wait3A_1671 = arith.constant 0 : i32
      %dma_wait3A_1672 = tpu.memref_slice %arg4[%add3A_119, %dma_wait3A_1671] : memref<425984x32xf32, #tpu.memory_space<hbm>> -> memref<128x32xf32, #tpu.memory_space<hbm>>
      %dma_wait3A_1673 = arith.constant 0 : i32
      %dma_wait3A_1674 = tpu.memref_slice %arg4[%add3A_119, %dma_wait3A_1673] : memref<425984x32xf32, #tpu.memory_space<hbm>> -> memref<128x32xf32, #tpu.memory_space<hbm>>
      tpu.wait_dma2 semaphore(%run_scoped3A : memref<!tpu.dma_semaphore, #tpu.memory_space<semaphore_mem>>) src(%arg7 : memref<128x32xf32, #tpu.memory_space<vmem>>) dst(%dma_wait3A_1674 : memref<128x32xf32, #tpu.memory_space<hbm>>)
      tpu.yield
    }) : () -> ()
    %dma_start3A_120 = arith.constant 9 : i32
    %dma_start3A_121 = arith.constant 0 : i32
    %dma_start3A_122 = tpu.memref_slice %arg5[%dma_start3A_120, %dma_start3A_121] : memref<104x128xi32, #tpu.memory_space<vmem>> -> memref<1x128xi32, #tpu.memory_space<vmem>>
    %dma_start3A_123 = tpu.memref_squeeze %dma_start3A_122 : memref<1x128xi32, #tpu.memory_space<vmem>> -> memref<128xi32, #tpu.memory_space<vmem>>
    %dma_start3A_124 = arith.constant 0 : i32
    %dma_start3A_125 = arith.constant 0 : i32
    %dma_start3A_126 = tpu.memref_slice %arg3[%dma_start3A_124, %dma_start3A_125] : memref<1000000x32xf32, #tpu.memory_space<hbm>> -> memref<1000000x32xf32, #tpu.memory_space<hbm>>
    tpu.enqueue_indirect_dma source(%dma_start3A_126 : memref<1000000x32xf32, #tpu.memory_space<hbm>>) target(%arg7 : memref<128x32xf32, #tpu.memory_space<vmem>>) offsets(%dma_start3A_123 : memref<128xi32, #tpu.memory_space<vmem>>) semaphore(%arg11 : memref<!tpu.dma_semaphore, #tpu.memory_space<semaphore_mem>>)
    %dma_wait3A_127 = arith.constant 6 : i32
    %dma_wait3A_128 = arith.constant 0 : i32
    %dma_wait3A_129 = tpu.memref_slice %arg5[%dma_wait3A_127, %dma_wait3A_128] : memref<104x128xi32, #tpu.memory_space<vmem>> -> memref<1x128xi32, #tpu.memory_space<vmem>>
    %dma_wait3A_130 = tpu.memref_squeeze %dma_wait3A_129 : memref<1x128xi32, #tpu.memory_space<vmem>> -> memref<128xi32, #tpu.memory_space<vmem>>
    %dma_wait3A_131 = arith.constant 0 : i32
    %dma_wait3A_132 = arith.constant 0 : i32
    %dma_wait3A_133 = tpu.memref_slice %arg3[%dma_wait3A_131, %dma_wait3A_132] : memref<1000000x32xf32, #tpu.memory_space<hbm>> -> memref<1000000x32xf32, #tpu.memory_space<hbm>>
    tpu.wait_indirect_dma semaphore(%arg12 : memref<!tpu.dma_semaphore, #tpu.memory_space<semaphore_mem>>) src(%dma_wait3A_133 : memref<1000000x32xf32, #tpu.memory_space<hbm>>) dst(%arg8 : memref<128x32xf32, #tpu.memory_space<vmem>>)
    %add3A_134 = arith.constant 768 : i32
    %add3A_135 = arith.addi %mul3A_4, %add3A_134 : i32
    "tpu.region"() ({
      %run_scoped3A = tpu.sem_alloc : memref<!tpu.dma_semaphore, #tpu.memory_space<semaphore_mem>>
      %dma_start3A_1667 = arith.constant 0 : i32
      %dma_start3A_1668 = tpu.memref_slice %arg4[%add3A_135, %dma_start3A_1667] : memref<425984x32xf32, #tpu.memory_space<hbm>> -> memref<128x32xf32, #tpu.memory_space<hbm>>
      %dma_start3A_1669 = arith.constant 0 : i32
      %dma_start3A_1670 = tpu.memref_slice %arg4[%add3A_135, %dma_start3A_1669] : memref<425984x32xf32, #tpu.memory_space<hbm>> -> memref<128x32xf32, #tpu.memory_space<hbm>>
      tpu.enqueue_dma source(%arg8 : memref<128x32xf32, #tpu.memory_space<vmem>>) target(%dma_start3A_1670 : memref<128x32xf32, #tpu.memory_space<hbm>>) target_semaphore(%run_scoped3A : memref<!tpu.dma_semaphore, #tpu.memory_space<semaphore_mem>>)
      %dma_wait3A_1671 = arith.constant 0 : i32
      %dma_wait3A_1672 = tpu.memref_slice %arg4[%add3A_135, %dma_wait3A_1671] : memref<425984x32xf32, #tpu.memory_space<hbm>> -> memref<128x32xf32, #tpu.memory_space<hbm>>
      %dma_wait3A_1673 = arith.constant 0 : i32
      %dma_wait3A_1674 = tpu.memref_slice %arg4[%add3A_135, %dma_wait3A_1673] : memref<425984x32xf32, #tpu.memory_space<hbm>> -> memref<128x32xf32, #tpu.memory_space<hbm>>
      tpu.wait_dma2 semaphore(%run_scoped3A : memref<!tpu.dma_semaphore, #tpu.memory_space<semaphore_mem>>) src(%arg8 : memref<128x32xf32, #tpu.memory_space<vmem>>) dst(%dma_wait3A_1674 : memref<128x32xf32, #tpu.memory_space<hbm>>)
      tpu.yield
    }) : () -> ()
    %dma_start3A_136 = arith.constant 10 : i32
    %dma_start3A_137 = arith.constant 0 : i32
    %dma_start3A_138 = tpu.memref_slice %arg5[%dma_start3A_136, %dma_start3A_137] : memref<104x128xi32, #tpu.memory_space<vmem>> -> memref<1x128xi32, #tpu.memory_space<vmem>>
    %dma_start3A_139 = tpu.memref_squeeze %dma_start3A_138 : memref<1x128xi32, #tpu.memory_space<vmem>> -> memref<128xi32, #tpu.memory_space<vmem>>
    %dma_start3A_140 = arith.constant 0 : i32
    %dma_start3A_141 = arith.constant 0 : i32
    %dma_start3A_142 = tpu.memref_slice %arg3[%dma_start3A_140, %dma_start3A_141] : memref<1000000x32xf32, #tpu.memory_space<hbm>> -> memref<1000000x32xf32, #tpu.memory_space<hbm>>
    tpu.enqueue_indirect_dma source(%dma_start3A_142 : memref<1000000x32xf32, #tpu.memory_space<hbm>>) target(%arg8 : memref<128x32xf32, #tpu.memory_space<vmem>>) offsets(%dma_start3A_139 : memref<128xi32, #tpu.memory_space<vmem>>) semaphore(%arg12 : memref<!tpu.dma_semaphore, #tpu.memory_space<semaphore_mem>>)
    %dma_wait3A_143 = arith.constant 7 : i32
    %dma_wait3A_144 = arith.constant 0 : i32
    %dma_wait3A_145 = tpu.memref_slice %arg5[%dma_wait3A_143, %dma_wait3A_144] : memref<104x128xi32, #tpu.memory_space<vmem>> -> memref<1x128xi32, #tpu.memory_space<vmem>>
    %dma_wait3A_146 = tpu.memref_squeeze %dma_wait3A_145 : memref<1x128xi32, #tpu.memory_space<vmem>> -> memref<128xi32, #tpu.memory_space<vmem>>
    %dma_wait3A_147 = arith.constant 0 : i32
    %dma_wait3A_148 = arith.constant 0 : i32
    %dma_wait3A_149 = tpu.memref_slice %arg3[%dma_wait3A_147, %dma_wait3A_148] : memref<1000000x32xf32, #tpu.memory_space<hbm>> -> memref<1000000x32xf32, #tpu.memory_space<hbm>>
    tpu.wait_indirect_dma semaphore(%arg13 : memref<!tpu.dma_semaphore, #tpu.memory_space<semaphore_mem>>) src(%dma_wait3A_149 : memref<1000000x32xf32, #tpu.memory_space<hbm>>) dst(%arg9 : memref<128x32xf32, #tpu.memory_space<vmem>>)
    %add3A_150 = arith.constant 896 : i32
    %add3A_151 = arith.addi %mul3A_4, %add3A_150 : i32
    "tpu.region"() ({
      %run_scoped3A = tpu.sem_alloc : memref<!tpu.dma_semaphore, #tpu.memory_space<semaphore_mem>>
      %dma_start3A_1667 = arith.constant 0 : i32
      %dma_start3A_1668 = tpu.memref_slice %arg4[%add3A_151, %dma_start3A_1667] : memref<425984x32xf32, #tpu.memory_space<hbm>> -> memref<128x32xf32, #tpu.memory_space<hbm>>
      %dma_start3A_1669 = arith.constant 0 : i32
      %dma_start3A_1670 = tpu.memref_slice %arg4[%add3A_151, %dma_start3A_1669] : memref<425984x32xf32, #tpu.memory_space<hbm>> -> memref<128x32xf32, #tpu.memory_space<hbm>>
      tpu.enqueue_dma source(%arg9 : memref<128x32xf32, #tpu.memory_space<vmem>>) target(%dma_start3A_1670 : memref<128x32xf32, #tpu.memory_space<hbm>>) target_semaphore(%run_scoped3A : memref<!tpu.dma_semaphore, #tpu.memory_space<semaphore_mem>>)
      %dma_wait3A_1671 = arith.constant 0 : i32
      %dma_wait3A_1672 = tpu.memref_slice %arg4[%add3A_151, %dma_wait3A_1671] : memref<425984x32xf32, #tpu.memory_space<hbm>> -> memref<128x32xf32, #tpu.memory_space<hbm>>
      %dma_wait3A_1673 = arith.constant 0 : i32
      %dma_wait3A_1674 = tpu.memref_slice %arg4[%add3A_151, %dma_wait3A_1673] : memref<425984x32xf32, #tpu.memory_space<hbm>> -> memref<128x32xf32, #tpu.memory_space<hbm>>
      tpu.wait_dma2 semaphore(%run_scoped3A : memref<!tpu.dma_semaphore, #tpu.memory_space<semaphore_mem>>) src(%arg9 : memref<128x32xf32, #tpu.memory_space<vmem>>) dst(%dma_wait3A_1674 : memref<128x32xf32, #tpu.memory_space<hbm>>)
      tpu.yield
    }) : () -> ()
    %dma_start3A_152 = arith.constant 11 : i32
    %dma_start3A_153 = arith.constant 0 : i32
    %dma_start3A_154 = tpu.memref_slice %arg5[%dma_start3A_152, %dma_start3A_153] : memref<104x128xi32, #tpu.memory_space<vmem>> -> memref<1x128xi32, #tpu.memory_space<vmem>>
    %dma_start3A_155 = tpu.memref_squeeze %dma_start3A_154 : memref<1x128xi32, #tpu.memory_space<vmem>> -> memref<128xi32, #tpu.memory_space<vmem>>
    %dma_start3A_156 = arith.constant 0 : i32
    %dma_start3A_157 = arith.constant 0 : i32
    %dma_start3A_158 = tpu.memref_slice %arg3[%dma_start3A_156, %dma_start3A_157] : memref<1000000x32xf32, #tpu.memory_space<hbm>> -> memref<1000000x32xf32, #tpu.memory_space<hbm>>
    tpu.enqueue_indirect_dma source(%dma_start3A_158 : memref<1000000x32xf32, #tpu.memory_space<hbm>>) target(%arg9 : memref<128x32xf32, #tpu.memory_space<vmem>>) offsets(%dma_start3A_155 : memref<128xi32, #tpu.memory_space<vmem>>) semaphore(%arg13 : memref<!tpu.dma_semaphore, #tpu.memory_space<semaphore_mem>>)
    %dma_wait3A_159 = arith.constant 8 : i32
    %dma_wait3A_160 = arith.constant 0 : i32
    %dma_wait3A_161 = tpu.memref_slice %arg5[%dma_wait3A_159, %dma_wait3A_160] : memref<104x128xi32, #tpu.memory_space<vmem>> -> memref<1x128xi32, #tpu.memory_space<vmem>>
    %dma_wait3A_162 = tpu.memref_squeeze %dma_wait3A_161 : memref<1x128xi32, #tpu.memory_space<vmem>> -> memref<128xi32, #tpu.memory_space<vmem>>
    %dma_wait3A_163 = arith.constant 0 : i32
    %dma_wait3A_164 = arith.constant 0 : i32
    %dma_wait3A_165 = tpu.memref_slice %arg3[%dma_wait3A_163, %dma_wait3A_164] : memref<1000000x32xf32, #tpu.memory_space<hbm>> -> memref<1000000x32xf32, #tpu.memory_space<hbm>>
    tpu.wait_indirect_dma semaphore(%arg10 : memref<!tpu.dma_semaphore, #tpu.memory_space<semaphore_mem>>) src(%dma_wait3A_165 : memref<1000000x32xf32, #tpu.memory_space<hbm>>) dst(%arg6 : memref<128x32xf32, #tpu.memory_space<vmem>>)
    %add3A_166 = arith.constant 1024 : i32
    %add3A_167 = arith.addi %mul3A_4, %add3A_166 : i32
    "tpu.region"() ({
      %run_scoped3A = tpu.sem_alloc : memref<!tpu.dma_semaphore, #tpu.memory_space<semaphore_mem>>
      %dma_start3A_1667 = arith.constant 0 : i32
      %dma_start3A_1668 = tpu.memref_slice %arg4[%add3A_167, %dma_start3A_1667] : memref<425984x32xf32, #tpu.memory_space<hbm>> -> memref<128x32xf32, #tpu.memory_space<hbm>>
      %dma_start3A_1669 = arith.constant 0 : i32
      %dma_start3A_1670 = tpu.memref_slice %arg4[%add3A_167, %dma_start3A_1669] : memref<425984x32xf32, #tpu.memory_space<hbm>> -> memref<128x32xf32, #tpu.memory_space<hbm>>
      tpu.enqueue_dma source(%arg6 : memref<128x32xf32, #tpu.memory_space<vmem>>) target(%dma_start3A_1670 : memref<128x32xf32, #tpu.memory_space<hbm>>) target_semaphore(%run_scoped3A : memref<!tpu.dma_semaphore, #tpu.memory_space<semaphore_mem>>)
      %dma_wait3A_1671 = arith.constant 0 : i32
      %dma_wait3A_1672 = tpu.memref_slice %arg4[%add3A_167, %dma_wait3A_1671] : memref<425984x32xf32, #tpu.memory_space<hbm>> -> memref<128x32xf32, #tpu.memory_space<hbm>>
      %dma_wait3A_1673 = arith.constant 0 : i32
      %dma_wait3A_1674 = tpu.memref_slice %arg4[%add3A_167, %dma_wait3A_1673] : memref<425984x32xf32, #tpu.memory_space<hbm>> -> memref<128x32xf32, #tpu.memory_space<hbm>>
      tpu.wait_dma2 semaphore(%run_scoped3A : memref<!tpu.dma_semaphore, #tpu.memory_space<semaphore_mem>>) src(%arg6 : memref<128x32xf32, #tpu.memory_space<vmem>>) dst(%dma_wait3A_1674 : memref<128x32xf32, #tpu.memory_space<hbm>>)
      tpu.yield
    }) : () -> ()
    %dma_start3A_168 = arith.constant 12 : i32
    %dma_start3A_169 = arith.constant 0 : i32
    %dma_start3A_170 = tpu.memref_slice %arg5[%dma_start3A_168, %dma_start3A_169] : memref<104x128xi32, #tpu.memory_space<vmem>> -> memref<1x128xi32, #tpu.memory_space<vmem>>
    %dma_start3A_171 = tpu.memref_squeeze %dma_start3A_170 : memref<1x128xi32, #tpu.memory_space<vmem>> -> memref<128xi32, #tpu.memory_space<vmem>>
    %dma_start3A_172 = arith.constant 0 : i32
    %dma_start3A_173 = arith.constant 0 : i32
    %dma_start3A_174 = tpu.memref_slice %arg3[%dma_start3A_172, %dma_start3A_173] : memref<1000000x32xf32, #tpu.memory_space<hbm>> -> memref<1000000x32xf32, #tpu.memory_space<hbm>>
    tpu.enqueue_indirect_dma source(%dma_start3A_174 : memref<1000000x32xf32, #tpu.memory_space<hbm>>) target(%arg6 : memref<128x32xf32, #tpu.memory_space<vmem>>) offsets(%dma_start3A_171 : memref<128xi32, #tpu.memory_space<vmem>>) semaphore(%arg10 : memref<!tpu.dma_semaphore, #tpu.memory_space<semaphore_mem>>)
    %dma_wait3A_175 = arith.constant 9 : i32
    %dma_wait3A_176 = arith.constant 0 : i32
    %dma_wait3A_177 = tpu.memref_slice %arg5[%dma_wait3A_175, %dma_wait3A_176] : memref<104x128xi32, #tpu.memory_space<vmem>> -> memref<1x128xi32, #tpu.memory_space<vmem>>
    %dma_wait3A_178 = tpu.memref_squeeze %dma_wait3A_177 : memref<1x128xi32, #tpu.memory_space<vmem>> -> memref<128xi32, #tpu.memory_space<vmem>>
    %dma_wait3A_179 = arith.constant 0 : i32
    %dma_wait3A_180 = arith.constant 0 : i32
    %dma_wait3A_181 = tpu.memref_slice %arg3[%dma_wait3A_179, %dma_wait3A_180] : memref<1000000x32xf32, #tpu.memory_space<hbm>> -> memref<1000000x32xf32, #tpu.memory_space<hbm>>
    tpu.wait_indirect_dma semaphore(%arg11 : memref<!tpu.dma_semaphore, #tpu.memory_space<semaphore_mem>>) src(%dma_wait3A_181 : memref<1000000x32xf32, #tpu.memory_space<hbm>>) dst(%arg7 : memref<128x32xf32, #tpu.memory_space<vmem>>)
    %add3A_182 = arith.constant 1152 : i32
    %add3A_183 = arith.addi %mul3A_4, %add3A_182 : i32
    "tpu.region"() ({
      %run_scoped3A = tpu.sem_alloc : memref<!tpu.dma_semaphore, #tpu.memory_space<semaphore_mem>>
      %dma_start3A_1667 = arith.constant 0 : i32
      %dma_start3A_1668 = tpu.memref_slice %arg4[%add3A_183, %dma_start3A_1667] : memref<425984x32xf32, #tpu.memory_space<hbm>> -> memref<128x32xf32, #tpu.memory_space<hbm>>
      %dma_start3A_1669 = arith.constant 0 : i32
      %dma_start3A_1670 = tpu.memref_slice %arg4[%add3A_183, %dma_start3A_1669] : memref<425984x32xf32, #tpu.memory_space<hbm>> -> memref<128x32xf32, #tpu.memory_space<hbm>>
      tpu.enqueue_dma source(%arg7 : memref<128x32xf32, #tpu.memory_space<vmem>>) target(%dma_start3A_1670 : memref<128x32xf32, #tpu.memory_space<hbm>>) target_semaphore(%run_scoped3A : memref<!tpu.dma_semaphore, #tpu.memory_space<semaphore_mem>>)
      %dma_wait3A_1671 = arith.constant 0 : i32
      %dma_wait3A_1672 = tpu.memref_slice %arg4[%add3A_183, %dma_wait3A_1671] : memref<425984x32xf32, #tpu.memory_space<hbm>> -> memref<128x32xf32, #tpu.memory_space<hbm>>
      %dma_wait3A_1673 = arith.constant 0 : i32
      %dma_wait3A_1674 = tpu.memref_slice %arg4[%add3A_183, %dma_wait3A_1673] : memref<425984x32xf32, #tpu.memory_space<hbm>> -> memref<128x32xf32, #tpu.memory_space<hbm>>
      tpu.wait_dma2 semaphore(%run_scoped3A : memref<!tpu.dma_semaphore, #tpu.memory_space<semaphore_mem>>) src(%arg7 : memref<128x32xf32, #tpu.memory_space<vmem>>) dst(%dma_wait3A_1674 : memref<128x32xf32, #tpu.memory_space<hbm>>)
      tpu.yield
    }) : () -> ()
    %dma_start3A_184 = arith.constant 13 : i32
    %dma_start3A_185 = arith.constant 0 : i32
    %dma_start3A_186 = tpu.memref_slice %arg5[%dma_start3A_184, %dma_start3A_185] : memref<104x128xi32, #tpu.memory_space<vmem>> -> memref<1x128xi32, #tpu.memory_space<vmem>>
    %dma_start3A_187 = tpu.memref_squeeze %dma_start3A_186 : memref<1x128xi32, #tpu.memory_space<vmem>> -> memref<128xi32, #tpu.memory_space<vmem>>
    %dma_start3A_188 = arith.constant 0 : i32
    %dma_start3A_189 = arith.constant 0 : i32
    %dma_start3A_190 = tpu.memref_slice %arg3[%dma_start3A_188, %dma_start3A_189] : memref<1000000x32xf32, #tpu.memory_space<hbm>> -> memref<1000000x32xf32, #tpu.memory_space<hbm>>
    tpu.enqueue_indirect_dma source(%dma_start3A_190 : memref<1000000x32xf32, #tpu.memory_space<hbm>>) target(%arg7 : memref<128x32xf32, #tpu.memory_space<vmem>>) offsets(%dma_start3A_187 : memref<128xi32, #tpu.memory_space<vmem>>) semaphore(%arg11 : memref<!tpu.dma_semaphore, #tpu.memory_space<semaphore_mem>>)
    %dma_wait3A_191 = arith.constant 10 : i32
    %dma_wait3A_192 = arith.constant 0 : i32
    %dma_wait3A_193 = tpu.memref_slice %arg5[%dma_wait3A_191, %dma_wait3A_192] : memref<104x128xi32, #tpu.memory_space<vmem>> -> memref<1x128xi32, #tpu.memory_space<vmem>>
    %dma_wait3A_194 = tpu.memref_squeeze %dma_wait3A_193 : memref<1x128xi32, #tpu.memory_space<vmem>> -> memref<128xi32, #tpu.memory_space<vmem>>
    %dma_wait3A_195 = arith.constant 0 : i32
    %dma_wait3A_196 = arith.constant 0 : i32
    %dma_wait3A_197 = tpu.memref_slice %arg3[%dma_wait3A_195, %dma_wait3A_196] : memref<1000000x32xf32, #tpu.memory_space<hbm>> -> memref<1000000x32xf32, #tpu.memory_space<hbm>>
    tpu.wait_indirect_dma semaphore(%arg12 : memref<!tpu.dma_semaphore, #tpu.memory_space<semaphore_mem>>) src(%dma_wait3A_197 : memref<1000000x32xf32, #tpu.memory_space<hbm>>) dst(%arg8 : memref<128x32xf32, #tpu.memory_space<vmem>>)
    %add3A_198 = arith.constant 1280 : i32
    %add3A_199 = arith.addi %mul3A_4, %add3A_198 : i32
    "tpu.region"() ({
      %run_scoped3A = tpu.sem_alloc : memref<!tpu.dma_semaphore, #tpu.memory_space<semaphore_mem>>
      %dma_start3A_1667 = arith.constant 0 : i32
      %dma_start3A_1668 = tpu.memref_slice %arg4[%add3A_199, %dma_start3A_1667] : memref<425984x32xf32, #tpu.memory_space<hbm>> -> memref<128x32xf32, #tpu.memory_space<hbm>>
      %dma_start3A_1669 = arith.constant 0 : i32
      %dma_start3A_1670 = tpu.memref_slice %arg4[%add3A_199, %dma_start3A_1669] : memref<425984x32xf32, #tpu.memory_space<hbm>> -> memref<128x32xf32, #tpu.memory_space<hbm>>
      tpu.enqueue_dma source(%arg8 : memref<128x32xf32, #tpu.memory_space<vmem>>) target(%dma_start3A_1670 : memref<128x32xf32, #tpu.memory_space<hbm>>) target_semaphore(%run_scoped3A : memref<!tpu.dma_semaphore, #tpu.memory_space<semaphore_mem>>)
      %dma_wait3A_1671 = arith.constant 0 : i32
      %dma_wait3A_1672 = tpu.memref_slice %arg4[%add3A_199, %dma_wait3A_1671] : memref<425984x32xf32, #tpu.memory_space<hbm>> -> memref<128x32xf32, #tpu.memory_space<hbm>>
      %dma_wait3A_1673 = arith.constant 0 : i32
      %dma_wait3A_1674 = tpu.memref_slice %arg4[%add3A_199, %dma_wait3A_1673] : memref<425984x32xf32, #tpu.memory_space<hbm>> -> memref<128x32xf32, #tpu.memory_space<hbm>>
      tpu.wait_dma2 semaphore(%run_scoped3A : memref<!tpu.dma_semaphore, #tpu.memory_space<semaphore_mem>>) src(%arg8 : memref<128x32xf32, #tpu.memory_space<vmem>>) dst(%dma_wait3A_1674 : memref<128x32xf32, #tpu.memory_space<hbm>>)
      tpu.yield
    }) : () -> ()
    %dma_start3A_200 = arith.constant 14 : i32
    %dma_start3A_201 = arith.constant 0 : i32
    %dma_start3A_202 = tpu.memref_slice %arg5[%dma_start3A_200, %dma_start3A_201] : memref<104x128xi32, #tpu.memory_space<vmem>> -> memref<1x128xi32, #tpu.memory_space<vmem>>
    %dma_start3A_203 = tpu.memref_squeeze %dma_start3A_202 : memref<1x128xi32, #tpu.memory_space<vmem>> -> memref<128xi32, #tpu.memory_space<vmem>>
    %dma_start3A_204 = arith.constant 0 : i32
    %dma_start3A_205 = arith.constant 0 : i32
    %dma_start3A_206 = tpu.memref_slice %arg3[%dma_start3A_204, %dma_start3A_205] : memref<1000000x32xf32, #tpu.memory_space<hbm>> -> memref<1000000x32xf32, #tpu.memory_space<hbm>>
    tpu.enqueue_indirect_dma source(%dma_start3A_206 : memref<1000000x32xf32, #tpu.memory_space<hbm>>) target(%arg8 : memref<128x32xf32, #tpu.memory_space<vmem>>) offsets(%dma_start3A_203 : memref<128xi32, #tpu.memory_space<vmem>>) semaphore(%arg12 : memref<!tpu.dma_semaphore, #tpu.memory_space<semaphore_mem>>)
    %dma_wait3A_207 = arith.constant 11 : i32
    %dma_wait3A_208 = arith.constant 0 : i32
    %dma_wait3A_209 = tpu.memref_slice %arg5[%dma_wait3A_207, %dma_wait3A_208] : memref<104x128xi32, #tpu.memory_space<vmem>> -> memref<1x128xi32, #tpu.memory_space<vmem>>
    %dma_wait3A_210 = tpu.memref_squeeze %dma_wait3A_209 : memref<1x128xi32, #tpu.memory_space<vmem>> -> memref<128xi32, #tpu.memory_space<vmem>>
    %dma_wait3A_211 = arith.constant 0 : i32
    %dma_wait3A_212 = arith.constant 0 : i32
    %dma_wait3A_213 = tpu.memref_slice %arg3[%dma_wait3A_211, %dma_wait3A_212] : memref<1000000x32xf32, #tpu.memory_space<hbm>> -> memref<1000000x32xf32, #tpu.memory_space<hbm>>
    tpu.wait_indirect_dma semaphore(%arg13 : memref<!tpu.dma_semaphore, #tpu.memory_space<semaphore_mem>>) src(%dma_wait3A_213 : memref<1000000x32xf32, #tpu.memory_space<hbm>>) dst(%arg9 : memref<128x32xf32, #tpu.memory_space<vmem>>)
    %add3A_214 = arith.constant 1408 : i32
    %add3A_215 = arith.addi %mul3A_4, %add3A_214 : i32
    "tpu.region"() ({
      %run_scoped3A = tpu.sem_alloc : memref<!tpu.dma_semaphore, #tpu.memory_space<semaphore_mem>>
      %dma_start3A_1667 = arith.constant 0 : i32
      %dma_start3A_1668 = tpu.memref_slice %arg4[%add3A_215, %dma_start3A_1667] : memref<425984x32xf32, #tpu.memory_space<hbm>> -> memref<128x32xf32, #tpu.memory_space<hbm>>
      %dma_start3A_1669 = arith.constant 0 : i32
      %dma_start3A_1670 = tpu.memref_slice %arg4[%add3A_215, %dma_start3A_1669] : memref<425984x32xf32, #tpu.memory_space<hbm>> -> memref<128x32xf32, #tpu.memory_space<hbm>>
      tpu.enqueue_dma source(%arg9 : memref<128x32xf32, #tpu.memory_space<vmem>>) target(%dma_start3A_1670 : memref<128x32xf32, #tpu.memory_space<hbm>>) target_semaphore(%run_scoped3A : memref<!tpu.dma_semaphore, #tpu.memory_space<semaphore_mem>>)
      %dma_wait3A_1671 = arith.constant 0 : i32
      %dma_wait3A_1672 = tpu.memref_slice %arg4[%add3A_215, %dma_wait3A_1671] : memref<425984x32xf32, #tpu.memory_space<hbm>> -> memref<128x32xf32, #tpu.memory_space<hbm>>
      %dma_wait3A_1673 = arith.constant 0 : i32
      %dma_wait3A_1674 = tpu.memref_slice %arg4[%add3A_215, %dma_wait3A_1673] : memref<425984x32xf32, #tpu.memory_space<hbm>> -> memref<128x32xf32, #tpu.memory_space<hbm>>
      tpu.wait_dma2 semaphore(%run_scoped3A : memref<!tpu.dma_semaphore, #tpu.memory_space<semaphore_mem>>) src(%arg9 : memref<128x32xf32, #tpu.memory_space<vmem>>) dst(%dma_wait3A_1674 : memref<128x32xf32, #tpu.memory_space<hbm>>)
      tpu.yield
    }) : () -> ()
    %dma_start3A_216 = arith.constant 15 : i32
    %dma_start3A_217 = arith.constant 0 : i32
    %dma_start3A_218 = tpu.memref_slice %arg5[%dma_start3A_216, %dma_start3A_217] : memref<104x128xi32, #tpu.memory_space<vmem>> -> memref<1x128xi32, #tpu.memory_space<vmem>>
    %dma_start3A_219 = tpu.memref_squeeze %dma_start3A_218 : memref<1x128xi32, #tpu.memory_space<vmem>> -> memref<128xi32, #tpu.memory_space<vmem>>
    %dma_start3A_220 = arith.constant 0 : i32
    %dma_start3A_221 = arith.constant 0 : i32
    %dma_start3A_222 = tpu.memref_slice %arg3[%dma_start3A_220, %dma_start3A_221] : memref<1000000x32xf32, #tpu.memory_space<hbm>> -> memref<1000000x32xf32, #tpu.memory_space<hbm>>
    tpu.enqueue_indirect_dma source(%dma_start3A_222 : memref<1000000x32xf32, #tpu.memory_space<hbm>>) target(%arg9 : memref<128x32xf32, #tpu.memory_space<vmem>>) offsets(%dma_start3A_219 : memref<128xi32, #tpu.memory_space<vmem>>) semaphore(%arg13 : memref<!tpu.dma_semaphore, #tpu.memory_space<semaphore_mem>>)
    %dma_wait3A_223 = arith.constant 12 : i32
    %dma_wait3A_224 = arith.constant 0 : i32
    %dma_wait3A_225 = tpu.memref_slice %arg5[%dma_wait3A_223, %dma_wait3A_224] : memref<104x128xi32, #tpu.memory_space<vmem>> -> memref<1x128xi32, #tpu.memory_space<vmem>>
    %dma_wait3A_226 = tpu.memref_squeeze %dma_wait3A_225 : memref<1x128xi32, #tpu.memory_space<vmem>> -> memref<128xi32, #tpu.memory_space<vmem>>
    %dma_wait3A_227 = arith.constant 0 : i32
    %dma_wait3A_228 = arith.constant 0 : i32
    %dma_wait3A_229 = tpu.memref_slice %arg3[%dma_wait3A_227, %dma_wait3A_228] : memref<1000000x32xf32, #tpu.memory_space<hbm>> -> memref<1000000x32xf32, #tpu.memory_space<hbm>>
    tpu.wait_indirect_dma semaphore(%arg10 : memref<!tpu.dma_semaphore, #tpu.memory_space<semaphore_mem>>) src(%dma_wait3A_229 : memref<1000000x32xf32, #tpu.memory_space<hbm>>) dst(%arg6 : memref<128x32xf32, #tpu.memory_space<vmem>>)
    %add3A_230 = arith.constant 1536 : i32
    %add3A_231 = arith.addi %mul3A_4, %add3A_230 : i32
    "tpu.region"() ({
      %run_scoped3A = tpu.sem_alloc : memref<!tpu.dma_semaphore, #tpu.memory_space<semaphore_mem>>
      %dma_start3A_1667 = arith.constant 0 : i32
      %dma_start3A_1668 = tpu.memref_slice %arg4[%add3A_231, %dma_start3A_1667] : memref<425984x32xf32, #tpu.memory_space<hbm>> -> memref<128x32xf32, #tpu.memory_space<hbm>>
      %dma_start3A_1669 = arith.constant 0 : i32
      %dma_start3A_1670 = tpu.memref_slice %arg4[%add3A_231, %dma_start3A_1669] : memref<425984x32xf32, #tpu.memory_space<hbm>> -> memref<128x32xf32, #tpu.memory_space<hbm>>
      tpu.enqueue_dma source(%arg6 : memref<128x32xf32, #tpu.memory_space<vmem>>) target(%dma_start3A_1670 : memref<128x32xf32, #tpu.memory_space<hbm>>) target_semaphore(%run_scoped3A : memref<!tpu.dma_semaphore, #tpu.memory_space<semaphore_mem>>)
      %dma_wait3A_1671 = arith.constant 0 : i32
      %dma_wait3A_1672 = tpu.memref_slice %arg4[%add3A_231, %dma_wait3A_1671] : memref<425984x32xf32, #tpu.memory_space<hbm>> -> memref<128x32xf32, #tpu.memory_space<hbm>>
      %dma_wait3A_1673 = arith.constant 0 : i32
      %dma_wait3A_1674 = tpu.memref_slice %arg4[%add3A_231, %dma_wait3A_1673] : memref<425984x32xf32, #tpu.memory_space<hbm>> -> memref<128x32xf32, #tpu.memory_space<hbm>>
      tpu.wait_dma2 semaphore(%run_scoped3A : memref<!tpu.dma_semaphore, #tpu.memory_space<semaphore_mem>>) src(%arg6 : memref<128x32xf32, #tpu.memory_space<vmem>>) dst(%dma_wait3A_1674 : memref<128x32xf32, #tpu.memory_space<hbm>>)
      tpu.yield
    }) : () -> ()
    %dma_start3A_232 = arith.constant 16 : i32
    %dma_start3A_233 = arith.constant 0 : i32
    %dma_start3A_234 = tpu.memref_slice %arg5[%dma_start3A_232, %dma_start3A_233] : memref<104x128xi32, #tpu.memory_space<vmem>> -> memref<1x128xi32, #tpu.memory_space<vmem>>
    %dma_start3A_235 = tpu.memref_squeeze %dma_start3A_234 : memref<1x128xi32, #tpu.memory_space<vmem>> -> memref<128xi32, #tpu.memory_space<vmem>>
    %dma_start3A_236 = arith.constant 0 : i32
    %dma_start3A_237 = arith.constant 0 : i32
    %dma_start3A_238 = tpu.memref_slice %arg3[%dma_start3A_236, %dma_start3A_237] : memref<1000000x32xf32, #tpu.memory_space<hbm>> -> memref<1000000x32xf32, #tpu.memory_space<hbm>>
    tpu.enqueue_indirect_dma source(%dma_start3A_238 : memref<1000000x32xf32, #tpu.memory_space<hbm>>) target(%arg6 : memref<128x32xf32, #tpu.memory_space<vmem>>) offsets(%dma_start3A_235 : memref<128xi32, #tpu.memory_space<vmem>>) semaphore(%arg10 : memref<!tpu.dma_semaphore, #tpu.memory_space<semaphore_mem>>)
    %dma_wait3A_239 = arith.constant 13 : i32
    %dma_wait3A_240 = arith.constant 0 : i32
    %dma_wait3A_241 = tpu.memref_slice %arg5[%dma_wait3A_239, %dma_wait3A_240] : memref<104x128xi32, #tpu.memory_space<vmem>> -> memref<1x128xi32, #tpu.memory_space<vmem>>
    %dma_wait3A_242 = tpu.memref_squeeze %dma_wait3A_241 : memref<1x128xi32, #tpu.memory_space<vmem>> -> memref<128xi32, #tpu.memory_space<vmem>>
    %dma_wait3A_243 = arith.constant 0 : i32
    %dma_wait3A_244 = arith.constant 0 : i32
    %dma_wait3A_245 = tpu.memref_slice %arg3[%dma_wait3A_243, %dma_wait3A_244] : memref<1000000x32xf32, #tpu.memory_space<hbm>> -> memref<1000000x32xf32, #tpu.memory_space<hbm>>
    tpu.wait_indirect_dma semaphore(%arg11 : memref<!tpu.dma_semaphore, #tpu.memory_space<semaphore_mem>>) src(%dma_wait3A_245 : memref<1000000x32xf32, #tpu.memory_space<hbm>>) dst(%arg7 : memref<128x32xf32, #tpu.memory_space<vmem>>)
    %add3A_246 = arith.constant 1664 : i32
    %add3A_247 = arith.addi %mul3A_4, %add3A_246 : i32
    "tpu.region"() ({
      %run_scoped3A = tpu.sem_alloc : memref<!tpu.dma_semaphore, #tpu.memory_space<semaphore_mem>>
      %dma_start3A_1667 = arith.constant 0 : i32
      %dma_start3A_1668 = tpu.memref_slice %arg4[%add3A_247, %dma_start3A_1667] : memref<425984x32xf32, #tpu.memory_space<hbm>> -> memref<128x32xf32, #tpu.memory_space<hbm>>
      %dma_start3A_1669 = arith.constant 0 : i32
      %dma_start3A_1670 = tpu.memref_slice %arg4[%add3A_247, %dma_start3A_1669] : memref<425984x32xf32, #tpu.memory_space<hbm>> -> memref<128x32xf32, #tpu.memory_space<hbm>>
      tpu.enqueue_dma source(%arg7 : memref<128x32xf32, #tpu.memory_space<vmem>>) target(%dma_start3A_1670 : memref<128x32xf32, #tpu.memory_space<hbm>>) target_semaphore(%run_scoped3A : memref<!tpu.dma_semaphore, #tpu.memory_space<semaphore_mem>>)
      %dma_wait3A_1671 = arith.constant 0 : i32
      %dma_wait3A_1672 = tpu.memref_slice %arg4[%add3A_247, %dma_wait3A_1671] : memref<425984x32xf32, #tpu.memory_space<hbm>> -> memref<128x32xf32, #tpu.memory_space<hbm>>
      %dma_wait3A_1673 = arith.constant 0 : i32
      %dma_wait3A_1674 = tpu.memref_slice %arg4[%add3A_247, %dma_wait3A_1673] : memref<425984x32xf32, #tpu.memory_space<hbm>> -> memref<128x32xf32, #tpu.memory_space<hbm>>
      tpu.wait_dma2 semaphore(%run_scoped3A : memref<!tpu.dma_semaphore, #tpu.memory_space<semaphore_mem>>) src(%arg7 : memref<128x32xf32, #tpu.memory_space<vmem>>) dst(%dma_wait3A_1674 : memref<128x32xf32, #tpu.memory_space<hbm>>)
      tpu.yield
    }) : () -> ()
    %dma_start3A_248 = arith.constant 17 : i32
    %dma_start3A_249 = arith.constant 0 : i32
    %dma_start3A_250 = tpu.memref_slice %arg5[%dma_start3A_248, %dma_start3A_249] : memref<104x128xi32, #tpu.memory_space<vmem>> -> memref<1x128xi32, #tpu.memory_space<vmem>>
    %dma_start3A_251 = tpu.memref_squeeze %dma_start3A_250 : memref<1x128xi32, #tpu.memory_space<vmem>> -> memref<128xi32, #tpu.memory_space<vmem>>
    %dma_start3A_252 = arith.constant 0 : i32
    %dma_start3A_253 = arith.constant 0 : i32
    %dma_start3A_254 = tpu.memref_slice %arg3[%dma_start3A_252, %dma_start3A_253] : memref<1000000x32xf32, #tpu.memory_space<hbm>> -> memref<1000000x32xf32, #tpu.memory_space<hbm>>
    tpu.enqueue_indirect_dma source(%dma_start3A_254 : memref<1000000x32xf32, #tpu.memory_space<hbm>>) target(%arg7 : memref<128x32xf32, #tpu.memory_space<vmem>>) offsets(%dma_start3A_251 : memref<128xi32, #tpu.memory_space<vmem>>) semaphore(%arg11 : memref<!tpu.dma_semaphore, #tpu.memory_space<semaphore_mem>>)
    %dma_wait3A_255 = arith.constant 14 : i32
    %dma_wait3A_256 = arith.constant 0 : i32
    %dma_wait3A_257 = tpu.memref_slice %arg5[%dma_wait3A_255, %dma_wait3A_256] : memref<104x128xi32, #tpu.memory_space<vmem>> -> memref<1x128xi32, #tpu.memory_space<vmem>>
    %dma_wait3A_258 = tpu.memref_squeeze %dma_wait3A_257 : memref<1x128xi32, #tpu.memory_space<vmem>> -> memref<128xi32, #tpu.memory_space<vmem>>
    %dma_wait3A_259 = arith.constant 0 : i32
    %dma_wait3A_260 = arith.constant 0 : i32
    %dma_wait3A_261 = tpu.memref_slice %arg3[%dma_wait3A_259, %dma_wait3A_260] : memref<1000000x32xf32, #tpu.memory_space<hbm>> -> memref<1000000x32xf32, #tpu.memory_space<hbm>>
    tpu.wait_indirect_dma semaphore(%arg12 : memref<!tpu.dma_semaphore, #tpu.memory_space<semaphore_mem>>) src(%dma_wait3A_261 : memref<1000000x32xf32, #tpu.memory_space<hbm>>) dst(%arg8 : memref<128x32xf32, #tpu.memory_space<vmem>>)
    %add3A_262 = arith.constant 1792 : i32
    %add3A_263 = arith.addi %mul3A_4, %add3A_262 : i32
    "tpu.region"() ({
      %run_scoped3A = tpu.sem_alloc : memref<!tpu.dma_semaphore, #tpu.memory_space<semaphore_mem>>
      %dma_start3A_1667 = arith.constant 0 : i32
      %dma_start3A_1668 = tpu.memref_slice %arg4[%add3A_263, %dma_start3A_1667] : memref<425984x32xf32, #tpu.memory_space<hbm>> -> memref<128x32xf32, #tpu.memory_space<hbm>>
      %dma_start3A_1669 = arith.constant 0 : i32
      %dma_start3A_1670 = tpu.memref_slice %arg4[%add3A_263, %dma_start3A_1669] : memref<425984x32xf32, #tpu.memory_space<hbm>> -> memref<128x32xf32, #tpu.memory_space<hbm>>
      tpu.enqueue_dma source(%arg8 : memref<128x32xf32, #tpu.memory_space<vmem>>) target(%dma_start3A_1670 : memref<128x32xf32, #tpu.memory_space<hbm>>) target_semaphore(%run_scoped3A : memref<!tpu.dma_semaphore, #tpu.memory_space<semaphore_mem>>)
      %dma_wait3A_1671 = arith.constant 0 : i32
      %dma_wait3A_1672 = tpu.memref_slice %arg4[%add3A_263, %dma_wait3A_1671] : memref<425984x32xf32, #tpu.memory_space<hbm>> -> memref<128x32xf32, #tpu.memory_space<hbm>>
      %dma_wait3A_1673 = arith.constant 0 : i32
      %dma_wait3A_1674 = tpu.memref_slice %arg4[%add3A_263, %dma_wait3A_1673] : memref<425984x32xf32, #tpu.memory_space<hbm>> -> memref<128x32xf32, #tpu.memory_space<hbm>>
      tpu.wait_dma2 semaphore(%run_scoped3A : memref<!tpu.dma_semaphore, #tpu.memory_space<semaphore_mem>>) src(%arg8 : memref<128x32xf32, #tpu.memory_space<vmem>>) dst(%dma_wait3A_1674 : memref<128x32xf32, #tpu.memory_space<hbm>>)
      tpu.yield
    }) : () -> ()
    %dma_start3A_264 = arith.constant 18 : i32
    %dma_start3A_265 = arith.constant 0 : i32
    %dma_start3A_266 = tpu.memref_slice %arg5[%dma_start3A_264, %dma_start3A_265] : memref<104x128xi32, #tpu.memory_space<vmem>> -> memref<1x128xi32, #tpu.memory_space<vmem>>
    %dma_start3A_267 = tpu.memref_squeeze %dma_start3A_266 : memref<1x128xi32, #tpu.memory_space<vmem>> -> memref<128xi32, #tpu.memory_space<vmem>>
    %dma_start3A_268 = arith.constant 0 : i32
    %dma_start3A_269 = arith.constant 0 : i32
    %dma_start3A_270 = tpu.memref_slice %arg3[%dma_start3A_268, %dma_start3A_269] : memref<1000000x32xf32, #tpu.memory_space<hbm>> -> memref<1000000x32xf32, #tpu.memory_space<hbm>>
    tpu.enqueue_indirect_dma source(%dma_start3A_270 : memref<1000000x32xf32, #tpu.memory_space<hbm>>) target(%arg8 : memref<128x32xf32, #tpu.memory_space<vmem>>) offsets(%dma_start3A_267 : memref<128xi32, #tpu.memory_space<vmem>>) semaphore(%arg12 : memref<!tpu.dma_semaphore, #tpu.memory_space<semaphore_mem>>)
    %dma_wait3A_271 = arith.constant 15 : i32
    %dma_wait3A_272 = arith.constant 0 : i32
    %dma_wait3A_273 = tpu.memref_slice %arg5[%dma_wait3A_271, %dma_wait3A_272] : memref<104x128xi32, #tpu.memory_space<vmem>> -> memref<1x128xi32, #tpu.memory_space<vmem>>
    %dma_wait3A_274 = tpu.memref_squeeze %dma_wait3A_273 : memref<1x128xi32, #tpu.memory_space<vmem>> -> memref<128xi32, #tpu.memory_space<vmem>>
    %dma_wait3A_275 = arith.constant 0 : i32
    %dma_wait3A_276 = arith.constant 0 : i32
    %dma_wait3A_277 = tpu.memref_slice %arg3[%dma_wait3A_275, %dma_wait3A_276] : memref<1000000x32xf32, #tpu.memory_space<hbm>> -> memref<1000000x32xf32, #tpu.memory_space<hbm>>
    tpu.wait_indirect_dma semaphore(%arg13 : memref<!tpu.dma_semaphore, #tpu.memory_space<semaphore_mem>>) src(%dma_wait3A_277 : memref<1000000x32xf32, #tpu.memory_space<hbm>>) dst(%arg9 : memref<128x32xf32, #tpu.memory_space<vmem>>)
    %add3A_278 = arith.constant 1920 : i32
    %add3A_279 = arith.addi %mul3A_4, %add3A_278 : i32
    "tpu.region"() ({
      %run_scoped3A = tpu.sem_alloc : memref<!tpu.dma_semaphore, #tpu.memory_space<semaphore_mem>>
      %dma_start3A_1667 = arith.constant 0 : i32
      %dma_start3A_1668 = tpu.memref_slice %arg4[%add3A_279, %dma_start3A_1667] : memref<425984x32xf32, #tpu.memory_space<hbm>> -> memref<128x32xf32, #tpu.memory_space<hbm>>
      %dma_start3A_1669 = arith.constant 0 : i32
      %dma_start3A_1670 = tpu.memref_slice %arg4[%add3A_279, %dma_start3A_1669] : memref<425984x32xf32, #tpu.memory_space<hbm>> -> memref<128x32xf32, #tpu.memory_space<hbm>>
      tpu.enqueue_dma source(%arg9 : memref<128x32xf32, #tpu.memory_space<vmem>>) target(%dma_start3A_1670 : memref<128x32xf32, #tpu.memory_space<hbm>>) target_semaphore(%run_scoped3A : memref<!tpu.dma_semaphore, #tpu.memory_space<semaphore_mem>>)
      %dma_wait3A_1671 = arith.constant 0 : i32
      %dma_wait3A_1672 = tpu.memref_slice %arg4[%add3A_279, %dma_wait3A_1671] : memref<425984x32xf32, #tpu.memory_space<hbm>> -> memref<128x32xf32, #tpu.memory_space<hbm>>
      %dma_wait3A_1673 = arith.constant 0 : i32
      %dma_wait3A_1674 = tpu.memref_slice %arg4[%add3A_279, %dma_wait3A_1673] : memref<425984x32xf32, #tpu.memory_space<hbm>> -> memref<128x32xf32, #tpu.memory_space<hbm>>
      tpu.wait_dma2 semaphore(%run_scoped3A : memref<!tpu.dma_semaphore, #tpu.memory_space<semaphore_mem>>) src(%arg9 : memref<128x32xf32, #tpu.memory_space<vmem>>) dst(%dma_wait3A_1674 : memref<128x32xf32, #tpu.memory_space<hbm>>)
      tpu.yield
    }) : () -> ()
    %dma_start3A_280 = arith.constant 19 : i32
    %dma_start3A_281 = arith.constant 0 : i32
    %dma_start3A_282 = tpu.memref_slice %arg5[%dma_start3A_280, %dma_start3A_281] : memref<104x128xi32, #tpu.memory_space<vmem>> -> memref<1x128xi32, #tpu.memory_space<vmem>>
    %dma_start3A_283 = tpu.memref_squeeze %dma_start3A_282 : memref<1x128xi32, #tpu.memory_space<vmem>> -> memref<128xi32, #tpu.memory_space<vmem>>
    %dma_start3A_284 = arith.constant 0 : i32
    %dma_start3A_285 = arith.constant 0 : i32
    %dma_start3A_286 = tpu.memref_slice %arg3[%dma_start3A_284, %dma_start3A_285] : memref<1000000x32xf32, #tpu.memory_space<hbm>> -> memref<1000000x32xf32, #tpu.memory_space<hbm>>
    tpu.enqueue_indirect_dma source(%dma_start3A_286 : memref<1000000x32xf32, #tpu.memory_space<hbm>>) target(%arg9 : memref<128x32xf32, #tpu.memory_space<vmem>>) offsets(%dma_start3A_283 : memref<128xi32, #tpu.memory_space<vmem>>) semaphore(%arg13 : memref<!tpu.dma_semaphore, #tpu.memory_space<semaphore_mem>>)
    %dma_wait3A_287 = arith.constant 16 : i32
    %dma_wait3A_288 = arith.constant 0 : i32
    %dma_wait3A_289 = tpu.memref_slice %arg5[%dma_wait3A_287, %dma_wait3A_288] : memref<104x128xi32, #tpu.memory_space<vmem>> -> memref<1x128xi32, #tpu.memory_space<vmem>>
    %dma_wait3A_290 = tpu.memref_squeeze %dma_wait3A_289 : memref<1x128xi32, #tpu.memory_space<vmem>> -> memref<128xi32, #tpu.memory_space<vmem>>
    %dma_wait3A_291 = arith.constant 0 : i32
    %dma_wait3A_292 = arith.constant 0 : i32
    %dma_wait3A_293 = tpu.memref_slice %arg3[%dma_wait3A_291, %dma_wait3A_292] : memref<1000000x32xf32, #tpu.memory_space<hbm>> -> memref<1000000x32xf32, #tpu.memory_space<hbm>>
    tpu.wait_indirect_dma semaphore(%arg10 : memref<!tpu.dma_semaphore, #tpu.memory_space<semaphore_mem>>) src(%dma_wait3A_293 : memref<1000000x32xf32, #tpu.memory_space<hbm>>) dst(%arg6 : memref<128x32xf32, #tpu.memory_space<vmem>>)
    %add3A_294 = arith.constant 2048 : i32
    %add3A_295 = arith.addi %mul3A_4, %add3A_294 : i32
    "tpu.region"() ({
      %run_scoped3A = tpu.sem_alloc : memref<!tpu.dma_semaphore, #tpu.memory_space<semaphore_mem>>
      %dma_start3A_1667 = arith.constant 0 : i32
      %dma_start3A_1668 = tpu.memref_slice %arg4[%add3A_295, %dma_start3A_1667] : memref<425984x32xf32, #tpu.memory_space<hbm>> -> memref<128x32xf32, #tpu.memory_space<hbm>>
      %dma_start3A_1669 = arith.constant 0 : i32
      %dma_start3A_1670 = tpu.memref_slice %arg4[%add3A_295, %dma_start3A_1669] : memref<425984x32xf32, #tpu.memory_space<hbm>> -> memref<128x32xf32, #tpu.memory_space<hbm>>
      tpu.enqueue_dma source(%arg6 : memref<128x32xf32, #tpu.memory_space<vmem>>) target(%dma_start3A_1670 : memref<128x32xf32, #tpu.memory_space<hbm>>) target_semaphore(%run_scoped3A : memref<!tpu.dma_semaphore, #tpu.memory_space<semaphore_mem>>)
      %dma_wait3A_1671 = arith.constant 0 : i32
      %dma_wait3A_1672 = tpu.memref_slice %arg4[%add3A_295, %dma_wait3A_1671] : memref<425984x32xf32, #tpu.memory_space<hbm>> -> memref<128x32xf32, #tpu.memory_space<hbm>>
      %dma_wait3A_1673 = arith.constant 0 : i32
      %dma_wait3A_1674 = tpu.memref_slice %arg4[%add3A_295, %dma_wait3A_1673] : memref<425984x32xf32, #tpu.memory_space<hbm>> -> memref<128x32xf32, #tpu.memory_space<hbm>>
      tpu.wait_dma2 semaphore(%run_scoped3A : memref<!tpu.dma_semaphore, #tpu.memory_space<semaphore_mem>>) src(%arg6 : memref<128x32xf32, #tpu.memory_space<vmem>>) dst(%dma_wait3A_1674 : memref<128x32xf32, #tpu.memory_space<hbm>>)
      tpu.yield
    }) : () -> ()
    %dma_start3A_296 = arith.constant 20 : i32
    %dma_start3A_297 = arith.constant 0 : i32
    %dma_start3A_298 = tpu.memref_slice %arg5[%dma_start3A_296, %dma_start3A_297] : memref<104x128xi32, #tpu.memory_space<vmem>> -> memref<1x128xi32, #tpu.memory_space<vmem>>
    %dma_start3A_299 = tpu.memref_squeeze %dma_start3A_298 : memref<1x128xi32, #tpu.memory_space<vmem>> -> memref<128xi32, #tpu.memory_space<vmem>>
    %dma_start3A_300 = arith.constant 0 : i32
    %dma_start3A_301 = arith.constant 0 : i32
    %dma_start3A_302 = tpu.memref_slice %arg3[%dma_start3A_300, %dma_start3A_301] : memref<1000000x32xf32, #tpu.memory_space<hbm>> -> memref<1000000x32xf32, #tpu.memory_space<hbm>>
    tpu.enqueue_indirect_dma source(%dma_start3A_302 : memref<1000000x32xf32, #tpu.memory_space<hbm>>) target(%arg6 : memref<128x32xf32, #tpu.memory_space<vmem>>) offsets(%dma_start3A_299 : memref<128xi32, #tpu.memory_space<vmem>>) semaphore(%arg10 : memref<!tpu.dma_semaphore, #tpu.memory_space<semaphore_mem>>)
    %dma_wait3A_303 = arith.constant 17 : i32
    %dma_wait3A_304 = arith.constant 0 : i32
    %dma_wait3A_305 = tpu.memref_slice %arg5[%dma_wait3A_303, %dma_wait3A_304] : memref<104x128xi32, #tpu.memory_space<vmem>> -> memref<1x128xi32, #tpu.memory_space<vmem>>
    %dma_wait3A_306 = tpu.memref_squeeze %dma_wait3A_305 : memref<1x128xi32, #tpu.memory_space<vmem>> -> memref<128xi32, #tpu.memory_space<vmem>>
    %dma_wait3A_307 = arith.constant 0 : i32
    %dma_wait3A_308 = arith.constant 0 : i32
    %dma_wait3A_309 = tpu.memref_slice %arg3[%dma_wait3A_307, %dma_wait3A_308] : memref<1000000x32xf32, #tpu.memory_space<hbm>> -> memref<1000000x32xf32, #tpu.memory_space<hbm>>
    tpu.wait_indirect_dma semaphore(%arg11 : memref<!tpu.dma_semaphore, #tpu.memory_space<semaphore_mem>>) src(%dma_wait3A_309 : memref<1000000x32xf32, #tpu.memory_space<hbm>>) dst(%arg7 : memref<128x32xf32, #tpu.memory_space<vmem>>)
    %add3A_310 = arith.constant 2176 : i32
    %add3A_311 = arith.addi %mul3A_4, %add3A_310 : i32
    "tpu.region"() ({
      %run_scoped3A = tpu.sem_alloc : memref<!tpu.dma_semaphore, #tpu.memory_space<semaphore_mem>>
      %dma_start3A_1667 = arith.constant 0 : i32
      %dma_start3A_1668 = tpu.memref_slice %arg4[%add3A_311, %dma_start3A_1667] : memref<425984x32xf32, #tpu.memory_space<hbm>> -> memref<128x32xf32, #tpu.memory_space<hbm>>
      %dma_start3A_1669 = arith.constant 0 : i32
      %dma_start3A_1670 = tpu.memref_slice %arg4[%add3A_311, %dma_start3A_1669] : memref<425984x32xf32, #tpu.memory_space<hbm>> -> memref<128x32xf32, #tpu.memory_space<hbm>>
      tpu.enqueue_dma source(%arg7 : memref<128x32xf32, #tpu.memory_space<vmem>>) target(%dma_start3A_1670 : memref<128x32xf32, #tpu.memory_space<hbm>>) target_semaphore(%run_scoped3A : memref<!tpu.dma_semaphore, #tpu.memory_space<semaphore_mem>>)
      %dma_wait3A_1671 = arith.constant 0 : i32
      %dma_wait3A_1672 = tpu.memref_slice %arg4[%add3A_311, %dma_wait3A_1671] : memref<425984x32xf32, #tpu.memory_space<hbm>> -> memref<128x32xf32, #tpu.memory_space<hbm>>
      %dma_wait3A_1673 = arith.constant 0 : i32
      %dma_wait3A_1674 = tpu.memref_slice %arg4[%add3A_311, %dma_wait3A_1673] : memref<425984x32xf32, #tpu.memory_space<hbm>> -> memref<128x32xf32, #tpu.memory_space<hbm>>
      tpu.wait_dma2 semaphore(%run_scoped3A : memref<!tpu.dma_semaphore, #tpu.memory_space<semaphore_mem>>) src(%arg7 : memref<128x32xf32, #tpu.memory_space<vmem>>) dst(%dma_wait3A_1674 : memref<128x32xf32, #tpu.memory_space<hbm>>)
      tpu.yield
    }) : () -> ()
    %dma_start3A_312 = arith.constant 21 : i32
    %dma_start3A_313 = arith.constant 0 : i32
    %dma_start3A_314 = tpu.memref_slice %arg5[%dma_start3A_312, %dma_start3A_313] : memref<104x128xi32, #tpu.memory_space<vmem>> -> memref<1x128xi32, #tpu.memory_space<vmem>>
    %dma_start3A_315 = tpu.memref_squeeze %dma_start3A_314 : memref<1x128xi32, #tpu.memory_space<vmem>> -> memref<128xi32, #tpu.memory_space<vmem>>
    %dma_start3A_316 = arith.constant 0 : i32
    %dma_start3A_317 = arith.constant 0 : i32
    %dma_start3A_318 = tpu.memref_slice %arg3[%dma_start3A_316, %dma_start3A_317] : memref<1000000x32xf32, #tpu.memory_space<hbm>> -> memref<1000000x32xf32, #tpu.memory_space<hbm>>
    tpu.enqueue_indirect_dma source(%dma_start3A_318 : memref<1000000x32xf32, #tpu.memory_space<hbm>>) target(%arg7 : memref<128x32xf32, #tpu.memory_space<vmem>>) offsets(%dma_start3A_315 : memref<128xi32, #tpu.memory_space<vmem>>) semaphore(%arg11 : memref<!tpu.dma_semaphore, #tpu.memory_space<semaphore_mem>>)
    %dma_wait3A_319 = arith.constant 18 : i32
    %dma_wait3A_320 = arith.constant 0 : i32
    %dma_wait3A_321 = tpu.memref_slice %arg5[%dma_wait3A_319, %dma_wait3A_320] : memref<104x128xi32, #tpu.memory_space<vmem>> -> memref<1x128xi32, #tpu.memory_space<vmem>>
    %dma_wait3A_322 = tpu.memref_squeeze %dma_wait3A_321 : memref<1x128xi32, #tpu.memory_space<vmem>> -> memref<128xi32, #tpu.memory_space<vmem>>
    %dma_wait3A_323 = arith.constant 0 : i32
    %dma_wait3A_324 = arith.constant 0 : i32
    %dma_wait3A_325 = tpu.memref_slice %arg3[%dma_wait3A_323, %dma_wait3A_324] : memref<1000000x32xf32, #tpu.memory_space<hbm>> -> memref<1000000x32xf32, #tpu.memory_space<hbm>>
    tpu.wait_indirect_dma semaphore(%arg12 : memref<!tpu.dma_semaphore, #tpu.memory_space<semaphore_mem>>) src(%dma_wait3A_325 : memref<1000000x32xf32, #tpu.memory_space<hbm>>) dst(%arg8 : memref<128x32xf32, #tpu.memory_space<vmem>>)
    %add3A_326 = arith.constant 2304 : i32
    %add3A_327 = arith.addi %mul3A_4, %add3A_326 : i32
    "tpu.region"() ({
      %run_scoped3A = tpu.sem_alloc : memref<!tpu.dma_semaphore, #tpu.memory_space<semaphore_mem>>
      %dma_start3A_1667 = arith.constant 0 : i32
      %dma_start3A_1668 = tpu.memref_slice %arg4[%add3A_327, %dma_start3A_1667] : memref<425984x32xf32, #tpu.memory_space<hbm>> -> memref<128x32xf32, #tpu.memory_space<hbm>>
      %dma_start3A_1669 = arith.constant 0 : i32
      %dma_start3A_1670 = tpu.memref_slice %arg4[%add3A_327, %dma_start3A_1669] : memref<425984x32xf32, #tpu.memory_space<hbm>> -> memref<128x32xf32, #tpu.memory_space<hbm>>
      tpu.enqueue_dma source(%arg8 : memref<128x32xf32, #tpu.memory_space<vmem>>) target(%dma_start3A_1670 : memref<128x32xf32, #tpu.memory_space<hbm>>) target_semaphore(%run_scoped3A : memref<!tpu.dma_semaphore, #tpu.memory_space<semaphore_mem>>)
      %dma_wait3A_1671 = arith.constant 0 : i32
      %dma_wait3A_1672 = tpu.memref_slice %arg4[%add3A_327, %dma_wait3A_1671] : memref<425984x32xf32, #tpu.memory_space<hbm>> -> memref<128x32xf32, #tpu.memory_space<hbm>>
      %dma_wait3A_1673 = arith.constant 0 : i32
      %dma_wait3A_1674 = tpu.memref_slice %arg4[%add3A_327, %dma_wait3A_1673] : memref<425984x32xf32, #tpu.memory_space<hbm>> -> memref<128x32xf32, #tpu.memory_space<hbm>>
      tpu.wait_dma2 semaphore(%run_scoped3A : memref<!tpu.dma_semaphore, #tpu.memory_space<semaphore_mem>>) src(%arg8 : memref<128x32xf32, #tpu.memory_space<vmem>>) dst(%dma_wait3A_1674 : memref<128x32xf32, #tpu.memory_space<hbm>>)
      tpu.yield
    }) : () -> ()
    %dma_start3A_328 = arith.constant 22 : i32
    %dma_start3A_329 = arith.constant 0 : i32
    %dma_start3A_330 = tpu.memref_slice %arg5[%dma_start3A_328, %dma_start3A_329] : memref<104x128xi32, #tpu.memory_space<vmem>> -> memref<1x128xi32, #tpu.memory_space<vmem>>
    %dma_start3A_331 = tpu.memref_squeeze %dma_start3A_330 : memref<1x128xi32, #tpu.memory_space<vmem>> -> memref<128xi32, #tpu.memory_space<vmem>>
    %dma_start3A_332 = arith.constant 0 : i32
    %dma_start3A_333 = arith.constant 0 : i32
    %dma_start3A_334 = tpu.memref_slice %arg3[%dma_start3A_332, %dma_start3A_333] : memref<1000000x32xf32, #tpu.memory_space<hbm>> -> memref<1000000x32xf32, #tpu.memory_space<hbm>>
    tpu.enqueue_indirect_dma source(%dma_start3A_334 : memref<1000000x32xf32, #tpu.memory_space<hbm>>) target(%arg8 : memref<128x32xf32, #tpu.memory_space<vmem>>) offsets(%dma_start3A_331 : memref<128xi32, #tpu.memory_space<vmem>>) semaphore(%arg12 : memref<!tpu.dma_semaphore, #tpu.memory_space<semaphore_mem>>)
    %dma_wait3A_335 = arith.constant 19 : i32
    %dma_wait3A_336 = arith.constant 0 : i32
    %dma_wait3A_337 = tpu.memref_slice %arg5[%dma_wait3A_335, %dma_wait3A_336] : memref<104x128xi32, #tpu.memory_space<vmem>> -> memref<1x128xi32, #tpu.memory_space<vmem>>
    %dma_wait3A_338 = tpu.memref_squeeze %dma_wait3A_337 : memref<1x128xi32, #tpu.memory_space<vmem>> -> memref<128xi32, #tpu.memory_space<vmem>>
    %dma_wait3A_339 = arith.constant 0 : i32
    %dma_wait3A_340 = arith.constant 0 : i32
    %dma_wait3A_341 = tpu.memref_slice %arg3[%dma_wait3A_339, %dma_wait3A_340] : memref<1000000x32xf32, #tpu.memory_space<hbm>> -> memref<1000000x32xf32, #tpu.memory_space<hbm>>
    tpu.wait_indirect_dma semaphore(%arg13 : memref<!tpu.dma_semaphore, #tpu.memory_space<semaphore_mem>>) src(%dma_wait3A_341 : memref<1000000x32xf32, #tpu.memory_space<hbm>>) dst(%arg9 : memref<128x32xf32, #tpu.memory_space<vmem>>)
    %add3A_342 = arith.constant 2432 : i32
    %add3A_343 = arith.addi %mul3A_4, %add3A_342 : i32
    "tpu.region"() ({
      %run_scoped3A = tpu.sem_alloc : memref<!tpu.dma_semaphore, #tpu.memory_space<semaphore_mem>>
      %dma_start3A_1667 = arith.constant 0 : i32
      %dma_start3A_1668 = tpu.memref_slice %arg4[%add3A_343, %dma_start3A_1667] : memref<425984x32xf32, #tpu.memory_space<hbm>> -> memref<128x32xf32, #tpu.memory_space<hbm>>
      %dma_start3A_1669 = arith.constant 0 : i32
      %dma_start3A_1670 = tpu.memref_slice %arg4[%add3A_343, %dma_start3A_1669] : memref<425984x32xf32, #tpu.memory_space<hbm>> -> memref<128x32xf32, #tpu.memory_space<hbm>>
      tpu.enqueue_dma source(%arg9 : memref<128x32xf32, #tpu.memory_space<vmem>>) target(%dma_start3A_1670 : memref<128x32xf32, #tpu.memory_space<hbm>>) target_semaphore(%run_scoped3A : memref<!tpu.dma_semaphore, #tpu.memory_space<semaphore_mem>>)
      %dma_wait3A_1671 = arith.constant 0 : i32
      %dma_wait3A_1672 = tpu.memref_slice %arg4[%add3A_343, %dma_wait3A_1671] : memref<425984x32xf32, #tpu.memory_space<hbm>> -> memref<128x32xf32, #tpu.memory_space<hbm>>
      %dma_wait3A_1673 = arith.constant 0 : i32
      %dma_wait3A_1674 = tpu.memref_slice %arg4[%add3A_343, %dma_wait3A_1673] : memref<425984x32xf32, #tpu.memory_space<hbm>> -> memref<128x32xf32, #tpu.memory_space<hbm>>
      tpu.wait_dma2 semaphore(%run_scoped3A : memref<!tpu.dma_semaphore, #tpu.memory_space<semaphore_mem>>) src(%arg9 : memref<128x32xf32, #tpu.memory_space<vmem>>) dst(%dma_wait3A_1674 : memref<128x32xf32, #tpu.memory_space<hbm>>)
      tpu.yield
    }) : () -> ()
    %dma_start3A_344 = arith.constant 23 : i32
    %dma_start3A_345 = arith.constant 0 : i32
    %dma_start3A_346 = tpu.memref_slice %arg5[%dma_start3A_344, %dma_start3A_345] : memref<104x128xi32, #tpu.memory_space<vmem>> -> memref<1x128xi32, #tpu.memory_space<vmem>>
    %dma_start3A_347 = tpu.memref_squeeze %dma_start3A_346 : memref<1x128xi32, #tpu.memory_space<vmem>> -> memref<128xi32, #tpu.memory_space<vmem>>
    %dma_start3A_348 = arith.constant 0 : i32
    %dma_start3A_349 = arith.constant 0 : i32
    %dma_start3A_350 = tpu.memref_slice %arg3[%dma_start3A_348, %dma_start3A_349] : memref<1000000x32xf32, #tpu.memory_space<hbm>> -> memref<1000000x32xf32, #tpu.memory_space<hbm>>
    tpu.enqueue_indirect_dma source(%dma_start3A_350 : memref<1000000x32xf32, #tpu.memory_space<hbm>>) target(%arg9 : memref<128x32xf32, #tpu.memory_space<vmem>>) offsets(%dma_start3A_347 : memref<128xi32, #tpu.memory_space<vmem>>) semaphore(%arg13 : memref<!tpu.dma_semaphore, #tpu.memory_space<semaphore_mem>>)
    %dma_wait3A_351 = arith.constant 20 : i32
    %dma_wait3A_352 = arith.constant 0 : i32
    %dma_wait3A_353 = tpu.memref_slice %arg5[%dma_wait3A_351, %dma_wait3A_352] : memref<104x128xi32, #tpu.memory_space<vmem>> -> memref<1x128xi32, #tpu.memory_space<vmem>>
    %dma_wait3A_354 = tpu.memref_squeeze %dma_wait3A_353 : memref<1x128xi32, #tpu.memory_space<vmem>> -> memref<128xi32, #tpu.memory_space<vmem>>
    %dma_wait3A_355 = arith.constant 0 : i32
    %dma_wait3A_356 = arith.constant 0 : i32
    %dma_wait3A_357 = tpu.memref_slice %arg3[%dma_wait3A_355, %dma_wait3A_356] : memref<1000000x32xf32, #tpu.memory_space<hbm>> -> memref<1000000x32xf32, #tpu.memory_space<hbm>>
    tpu.wait_indirect_dma semaphore(%arg10 : memref<!tpu.dma_semaphore, #tpu.memory_space<semaphore_mem>>) src(%dma_wait3A_357 : memref<1000000x32xf32, #tpu.memory_space<hbm>>) dst(%arg6 : memref<128x32xf32, #tpu.memory_space<vmem>>)
    %add3A_358 = arith.constant 2560 : i32
    %add3A_359 = arith.addi %mul3A_4, %add3A_358 : i32
    "tpu.region"() ({
      %run_scoped3A = tpu.sem_alloc : memref<!tpu.dma_semaphore, #tpu.memory_space<semaphore_mem>>
      %dma_start3A_1667 = arith.constant 0 : i32
      %dma_start3A_1668 = tpu.memref_slice %arg4[%add3A_359, %dma_start3A_1667] : memref<425984x32xf32, #tpu.memory_space<hbm>> -> memref<128x32xf32, #tpu.memory_space<hbm>>
      %dma_start3A_1669 = arith.constant 0 : i32
      %dma_start3A_1670 = tpu.memref_slice %arg4[%add3A_359, %dma_start3A_1669] : memref<425984x32xf32, #tpu.memory_space<hbm>> -> memref<128x32xf32, #tpu.memory_space<hbm>>
      tpu.enqueue_dma source(%arg6 : memref<128x32xf32, #tpu.memory_space<vmem>>) target(%dma_start3A_1670 : memref<128x32xf32, #tpu.memory_space<hbm>>) target_semaphore(%run_scoped3A : memref<!tpu.dma_semaphore, #tpu.memory_space<semaphore_mem>>)
      %dma_wait3A_1671 = arith.constant 0 : i32
      %dma_wait3A_1672 = tpu.memref_slice %arg4[%add3A_359, %dma_wait3A_1671] : memref<425984x32xf32, #tpu.memory_space<hbm>> -> memref<128x32xf32, #tpu.memory_space<hbm>>
      %dma_wait3A_1673 = arith.constant 0 : i32
      %dma_wait3A_1674 = tpu.memref_slice %arg4[%add3A_359, %dma_wait3A_1673] : memref<425984x32xf32, #tpu.memory_space<hbm>> -> memref<128x32xf32, #tpu.memory_space<hbm>>
      tpu.wait_dma2 semaphore(%run_scoped3A : memref<!tpu.dma_semaphore, #tpu.memory_space<semaphore_mem>>) src(%arg6 : memref<128x32xf32, #tpu.memory_space<vmem>>) dst(%dma_wait3A_1674 : memref<128x32xf32, #tpu.memory_space<hbm>>)
      tpu.yield
    }) : () -> ()
    %dma_start3A_360 = arith.constant 24 : i32
    %dma_start3A_361 = arith.constant 0 : i32
    %dma_start3A_362 = tpu.memref_slice %arg5[%dma_start3A_360, %dma_start3A_361] : memref<104x128xi32, #tpu.memory_space<vmem>> -> memref<1x128xi32, #tpu.memory_space<vmem>>
    %dma_start3A_363 = tpu.memref_squeeze %dma_start3A_362 : memref<1x128xi32, #tpu.memory_space<vmem>> -> memref<128xi32, #tpu.memory_space<vmem>>
    %dma_start3A_364 = arith.constant 0 : i32
    %dma_start3A_365 = arith.constant 0 : i32
    %dma_start3A_366 = tpu.memref_slice %arg3[%dma_start3A_364, %dma_start3A_365] : memref<1000000x32xf32, #tpu.memory_space<hbm>> -> memref<1000000x32xf32, #tpu.memory_space<hbm>>
    tpu.enqueue_indirect_dma source(%dma_start3A_366 : memref<1000000x32xf32, #tpu.memory_space<hbm>>) target(%arg6 : memref<128x32xf32, #tpu.memory_space<vmem>>) offsets(%dma_start3A_363 : memref<128xi32, #tpu.memory_space<vmem>>) semaphore(%arg10 : memref<!tpu.dma_semaphore, #tpu.memory_space<semaphore_mem>>)
    %dma_wait3A_367 = arith.constant 21 : i32
    %dma_wait3A_368 = arith.constant 0 : i32
    %dma_wait3A_369 = tpu.memref_slice %arg5[%dma_wait3A_367, %dma_wait3A_368] : memref<104x128xi32, #tpu.memory_space<vmem>> -> memref<1x128xi32, #tpu.memory_space<vmem>>
    %dma_wait3A_370 = tpu.memref_squeeze %dma_wait3A_369 : memref<1x128xi32, #tpu.memory_space<vmem>> -> memref<128xi32, #tpu.memory_space<vmem>>
    %dma_wait3A_371 = arith.constant 0 : i32
    %dma_wait3A_372 = arith.constant 0 : i32
    %dma_wait3A_373 = tpu.memref_slice %arg3[%dma_wait3A_371, %dma_wait3A_372] : memref<1000000x32xf32, #tpu.memory_space<hbm>> -> memref<1000000x32xf32, #tpu.memory_space<hbm>>
    tpu.wait_indirect_dma semaphore(%arg11 : memref<!tpu.dma_semaphore, #tpu.memory_space<semaphore_mem>>) src(%dma_wait3A_373 : memref<1000000x32xf32, #tpu.memory_space<hbm>>) dst(%arg7 : memref<128x32xf32, #tpu.memory_space<vmem>>)
    %add3A_374 = arith.constant 2688 : i32
    %add3A_375 = arith.addi %mul3A_4, %add3A_374 : i32
    "tpu.region"() ({
      %run_scoped3A = tpu.sem_alloc : memref<!tpu.dma_semaphore, #tpu.memory_space<semaphore_mem>>
      %dma_start3A_1667 = arith.constant 0 : i32
      %dma_start3A_1668 = tpu.memref_slice %arg4[%add3A_375, %dma_start3A_1667] : memref<425984x32xf32, #tpu.memory_space<hbm>> -> memref<128x32xf32, #tpu.memory_space<hbm>>
      %dma_start3A_1669 = arith.constant 0 : i32
      %dma_start3A_1670 = tpu.memref_slice %arg4[%add3A_375, %dma_start3A_1669] : memref<425984x32xf32, #tpu.memory_space<hbm>> -> memref<128x32xf32, #tpu.memory_space<hbm>>
      tpu.enqueue_dma source(%arg7 : memref<128x32xf32, #tpu.memory_space<vmem>>) target(%dma_start3A_1670 : memref<128x32xf32, #tpu.memory_space<hbm>>) target_semaphore(%run_scoped3A : memref<!tpu.dma_semaphore, #tpu.memory_space<semaphore_mem>>)
      %dma_wait3A_1671 = arith.constant 0 : i32
      %dma_wait3A_1672 = tpu.memref_slice %arg4[%add3A_375, %dma_wait3A_1671] : memref<425984x32xf32, #tpu.memory_space<hbm>> -> memref<128x32xf32, #tpu.memory_space<hbm>>
      %dma_wait3A_1673 = arith.constant 0 : i32
      %dma_wait3A_1674 = tpu.memref_slice %arg4[%add3A_375, %dma_wait3A_1673] : memref<425984x32xf32, #tpu.memory_space<hbm>> -> memref<128x32xf32, #tpu.memory_space<hbm>>
      tpu.wait_dma2 semaphore(%run_scoped3A : memref<!tpu.dma_semaphore, #tpu.memory_space<semaphore_mem>>) src(%arg7 : memref<128x32xf32, #tpu.memory_space<vmem>>) dst(%dma_wait3A_1674 : memref<128x32xf32, #tpu.memory_space<hbm>>)
      tpu.yield
    }) : () -> ()
    %dma_start3A_376 = arith.constant 25 : i32
    %dma_start3A_377 = arith.constant 0 : i32
    %dma_start3A_378 = tpu.memref_slice %arg5[%dma_start3A_376, %dma_start3A_377] : memref<104x128xi32, #tpu.memory_space<vmem>> -> memref<1x128xi32, #tpu.memory_space<vmem>>
    %dma_start3A_379 = tpu.memref_squeeze %dma_start3A_378 : memref<1x128xi32, #tpu.memory_space<vmem>> -> memref<128xi32, #tpu.memory_space<vmem>>
    %dma_start3A_380 = arith.constant 0 : i32
    %dma_start3A_381 = arith.constant 0 : i32
    %dma_start3A_382 = tpu.memref_slice %arg3[%dma_start3A_380, %dma_start3A_381] : memref<1000000x32xf32, #tpu.memory_space<hbm>> -> memref<1000000x32xf32, #tpu.memory_space<hbm>>
    tpu.enqueue_indirect_dma source(%dma_start3A_382 : memref<1000000x32xf32, #tpu.memory_space<hbm>>) target(%arg7 : memref<128x32xf32, #tpu.memory_space<vmem>>) offsets(%dma_start3A_379 : memref<128xi32, #tpu.memory_space<vmem>>) semaphore(%arg11 : memref<!tpu.dma_semaphore, #tpu.memory_space<semaphore_mem>>)
    %dma_wait3A_383 = arith.constant 22 : i32
    %dma_wait3A_384 = arith.constant 0 : i32
    %dma_wait3A_385 = tpu.memref_slice %arg5[%dma_wait3A_383, %dma_wait3A_384] : memref<104x128xi32, #tpu.memory_space<vmem>> -> memref<1x128xi32, #tpu.memory_space<vmem>>
    %dma_wait3A_386 = tpu.memref_squeeze %dma_wait3A_385 : memref<1x128xi32, #tpu.memory_space<vmem>> -> memref<128xi32, #tpu.memory_space<vmem>>
    %dma_wait3A_387 = arith.constant 0 : i32
    %dma_wait3A_388 = arith.constant 0 : i32
    %dma_wait3A_389 = tpu.memref_slice %arg3[%dma_wait3A_387, %dma_wait3A_388] : memref<1000000x32xf32, #tpu.memory_space<hbm>> -> memref<1000000x32xf32, #tpu.memory_space<hbm>>
    tpu.wait_indirect_dma semaphore(%arg12 : memref<!tpu.dma_semaphore, #tpu.memory_space<semaphore_mem>>) src(%dma_wait3A_389 : memref<1000000x32xf32, #tpu.memory_space<hbm>>) dst(%arg8 : memref<128x32xf32, #tpu.memory_space<vmem>>)
    %add3A_390 = arith.constant 2816 : i32
    %add3A_391 = arith.addi %mul3A_4, %add3A_390 : i32
    "tpu.region"() ({
      %run_scoped3A = tpu.sem_alloc : memref<!tpu.dma_semaphore, #tpu.memory_space<semaphore_mem>>
      %dma_start3A_1667 = arith.constant 0 : i32
      %dma_start3A_1668 = tpu.memref_slice %arg4[%add3A_391, %dma_start3A_1667] : memref<425984x32xf32, #tpu.memory_space<hbm>> -> memref<128x32xf32, #tpu.memory_space<hbm>>
      %dma_start3A_1669 = arith.constant 0 : i32
      %dma_start3A_1670 = tpu.memref_slice %arg4[%add3A_391, %dma_start3A_1669] : memref<425984x32xf32, #tpu.memory_space<hbm>> -> memref<128x32xf32, #tpu.memory_space<hbm>>
      tpu.enqueue_dma source(%arg8 : memref<128x32xf32, #tpu.memory_space<vmem>>) target(%dma_start3A_1670 : memref<128x32xf32, #tpu.memory_space<hbm>>) target_semaphore(%run_scoped3A : memref<!tpu.dma_semaphore, #tpu.memory_space<semaphore_mem>>)
      %dma_wait3A_1671 = arith.constant 0 : i32
      %dma_wait3A_1672 = tpu.memref_slice %arg4[%add3A_391, %dma_wait3A_1671] : memref<425984x32xf32, #tpu.memory_space<hbm>> -> memref<128x32xf32, #tpu.memory_space<hbm>>
      %dma_wait3A_1673 = arith.constant 0 : i32
      %dma_wait3A_1674 = tpu.memref_slice %arg4[%add3A_391, %dma_wait3A_1673] : memref<425984x32xf32, #tpu.memory_space<hbm>> -> memref<128x32xf32, #tpu.memory_space<hbm>>
      tpu.wait_dma2 semaphore(%run_scoped3A : memref<!tpu.dma_semaphore, #tpu.memory_space<semaphore_mem>>) src(%arg8 : memref<128x32xf32, #tpu.memory_space<vmem>>) dst(%dma_wait3A_1674 : memref<128x32xf32, #tpu.memory_space<hbm>>)
      tpu.yield
    }) : () -> ()
    %dma_start3A_392 = arith.constant 26 : i32
    %dma_start3A_393 = arith.constant 0 : i32
    %dma_start3A_394 = tpu.memref_slice %arg5[%dma_start3A_392, %dma_start3A_393] : memref<104x128xi32, #tpu.memory_space<vmem>> -> memref<1x128xi32, #tpu.memory_space<vmem>>
    %dma_start3A_395 = tpu.memref_squeeze %dma_start3A_394 : memref<1x128xi32, #tpu.memory_space<vmem>> -> memref<128xi32, #tpu.memory_space<vmem>>
    %dma_start3A_396 = arith.constant 0 : i32
    %dma_start3A_397 = arith.constant 0 : i32
    %dma_start3A_398 = tpu.memref_slice %arg3[%dma_start3A_396, %dma_start3A_397] : memref<1000000x32xf32, #tpu.memory_space<hbm>> -> memref<1000000x32xf32, #tpu.memory_space<hbm>>
    tpu.enqueue_indirect_dma source(%dma_start3A_398 : memref<1000000x32xf32, #tpu.memory_space<hbm>>) target(%arg8 : memref<128x32xf32, #tpu.memory_space<vmem>>) offsets(%dma_start3A_395 : memref<128xi32, #tpu.memory_space<vmem>>) semaphore(%arg12 : memref<!tpu.dma_semaphore, #tpu.memory_space<semaphore_mem>>)
    %dma_wait3A_399 = arith.constant 23 : i32
    %dma_wait3A_400 = arith.constant 0 : i32
    %dma_wait3A_401 = tpu.memref_slice %arg5[%dma_wait3A_399, %dma_wait3A_400] : memref<104x128xi32, #tpu.memory_space<vmem>> -> memref<1x128xi32, #tpu.memory_space<vmem>>
    %dma_wait3A_402 = tpu.memref_squeeze %dma_wait3A_401 : memref<1x128xi32, #tpu.memory_space<vmem>> -> memref<128xi32, #tpu.memory_space<vmem>>
    %dma_wait3A_403 = arith.constant 0 : i32
    %dma_wait3A_404 = arith.constant 0 : i32
    %dma_wait3A_405 = tpu.memref_slice %arg3[%dma_wait3A_403, %dma_wait3A_404] : memref<1000000x32xf32, #tpu.memory_space<hbm>> -> memref<1000000x32xf32, #tpu.memory_space<hbm>>
    tpu.wait_indirect_dma semaphore(%arg13 : memref<!tpu.dma_semaphore, #tpu.memory_space<semaphore_mem>>) src(%dma_wait3A_405 : memref<1000000x32xf32, #tpu.memory_space<hbm>>) dst(%arg9 : memref<128x32xf32, #tpu.memory_space<vmem>>)
    %add3A_406 = arith.constant 2944 : i32
    %add3A_407 = arith.addi %mul3A_4, %add3A_406 : i32
    "tpu.region"() ({
      %run_scoped3A = tpu.sem_alloc : memref<!tpu.dma_semaphore, #tpu.memory_space<semaphore_mem>>
      %dma_start3A_1667 = arith.constant 0 : i32
      %dma_start3A_1668 = tpu.memref_slice %arg4[%add3A_407, %dma_start3A_1667] : memref<425984x32xf32, #tpu.memory_space<hbm>> -> memref<128x32xf32, #tpu.memory_space<hbm>>
      %dma_start3A_1669 = arith.constant 0 : i32
      %dma_start3A_1670 = tpu.memref_slice %arg4[%add3A_407, %dma_start3A_1669] : memref<425984x32xf32, #tpu.memory_space<hbm>> -> memref<128x32xf32, #tpu.memory_space<hbm>>
      tpu.enqueue_dma source(%arg9 : memref<128x32xf32, #tpu.memory_space<vmem>>) target(%dma_start3A_1670 : memref<128x32xf32, #tpu.memory_space<hbm>>) target_semaphore(%run_scoped3A : memref<!tpu.dma_semaphore, #tpu.memory_space<semaphore_mem>>)
      %dma_wait3A_1671 = arith.constant 0 : i32
      %dma_wait3A_1672 = tpu.memref_slice %arg4[%add3A_407, %dma_wait3A_1671] : memref<425984x32xf32, #tpu.memory_space<hbm>> -> memref<128x32xf32, #tpu.memory_space<hbm>>
      %dma_wait3A_1673 = arith.constant 0 : i32
      %dma_wait3A_1674 = tpu.memref_slice %arg4[%add3A_407, %dma_wait3A_1673] : memref<425984x32xf32, #tpu.memory_space<hbm>> -> memref<128x32xf32, #tpu.memory_space<hbm>>
      tpu.wait_dma2 semaphore(%run_scoped3A : memref<!tpu.dma_semaphore, #tpu.memory_space<semaphore_mem>>) src(%arg9 : memref<128x32xf32, #tpu.memory_space<vmem>>) dst(%dma_wait3A_1674 : memref<128x32xf32, #tpu.memory_space<hbm>>)
      tpu.yield
    }) : () -> ()
    %dma_start3A_408 = arith.constant 27 : i32
    %dma_start3A_409 = arith.constant 0 : i32
    %dma_start3A_410 = tpu.memref_slice %arg5[%dma_start3A_408, %dma_start3A_409] : memref<104x128xi32, #tpu.memory_space<vmem>> -> memref<1x128xi32, #tpu.memory_space<vmem>>
    %dma_start3A_411 = tpu.memref_squeeze %dma_start3A_410 : memref<1x128xi32, #tpu.memory_space<vmem>> -> memref<128xi32, #tpu.memory_space<vmem>>
    %dma_start3A_412 = arith.constant 0 : i32
    %dma_start3A_413 = arith.constant 0 : i32
    %dma_start3A_414 = tpu.memref_slice %arg3[%dma_start3A_412, %dma_start3A_413] : memref<1000000x32xf32, #tpu.memory_space<hbm>> -> memref<1000000x32xf32, #tpu.memory_space<hbm>>
    tpu.enqueue_indirect_dma source(%dma_start3A_414 : memref<1000000x32xf32, #tpu.memory_space<hbm>>) target(%arg9 : memref<128x32xf32, #tpu.memory_space<vmem>>) offsets(%dma_start3A_411 : memref<128xi32, #tpu.memory_space<vmem>>) semaphore(%arg13 : memref<!tpu.dma_semaphore, #tpu.memory_space<semaphore_mem>>)
    %dma_wait3A_415 = arith.constant 24 : i32
    %dma_wait3A_416 = arith.constant 0 : i32
    %dma_wait3A_417 = tpu.memref_slice %arg5[%dma_wait3A_415, %dma_wait3A_416] : memref<104x128xi32, #tpu.memory_space<vmem>> -> memref<1x128xi32, #tpu.memory_space<vmem>>
    %dma_wait3A_418 = tpu.memref_squeeze %dma_wait3A_417 : memref<1x128xi32, #tpu.memory_space<vmem>> -> memref<128xi32, #tpu.memory_space<vmem>>
    %dma_wait3A_419 = arith.constant 0 : i32
    %dma_wait3A_420 = arith.constant 0 : i32
    %dma_wait3A_421 = tpu.memref_slice %arg3[%dma_wait3A_419, %dma_wait3A_420] : memref<1000000x32xf32, #tpu.memory_space<hbm>> -> memref<1000000x32xf32, #tpu.memory_space<hbm>>
    tpu.wait_indirect_dma semaphore(%arg10 : memref<!tpu.dma_semaphore, #tpu.memory_space<semaphore_mem>>) src(%dma_wait3A_421 : memref<1000000x32xf32, #tpu.memory_space<hbm>>) dst(%arg6 : memref<128x32xf32, #tpu.memory_space<vmem>>)
    %add3A_422 = arith.constant 3072 : i32
    %add3A_423 = arith.addi %mul3A_4, %add3A_422 : i32
    "tpu.region"() ({
      %run_scoped3A = tpu.sem_alloc : memref<!tpu.dma_semaphore, #tpu.memory_space<semaphore_mem>>
      %dma_start3A_1667 = arith.constant 0 : i32
      %dma_start3A_1668 = tpu.memref_slice %arg4[%add3A_423, %dma_start3A_1667] : memref<425984x32xf32, #tpu.memory_space<hbm>> -> memref<128x32xf32, #tpu.memory_space<hbm>>
      %dma_start3A_1669 = arith.constant 0 : i32
      %dma_start3A_1670 = tpu.memref_slice %arg4[%add3A_423, %dma_start3A_1669] : memref<425984x32xf32, #tpu.memory_space<hbm>> -> memref<128x32xf32, #tpu.memory_space<hbm>>
      tpu.enqueue_dma source(%arg6 : memref<128x32xf32, #tpu.memory_space<vmem>>) target(%dma_start3A_1670 : memref<128x32xf32, #tpu.memory_space<hbm>>) target_semaphore(%run_scoped3A : memref<!tpu.dma_semaphore, #tpu.memory_space<semaphore_mem>>)
      %dma_wait3A_1671 = arith.constant 0 : i32
      %dma_wait3A_1672 = tpu.memref_slice %arg4[%add3A_423, %dma_wait3A_1671] : memref<425984x32xf32, #tpu.memory_space<hbm>> -> memref<128x32xf32, #tpu.memory_space<hbm>>
      %dma_wait3A_1673 = arith.constant 0 : i32
      %dma_wait3A_1674 = tpu.memref_slice %arg4[%add3A_423, %dma_wait3A_1673] : memref<425984x32xf32, #tpu.memory_space<hbm>> -> memref<128x32xf32, #tpu.memory_space<hbm>>
      tpu.wait_dma2 semaphore(%run_scoped3A : memref<!tpu.dma_semaphore, #tpu.memory_space<semaphore_mem>>) src(%arg6 : memref<128x32xf32, #tpu.memory_space<vmem>>) dst(%dma_wait3A_1674 : memref<128x32xf32, #tpu.memory_space<hbm>>)
      tpu.yield
    }) : () -> ()
    %dma_start3A_424 = arith.constant 28 : i32
    %dma_start3A_425 = arith.constant 0 : i32
    %dma_start3A_426 = tpu.memref_slice %arg5[%dma_start3A_424, %dma_start3A_425] : memref<104x128xi32, #tpu.memory_space<vmem>> -> memref<1x128xi32, #tpu.memory_space<vmem>>
    %dma_start3A_427 = tpu.memref_squeeze %dma_start3A_426 : memref<1x128xi32, #tpu.memory_space<vmem>> -> memref<128xi32, #tpu.memory_space<vmem>>
    %dma_start3A_428 = arith.constant 0 : i32
    %dma_start3A_429 = arith.constant 0 : i32
    %dma_start3A_430 = tpu.memref_slice %arg3[%dma_start3A_428, %dma_start3A_429] : memref<1000000x32xf32, #tpu.memory_space<hbm>> -> memref<1000000x32xf32, #tpu.memory_space<hbm>>
    tpu.enqueue_indirect_dma source(%dma_start3A_430 : memref<1000000x32xf32, #tpu.memory_space<hbm>>) target(%arg6 : memref<128x32xf32, #tpu.memory_space<vmem>>) offsets(%dma_start3A_427 : memref<128xi32, #tpu.memory_space<vmem>>) semaphore(%arg10 : memref<!tpu.dma_semaphore, #tpu.memory_space<semaphore_mem>>)
    %dma_wait3A_431 = arith.constant 25 : i32
    %dma_wait3A_432 = arith.constant 0 : i32
    %dma_wait3A_433 = tpu.memref_slice %arg5[%dma_wait3A_431, %dma_wait3A_432] : memref<104x128xi32, #tpu.memory_space<vmem>> -> memref<1x128xi32, #tpu.memory_space<vmem>>
    %dma_wait3A_434 = tpu.memref_squeeze %dma_wait3A_433 : memref<1x128xi32, #tpu.memory_space<vmem>> -> memref<128xi32, #tpu.memory_space<vmem>>
    %dma_wait3A_435 = arith.constant 0 : i32
    %dma_wait3A_436 = arith.constant 0 : i32
    %dma_wait3A_437 = tpu.memref_slice %arg3[%dma_wait3A_435, %dma_wait3A_436] : memref<1000000x32xf32, #tpu.memory_space<hbm>> -> memref<1000000x32xf32, #tpu.memory_space<hbm>>
    tpu.wait_indirect_dma semaphore(%arg11 : memref<!tpu.dma_semaphore, #tpu.memory_space<semaphore_mem>>) src(%dma_wait3A_437 : memref<1000000x32xf32, #tpu.memory_space<hbm>>) dst(%arg7 : memref<128x32xf32, #tpu.memory_space<vmem>>)
    %add3A_438 = arith.constant 3200 : i32
    %add3A_439 = arith.addi %mul3A_4, %add3A_438 : i32
    "tpu.region"() ({
      %run_scoped3A = tpu.sem_alloc : memref<!tpu.dma_semaphore, #tpu.memory_space<semaphore_mem>>
      %dma_start3A_1667 = arith.constant 0 : i32
      %dma_start3A_1668 = tpu.memref_slice %arg4[%add3A_439, %dma_start3A_1667] : memref<425984x32xf32, #tpu.memory_space<hbm>> -> memref<128x32xf32, #tpu.memory_space<hbm>>
      %dma_start3A_1669 = arith.constant 0 : i32
      %dma_start3A_1670 = tpu.memref_slice %arg4[%add3A_439, %dma_start3A_1669] : memref<425984x32xf32, #tpu.memory_space<hbm>> -> memref<128x32xf32, #tpu.memory_space<hbm>>
      tpu.enqueue_dma source(%arg7 : memref<128x32xf32, #tpu.memory_space<vmem>>) target(%dma_start3A_1670 : memref<128x32xf32, #tpu.memory_space<hbm>>) target_semaphore(%run_scoped3A : memref<!tpu.dma_semaphore, #tpu.memory_space<semaphore_mem>>)
      %dma_wait3A_1671 = arith.constant 0 : i32
      %dma_wait3A_1672 = tpu.memref_slice %arg4[%add3A_439, %dma_wait3A_1671] : memref<425984x32xf32, #tpu.memory_space<hbm>> -> memref<128x32xf32, #tpu.memory_space<hbm>>
      %dma_wait3A_1673 = arith.constant 0 : i32
      %dma_wait3A_1674 = tpu.memref_slice %arg4[%add3A_439, %dma_wait3A_1673] : memref<425984x32xf32, #tpu.memory_space<hbm>> -> memref<128x32xf32, #tpu.memory_space<hbm>>
      tpu.wait_dma2 semaphore(%run_scoped3A : memref<!tpu.dma_semaphore, #tpu.memory_space<semaphore_mem>>) src(%arg7 : memref<128x32xf32, #tpu.memory_space<vmem>>) dst(%dma_wait3A_1674 : memref<128x32xf32, #tpu.memory_space<hbm>>)
      tpu.yield
    }) : () -> ()
    %dma_start3A_440 = arith.constant 29 : i32
    %dma_start3A_441 = arith.constant 0 : i32
    %dma_start3A_442 = tpu.memref_slice %arg5[%dma_start3A_440, %dma_start3A_441] : memref<104x128xi32, #tpu.memory_space<vmem>> -> memref<1x128xi32, #tpu.memory_space<vmem>>
    %dma_start3A_443 = tpu.memref_squeeze %dma_start3A_442 : memref<1x128xi32, #tpu.memory_space<vmem>> -> memref<128xi32, #tpu.memory_space<vmem>>
    %dma_start3A_444 = arith.constant 0 : i32
    %dma_start3A_445 = arith.constant 0 : i32
    %dma_start3A_446 = tpu.memref_slice %arg3[%dma_start3A_444, %dma_start3A_445] : memref<1000000x32xf32, #tpu.memory_space<hbm>> -> memref<1000000x32xf32, #tpu.memory_space<hbm>>
    tpu.enqueue_indirect_dma source(%dma_start3A_446 : memref<1000000x32xf32, #tpu.memory_space<hbm>>) target(%arg7 : memref<128x32xf32, #tpu.memory_space<vmem>>) offsets(%dma_start3A_443 : memref<128xi32, #tpu.memory_space<vmem>>) semaphore(%arg11 : memref<!tpu.dma_semaphore, #tpu.memory_space<semaphore_mem>>)
    %dma_wait3A_447 = arith.constant 26 : i32
    %dma_wait3A_448 = arith.constant 0 : i32
    %dma_wait3A_449 = tpu.memref_slice %arg5[%dma_wait3A_447, %dma_wait3A_448] : memref<104x128xi32, #tpu.memory_space<vmem>> -> memref<1x128xi32, #tpu.memory_space<vmem>>
    %dma_wait3A_450 = tpu.memref_squeeze %dma_wait3A_449 : memref<1x128xi32, #tpu.memory_space<vmem>> -> memref<128xi32, #tpu.memory_space<vmem>>
    %dma_wait3A_451 = arith.constant 0 : i32
    %dma_wait3A_452 = arith.constant 0 : i32
    %dma_wait3A_453 = tpu.memref_slice %arg3[%dma_wait3A_451, %dma_wait3A_452] : memref<1000000x32xf32, #tpu.memory_space<hbm>> -> memref<1000000x32xf32, #tpu.memory_space<hbm>>
    tpu.wait_indirect_dma semaphore(%arg12 : memref<!tpu.dma_semaphore, #tpu.memory_space<semaphore_mem>>) src(%dma_wait3A_453 : memref<1000000x32xf32, #tpu.memory_space<hbm>>) dst(%arg8 : memref<128x32xf32, #tpu.memory_space<vmem>>)
    %add3A_454 = arith.constant 3328 : i32
    %add3A_455 = arith.addi %mul3A_4, %add3A_454 : i32
    "tpu.region"() ({
      %run_scoped3A = tpu.sem_alloc : memref<!tpu.dma_semaphore, #tpu.memory_space<semaphore_mem>>
      %dma_start3A_1667 = arith.constant 0 : i32
      %dma_start3A_1668 = tpu.memref_slice %arg4[%add3A_455, %dma_start3A_1667] : memref<425984x32xf32, #tpu.memory_space<hbm>> -> memref<128x32xf32, #tpu.memory_space<hbm>>
      %dma_start3A_1669 = arith.constant 0 : i32
      %dma_start3A_1670 = tpu.memref_slice %arg4[%add3A_455, %dma_start3A_1669] : memref<425984x32xf32, #tpu.memory_space<hbm>> -> memref<128x32xf32, #tpu.memory_space<hbm>>
      tpu.enqueue_dma source(%arg8 : memref<128x32xf32, #tpu.memory_space<vmem>>) target(%dma_start3A_1670 : memref<128x32xf32, #tpu.memory_space<hbm>>) target_semaphore(%run_scoped3A : memref<!tpu.dma_semaphore, #tpu.memory_space<semaphore_mem>>)
      %dma_wait3A_1671 = arith.constant 0 : i32
      %dma_wait3A_1672 = tpu.memref_slice %arg4[%add3A_455, %dma_wait3A_1671] : memref<425984x32xf32, #tpu.memory_space<hbm>> -> memref<128x32xf32, #tpu.memory_space<hbm>>
      %dma_wait3A_1673 = arith.constant 0 : i32
      %dma_wait3A_1674 = tpu.memref_slice %arg4[%add3A_455, %dma_wait3A_1673] : memref<425984x32xf32, #tpu.memory_space<hbm>> -> memref<128x32xf32, #tpu.memory_space<hbm>>
      tpu.wait_dma2 semaphore(%run_scoped3A : memref<!tpu.dma_semaphore, #tpu.memory_space<semaphore_mem>>) src(%arg8 : memref<128x32xf32, #tpu.memory_space<vmem>>) dst(%dma_wait3A_1674 : memref<128x32xf32, #tpu.memory_space<hbm>>)
      tpu.yield
    }) : () -> ()
    %dma_start3A_456 = arith.constant 30 : i32
    %dma_start3A_457 = arith.constant 0 : i32
    %dma_start3A_458 = tpu.memref_slice %arg5[%dma_start3A_456, %dma_start3A_457] : memref<104x128xi32, #tpu.memory_space<vmem>> -> memref<1x128xi32, #tpu.memory_space<vmem>>
    %dma_start3A_459 = tpu.memref_squeeze %dma_start3A_458 : memref<1x128xi32, #tpu.memory_space<vmem>> -> memref<128xi32, #tpu.memory_space<vmem>>
    %dma_start3A_460 = arith.constant 0 : i32
    %dma_start3A_461 = arith.constant 0 : i32
    %dma_start3A_462 = tpu.memref_slice %arg3[%dma_start3A_460, %dma_start3A_461] : memref<1000000x32xf32, #tpu.memory_space<hbm>> -> memref<1000000x32xf32, #tpu.memory_space<hbm>>
    tpu.enqueue_indirect_dma source(%dma_start3A_462 : memref<1000000x32xf32, #tpu.memory_space<hbm>>) target(%arg8 : memref<128x32xf32, #tpu.memory_space<vmem>>) offsets(%dma_start3A_459 : memref<128xi32, #tpu.memory_space<vmem>>) semaphore(%arg12 : memref<!tpu.dma_semaphore, #tpu.memory_space<semaphore_mem>>)
    %dma_wait3A_463 = arith.constant 27 : i32
    %dma_wait3A_464 = arith.constant 0 : i32
    %dma_wait3A_465 = tpu.memref_slice %arg5[%dma_wait3A_463, %dma_wait3A_464] : memref<104x128xi32, #tpu.memory_space<vmem>> -> memref<1x128xi32, #tpu.memory_space<vmem>>
    %dma_wait3A_466 = tpu.memref_squeeze %dma_wait3A_465 : memref<1x128xi32, #tpu.memory_space<vmem>> -> memref<128xi32, #tpu.memory_space<vmem>>
    %dma_wait3A_467 = arith.constant 0 : i32
    %dma_wait3A_468 = arith.constant 0 : i32
    %dma_wait3A_469 = tpu.memref_slice %arg3[%dma_wait3A_467, %dma_wait3A_468] : memref<1000000x32xf32, #tpu.memory_space<hbm>> -> memref<1000000x32xf32, #tpu.memory_space<hbm>>
    tpu.wait_indirect_dma semaphore(%arg13 : memref<!tpu.dma_semaphore, #tpu.memory_space<semaphore_mem>>) src(%dma_wait3A_469 : memref<1000000x32xf32, #tpu.memory_space<hbm>>) dst(%arg9 : memref<128x32xf32, #tpu.memory_space<vmem>>)
    %add3A_470 = arith.constant 3456 : i32
    %add3A_471 = arith.addi %mul3A_4, %add3A_470 : i32
    "tpu.region"() ({
      %run_scoped3A = tpu.sem_alloc : memref<!tpu.dma_semaphore, #tpu.memory_space<semaphore_mem>>
      %dma_start3A_1667 = arith.constant 0 : i32
      %dma_start3A_1668 = tpu.memref_slice %arg4[%add3A_471, %dma_start3A_1667] : memref<425984x32xf32, #tpu.memory_space<hbm>> -> memref<128x32xf32, #tpu.memory_space<hbm>>
      %dma_start3A_1669 = arith.constant 0 : i32
      %dma_start3A_1670 = tpu.memref_slice %arg4[%add3A_471, %dma_start3A_1669] : memref<425984x32xf32, #tpu.memory_space<hbm>> -> memref<128x32xf32, #tpu.memory_space<hbm>>
      tpu.enqueue_dma source(%arg9 : memref<128x32xf32, #tpu.memory_space<vmem>>) target(%dma_start3A_1670 : memref<128x32xf32, #tpu.memory_space<hbm>>) target_semaphore(%run_scoped3A : memref<!tpu.dma_semaphore, #tpu.memory_space<semaphore_mem>>)
      %dma_wait3A_1671 = arith.constant 0 : i32
      %dma_wait3A_1672 = tpu.memref_slice %arg4[%add3A_471, %dma_wait3A_1671] : memref<425984x32xf32, #tpu.memory_space<hbm>> -> memref<128x32xf32, #tpu.memory_space<hbm>>
      %dma_wait3A_1673 = arith.constant 0 : i32
      %dma_wait3A_1674 = tpu.memref_slice %arg4[%add3A_471, %dma_wait3A_1673] : memref<425984x32xf32, #tpu.memory_space<hbm>> -> memref<128x32xf32, #tpu.memory_space<hbm>>
      tpu.wait_dma2 semaphore(%run_scoped3A : memref<!tpu.dma_semaphore, #tpu.memory_space<semaphore_mem>>) src(%arg9 : memref<128x32xf32, #tpu.memory_space<vmem>>) dst(%dma_wait3A_1674 : memref<128x32xf32, #tpu.memory_space<hbm>>)
      tpu.yield
    }) : () -> ()
    %dma_start3A_472 = arith.constant 31 : i32
    %dma_start3A_473 = arith.constant 0 : i32
    %dma_start3A_474 = tpu.memref_slice %arg5[%dma_start3A_472, %dma_start3A_473] : memref<104x128xi32, #tpu.memory_space<vmem>> -> memref<1x128xi32, #tpu.memory_space<vmem>>
    %dma_start3A_475 = tpu.memref_squeeze %dma_start3A_474 : memref<1x128xi32, #tpu.memory_space<vmem>> -> memref<128xi32, #tpu.memory_space<vmem>>
    %dma_start3A_476 = arith.constant 0 : i32
    %dma_start3A_477 = arith.constant 0 : i32
    %dma_start3A_478 = tpu.memref_slice %arg3[%dma_start3A_476, %dma_start3A_477] : memref<1000000x32xf32, #tpu.memory_space<hbm>> -> memref<1000000x32xf32, #tpu.memory_space<hbm>>
    tpu.enqueue_indirect_dma source(%dma_start3A_478 : memref<1000000x32xf32, #tpu.memory_space<hbm>>) target(%arg9 : memref<128x32xf32, #tpu.memory_space<vmem>>) offsets(%dma_start3A_475 : memref<128xi32, #tpu.memory_space<vmem>>) semaphore(%arg13 : memref<!tpu.dma_semaphore, #tpu.memory_space<semaphore_mem>>)
    %dma_wait3A_479 = arith.constant 28 : i32
    %dma_wait3A_480 = arith.constant 0 : i32
    %dma_wait3A_481 = tpu.memref_slice %arg5[%dma_wait3A_479, %dma_wait3A_480] : memref<104x128xi32, #tpu.memory_space<vmem>> -> memref<1x128xi32, #tpu.memory_space<vmem>>
    %dma_wait3A_482 = tpu.memref_squeeze %dma_wait3A_481 : memref<1x128xi32, #tpu.memory_space<vmem>> -> memref<128xi32, #tpu.memory_space<vmem>>
    %dma_wait3A_483 = arith.constant 0 : i32
    %dma_wait3A_484 = arith.constant 0 : i32
    %dma_wait3A_485 = tpu.memref_slice %arg3[%dma_wait3A_483, %dma_wait3A_484] : memref<1000000x32xf32, #tpu.memory_space<hbm>> -> memref<1000000x32xf32, #tpu.memory_space<hbm>>
    tpu.wait_indirect_dma semaphore(%arg10 : memref<!tpu.dma_semaphore, #tpu.memory_space<semaphore_mem>>) src(%dma_wait3A_485 : memref<1000000x32xf32, #tpu.memory_space<hbm>>) dst(%arg6 : memref<128x32xf32, #tpu.memory_space<vmem>>)
    %add3A_486 = arith.constant 3584 : i32
    %add3A_487 = arith.addi %mul3A_4, %add3A_486 : i32
    "tpu.region"() ({
      %run_scoped3A = tpu.sem_alloc : memref<!tpu.dma_semaphore, #tpu.memory_space<semaphore_mem>>
      %dma_start3A_1667 = arith.constant 0 : i32
      %dma_start3A_1668 = tpu.memref_slice %arg4[%add3A_487, %dma_start3A_1667] : memref<425984x32xf32, #tpu.memory_space<hbm>> -> memref<128x32xf32, #tpu.memory_space<hbm>>
      %dma_start3A_1669 = arith.constant 0 : i32
      %dma_start3A_1670 = tpu.memref_slice %arg4[%add3A_487, %dma_start3A_1669] : memref<425984x32xf32, #tpu.memory_space<hbm>> -> memref<128x32xf32, #tpu.memory_space<hbm>>
      tpu.enqueue_dma source(%arg6 : memref<128x32xf32, #tpu.memory_space<vmem>>) target(%dma_start3A_1670 : memref<128x32xf32, #tpu.memory_space<hbm>>) target_semaphore(%run_scoped3A : memref<!tpu.dma_semaphore, #tpu.memory_space<semaphore_mem>>)
      %dma_wait3A_1671 = arith.constant 0 : i32
      %dma_wait3A_1672 = tpu.memref_slice %arg4[%add3A_487, %dma_wait3A_1671] : memref<425984x32xf32, #tpu.memory_space<hbm>> -> memref<128x32xf32, #tpu.memory_space<hbm>>
      %dma_wait3A_1673 = arith.constant 0 : i32
      %dma_wait3A_1674 = tpu.memref_slice %arg4[%add3A_487, %dma_wait3A_1673] : memref<425984x32xf32, #tpu.memory_space<hbm>> -> memref<128x32xf32, #tpu.memory_space<hbm>>
      tpu.wait_dma2 semaphore(%run_scoped3A : memref<!tpu.dma_semaphore, #tpu.memory_space<semaphore_mem>>) src(%arg6 : memref<128x32xf32, #tpu.memory_space<vmem>>) dst(%dma_wait3A_1674 : memref<128x32xf32, #tpu.memory_space<hbm>>)
      tpu.yield
    }) : () -> ()
    %dma_start3A_488 = arith.constant 32 : i32
    %dma_start3A_489 = arith.constant 0 : i32
    %dma_start3A_490 = tpu.memref_slice %arg5[%dma_start3A_488, %dma_start3A_489] : memref<104x128xi32, #tpu.memory_space<vmem>> -> memref<1x128xi32, #tpu.memory_space<vmem>>
    %dma_start3A_491 = tpu.memref_squeeze %dma_start3A_490 : memref<1x128xi32, #tpu.memory_space<vmem>> -> memref<128xi32, #tpu.memory_space<vmem>>
    %dma_start3A_492 = arith.constant 0 : i32
    %dma_start3A_493 = arith.constant 0 : i32
    %dma_start3A_494 = tpu.memref_slice %arg3[%dma_start3A_492, %dma_start3A_493] : memref<1000000x32xf32, #tpu.memory_space<hbm>> -> memref<1000000x32xf32, #tpu.memory_space<hbm>>
    tpu.enqueue_indirect_dma source(%dma_start3A_494 : memref<1000000x32xf32, #tpu.memory_space<hbm>>) target(%arg6 : memref<128x32xf32, #tpu.memory_space<vmem>>) offsets(%dma_start3A_491 : memref<128xi32, #tpu.memory_space<vmem>>) semaphore(%arg10 : memref<!tpu.dma_semaphore, #tpu.memory_space<semaphore_mem>>)
    %dma_wait3A_495 = arith.constant 29 : i32
    %dma_wait3A_496 = arith.constant 0 : i32
    %dma_wait3A_497 = tpu.memref_slice %arg5[%dma_wait3A_495, %dma_wait3A_496] : memref<104x128xi32, #tpu.memory_space<vmem>> -> memref<1x128xi32, #tpu.memory_space<vmem>>
    %dma_wait3A_498 = tpu.memref_squeeze %dma_wait3A_497 : memref<1x128xi32, #tpu.memory_space<vmem>> -> memref<128xi32, #tpu.memory_space<vmem>>
    %dma_wait3A_499 = arith.constant 0 : i32
    %dma_wait3A_500 = arith.constant 0 : i32
    %dma_wait3A_501 = tpu.memref_slice %arg3[%dma_wait3A_499, %dma_wait3A_500] : memref<1000000x32xf32, #tpu.memory_space<hbm>> -> memref<1000000x32xf32, #tpu.memory_space<hbm>>
    tpu.wait_indirect_dma semaphore(%arg11 : memref<!tpu.dma_semaphore, #tpu.memory_space<semaphore_mem>>) src(%dma_wait3A_501 : memref<1000000x32xf32, #tpu.memory_space<hbm>>) dst(%arg7 : memref<128x32xf32, #tpu.memory_space<vmem>>)
    %add3A_502 = arith.constant 3712 : i32
    %add3A_503 = arith.addi %mul3A_4, %add3A_502 : i32
    "tpu.region"() ({
      %run_scoped3A = tpu.sem_alloc : memref<!tpu.dma_semaphore, #tpu.memory_space<semaphore_mem>>
      %dma_start3A_1667 = arith.constant 0 : i32
      %dma_start3A_1668 = tpu.memref_slice %arg4[%add3A_503, %dma_start3A_1667] : memref<425984x32xf32, #tpu.memory_space<hbm>> -> memref<128x32xf32, #tpu.memory_space<hbm>>
      %dma_start3A_1669 = arith.constant 0 : i32
      %dma_start3A_1670 = tpu.memref_slice %arg4[%add3A_503, %dma_start3A_1669] : memref<425984x32xf32, #tpu.memory_space<hbm>> -> memref<128x32xf32, #tpu.memory_space<hbm>>
      tpu.enqueue_dma source(%arg7 : memref<128x32xf32, #tpu.memory_space<vmem>>) target(%dma_start3A_1670 : memref<128x32xf32, #tpu.memory_space<hbm>>) target_semaphore(%run_scoped3A : memref<!tpu.dma_semaphore, #tpu.memory_space<semaphore_mem>>)
      %dma_wait3A_1671 = arith.constant 0 : i32
      %dma_wait3A_1672 = tpu.memref_slice %arg4[%add3A_503, %dma_wait3A_1671] : memref<425984x32xf32, #tpu.memory_space<hbm>> -> memref<128x32xf32, #tpu.memory_space<hbm>>
      %dma_wait3A_1673 = arith.constant 0 : i32
      %dma_wait3A_1674 = tpu.memref_slice %arg4[%add3A_503, %dma_wait3A_1673] : memref<425984x32xf32, #tpu.memory_space<hbm>> -> memref<128x32xf32, #tpu.memory_space<hbm>>
      tpu.wait_dma2 semaphore(%run_scoped3A : memref<!tpu.dma_semaphore, #tpu.memory_space<semaphore_mem>>) src(%arg7 : memref<128x32xf32, #tpu.memory_space<vmem>>) dst(%dma_wait3A_1674 : memref<128x32xf32, #tpu.memory_space<hbm>>)
      tpu.yield
    }) : () -> ()
    %dma_start3A_504 = arith.constant 33 : i32
    %dma_start3A_505 = arith.constant 0 : i32
    %dma_start3A_506 = tpu.memref_slice %arg5[%dma_start3A_504, %dma_start3A_505] : memref<104x128xi32, #tpu.memory_space<vmem>> -> memref<1x128xi32, #tpu.memory_space<vmem>>
    %dma_start3A_507 = tpu.memref_squeeze %dma_start3A_506 : memref<1x128xi32, #tpu.memory_space<vmem>> -> memref<128xi32, #tpu.memory_space<vmem>>
    %dma_start3A_508 = arith.constant 0 : i32
    %dma_start3A_509 = arith.constant 0 : i32
    %dma_start3A_510 = tpu.memref_slice %arg3[%dma_start3A_508, %dma_start3A_509] : memref<1000000x32xf32, #tpu.memory_space<hbm>> -> memref<1000000x32xf32, #tpu.memory_space<hbm>>
    tpu.enqueue_indirect_dma source(%dma_start3A_510 : memref<1000000x32xf32, #tpu.memory_space<hbm>>) target(%arg7 : memref<128x32xf32, #tpu.memory_space<vmem>>) offsets(%dma_start3A_507 : memref<128xi32, #tpu.memory_space<vmem>>) semaphore(%arg11 : memref<!tpu.dma_semaphore, #tpu.memory_space<semaphore_mem>>)
    %dma_wait3A_511 = arith.constant 30 : i32
    %dma_wait3A_512 = arith.constant 0 : i32
    %dma_wait3A_513 = tpu.memref_slice %arg5[%dma_wait3A_511, %dma_wait3A_512] : memref<104x128xi32, #tpu.memory_space<vmem>> -> memref<1x128xi32, #tpu.memory_space<vmem>>
    %dma_wait3A_514 = tpu.memref_squeeze %dma_wait3A_513 : memref<1x128xi32, #tpu.memory_space<vmem>> -> memref<128xi32, #tpu.memory_space<vmem>>
    %dma_wait3A_515 = arith.constant 0 : i32
    %dma_wait3A_516 = arith.constant 0 : i32
    %dma_wait3A_517 = tpu.memref_slice %arg3[%dma_wait3A_515, %dma_wait3A_516] : memref<1000000x32xf32, #tpu.memory_space<hbm>> -> memref<1000000x32xf32, #tpu.memory_space<hbm>>
    tpu.wait_indirect_dma semaphore(%arg12 : memref<!tpu.dma_semaphore, #tpu.memory_space<semaphore_mem>>) src(%dma_wait3A_517 : memref<1000000x32xf32, #tpu.memory_space<hbm>>) dst(%arg8 : memref<128x32xf32, #tpu.memory_space<vmem>>)
    %add3A_518 = arith.constant 3840 : i32
    %add3A_519 = arith.addi %mul3A_4, %add3A_518 : i32
    "tpu.region"() ({
      %run_scoped3A = tpu.sem_alloc : memref<!tpu.dma_semaphore, #tpu.memory_space<semaphore_mem>>
      %dma_start3A_1667 = arith.constant 0 : i32
      %dma_start3A_1668 = tpu.memref_slice %arg4[%add3A_519, %dma_start3A_1667] : memref<425984x32xf32, #tpu.memory_space<hbm>> -> memref<128x32xf32, #tpu.memory_space<hbm>>
      %dma_start3A_1669 = arith.constant 0 : i32
      %dma_start3A_1670 = tpu.memref_slice %arg4[%add3A_519, %dma_start3A_1669] : memref<425984x32xf32, #tpu.memory_space<hbm>> -> memref<128x32xf32, #tpu.memory_space<hbm>>
      tpu.enqueue_dma source(%arg8 : memref<128x32xf32, #tpu.memory_space<vmem>>) target(%dma_start3A_1670 : memref<128x32xf32, #tpu.memory_space<hbm>>) target_semaphore(%run_scoped3A : memref<!tpu.dma_semaphore, #tpu.memory_space<semaphore_mem>>)
      %dma_wait3A_1671 = arith.constant 0 : i32
      %dma_wait3A_1672 = tpu.memref_slice %arg4[%add3A_519, %dma_wait3A_1671] : memref<425984x32xf32, #tpu.memory_space<hbm>> -> memref<128x32xf32, #tpu.memory_space<hbm>>
      %dma_wait3A_1673 = arith.constant 0 : i32
      %dma_wait3A_1674 = tpu.memref_slice %arg4[%add3A_519, %dma_wait3A_1673] : memref<425984x32xf32, #tpu.memory_space<hbm>> -> memref<128x32xf32, #tpu.memory_space<hbm>>
      tpu.wait_dma2 semaphore(%run_scoped3A : memref<!tpu.dma_semaphore, #tpu.memory_space<semaphore_mem>>) src(%arg8 : memref<128x32xf32, #tpu.memory_space<vmem>>) dst(%dma_wait3A_1674 : memref<128x32xf32, #tpu.memory_space<hbm>>)
      tpu.yield
    }) : () -> ()
    %dma_start3A_520 = arith.constant 34 : i32
    %dma_start3A_521 = arith.constant 0 : i32
    %dma_start3A_522 = tpu.memref_slice %arg5[%dma_start3A_520, %dma_start3A_521] : memref<104x128xi32, #tpu.memory_space<vmem>> -> memref<1x128xi32, #tpu.memory_space<vmem>>
    %dma_start3A_523 = tpu.memref_squeeze %dma_start3A_522 : memref<1x128xi32, #tpu.memory_space<vmem>> -> memref<128xi32, #tpu.memory_space<vmem>>
    %dma_start3A_524 = arith.constant 0 : i32
    %dma_start3A_525 = arith.constant 0 : i32
    %dma_start3A_526 = tpu.memref_slice %arg3[%dma_start3A_524, %dma_start3A_525] : memref<1000000x32xf32, #tpu.memory_space<hbm>> -> memref<1000000x32xf32, #tpu.memory_space<hbm>>
    tpu.enqueue_indirect_dma source(%dma_start3A_526 : memref<1000000x32xf32, #tpu.memory_space<hbm>>) target(%arg8 : memref<128x32xf32, #tpu.memory_space<vmem>>) offsets(%dma_start3A_523 : memref<128xi32, #tpu.memory_space<vmem>>) semaphore(%arg12 : memref<!tpu.dma_semaphore, #tpu.memory_space<semaphore_mem>>)
    %dma_wait3A_527 = arith.constant 31 : i32
    %dma_wait3A_528 = arith.constant 0 : i32
    %dma_wait3A_529 = tpu.memref_slice %arg5[%dma_wait3A_527, %dma_wait3A_528] : memref<104x128xi32, #tpu.memory_space<vmem>> -> memref<1x128xi32, #tpu.memory_space<vmem>>
    %dma_wait3A_530 = tpu.memref_squeeze %dma_wait3A_529 : memref<1x128xi32, #tpu.memory_space<vmem>> -> memref<128xi32, #tpu.memory_space<vmem>>
    %dma_wait3A_531 = arith.constant 0 : i32
    %dma_wait3A_532 = arith.constant 0 : i32
    %dma_wait3A_533 = tpu.memref_slice %arg3[%dma_wait3A_531, %dma_wait3A_532] : memref<1000000x32xf32, #tpu.memory_space<hbm>> -> memref<1000000x32xf32, #tpu.memory_space<hbm>>
    tpu.wait_indirect_dma semaphore(%arg13 : memref<!tpu.dma_semaphore, #tpu.memory_space<semaphore_mem>>) src(%dma_wait3A_533 : memref<1000000x32xf32, #tpu.memory_space<hbm>>) dst(%arg9 : memref<128x32xf32, #tpu.memory_space<vmem>>)
    %add3A_534 = arith.constant 3968 : i32
    %add3A_535 = arith.addi %mul3A_4, %add3A_534 : i32
    "tpu.region"() ({
      %run_scoped3A = tpu.sem_alloc : memref<!tpu.dma_semaphore, #tpu.memory_space<semaphore_mem>>
      %dma_start3A_1667 = arith.constant 0 : i32
      %dma_start3A_1668 = tpu.memref_slice %arg4[%add3A_535, %dma_start3A_1667] : memref<425984x32xf32, #tpu.memory_space<hbm>> -> memref<128x32xf32, #tpu.memory_space<hbm>>
      %dma_start3A_1669 = arith.constant 0 : i32
      %dma_start3A_1670 = tpu.memref_slice %arg4[%add3A_535, %dma_start3A_1669] : memref<425984x32xf32, #tpu.memory_space<hbm>> -> memref<128x32xf32, #tpu.memory_space<hbm>>
      tpu.enqueue_dma source(%arg9 : memref<128x32xf32, #tpu.memory_space<vmem>>) target(%dma_start3A_1670 : memref<128x32xf32, #tpu.memory_space<hbm>>) target_semaphore(%run_scoped3A : memref<!tpu.dma_semaphore, #tpu.memory_space<semaphore_mem>>)
      %dma_wait3A_1671 = arith.constant 0 : i32
      %dma_wait3A_1672 = tpu.memref_slice %arg4[%add3A_535, %dma_wait3A_1671] : memref<425984x32xf32, #tpu.memory_space<hbm>> -> memref<128x32xf32, #tpu.memory_space<hbm>>
      %dma_wait3A_1673 = arith.constant 0 : i32
      %dma_wait3A_1674 = tpu.memref_slice %arg4[%add3A_535, %dma_wait3A_1673] : memref<425984x32xf32, #tpu.memory_space<hbm>> -> memref<128x32xf32, #tpu.memory_space<hbm>>
      tpu.wait_dma2 semaphore(%run_scoped3A : memref<!tpu.dma_semaphore, #tpu.memory_space<semaphore_mem>>) src(%arg9 : memref<128x32xf32, #tpu.memory_space<vmem>>) dst(%dma_wait3A_1674 : memref<128x32xf32, #tpu.memory_space<hbm>>)
      tpu.yield
    }) : () -> ()
    %dma_start3A_536 = arith.constant 35 : i32
    %dma_start3A_537 = arith.constant 0 : i32
    %dma_start3A_538 = tpu.memref_slice %arg5[%dma_start3A_536, %dma_start3A_537] : memref<104x128xi32, #tpu.memory_space<vmem>> -> memref<1x128xi32, #tpu.memory_space<vmem>>
    %dma_start3A_539 = tpu.memref_squeeze %dma_start3A_538 : memref<1x128xi32, #tpu.memory_space<vmem>> -> memref<128xi32, #tpu.memory_space<vmem>>
    %dma_start3A_540 = arith.constant 0 : i32
    %dma_start3A_541 = arith.constant 0 : i32
    %dma_start3A_542 = tpu.memref_slice %arg3[%dma_start3A_540, %dma_start3A_541] : memref<1000000x32xf32, #tpu.memory_space<hbm>> -> memref<1000000x32xf32, #tpu.memory_space<hbm>>
    tpu.enqueue_indirect_dma source(%dma_start3A_542 : memref<1000000x32xf32, #tpu.memory_space<hbm>>) target(%arg9 : memref<128x32xf32, #tpu.memory_space<vmem>>) offsets(%dma_start3A_539 : memref<128xi32, #tpu.memory_space<vmem>>) semaphore(%arg13 : memref<!tpu.dma_semaphore, #tpu.memory_space<semaphore_mem>>)
    %dma_wait3A_543 = arith.constant 32 : i32
    %dma_wait3A_544 = arith.constant 0 : i32
    %dma_wait3A_545 = tpu.memref_slice %arg5[%dma_wait3A_543, %dma_wait3A_544] : memref<104x128xi32, #tpu.memory_space<vmem>> -> memref<1x128xi32, #tpu.memory_space<vmem>>
    %dma_wait3A_546 = tpu.memref_squeeze %dma_wait3A_545 : memref<1x128xi32, #tpu.memory_space<vmem>> -> memref<128xi32, #tpu.memory_space<vmem>>
    %dma_wait3A_547 = arith.constant 0 : i32
    %dma_wait3A_548 = arith.constant 0 : i32
    %dma_wait3A_549 = tpu.memref_slice %arg3[%dma_wait3A_547, %dma_wait3A_548] : memref<1000000x32xf32, #tpu.memory_space<hbm>> -> memref<1000000x32xf32, #tpu.memory_space<hbm>>
    tpu.wait_indirect_dma semaphore(%arg10 : memref<!tpu.dma_semaphore, #tpu.memory_space<semaphore_mem>>) src(%dma_wait3A_549 : memref<1000000x32xf32, #tpu.memory_space<hbm>>) dst(%arg6 : memref<128x32xf32, #tpu.memory_space<vmem>>)
    %add3A_550 = arith.constant 4096 : i32
    %add3A_551 = arith.addi %mul3A_4, %add3A_550 : i32
    "tpu.region"() ({
      %run_scoped3A = tpu.sem_alloc : memref<!tpu.dma_semaphore, #tpu.memory_space<semaphore_mem>>
      %dma_start3A_1667 = arith.constant 0 : i32
      %dma_start3A_1668 = tpu.memref_slice %arg4[%add3A_551, %dma_start3A_1667] : memref<425984x32xf32, #tpu.memory_space<hbm>> -> memref<128x32xf32, #tpu.memory_space<hbm>>
      %dma_start3A_1669 = arith.constant 0 : i32
      %dma_start3A_1670 = tpu.memref_slice %arg4[%add3A_551, %dma_start3A_1669] : memref<425984x32xf32, #tpu.memory_space<hbm>> -> memref<128x32xf32, #tpu.memory_space<hbm>>
      tpu.enqueue_dma source(%arg6 : memref<128x32xf32, #tpu.memory_space<vmem>>) target(%dma_start3A_1670 : memref<128x32xf32, #tpu.memory_space<hbm>>) target_semaphore(%run_scoped3A : memref<!tpu.dma_semaphore, #tpu.memory_space<semaphore_mem>>)
      %dma_wait3A_1671 = arith.constant 0 : i32
      %dma_wait3A_1672 = tpu.memref_slice %arg4[%add3A_551, %dma_wait3A_1671] : memref<425984x32xf32, #tpu.memory_space<hbm>> -> memref<128x32xf32, #tpu.memory_space<hbm>>
      %dma_wait3A_1673 = arith.constant 0 : i32
      %dma_wait3A_1674 = tpu.memref_slice %arg4[%add3A_551, %dma_wait3A_1673] : memref<425984x32xf32, #tpu.memory_space<hbm>> -> memref<128x32xf32, #tpu.memory_space<hbm>>
      tpu.wait_dma2 semaphore(%run_scoped3A : memref<!tpu.dma_semaphore, #tpu.memory_space<semaphore_mem>>) src(%arg6 : memref<128x32xf32, #tpu.memory_space<vmem>>) dst(%dma_wait3A_1674 : memref<128x32xf32, #tpu.memory_space<hbm>>)
      tpu.yield
    }) : () -> ()
    %dma_start3A_552 = arith.constant 36 : i32
    %dma_start3A_553 = arith.constant 0 : i32
    %dma_start3A_554 = tpu.memref_slice %arg5[%dma_start3A_552, %dma_start3A_553] : memref<104x128xi32, #tpu.memory_space<vmem>> -> memref<1x128xi32, #tpu.memory_space<vmem>>
    %dma_start3A_555 = tpu.memref_squeeze %dma_start3A_554 : memref<1x128xi32, #tpu.memory_space<vmem>> -> memref<128xi32, #tpu.memory_space<vmem>>
    %dma_start3A_556 = arith.constant 0 : i32
    %dma_start3A_557 = arith.constant 0 : i32
    %dma_start3A_558 = tpu.memref_slice %arg3[%dma_start3A_556, %dma_start3A_557] : memref<1000000x32xf32, #tpu.memory_space<hbm>> -> memref<1000000x32xf32, #tpu.memory_space<hbm>>
    tpu.enqueue_indirect_dma source(%dma_start3A_558 : memref<1000000x32xf32, #tpu.memory_space<hbm>>) target(%arg6 : memref<128x32xf32, #tpu.memory_space<vmem>>) offsets(%dma_start3A_555 : memref<128xi32, #tpu.memory_space<vmem>>) semaphore(%arg10 : memref<!tpu.dma_semaphore, #tpu.memory_space<semaphore_mem>>)
    %dma_wait3A_559 = arith.constant 33 : i32
    %dma_wait3A_560 = arith.constant 0 : i32
    %dma_wait3A_561 = tpu.memref_slice %arg5[%dma_wait3A_559, %dma_wait3A_560] : memref<104x128xi32, #tpu.memory_space<vmem>> -> memref<1x128xi32, #tpu.memory_space<vmem>>
    %dma_wait3A_562 = tpu.memref_squeeze %dma_wait3A_561 : memref<1x128xi32, #tpu.memory_space<vmem>> -> memref<128xi32, #tpu.memory_space<vmem>>
    %dma_wait3A_563 = arith.constant 0 : i32
    %dma_wait3A_564 = arith.constant 0 : i32
    %dma_wait3A_565 = tpu.memref_slice %arg3[%dma_wait3A_563, %dma_wait3A_564] : memref<1000000x32xf32, #tpu.memory_space<hbm>> -> memref<1000000x32xf32, #tpu.memory_space<hbm>>
    tpu.wait_indirect_dma semaphore(%arg11 : memref<!tpu.dma_semaphore, #tpu.memory_space<semaphore_mem>>) src(%dma_wait3A_565 : memref<1000000x32xf32, #tpu.memory_space<hbm>>) dst(%arg7 : memref<128x32xf32, #tpu.memory_space<vmem>>)
    %add3A_566 = arith.constant 4224 : i32
    %add3A_567 = arith.addi %mul3A_4, %add3A_566 : i32
    "tpu.region"() ({
      %run_scoped3A = tpu.sem_alloc : memref<!tpu.dma_semaphore, #tpu.memory_space<semaphore_mem>>
      %dma_start3A_1667 = arith.constant 0 : i32
      %dma_start3A_1668 = tpu.memref_slice %arg4[%add3A_567, %dma_start3A_1667] : memref<425984x32xf32, #tpu.memory_space<hbm>> -> memref<128x32xf32, #tpu.memory_space<hbm>>
      %dma_start3A_1669 = arith.constant 0 : i32
      %dma_start3A_1670 = tpu.memref_slice %arg4[%add3A_567, %dma_start3A_1669] : memref<425984x32xf32, #tpu.memory_space<hbm>> -> memref<128x32xf32, #tpu.memory_space<hbm>>
      tpu.enqueue_dma source(%arg7 : memref<128x32xf32, #tpu.memory_space<vmem>>) target(%dma_start3A_1670 : memref<128x32xf32, #tpu.memory_space<hbm>>) target_semaphore(%run_scoped3A : memref<!tpu.dma_semaphore, #tpu.memory_space<semaphore_mem>>)
      %dma_wait3A_1671 = arith.constant 0 : i32
      %dma_wait3A_1672 = tpu.memref_slice %arg4[%add3A_567, %dma_wait3A_1671] : memref<425984x32xf32, #tpu.memory_space<hbm>> -> memref<128x32xf32, #tpu.memory_space<hbm>>
      %dma_wait3A_1673 = arith.constant 0 : i32
      %dma_wait3A_1674 = tpu.memref_slice %arg4[%add3A_567, %dma_wait3A_1673] : memref<425984x32xf32, #tpu.memory_space<hbm>> -> memref<128x32xf32, #tpu.memory_space<hbm>>
      tpu.wait_dma2 semaphore(%run_scoped3A : memref<!tpu.dma_semaphore, #tpu.memory_space<semaphore_mem>>) src(%arg7 : memref<128x32xf32, #tpu.memory_space<vmem>>) dst(%dma_wait3A_1674 : memref<128x32xf32, #tpu.memory_space<hbm>>)
      tpu.yield
    }) : () -> ()
    %dma_start3A_568 = arith.constant 37 : i32
    %dma_start3A_569 = arith.constant 0 : i32
    %dma_start3A_570 = tpu.memref_slice %arg5[%dma_start3A_568, %dma_start3A_569] : memref<104x128xi32, #tpu.memory_space<vmem>> -> memref<1x128xi32, #tpu.memory_space<vmem>>
    %dma_start3A_571 = tpu.memref_squeeze %dma_start3A_570 : memref<1x128xi32, #tpu.memory_space<vmem>> -> memref<128xi32, #tpu.memory_space<vmem>>
    %dma_start3A_572 = arith.constant 0 : i32
    %dma_start3A_573 = arith.constant 0 : i32
    %dma_start3A_574 = tpu.memref_slice %arg3[%dma_start3A_572, %dma_start3A_573] : memref<1000000x32xf32, #tpu.memory_space<hbm>> -> memref<1000000x32xf32, #tpu.memory_space<hbm>>
    tpu.enqueue_indirect_dma source(%dma_start3A_574 : memref<1000000x32xf32, #tpu.memory_space<hbm>>) target(%arg7 : memref<128x32xf32, #tpu.memory_space<vmem>>) offsets(%dma_start3A_571 : memref<128xi32, #tpu.memory_space<vmem>>) semaphore(%arg11 : memref<!tpu.dma_semaphore, #tpu.memory_space<semaphore_mem>>)
    %dma_wait3A_575 = arith.constant 34 : i32
    %dma_wait3A_576 = arith.constant 0 : i32
    %dma_wait3A_577 = tpu.memref_slice %arg5[%dma_wait3A_575, %dma_wait3A_576] : memref<104x128xi32, #tpu.memory_space<vmem>> -> memref<1x128xi32, #tpu.memory_space<vmem>>
    %dma_wait3A_578 = tpu.memref_squeeze %dma_wait3A_577 : memref<1x128xi32, #tpu.memory_space<vmem>> -> memref<128xi32, #tpu.memory_space<vmem>>
    %dma_wait3A_579 = arith.constant 0 : i32
    %dma_wait3A_580 = arith.constant 0 : i32
    %dma_wait3A_581 = tpu.memref_slice %arg3[%dma_wait3A_579, %dma_wait3A_580] : memref<1000000x32xf32, #tpu.memory_space<hbm>> -> memref<1000000x32xf32, #tpu.memory_space<hbm>>
    tpu.wait_indirect_dma semaphore(%arg12 : memref<!tpu.dma_semaphore, #tpu.memory_space<semaphore_mem>>) src(%dma_wait3A_581 : memref<1000000x32xf32, #tpu.memory_space<hbm>>) dst(%arg8 : memref<128x32xf32, #tpu.memory_space<vmem>>)
    %add3A_582 = arith.constant 4352 : i32
    %add3A_583 = arith.addi %mul3A_4, %add3A_582 : i32
    "tpu.region"() ({
      %run_scoped3A = tpu.sem_alloc : memref<!tpu.dma_semaphore, #tpu.memory_space<semaphore_mem>>
      %dma_start3A_1667 = arith.constant 0 : i32
      %dma_start3A_1668 = tpu.memref_slice %arg4[%add3A_583, %dma_start3A_1667] : memref<425984x32xf32, #tpu.memory_space<hbm>> -> memref<128x32xf32, #tpu.memory_space<hbm>>
      %dma_start3A_1669 = arith.constant 0 : i32
      %dma_start3A_1670 = tpu.memref_slice %arg4[%add3A_583, %dma_start3A_1669] : memref<425984x32xf32, #tpu.memory_space<hbm>> -> memref<128x32xf32, #tpu.memory_space<hbm>>
      tpu.enqueue_dma source(%arg8 : memref<128x32xf32, #tpu.memory_space<vmem>>) target(%dma_start3A_1670 : memref<128x32xf32, #tpu.memory_space<hbm>>) target_semaphore(%run_scoped3A : memref<!tpu.dma_semaphore, #tpu.memory_space<semaphore_mem>>)
      %dma_wait3A_1671 = arith.constant 0 : i32
      %dma_wait3A_1672 = tpu.memref_slice %arg4[%add3A_583, %dma_wait3A_1671] : memref<425984x32xf32, #tpu.memory_space<hbm>> -> memref<128x32xf32, #tpu.memory_space<hbm>>
      %dma_wait3A_1673 = arith.constant 0 : i32
      %dma_wait3A_1674 = tpu.memref_slice %arg4[%add3A_583, %dma_wait3A_1673] : memref<425984x32xf32, #tpu.memory_space<hbm>> -> memref<128x32xf32, #tpu.memory_space<hbm>>
      tpu.wait_dma2 semaphore(%run_scoped3A : memref<!tpu.dma_semaphore, #tpu.memory_space<semaphore_mem>>) src(%arg8 : memref<128x32xf32, #tpu.memory_space<vmem>>) dst(%dma_wait3A_1674 : memref<128x32xf32, #tpu.memory_space<hbm>>)
      tpu.yield
    }) : () -> ()
    %dma_start3A_584 = arith.constant 38 : i32
    %dma_start3A_585 = arith.constant 0 : i32
    %dma_start3A_586 = tpu.memref_slice %arg5[%dma_start3A_584, %dma_start3A_585] : memref<104x128xi32, #tpu.memory_space<vmem>> -> memref<1x128xi32, #tpu.memory_space<vmem>>
    %dma_start3A_587 = tpu.memref_squeeze %dma_start3A_586 : memref<1x128xi32, #tpu.memory_space<vmem>> -> memref<128xi32, #tpu.memory_space<vmem>>
    %dma_start3A_588 = arith.constant 0 : i32
    %dma_start3A_589 = arith.constant 0 : i32
    %dma_start3A_590 = tpu.memref_slice %arg3[%dma_start3A_588, %dma_start3A_589] : memref<1000000x32xf32, #tpu.memory_space<hbm>> -> memref<1000000x32xf32, #tpu.memory_space<hbm>>
    tpu.enqueue_indirect_dma source(%dma_start3A_590 : memref<1000000x32xf32, #tpu.memory_space<hbm>>) target(%arg8 : memref<128x32xf32, #tpu.memory_space<vmem>>) offsets(%dma_start3A_587 : memref<128xi32, #tpu.memory_space<vmem>>) semaphore(%arg12 : memref<!tpu.dma_semaphore, #tpu.memory_space<semaphore_mem>>)
    %dma_wait3A_591 = arith.constant 35 : i32
    %dma_wait3A_592 = arith.constant 0 : i32
    %dma_wait3A_593 = tpu.memref_slice %arg5[%dma_wait3A_591, %dma_wait3A_592] : memref<104x128xi32, #tpu.memory_space<vmem>> -> memref<1x128xi32, #tpu.memory_space<vmem>>
    %dma_wait3A_594 = tpu.memref_squeeze %dma_wait3A_593 : memref<1x128xi32, #tpu.memory_space<vmem>> -> memref<128xi32, #tpu.memory_space<vmem>>
    %dma_wait3A_595 = arith.constant 0 : i32
    %dma_wait3A_596 = arith.constant 0 : i32
    %dma_wait3A_597 = tpu.memref_slice %arg3[%dma_wait3A_595, %dma_wait3A_596] : memref<1000000x32xf32, #tpu.memory_space<hbm>> -> memref<1000000x32xf32, #tpu.memory_space<hbm>>
    tpu.wait_indirect_dma semaphore(%arg13 : memref<!tpu.dma_semaphore, #tpu.memory_space<semaphore_mem>>) src(%dma_wait3A_597 : memref<1000000x32xf32, #tpu.memory_space<hbm>>) dst(%arg9 : memref<128x32xf32, #tpu.memory_space<vmem>>)
    %add3A_598 = arith.constant 4480 : i32
    %add3A_599 = arith.addi %mul3A_4, %add3A_598 : i32
    "tpu.region"() ({
      %run_scoped3A = tpu.sem_alloc : memref<!tpu.dma_semaphore, #tpu.memory_space<semaphore_mem>>
      %dma_start3A_1667 = arith.constant 0 : i32
      %dma_start3A_1668 = tpu.memref_slice %arg4[%add3A_599, %dma_start3A_1667] : memref<425984x32xf32, #tpu.memory_space<hbm>> -> memref<128x32xf32, #tpu.memory_space<hbm>>
      %dma_start3A_1669 = arith.constant 0 : i32
      %dma_start3A_1670 = tpu.memref_slice %arg4[%add3A_599, %dma_start3A_1669] : memref<425984x32xf32, #tpu.memory_space<hbm>> -> memref<128x32xf32, #tpu.memory_space<hbm>>
      tpu.enqueue_dma source(%arg9 : memref<128x32xf32, #tpu.memory_space<vmem>>) target(%dma_start3A_1670 : memref<128x32xf32, #tpu.memory_space<hbm>>) target_semaphore(%run_scoped3A : memref<!tpu.dma_semaphore, #tpu.memory_space<semaphore_mem>>)
      %dma_wait3A_1671 = arith.constant 0 : i32
      %dma_wait3A_1672 = tpu.memref_slice %arg4[%add3A_599, %dma_wait3A_1671] : memref<425984x32xf32, #tpu.memory_space<hbm>> -> memref<128x32xf32, #tpu.memory_space<hbm>>
      %dma_wait3A_1673 = arith.constant 0 : i32
      %dma_wait3A_1674 = tpu.memref_slice %arg4[%add3A_599, %dma_wait3A_1673] : memref<425984x32xf32, #tpu.memory_space<hbm>> -> memref<128x32xf32, #tpu.memory_space<hbm>>
      tpu.wait_dma2 semaphore(%run_scoped3A : memref<!tpu.dma_semaphore, #tpu.memory_space<semaphore_mem>>) src(%arg9 : memref<128x32xf32, #tpu.memory_space<vmem>>) dst(%dma_wait3A_1674 : memref<128x32xf32, #tpu.memory_space<hbm>>)
      tpu.yield
    }) : () -> ()
    %dma_start3A_600 = arith.constant 39 : i32
    %dma_start3A_601 = arith.constant 0 : i32
    %dma_start3A_602 = tpu.memref_slice %arg5[%dma_start3A_600, %dma_start3A_601] : memref<104x128xi32, #tpu.memory_space<vmem>> -> memref<1x128xi32, #tpu.memory_space<vmem>>
    %dma_start3A_603 = tpu.memref_squeeze %dma_start3A_602 : memref<1x128xi32, #tpu.memory_space<vmem>> -> memref<128xi32, #tpu.memory_space<vmem>>
    %dma_start3A_604 = arith.constant 0 : i32
    %dma_start3A_605 = arith.constant 0 : i32
    %dma_start3A_606 = tpu.memref_slice %arg3[%dma_start3A_604, %dma_start3A_605] : memref<1000000x32xf32, #tpu.memory_space<hbm>> -> memref<1000000x32xf32, #tpu.memory_space<hbm>>
    tpu.enqueue_indirect_dma source(%dma_start3A_606 : memref<1000000x32xf32, #tpu.memory_space<hbm>>) target(%arg9 : memref<128x32xf32, #tpu.memory_space<vmem>>) offsets(%dma_start3A_603 : memref<128xi32, #tpu.memory_space<vmem>>) semaphore(%arg13 : memref<!tpu.dma_semaphore, #tpu.memory_space<semaphore_mem>>)
    %dma_wait3A_607 = arith.constant 36 : i32
    %dma_wait3A_608 = arith.constant 0 : i32
    %dma_wait3A_609 = tpu.memref_slice %arg5[%dma_wait3A_607, %dma_wait3A_608] : memref<104x128xi32, #tpu.memory_space<vmem>> -> memref<1x128xi32, #tpu.memory_space<vmem>>
    %dma_wait3A_610 = tpu.memref_squeeze %dma_wait3A_609 : memref<1x128xi32, #tpu.memory_space<vmem>> -> memref<128xi32, #tpu.memory_space<vmem>>
    %dma_wait3A_611 = arith.constant 0 : i32
    %dma_wait3A_612 = arith.constant 0 : i32
    %dma_wait3A_613 = tpu.memref_slice %arg3[%dma_wait3A_611, %dma_wait3A_612] : memref<1000000x32xf32, #tpu.memory_space<hbm>> -> memref<1000000x32xf32, #tpu.memory_space<hbm>>
    tpu.wait_indirect_dma semaphore(%arg10 : memref<!tpu.dma_semaphore, #tpu.memory_space<semaphore_mem>>) src(%dma_wait3A_613 : memref<1000000x32xf32, #tpu.memory_space<hbm>>) dst(%arg6 : memref<128x32xf32, #tpu.memory_space<vmem>>)
    %add3A_614 = arith.constant 4608 : i32
    %add3A_615 = arith.addi %mul3A_4, %add3A_614 : i32
    "tpu.region"() ({
      %run_scoped3A = tpu.sem_alloc : memref<!tpu.dma_semaphore, #tpu.memory_space<semaphore_mem>>
      %dma_start3A_1667 = arith.constant 0 : i32
      %dma_start3A_1668 = tpu.memref_slice %arg4[%add3A_615, %dma_start3A_1667] : memref<425984x32xf32, #tpu.memory_space<hbm>> -> memref<128x32xf32, #tpu.memory_space<hbm>>
      %dma_start3A_1669 = arith.constant 0 : i32
      %dma_start3A_1670 = tpu.memref_slice %arg4[%add3A_615, %dma_start3A_1669] : memref<425984x32xf32, #tpu.memory_space<hbm>> -> memref<128x32xf32, #tpu.memory_space<hbm>>
      tpu.enqueue_dma source(%arg6 : memref<128x32xf32, #tpu.memory_space<vmem>>) target(%dma_start3A_1670 : memref<128x32xf32, #tpu.memory_space<hbm>>) target_semaphore(%run_scoped3A : memref<!tpu.dma_semaphore, #tpu.memory_space<semaphore_mem>>)
      %dma_wait3A_1671 = arith.constant 0 : i32
      %dma_wait3A_1672 = tpu.memref_slice %arg4[%add3A_615, %dma_wait3A_1671] : memref<425984x32xf32, #tpu.memory_space<hbm>> -> memref<128x32xf32, #tpu.memory_space<hbm>>
      %dma_wait3A_1673 = arith.constant 0 : i32
      %dma_wait3A_1674 = tpu.memref_slice %arg4[%add3A_615, %dma_wait3A_1673] : memref<425984x32xf32, #tpu.memory_space<hbm>> -> memref<128x32xf32, #tpu.memory_space<hbm>>
      tpu.wait_dma2 semaphore(%run_scoped3A : memref<!tpu.dma_semaphore, #tpu.memory_space<semaphore_mem>>) src(%arg6 : memref<128x32xf32, #tpu.memory_space<vmem>>) dst(%dma_wait3A_1674 : memref<128x32xf32, #tpu.memory_space<hbm>>)
      tpu.yield
    }) : () -> ()
    %dma_start3A_616 = arith.constant 40 : i32
    %dma_start3A_617 = arith.constant 0 : i32
    %dma_start3A_618 = tpu.memref_slice %arg5[%dma_start3A_616, %dma_start3A_617] : memref<104x128xi32, #tpu.memory_space<vmem>> -> memref<1x128xi32, #tpu.memory_space<vmem>>
    %dma_start3A_619 = tpu.memref_squeeze %dma_start3A_618 : memref<1x128xi32, #tpu.memory_space<vmem>> -> memref<128xi32, #tpu.memory_space<vmem>>
    %dma_start3A_620 = arith.constant 0 : i32
    %dma_start3A_621 = arith.constant 0 : i32
    %dma_start3A_622 = tpu.memref_slice %arg3[%dma_start3A_620, %dma_start3A_621] : memref<1000000x32xf32, #tpu.memory_space<hbm>> -> memref<1000000x32xf32, #tpu.memory_space<hbm>>
    tpu.enqueue_indirect_dma source(%dma_start3A_622 : memref<1000000x32xf32, #tpu.memory_space<hbm>>) target(%arg6 : memref<128x32xf32, #tpu.memory_space<vmem>>) offsets(%dma_start3A_619 : memref<128xi32, #tpu.memory_space<vmem>>) semaphore(%arg10 : memref<!tpu.dma_semaphore, #tpu.memory_space<semaphore_mem>>)
    %dma_wait3A_623 = arith.constant 37 : i32
    %dma_wait3A_624 = arith.constant 0 : i32
    %dma_wait3A_625 = tpu.memref_slice %arg5[%dma_wait3A_623, %dma_wait3A_624] : memref<104x128xi32, #tpu.memory_space<vmem>> -> memref<1x128xi32, #tpu.memory_space<vmem>>
    %dma_wait3A_626 = tpu.memref_squeeze %dma_wait3A_625 : memref<1x128xi32, #tpu.memory_space<vmem>> -> memref<128xi32, #tpu.memory_space<vmem>>
    %dma_wait3A_627 = arith.constant 0 : i32
    %dma_wait3A_628 = arith.constant 0 : i32
    %dma_wait3A_629 = tpu.memref_slice %arg3[%dma_wait3A_627, %dma_wait3A_628] : memref<1000000x32xf32, #tpu.memory_space<hbm>> -> memref<1000000x32xf32, #tpu.memory_space<hbm>>
    tpu.wait_indirect_dma semaphore(%arg11 : memref<!tpu.dma_semaphore, #tpu.memory_space<semaphore_mem>>) src(%dma_wait3A_629 : memref<1000000x32xf32, #tpu.memory_space<hbm>>) dst(%arg7 : memref<128x32xf32, #tpu.memory_space<vmem>>)
    %add3A_630 = arith.constant 4736 : i32
    %add3A_631 = arith.addi %mul3A_4, %add3A_630 : i32
    "tpu.region"() ({
      %run_scoped3A = tpu.sem_alloc : memref<!tpu.dma_semaphore, #tpu.memory_space<semaphore_mem>>
      %dma_start3A_1667 = arith.constant 0 : i32
      %dma_start3A_1668 = tpu.memref_slice %arg4[%add3A_631, %dma_start3A_1667] : memref<425984x32xf32, #tpu.memory_space<hbm>> -> memref<128x32xf32, #tpu.memory_space<hbm>>
      %dma_start3A_1669 = arith.constant 0 : i32
      %dma_start3A_1670 = tpu.memref_slice %arg4[%add3A_631, %dma_start3A_1669] : memref<425984x32xf32, #tpu.memory_space<hbm>> -> memref<128x32xf32, #tpu.memory_space<hbm>>
      tpu.enqueue_dma source(%arg7 : memref<128x32xf32, #tpu.memory_space<vmem>>) target(%dma_start3A_1670 : memref<128x32xf32, #tpu.memory_space<hbm>>) target_semaphore(%run_scoped3A : memref<!tpu.dma_semaphore, #tpu.memory_space<semaphore_mem>>)
      %dma_wait3A_1671 = arith.constant 0 : i32
      %dma_wait3A_1672 = tpu.memref_slice %arg4[%add3A_631, %dma_wait3A_1671] : memref<425984x32xf32, #tpu.memory_space<hbm>> -> memref<128x32xf32, #tpu.memory_space<hbm>>
      %dma_wait3A_1673 = arith.constant 0 : i32
      %dma_wait3A_1674 = tpu.memref_slice %arg4[%add3A_631, %dma_wait3A_1673] : memref<425984x32xf32, #tpu.memory_space<hbm>> -> memref<128x32xf32, #tpu.memory_space<hbm>>
      tpu.wait_dma2 semaphore(%run_scoped3A : memref<!tpu.dma_semaphore, #tpu.memory_space<semaphore_mem>>) src(%arg7 : memref<128x32xf32, #tpu.memory_space<vmem>>) dst(%dma_wait3A_1674 : memref<128x32xf32, #tpu.memory_space<hbm>>)
      tpu.yield
    }) : () -> ()
    %dma_start3A_632 = arith.constant 41 : i32
    %dma_start3A_633 = arith.constant 0 : i32
    %dma_start3A_634 = tpu.memref_slice %arg5[%dma_start3A_632, %dma_start3A_633] : memref<104x128xi32, #tpu.memory_space<vmem>> -> memref<1x128xi32, #tpu.memory_space<vmem>>
    %dma_start3A_635 = tpu.memref_squeeze %dma_start3A_634 : memref<1x128xi32, #tpu.memory_space<vmem>> -> memref<128xi32, #tpu.memory_space<vmem>>
    %dma_start3A_636 = arith.constant 0 : i32
    %dma_start3A_637 = arith.constant 0 : i32
    %dma_start3A_638 = tpu.memref_slice %arg3[%dma_start3A_636, %dma_start3A_637] : memref<1000000x32xf32, #tpu.memory_space<hbm>> -> memref<1000000x32xf32, #tpu.memory_space<hbm>>
    tpu.enqueue_indirect_dma source(%dma_start3A_638 : memref<1000000x32xf32, #tpu.memory_space<hbm>>) target(%arg7 : memref<128x32xf32, #tpu.memory_space<vmem>>) offsets(%dma_start3A_635 : memref<128xi32, #tpu.memory_space<vmem>>) semaphore(%arg11 : memref<!tpu.dma_semaphore, #tpu.memory_space<semaphore_mem>>)
    %dma_wait3A_639 = arith.constant 38 : i32
    %dma_wait3A_640 = arith.constant 0 : i32
    %dma_wait3A_641 = tpu.memref_slice %arg5[%dma_wait3A_639, %dma_wait3A_640] : memref<104x128xi32, #tpu.memory_space<vmem>> -> memref<1x128xi32, #tpu.memory_space<vmem>>
    %dma_wait3A_642 = tpu.memref_squeeze %dma_wait3A_641 : memref<1x128xi32, #tpu.memory_space<vmem>> -> memref<128xi32, #tpu.memory_space<vmem>>
    %dma_wait3A_643 = arith.constant 0 : i32
    %dma_wait3A_644 = arith.constant 0 : i32
    %dma_wait3A_645 = tpu.memref_slice %arg3[%dma_wait3A_643, %dma_wait3A_644] : memref<1000000x32xf32, #tpu.memory_space<hbm>> -> memref<1000000x32xf32, #tpu.memory_space<hbm>>
    tpu.wait_indirect_dma semaphore(%arg12 : memref<!tpu.dma_semaphore, #tpu.memory_space<semaphore_mem>>) src(%dma_wait3A_645 : memref<1000000x32xf32, #tpu.memory_space<hbm>>) dst(%arg8 : memref<128x32xf32, #tpu.memory_space<vmem>>)
    %add3A_646 = arith.constant 4864 : i32
    %add3A_647 = arith.addi %mul3A_4, %add3A_646 : i32
    "tpu.region"() ({
      %run_scoped3A = tpu.sem_alloc : memref<!tpu.dma_semaphore, #tpu.memory_space<semaphore_mem>>
      %dma_start3A_1667 = arith.constant 0 : i32
      %dma_start3A_1668 = tpu.memref_slice %arg4[%add3A_647, %dma_start3A_1667] : memref<425984x32xf32, #tpu.memory_space<hbm>> -> memref<128x32xf32, #tpu.memory_space<hbm>>
      %dma_start3A_1669 = arith.constant 0 : i32
      %dma_start3A_1670 = tpu.memref_slice %arg4[%add3A_647, %dma_start3A_1669] : memref<425984x32xf32, #tpu.memory_space<hbm>> -> memref<128x32xf32, #tpu.memory_space<hbm>>
      tpu.enqueue_dma source(%arg8 : memref<128x32xf32, #tpu.memory_space<vmem>>) target(%dma_start3A_1670 : memref<128x32xf32, #tpu.memory_space<hbm>>) target_semaphore(%run_scoped3A : memref<!tpu.dma_semaphore, #tpu.memory_space<semaphore_mem>>)
      %dma_wait3A_1671 = arith.constant 0 : i32
      %dma_wait3A_1672 = tpu.memref_slice %arg4[%add3A_647, %dma_wait3A_1671] : memref<425984x32xf32, #tpu.memory_space<hbm>> -> memref<128x32xf32, #tpu.memory_space<hbm>>
      %dma_wait3A_1673 = arith.constant 0 : i32
      %dma_wait3A_1674 = tpu.memref_slice %arg4[%add3A_647, %dma_wait3A_1673] : memref<425984x32xf32, #tpu.memory_space<hbm>> -> memref<128x32xf32, #tpu.memory_space<hbm>>
      tpu.wait_dma2 semaphore(%run_scoped3A : memref<!tpu.dma_semaphore, #tpu.memory_space<semaphore_mem>>) src(%arg8 : memref<128x32xf32, #tpu.memory_space<vmem>>) dst(%dma_wait3A_1674 : memref<128x32xf32, #tpu.memory_space<hbm>>)
      tpu.yield
    }) : () -> ()
    %dma_start3A_648 = arith.constant 42 : i32
    %dma_start3A_649 = arith.constant 0 : i32
    %dma_start3A_650 = tpu.memref_slice %arg5[%dma_start3A_648, %dma_start3A_649] : memref<104x128xi32, #tpu.memory_space<vmem>> -> memref<1x128xi32, #tpu.memory_space<vmem>>
    %dma_start3A_651 = tpu.memref_squeeze %dma_start3A_650 : memref<1x128xi32, #tpu.memory_space<vmem>> -> memref<128xi32, #tpu.memory_space<vmem>>
    %dma_start3A_652 = arith.constant 0 : i32
    %dma_start3A_653 = arith.constant 0 : i32
    %dma_start3A_654 = tpu.memref_slice %arg3[%dma_start3A_652, %dma_start3A_653] : memref<1000000x32xf32, #tpu.memory_space<hbm>> -> memref<1000000x32xf32, #tpu.memory_space<hbm>>
    tpu.enqueue_indirect_dma source(%dma_start3A_654 : memref<1000000x32xf32, #tpu.memory_space<hbm>>) target(%arg8 : memref<128x32xf32, #tpu.memory_space<vmem>>) offsets(%dma_start3A_651 : memref<128xi32, #tpu.memory_space<vmem>>) semaphore(%arg12 : memref<!tpu.dma_semaphore, #tpu.memory_space<semaphore_mem>>)
    %dma_wait3A_655 = arith.constant 39 : i32
    %dma_wait3A_656 = arith.constant 0 : i32
    %dma_wait3A_657 = tpu.memref_slice %arg5[%dma_wait3A_655, %dma_wait3A_656] : memref<104x128xi32, #tpu.memory_space<vmem>> -> memref<1x128xi32, #tpu.memory_space<vmem>>
    %dma_wait3A_658 = tpu.memref_squeeze %dma_wait3A_657 : memref<1x128xi32, #tpu.memory_space<vmem>> -> memref<128xi32, #tpu.memory_space<vmem>>
    %dma_wait3A_659 = arith.constant 0 : i32
    %dma_wait3A_660 = arith.constant 0 : i32
    %dma_wait3A_661 = tpu.memref_slice %arg3[%dma_wait3A_659, %dma_wait3A_660] : memref<1000000x32xf32, #tpu.memory_space<hbm>> -> memref<1000000x32xf32, #tpu.memory_space<hbm>>
    tpu.wait_indirect_dma semaphore(%arg13 : memref<!tpu.dma_semaphore, #tpu.memory_space<semaphore_mem>>) src(%dma_wait3A_661 : memref<1000000x32xf32, #tpu.memory_space<hbm>>) dst(%arg9 : memref<128x32xf32, #tpu.memory_space<vmem>>)
    %add3A_662 = arith.constant 4992 : i32
    %add3A_663 = arith.addi %mul3A_4, %add3A_662 : i32
    "tpu.region"() ({
      %run_scoped3A = tpu.sem_alloc : memref<!tpu.dma_semaphore, #tpu.memory_space<semaphore_mem>>
      %dma_start3A_1667 = arith.constant 0 : i32
      %dma_start3A_1668 = tpu.memref_slice %arg4[%add3A_663, %dma_start3A_1667] : memref<425984x32xf32, #tpu.memory_space<hbm>> -> memref<128x32xf32, #tpu.memory_space<hbm>>
      %dma_start3A_1669 = arith.constant 0 : i32
      %dma_start3A_1670 = tpu.memref_slice %arg4[%add3A_663, %dma_start3A_1669] : memref<425984x32xf32, #tpu.memory_space<hbm>> -> memref<128x32xf32, #tpu.memory_space<hbm>>
      tpu.enqueue_dma source(%arg9 : memref<128x32xf32, #tpu.memory_space<vmem>>) target(%dma_start3A_1670 : memref<128x32xf32, #tpu.memory_space<hbm>>) target_semaphore(%run_scoped3A : memref<!tpu.dma_semaphore, #tpu.memory_space<semaphore_mem>>)
      %dma_wait3A_1671 = arith.constant 0 : i32
      %dma_wait3A_1672 = tpu.memref_slice %arg4[%add3A_663, %dma_wait3A_1671] : memref<425984x32xf32, #tpu.memory_space<hbm>> -> memref<128x32xf32, #tpu.memory_space<hbm>>
      %dma_wait3A_1673 = arith.constant 0 : i32
      %dma_wait3A_1674 = tpu.memref_slice %arg4[%add3A_663, %dma_wait3A_1673] : memref<425984x32xf32, #tpu.memory_space<hbm>> -> memref<128x32xf32, #tpu.memory_space<hbm>>
      tpu.wait_dma2 semaphore(%run_scoped3A : memref<!tpu.dma_semaphore, #tpu.memory_space<semaphore_mem>>) src(%arg9 : memref<128x32xf32, #tpu.memory_space<vmem>>) dst(%dma_wait3A_1674 : memref<128x32xf32, #tpu.memory_space<hbm>>)
      tpu.yield
    }) : () -> ()
    %dma_start3A_664 = arith.constant 43 : i32
    %dma_start3A_665 = arith.constant 0 : i32
    %dma_start3A_666 = tpu.memref_slice %arg5[%dma_start3A_664, %dma_start3A_665] : memref<104x128xi32, #tpu.memory_space<vmem>> -> memref<1x128xi32, #tpu.memory_space<vmem>>
    %dma_start3A_667 = tpu.memref_squeeze %dma_start3A_666 : memref<1x128xi32, #tpu.memory_space<vmem>> -> memref<128xi32, #tpu.memory_space<vmem>>
    %dma_start3A_668 = arith.constant 0 : i32
    %dma_start3A_669 = arith.constant 0 : i32
    %dma_start3A_670 = tpu.memref_slice %arg3[%dma_start3A_668, %dma_start3A_669] : memref<1000000x32xf32, #tpu.memory_space<hbm>> -> memref<1000000x32xf32, #tpu.memory_space<hbm>>
    tpu.enqueue_indirect_dma source(%dma_start3A_670 : memref<1000000x32xf32, #tpu.memory_space<hbm>>) target(%arg9 : memref<128x32xf32, #tpu.memory_space<vmem>>) offsets(%dma_start3A_667 : memref<128xi32, #tpu.memory_space<vmem>>) semaphore(%arg13 : memref<!tpu.dma_semaphore, #tpu.memory_space<semaphore_mem>>)
    %dma_wait3A_671 = arith.constant 40 : i32
    %dma_wait3A_672 = arith.constant 0 : i32
    %dma_wait3A_673 = tpu.memref_slice %arg5[%dma_wait3A_671, %dma_wait3A_672] : memref<104x128xi32, #tpu.memory_space<vmem>> -> memref<1x128xi32, #tpu.memory_space<vmem>>
    %dma_wait3A_674 = tpu.memref_squeeze %dma_wait3A_673 : memref<1x128xi32, #tpu.memory_space<vmem>> -> memref<128xi32, #tpu.memory_space<vmem>>
    %dma_wait3A_675 = arith.constant 0 : i32
    %dma_wait3A_676 = arith.constant 0 : i32
    %dma_wait3A_677 = tpu.memref_slice %arg3[%dma_wait3A_675, %dma_wait3A_676] : memref<1000000x32xf32, #tpu.memory_space<hbm>> -> memref<1000000x32xf32, #tpu.memory_space<hbm>>
    tpu.wait_indirect_dma semaphore(%arg10 : memref<!tpu.dma_semaphore, #tpu.memory_space<semaphore_mem>>) src(%dma_wait3A_677 : memref<1000000x32xf32, #tpu.memory_space<hbm>>) dst(%arg6 : memref<128x32xf32, #tpu.memory_space<vmem>>)
    %add3A_678 = arith.constant 5120 : i32
    %add3A_679 = arith.addi %mul3A_4, %add3A_678 : i32
    "tpu.region"() ({
      %run_scoped3A = tpu.sem_alloc : memref<!tpu.dma_semaphore, #tpu.memory_space<semaphore_mem>>
      %dma_start3A_1667 = arith.constant 0 : i32
      %dma_start3A_1668 = tpu.memref_slice %arg4[%add3A_679, %dma_start3A_1667] : memref<425984x32xf32, #tpu.memory_space<hbm>> -> memref<128x32xf32, #tpu.memory_space<hbm>>
      %dma_start3A_1669 = arith.constant 0 : i32
      %dma_start3A_1670 = tpu.memref_slice %arg4[%add3A_679, %dma_start3A_1669] : memref<425984x32xf32, #tpu.memory_space<hbm>> -> memref<128x32xf32, #tpu.memory_space<hbm>>
      tpu.enqueue_dma source(%arg6 : memref<128x32xf32, #tpu.memory_space<vmem>>) target(%dma_start3A_1670 : memref<128x32xf32, #tpu.memory_space<hbm>>) target_semaphore(%run_scoped3A : memref<!tpu.dma_semaphore, #tpu.memory_space<semaphore_mem>>)
      %dma_wait3A_1671 = arith.constant 0 : i32
      %dma_wait3A_1672 = tpu.memref_slice %arg4[%add3A_679, %dma_wait3A_1671] : memref<425984x32xf32, #tpu.memory_space<hbm>> -> memref<128x32xf32, #tpu.memory_space<hbm>>
      %dma_wait3A_1673 = arith.constant 0 : i32
      %dma_wait3A_1674 = tpu.memref_slice %arg4[%add3A_679, %dma_wait3A_1673] : memref<425984x32xf32, #tpu.memory_space<hbm>> -> memref<128x32xf32, #tpu.memory_space<hbm>>
      tpu.wait_dma2 semaphore(%run_scoped3A : memref<!tpu.dma_semaphore, #tpu.memory_space<semaphore_mem>>) src(%arg6 : memref<128x32xf32, #tpu.memory_space<vmem>>) dst(%dma_wait3A_1674 : memref<128x32xf32, #tpu.memory_space<hbm>>)
      tpu.yield
    }) : () -> ()
    %dma_start3A_680 = arith.constant 44 : i32
    %dma_start3A_681 = arith.constant 0 : i32
    %dma_start3A_682 = tpu.memref_slice %arg5[%dma_start3A_680, %dma_start3A_681] : memref<104x128xi32, #tpu.memory_space<vmem>> -> memref<1x128xi32, #tpu.memory_space<vmem>>
    %dma_start3A_683 = tpu.memref_squeeze %dma_start3A_682 : memref<1x128xi32, #tpu.memory_space<vmem>> -> memref<128xi32, #tpu.memory_space<vmem>>
    %dma_start3A_684 = arith.constant 0 : i32
    %dma_start3A_685 = arith.constant 0 : i32
    %dma_start3A_686 = tpu.memref_slice %arg3[%dma_start3A_684, %dma_start3A_685] : memref<1000000x32xf32, #tpu.memory_space<hbm>> -> memref<1000000x32xf32, #tpu.memory_space<hbm>>
    tpu.enqueue_indirect_dma source(%dma_start3A_686 : memref<1000000x32xf32, #tpu.memory_space<hbm>>) target(%arg6 : memref<128x32xf32, #tpu.memory_space<vmem>>) offsets(%dma_start3A_683 : memref<128xi32, #tpu.memory_space<vmem>>) semaphore(%arg10 : memref<!tpu.dma_semaphore, #tpu.memory_space<semaphore_mem>>)
    %dma_wait3A_687 = arith.constant 41 : i32
    %dma_wait3A_688 = arith.constant 0 : i32
    %dma_wait3A_689 = tpu.memref_slice %arg5[%dma_wait3A_687, %dma_wait3A_688] : memref<104x128xi32, #tpu.memory_space<vmem>> -> memref<1x128xi32, #tpu.memory_space<vmem>>
    %dma_wait3A_690 = tpu.memref_squeeze %dma_wait3A_689 : memref<1x128xi32, #tpu.memory_space<vmem>> -> memref<128xi32, #tpu.memory_space<vmem>>
    %dma_wait3A_691 = arith.constant 0 : i32
    %dma_wait3A_692 = arith.constant 0 : i32
    %dma_wait3A_693 = tpu.memref_slice %arg3[%dma_wait3A_691, %dma_wait3A_692] : memref<1000000x32xf32, #tpu.memory_space<hbm>> -> memref<1000000x32xf32, #tpu.memory_space<hbm>>
    tpu.wait_indirect_dma semaphore(%arg11 : memref<!tpu.dma_semaphore, #tpu.memory_space<semaphore_mem>>) src(%dma_wait3A_693 : memref<1000000x32xf32, #tpu.memory_space<hbm>>) dst(%arg7 : memref<128x32xf32, #tpu.memory_space<vmem>>)
    %add3A_694 = arith.constant 5248 : i32
    %add3A_695 = arith.addi %mul3A_4, %add3A_694 : i32
    "tpu.region"() ({
      %run_scoped3A = tpu.sem_alloc : memref<!tpu.dma_semaphore, #tpu.memory_space<semaphore_mem>>
      %dma_start3A_1667 = arith.constant 0 : i32
      %dma_start3A_1668 = tpu.memref_slice %arg4[%add3A_695, %dma_start3A_1667] : memref<425984x32xf32, #tpu.memory_space<hbm>> -> memref<128x32xf32, #tpu.memory_space<hbm>>
      %dma_start3A_1669 = arith.constant 0 : i32
      %dma_start3A_1670 = tpu.memref_slice %arg4[%add3A_695, %dma_start3A_1669] : memref<425984x32xf32, #tpu.memory_space<hbm>> -> memref<128x32xf32, #tpu.memory_space<hbm>>
      tpu.enqueue_dma source(%arg7 : memref<128x32xf32, #tpu.memory_space<vmem>>) target(%dma_start3A_1670 : memref<128x32xf32, #tpu.memory_space<hbm>>) target_semaphore(%run_scoped3A : memref<!tpu.dma_semaphore, #tpu.memory_space<semaphore_mem>>)
      %dma_wait3A_1671 = arith.constant 0 : i32
      %dma_wait3A_1672 = tpu.memref_slice %arg4[%add3A_695, %dma_wait3A_1671] : memref<425984x32xf32, #tpu.memory_space<hbm>> -> memref<128x32xf32, #tpu.memory_space<hbm>>
      %dma_wait3A_1673 = arith.constant 0 : i32
      %dma_wait3A_1674 = tpu.memref_slice %arg4[%add3A_695, %dma_wait3A_1673] : memref<425984x32xf32, #tpu.memory_space<hbm>> -> memref<128x32xf32, #tpu.memory_space<hbm>>
      tpu.wait_dma2 semaphore(%run_scoped3A : memref<!tpu.dma_semaphore, #tpu.memory_space<semaphore_mem>>) src(%arg7 : memref<128x32xf32, #tpu.memory_space<vmem>>) dst(%dma_wait3A_1674 : memref<128x32xf32, #tpu.memory_space<hbm>>)
      tpu.yield
    }) : () -> ()
    %dma_start3A_696 = arith.constant 45 : i32
    %dma_start3A_697 = arith.constant 0 : i32
    %dma_start3A_698 = tpu.memref_slice %arg5[%dma_start3A_696, %dma_start3A_697] : memref<104x128xi32, #tpu.memory_space<vmem>> -> memref<1x128xi32, #tpu.memory_space<vmem>>
    %dma_start3A_699 = tpu.memref_squeeze %dma_start3A_698 : memref<1x128xi32, #tpu.memory_space<vmem>> -> memref<128xi32, #tpu.memory_space<vmem>>
    %dma_start3A_700 = arith.constant 0 : i32
    %dma_start3A_701 = arith.constant 0 : i32
    %dma_start3A_702 = tpu.memref_slice %arg3[%dma_start3A_700, %dma_start3A_701] : memref<1000000x32xf32, #tpu.memory_space<hbm>> -> memref<1000000x32xf32, #tpu.memory_space<hbm>>
    tpu.enqueue_indirect_dma source(%dma_start3A_702 : memref<1000000x32xf32, #tpu.memory_space<hbm>>) target(%arg7 : memref<128x32xf32, #tpu.memory_space<vmem>>) offsets(%dma_start3A_699 : memref<128xi32, #tpu.memory_space<vmem>>) semaphore(%arg11 : memref<!tpu.dma_semaphore, #tpu.memory_space<semaphore_mem>>)
    %dma_wait3A_703 = arith.constant 42 : i32
    %dma_wait3A_704 = arith.constant 0 : i32
    %dma_wait3A_705 = tpu.memref_slice %arg5[%dma_wait3A_703, %dma_wait3A_704] : memref<104x128xi32, #tpu.memory_space<vmem>> -> memref<1x128xi32, #tpu.memory_space<vmem>>
    %dma_wait3A_706 = tpu.memref_squeeze %dma_wait3A_705 : memref<1x128xi32, #tpu.memory_space<vmem>> -> memref<128xi32, #tpu.memory_space<vmem>>
    %dma_wait3A_707 = arith.constant 0 : i32
    %dma_wait3A_708 = arith.constant 0 : i32
    %dma_wait3A_709 = tpu.memref_slice %arg3[%dma_wait3A_707, %dma_wait3A_708] : memref<1000000x32xf32, #tpu.memory_space<hbm>> -> memref<1000000x32xf32, #tpu.memory_space<hbm>>
    tpu.wait_indirect_dma semaphore(%arg12 : memref<!tpu.dma_semaphore, #tpu.memory_space<semaphore_mem>>) src(%dma_wait3A_709 : memref<1000000x32xf32, #tpu.memory_space<hbm>>) dst(%arg8 : memref<128x32xf32, #tpu.memory_space<vmem>>)
    %add3A_710 = arith.constant 5376 : i32
    %add3A_711 = arith.addi %mul3A_4, %add3A_710 : i32
    "tpu.region"() ({
      %run_scoped3A = tpu.sem_alloc : memref<!tpu.dma_semaphore, #tpu.memory_space<semaphore_mem>>
      %dma_start3A_1667 = arith.constant 0 : i32
      %dma_start3A_1668 = tpu.memref_slice %arg4[%add3A_711, %dma_start3A_1667] : memref<425984x32xf32, #tpu.memory_space<hbm>> -> memref<128x32xf32, #tpu.memory_space<hbm>>
      %dma_start3A_1669 = arith.constant 0 : i32
      %dma_start3A_1670 = tpu.memref_slice %arg4[%add3A_711, %dma_start3A_1669] : memref<425984x32xf32, #tpu.memory_space<hbm>> -> memref<128x32xf32, #tpu.memory_space<hbm>>
      tpu.enqueue_dma source(%arg8 : memref<128x32xf32, #tpu.memory_space<vmem>>) target(%dma_start3A_1670 : memref<128x32xf32, #tpu.memory_space<hbm>>) target_semaphore(%run_scoped3A : memref<!tpu.dma_semaphore, #tpu.memory_space<semaphore_mem>>)
      %dma_wait3A_1671 = arith.constant 0 : i32
      %dma_wait3A_1672 = tpu.memref_slice %arg4[%add3A_711, %dma_wait3A_1671] : memref<425984x32xf32, #tpu.memory_space<hbm>> -> memref<128x32xf32, #tpu.memory_space<hbm>>
      %dma_wait3A_1673 = arith.constant 0 : i32
      %dma_wait3A_1674 = tpu.memref_slice %arg4[%add3A_711, %dma_wait3A_1673] : memref<425984x32xf32, #tpu.memory_space<hbm>> -> memref<128x32xf32, #tpu.memory_space<hbm>>
      tpu.wait_dma2 semaphore(%run_scoped3A : memref<!tpu.dma_semaphore, #tpu.memory_space<semaphore_mem>>) src(%arg8 : memref<128x32xf32, #tpu.memory_space<vmem>>) dst(%dma_wait3A_1674 : memref<128x32xf32, #tpu.memory_space<hbm>>)
      tpu.yield
    }) : () -> ()
    %dma_start3A_712 = arith.constant 46 : i32
    %dma_start3A_713 = arith.constant 0 : i32
    %dma_start3A_714 = tpu.memref_slice %arg5[%dma_start3A_712, %dma_start3A_713] : memref<104x128xi32, #tpu.memory_space<vmem>> -> memref<1x128xi32, #tpu.memory_space<vmem>>
    %dma_start3A_715 = tpu.memref_squeeze %dma_start3A_714 : memref<1x128xi32, #tpu.memory_space<vmem>> -> memref<128xi32, #tpu.memory_space<vmem>>
    %dma_start3A_716 = arith.constant 0 : i32
    %dma_start3A_717 = arith.constant 0 : i32
    %dma_start3A_718 = tpu.memref_slice %arg3[%dma_start3A_716, %dma_start3A_717] : memref<1000000x32xf32, #tpu.memory_space<hbm>> -> memref<1000000x32xf32, #tpu.memory_space<hbm>>
    tpu.enqueue_indirect_dma source(%dma_start3A_718 : memref<1000000x32xf32, #tpu.memory_space<hbm>>) target(%arg8 : memref<128x32xf32, #tpu.memory_space<vmem>>) offsets(%dma_start3A_715 : memref<128xi32, #tpu.memory_space<vmem>>) semaphore(%arg12 : memref<!tpu.dma_semaphore, #tpu.memory_space<semaphore_mem>>)
    %dma_wait3A_719 = arith.constant 43 : i32
    %dma_wait3A_720 = arith.constant 0 : i32
    %dma_wait3A_721 = tpu.memref_slice %arg5[%dma_wait3A_719, %dma_wait3A_720] : memref<104x128xi32, #tpu.memory_space<vmem>> -> memref<1x128xi32, #tpu.memory_space<vmem>>
    %dma_wait3A_722 = tpu.memref_squeeze %dma_wait3A_721 : memref<1x128xi32, #tpu.memory_space<vmem>> -> memref<128xi32, #tpu.memory_space<vmem>>
    %dma_wait3A_723 = arith.constant 0 : i32
    %dma_wait3A_724 = arith.constant 0 : i32
    %dma_wait3A_725 = tpu.memref_slice %arg3[%dma_wait3A_723, %dma_wait3A_724] : memref<1000000x32xf32, #tpu.memory_space<hbm>> -> memref<1000000x32xf32, #tpu.memory_space<hbm>>
    tpu.wait_indirect_dma semaphore(%arg13 : memref<!tpu.dma_semaphore, #tpu.memory_space<semaphore_mem>>) src(%dma_wait3A_725 : memref<1000000x32xf32, #tpu.memory_space<hbm>>) dst(%arg9 : memref<128x32xf32, #tpu.memory_space<vmem>>)
    %add3A_726 = arith.constant 5504 : i32
    %add3A_727 = arith.addi %mul3A_4, %add3A_726 : i32
    "tpu.region"() ({
      %run_scoped3A = tpu.sem_alloc : memref<!tpu.dma_semaphore, #tpu.memory_space<semaphore_mem>>
      %dma_start3A_1667 = arith.constant 0 : i32
      %dma_start3A_1668 = tpu.memref_slice %arg4[%add3A_727, %dma_start3A_1667] : memref<425984x32xf32, #tpu.memory_space<hbm>> -> memref<128x32xf32, #tpu.memory_space<hbm>>
      %dma_start3A_1669 = arith.constant 0 : i32
      %dma_start3A_1670 = tpu.memref_slice %arg4[%add3A_727, %dma_start3A_1669] : memref<425984x32xf32, #tpu.memory_space<hbm>> -> memref<128x32xf32, #tpu.memory_space<hbm>>
      tpu.enqueue_dma source(%arg9 : memref<128x32xf32, #tpu.memory_space<vmem>>) target(%dma_start3A_1670 : memref<128x32xf32, #tpu.memory_space<hbm>>) target_semaphore(%run_scoped3A : memref<!tpu.dma_semaphore, #tpu.memory_space<semaphore_mem>>)
      %dma_wait3A_1671 = arith.constant 0 : i32
      %dma_wait3A_1672 = tpu.memref_slice %arg4[%add3A_727, %dma_wait3A_1671] : memref<425984x32xf32, #tpu.memory_space<hbm>> -> memref<128x32xf32, #tpu.memory_space<hbm>>
      %dma_wait3A_1673 = arith.constant 0 : i32
      %dma_wait3A_1674 = tpu.memref_slice %arg4[%add3A_727, %dma_wait3A_1673] : memref<425984x32xf32, #tpu.memory_space<hbm>> -> memref<128x32xf32, #tpu.memory_space<hbm>>
      tpu.wait_dma2 semaphore(%run_scoped3A : memref<!tpu.dma_semaphore, #tpu.memory_space<semaphore_mem>>) src(%arg9 : memref<128x32xf32, #tpu.memory_space<vmem>>) dst(%dma_wait3A_1674 : memref<128x32xf32, #tpu.memory_space<hbm>>)
      tpu.yield
    }) : () -> ()
    %dma_start3A_728 = arith.constant 47 : i32
    %dma_start3A_729 = arith.constant 0 : i32
    %dma_start3A_730 = tpu.memref_slice %arg5[%dma_start3A_728, %dma_start3A_729] : memref<104x128xi32, #tpu.memory_space<vmem>> -> memref<1x128xi32, #tpu.memory_space<vmem>>
    %dma_start3A_731 = tpu.memref_squeeze %dma_start3A_730 : memref<1x128xi32, #tpu.memory_space<vmem>> -> memref<128xi32, #tpu.memory_space<vmem>>
    %dma_start3A_732 = arith.constant 0 : i32
    %dma_start3A_733 = arith.constant 0 : i32
    %dma_start3A_734 = tpu.memref_slice %arg3[%dma_start3A_732, %dma_start3A_733] : memref<1000000x32xf32, #tpu.memory_space<hbm>> -> memref<1000000x32xf32, #tpu.memory_space<hbm>>
    tpu.enqueue_indirect_dma source(%dma_start3A_734 : memref<1000000x32xf32, #tpu.memory_space<hbm>>) target(%arg9 : memref<128x32xf32, #tpu.memory_space<vmem>>) offsets(%dma_start3A_731 : memref<128xi32, #tpu.memory_space<vmem>>) semaphore(%arg13 : memref<!tpu.dma_semaphore, #tpu.memory_space<semaphore_mem>>)
    %dma_wait3A_735 = arith.constant 44 : i32
    %dma_wait3A_736 = arith.constant 0 : i32
    %dma_wait3A_737 = tpu.memref_slice %arg5[%dma_wait3A_735, %dma_wait3A_736] : memref<104x128xi32, #tpu.memory_space<vmem>> -> memref<1x128xi32, #tpu.memory_space<vmem>>
    %dma_wait3A_738 = tpu.memref_squeeze %dma_wait3A_737 : memref<1x128xi32, #tpu.memory_space<vmem>> -> memref<128xi32, #tpu.memory_space<vmem>>
    %dma_wait3A_739 = arith.constant 0 : i32
    %dma_wait3A_740 = arith.constant 0 : i32
    %dma_wait3A_741 = tpu.memref_slice %arg3[%dma_wait3A_739, %dma_wait3A_740] : memref<1000000x32xf32, #tpu.memory_space<hbm>> -> memref<1000000x32xf32, #tpu.memory_space<hbm>>
    tpu.wait_indirect_dma semaphore(%arg10 : memref<!tpu.dma_semaphore, #tpu.memory_space<semaphore_mem>>) src(%dma_wait3A_741 : memref<1000000x32xf32, #tpu.memory_space<hbm>>) dst(%arg6 : memref<128x32xf32, #tpu.memory_space<vmem>>)
    %add3A_742 = arith.constant 5632 : i32
    %add3A_743 = arith.addi %mul3A_4, %add3A_742 : i32
    "tpu.region"() ({
      %run_scoped3A = tpu.sem_alloc : memref<!tpu.dma_semaphore, #tpu.memory_space<semaphore_mem>>
      %dma_start3A_1667 = arith.constant 0 : i32
      %dma_start3A_1668 = tpu.memref_slice %arg4[%add3A_743, %dma_start3A_1667] : memref<425984x32xf32, #tpu.memory_space<hbm>> -> memref<128x32xf32, #tpu.memory_space<hbm>>
      %dma_start3A_1669 = arith.constant 0 : i32
      %dma_start3A_1670 = tpu.memref_slice %arg4[%add3A_743, %dma_start3A_1669] : memref<425984x32xf32, #tpu.memory_space<hbm>> -> memref<128x32xf32, #tpu.memory_space<hbm>>
      tpu.enqueue_dma source(%arg6 : memref<128x32xf32, #tpu.memory_space<vmem>>) target(%dma_start3A_1670 : memref<128x32xf32, #tpu.memory_space<hbm>>) target_semaphore(%run_scoped3A : memref<!tpu.dma_semaphore, #tpu.memory_space<semaphore_mem>>)
      %dma_wait3A_1671 = arith.constant 0 : i32
      %dma_wait3A_1672 = tpu.memref_slice %arg4[%add3A_743, %dma_wait3A_1671] : memref<425984x32xf32, #tpu.memory_space<hbm>> -> memref<128x32xf32, #tpu.memory_space<hbm>>
      %dma_wait3A_1673 = arith.constant 0 : i32
      %dma_wait3A_1674 = tpu.memref_slice %arg4[%add3A_743, %dma_wait3A_1673] : memref<425984x32xf32, #tpu.memory_space<hbm>> -> memref<128x32xf32, #tpu.memory_space<hbm>>
      tpu.wait_dma2 semaphore(%run_scoped3A : memref<!tpu.dma_semaphore, #tpu.memory_space<semaphore_mem>>) src(%arg6 : memref<128x32xf32, #tpu.memory_space<vmem>>) dst(%dma_wait3A_1674 : memref<128x32xf32, #tpu.memory_space<hbm>>)
      tpu.yield
    }) : () -> ()
    %dma_start3A_744 = arith.constant 48 : i32
    %dma_start3A_745 = arith.constant 0 : i32
    %dma_start3A_746 = tpu.memref_slice %arg5[%dma_start3A_744, %dma_start3A_745] : memref<104x128xi32, #tpu.memory_space<vmem>> -> memref<1x128xi32, #tpu.memory_space<vmem>>
    %dma_start3A_747 = tpu.memref_squeeze %dma_start3A_746 : memref<1x128xi32, #tpu.memory_space<vmem>> -> memref<128xi32, #tpu.memory_space<vmem>>
    %dma_start3A_748 = arith.constant 0 : i32
    %dma_start3A_749 = arith.constant 0 : i32
    %dma_start3A_750 = tpu.memref_slice %arg3[%dma_start3A_748, %dma_start3A_749] : memref<1000000x32xf32, #tpu.memory_space<hbm>> -> memref<1000000x32xf32, #tpu.memory_space<hbm>>
    tpu.enqueue_indirect_dma source(%dma_start3A_750 : memref<1000000x32xf32, #tpu.memory_space<hbm>>) target(%arg6 : memref<128x32xf32, #tpu.memory_space<vmem>>) offsets(%dma_start3A_747 : memref<128xi32, #tpu.memory_space<vmem>>) semaphore(%arg10 : memref<!tpu.dma_semaphore, #tpu.memory_space<semaphore_mem>>)
    %dma_wait3A_751 = arith.constant 45 : i32
    %dma_wait3A_752 = arith.constant 0 : i32
    %dma_wait3A_753 = tpu.memref_slice %arg5[%dma_wait3A_751, %dma_wait3A_752] : memref<104x128xi32, #tpu.memory_space<vmem>> -> memref<1x128xi32, #tpu.memory_space<vmem>>
    %dma_wait3A_754 = tpu.memref_squeeze %dma_wait3A_753 : memref<1x128xi32, #tpu.memory_space<vmem>> -> memref<128xi32, #tpu.memory_space<vmem>>
    %dma_wait3A_755 = arith.constant 0 : i32
    %dma_wait3A_756 = arith.constant 0 : i32
    %dma_wait3A_757 = tpu.memref_slice %arg3[%dma_wait3A_755, %dma_wait3A_756] : memref<1000000x32xf32, #tpu.memory_space<hbm>> -> memref<1000000x32xf32, #tpu.memory_space<hbm>>
    tpu.wait_indirect_dma semaphore(%arg11 : memref<!tpu.dma_semaphore, #tpu.memory_space<semaphore_mem>>) src(%dma_wait3A_757 : memref<1000000x32xf32, #tpu.memory_space<hbm>>) dst(%arg7 : memref<128x32xf32, #tpu.memory_space<vmem>>)
    %add3A_758 = arith.constant 5760 : i32
    %add3A_759 = arith.addi %mul3A_4, %add3A_758 : i32
    "tpu.region"() ({
      %run_scoped3A = tpu.sem_alloc : memref<!tpu.dma_semaphore, #tpu.memory_space<semaphore_mem>>
      %dma_start3A_1667 = arith.constant 0 : i32
      %dma_start3A_1668 = tpu.memref_slice %arg4[%add3A_759, %dma_start3A_1667] : memref<425984x32xf32, #tpu.memory_space<hbm>> -> memref<128x32xf32, #tpu.memory_space<hbm>>
      %dma_start3A_1669 = arith.constant 0 : i32
      %dma_start3A_1670 = tpu.memref_slice %arg4[%add3A_759, %dma_start3A_1669] : memref<425984x32xf32, #tpu.memory_space<hbm>> -> memref<128x32xf32, #tpu.memory_space<hbm>>
      tpu.enqueue_dma source(%arg7 : memref<128x32xf32, #tpu.memory_space<vmem>>) target(%dma_start3A_1670 : memref<128x32xf32, #tpu.memory_space<hbm>>) target_semaphore(%run_scoped3A : memref<!tpu.dma_semaphore, #tpu.memory_space<semaphore_mem>>)
      %dma_wait3A_1671 = arith.constant 0 : i32
      %dma_wait3A_1672 = tpu.memref_slice %arg4[%add3A_759, %dma_wait3A_1671] : memref<425984x32xf32, #tpu.memory_space<hbm>> -> memref<128x32xf32, #tpu.memory_space<hbm>>
      %dma_wait3A_1673 = arith.constant 0 : i32
      %dma_wait3A_1674 = tpu.memref_slice %arg4[%add3A_759, %dma_wait3A_1673] : memref<425984x32xf32, #tpu.memory_space<hbm>> -> memref<128x32xf32, #tpu.memory_space<hbm>>
      tpu.wait_dma2 semaphore(%run_scoped3A : memref<!tpu.dma_semaphore, #tpu.memory_space<semaphore_mem>>) src(%arg7 : memref<128x32xf32, #tpu.memory_space<vmem>>) dst(%dma_wait3A_1674 : memref<128x32xf32, #tpu.memory_space<hbm>>)
      tpu.yield
    }) : () -> ()
    %dma_start3A_760 = arith.constant 49 : i32
    %dma_start3A_761 = arith.constant 0 : i32
    %dma_start3A_762 = tpu.memref_slice %arg5[%dma_start3A_760, %dma_start3A_761] : memref<104x128xi32, #tpu.memory_space<vmem>> -> memref<1x128xi32, #tpu.memory_space<vmem>>
    %dma_start3A_763 = tpu.memref_squeeze %dma_start3A_762 : memref<1x128xi32, #tpu.memory_space<vmem>> -> memref<128xi32, #tpu.memory_space<vmem>>
    %dma_start3A_764 = arith.constant 0 : i32
    %dma_start3A_765 = arith.constant 0 : i32
    %dma_start3A_766 = tpu.memref_slice %arg3[%dma_start3A_764, %dma_start3A_765] : memref<1000000x32xf32, #tpu.memory_space<hbm>> -> memref<1000000x32xf32, #tpu.memory_space<hbm>>
    tpu.enqueue_indirect_dma source(%dma_start3A_766 : memref<1000000x32xf32, #tpu.memory_space<hbm>>) target(%arg7 : memref<128x32xf32, #tpu.memory_space<vmem>>) offsets(%dma_start3A_763 : memref<128xi32, #tpu.memory_space<vmem>>) semaphore(%arg11 : memref<!tpu.dma_semaphore, #tpu.memory_space<semaphore_mem>>)
    %dma_wait3A_767 = arith.constant 46 : i32
    %dma_wait3A_768 = arith.constant 0 : i32
    %dma_wait3A_769 = tpu.memref_slice %arg5[%dma_wait3A_767, %dma_wait3A_768] : memref<104x128xi32, #tpu.memory_space<vmem>> -> memref<1x128xi32, #tpu.memory_space<vmem>>
    %dma_wait3A_770 = tpu.memref_squeeze %dma_wait3A_769 : memref<1x128xi32, #tpu.memory_space<vmem>> -> memref<128xi32, #tpu.memory_space<vmem>>
    %dma_wait3A_771 = arith.constant 0 : i32
    %dma_wait3A_772 = arith.constant 0 : i32
    %dma_wait3A_773 = tpu.memref_slice %arg3[%dma_wait3A_771, %dma_wait3A_772] : memref<1000000x32xf32, #tpu.memory_space<hbm>> -> memref<1000000x32xf32, #tpu.memory_space<hbm>>
    tpu.wait_indirect_dma semaphore(%arg12 : memref<!tpu.dma_semaphore, #tpu.memory_space<semaphore_mem>>) src(%dma_wait3A_773 : memref<1000000x32xf32, #tpu.memory_space<hbm>>) dst(%arg8 : memref<128x32xf32, #tpu.memory_space<vmem>>)
    %add3A_774 = arith.constant 5888 : i32
    %add3A_775 = arith.addi %mul3A_4, %add3A_774 : i32
    "tpu.region"() ({
      %run_scoped3A = tpu.sem_alloc : memref<!tpu.dma_semaphore, #tpu.memory_space<semaphore_mem>>
      %dma_start3A_1667 = arith.constant 0 : i32
      %dma_start3A_1668 = tpu.memref_slice %arg4[%add3A_775, %dma_start3A_1667] : memref<425984x32xf32, #tpu.memory_space<hbm>> -> memref<128x32xf32, #tpu.memory_space<hbm>>
      %dma_start3A_1669 = arith.constant 0 : i32
      %dma_start3A_1670 = tpu.memref_slice %arg4[%add3A_775, %dma_start3A_1669] : memref<425984x32xf32, #tpu.memory_space<hbm>> -> memref<128x32xf32, #tpu.memory_space<hbm>>
      tpu.enqueue_dma source(%arg8 : memref<128x32xf32, #tpu.memory_space<vmem>>) target(%dma_start3A_1670 : memref<128x32xf32, #tpu.memory_space<hbm>>) target_semaphore(%run_scoped3A : memref<!tpu.dma_semaphore, #tpu.memory_space<semaphore_mem>>)
      %dma_wait3A_1671 = arith.constant 0 : i32
      %dma_wait3A_1672 = tpu.memref_slice %arg4[%add3A_775, %dma_wait3A_1671] : memref<425984x32xf32, #tpu.memory_space<hbm>> -> memref<128x32xf32, #tpu.memory_space<hbm>>
      %dma_wait3A_1673 = arith.constant 0 : i32
      %dma_wait3A_1674 = tpu.memref_slice %arg4[%add3A_775, %dma_wait3A_1673] : memref<425984x32xf32, #tpu.memory_space<hbm>> -> memref<128x32xf32, #tpu.memory_space<hbm>>
      tpu.wait_dma2 semaphore(%run_scoped3A : memref<!tpu.dma_semaphore, #tpu.memory_space<semaphore_mem>>) src(%arg8 : memref<128x32xf32, #tpu.memory_space<vmem>>) dst(%dma_wait3A_1674 : memref<128x32xf32, #tpu.memory_space<hbm>>)
      tpu.yield
    }) : () -> ()
    %dma_start3A_776 = arith.constant 50 : i32
    %dma_start3A_777 = arith.constant 0 : i32
    %dma_start3A_778 = tpu.memref_slice %arg5[%dma_start3A_776, %dma_start3A_777] : memref<104x128xi32, #tpu.memory_space<vmem>> -> memref<1x128xi32, #tpu.memory_space<vmem>>
    %dma_start3A_779 = tpu.memref_squeeze %dma_start3A_778 : memref<1x128xi32, #tpu.memory_space<vmem>> -> memref<128xi32, #tpu.memory_space<vmem>>
    %dma_start3A_780 = arith.constant 0 : i32
    %dma_start3A_781 = arith.constant 0 : i32
    %dma_start3A_782 = tpu.memref_slice %arg3[%dma_start3A_780, %dma_start3A_781] : memref<1000000x32xf32, #tpu.memory_space<hbm>> -> memref<1000000x32xf32, #tpu.memory_space<hbm>>
    tpu.enqueue_indirect_dma source(%dma_start3A_782 : memref<1000000x32xf32, #tpu.memory_space<hbm>>) target(%arg8 : memref<128x32xf32, #tpu.memory_space<vmem>>) offsets(%dma_start3A_779 : memref<128xi32, #tpu.memory_space<vmem>>) semaphore(%arg12 : memref<!tpu.dma_semaphore, #tpu.memory_space<semaphore_mem>>)
    %dma_wait3A_783 = arith.constant 47 : i32
    %dma_wait3A_784 = arith.constant 0 : i32
    %dma_wait3A_785 = tpu.memref_slice %arg5[%dma_wait3A_783, %dma_wait3A_784] : memref<104x128xi32, #tpu.memory_space<vmem>> -> memref<1x128xi32, #tpu.memory_space<vmem>>
    %dma_wait3A_786 = tpu.memref_squeeze %dma_wait3A_785 : memref<1x128xi32, #tpu.memory_space<vmem>> -> memref<128xi32, #tpu.memory_space<vmem>>
    %dma_wait3A_787 = arith.constant 0 : i32
    %dma_wait3A_788 = arith.constant 0 : i32
    %dma_wait3A_789 = tpu.memref_slice %arg3[%dma_wait3A_787, %dma_wait3A_788] : memref<1000000x32xf32, #tpu.memory_space<hbm>> -> memref<1000000x32xf32, #tpu.memory_space<hbm>>
    tpu.wait_indirect_dma semaphore(%arg13 : memref<!tpu.dma_semaphore, #tpu.memory_space<semaphore_mem>>) src(%dma_wait3A_789 : memref<1000000x32xf32, #tpu.memory_space<hbm>>) dst(%arg9 : memref<128x32xf32, #tpu.memory_space<vmem>>)
    %add3A_790 = arith.constant 6016 : i32
    %add3A_791 = arith.addi %mul3A_4, %add3A_790 : i32
    "tpu.region"() ({
      %run_scoped3A = tpu.sem_alloc : memref<!tpu.dma_semaphore, #tpu.memory_space<semaphore_mem>>
      %dma_start3A_1667 = arith.constant 0 : i32
      %dma_start3A_1668 = tpu.memref_slice %arg4[%add3A_791, %dma_start3A_1667] : memref<425984x32xf32, #tpu.memory_space<hbm>> -> memref<128x32xf32, #tpu.memory_space<hbm>>
      %dma_start3A_1669 = arith.constant 0 : i32
      %dma_start3A_1670 = tpu.memref_slice %arg4[%add3A_791, %dma_start3A_1669] : memref<425984x32xf32, #tpu.memory_space<hbm>> -> memref<128x32xf32, #tpu.memory_space<hbm>>
      tpu.enqueue_dma source(%arg9 : memref<128x32xf32, #tpu.memory_space<vmem>>) target(%dma_start3A_1670 : memref<128x32xf32, #tpu.memory_space<hbm>>) target_semaphore(%run_scoped3A : memref<!tpu.dma_semaphore, #tpu.memory_space<semaphore_mem>>)
      %dma_wait3A_1671 = arith.constant 0 : i32
      %dma_wait3A_1672 = tpu.memref_slice %arg4[%add3A_791, %dma_wait3A_1671] : memref<425984x32xf32, #tpu.memory_space<hbm>> -> memref<128x32xf32, #tpu.memory_space<hbm>>
      %dma_wait3A_1673 = arith.constant 0 : i32
      %dma_wait3A_1674 = tpu.memref_slice %arg4[%add3A_791, %dma_wait3A_1673] : memref<425984x32xf32, #tpu.memory_space<hbm>> -> memref<128x32xf32, #tpu.memory_space<hbm>>
      tpu.wait_dma2 semaphore(%run_scoped3A : memref<!tpu.dma_semaphore, #tpu.memory_space<semaphore_mem>>) src(%arg9 : memref<128x32xf32, #tpu.memory_space<vmem>>) dst(%dma_wait3A_1674 : memref<128x32xf32, #tpu.memory_space<hbm>>)
      tpu.yield
    }) : () -> ()
    %dma_start3A_792 = arith.constant 51 : i32
    %dma_start3A_793 = arith.constant 0 : i32
    %dma_start3A_794 = tpu.memref_slice %arg5[%dma_start3A_792, %dma_start3A_793] : memref<104x128xi32, #tpu.memory_space<vmem>> -> memref<1x128xi32, #tpu.memory_space<vmem>>
    %dma_start3A_795 = tpu.memref_squeeze %dma_start3A_794 : memref<1x128xi32, #tpu.memory_space<vmem>> -> memref<128xi32, #tpu.memory_space<vmem>>
    %dma_start3A_796 = arith.constant 0 : i32
    %dma_start3A_797 = arith.constant 0 : i32
    %dma_start3A_798 = tpu.memref_slice %arg3[%dma_start3A_796, %dma_start3A_797] : memref<1000000x32xf32, #tpu.memory_space<hbm>> -> memref<1000000x32xf32, #tpu.memory_space<hbm>>
    tpu.enqueue_indirect_dma source(%dma_start3A_798 : memref<1000000x32xf32, #tpu.memory_space<hbm>>) target(%arg9 : memref<128x32xf32, #tpu.memory_space<vmem>>) offsets(%dma_start3A_795 : memref<128xi32, #tpu.memory_space<vmem>>) semaphore(%arg13 : memref<!tpu.dma_semaphore, #tpu.memory_space<semaphore_mem>>)
    %dma_wait3A_799 = arith.constant 48 : i32
    %dma_wait3A_800 = arith.constant 0 : i32
    %dma_wait3A_801 = tpu.memref_slice %arg5[%dma_wait3A_799, %dma_wait3A_800] : memref<104x128xi32, #tpu.memory_space<vmem>> -> memref<1x128xi32, #tpu.memory_space<vmem>>
    %dma_wait3A_802 = tpu.memref_squeeze %dma_wait3A_801 : memref<1x128xi32, #tpu.memory_space<vmem>> -> memref<128xi32, #tpu.memory_space<vmem>>
    %dma_wait3A_803 = arith.constant 0 : i32
    %dma_wait3A_804 = arith.constant 0 : i32
    %dma_wait3A_805 = tpu.memref_slice %arg3[%dma_wait3A_803, %dma_wait3A_804] : memref<1000000x32xf32, #tpu.memory_space<hbm>> -> memref<1000000x32xf32, #tpu.memory_space<hbm>>
    tpu.wait_indirect_dma semaphore(%arg10 : memref<!tpu.dma_semaphore, #tpu.memory_space<semaphore_mem>>) src(%dma_wait3A_805 : memref<1000000x32xf32, #tpu.memory_space<hbm>>) dst(%arg6 : memref<128x32xf32, #tpu.memory_space<vmem>>)
    %add3A_806 = arith.constant 6144 : i32
    %add3A_807 = arith.addi %mul3A_4, %add3A_806 : i32
    "tpu.region"() ({
      %run_scoped3A = tpu.sem_alloc : memref<!tpu.dma_semaphore, #tpu.memory_space<semaphore_mem>>
      %dma_start3A_1667 = arith.constant 0 : i32
      %dma_start3A_1668 = tpu.memref_slice %arg4[%add3A_807, %dma_start3A_1667] : memref<425984x32xf32, #tpu.memory_space<hbm>> -> memref<128x32xf32, #tpu.memory_space<hbm>>
      %dma_start3A_1669 = arith.constant 0 : i32
      %dma_start3A_1670 = tpu.memref_slice %arg4[%add3A_807, %dma_start3A_1669] : memref<425984x32xf32, #tpu.memory_space<hbm>> -> memref<128x32xf32, #tpu.memory_space<hbm>>
      tpu.enqueue_dma source(%arg6 : memref<128x32xf32, #tpu.memory_space<vmem>>) target(%dma_start3A_1670 : memref<128x32xf32, #tpu.memory_space<hbm>>) target_semaphore(%run_scoped3A : memref<!tpu.dma_semaphore, #tpu.memory_space<semaphore_mem>>)
      %dma_wait3A_1671 = arith.constant 0 : i32
      %dma_wait3A_1672 = tpu.memref_slice %arg4[%add3A_807, %dma_wait3A_1671] : memref<425984x32xf32, #tpu.memory_space<hbm>> -> memref<128x32xf32, #tpu.memory_space<hbm>>
      %dma_wait3A_1673 = arith.constant 0 : i32
      %dma_wait3A_1674 = tpu.memref_slice %arg4[%add3A_807, %dma_wait3A_1673] : memref<425984x32xf32, #tpu.memory_space<hbm>> -> memref<128x32xf32, #tpu.memory_space<hbm>>
      tpu.wait_dma2 semaphore(%run_scoped3A : memref<!tpu.dma_semaphore, #tpu.memory_space<semaphore_mem>>) src(%arg6 : memref<128x32xf32, #tpu.memory_space<vmem>>) dst(%dma_wait3A_1674 : memref<128x32xf32, #tpu.memory_space<hbm>>)
      tpu.yield
    }) : () -> ()
    %dma_start3A_808 = arith.constant 52 : i32
    %dma_start3A_809 = arith.constant 0 : i32
    %dma_start3A_810 = tpu.memref_slice %arg5[%dma_start3A_808, %dma_start3A_809] : memref<104x128xi32, #tpu.memory_space<vmem>> -> memref<1x128xi32, #tpu.memory_space<vmem>>
    %dma_start3A_811 = tpu.memref_squeeze %dma_start3A_810 : memref<1x128xi32, #tpu.memory_space<vmem>> -> memref<128xi32, #tpu.memory_space<vmem>>
    %dma_start3A_812 = arith.constant 0 : i32
    %dma_start3A_813 = arith.constant 0 : i32
    %dma_start3A_814 = tpu.memref_slice %arg3[%dma_start3A_812, %dma_start3A_813] : memref<1000000x32xf32, #tpu.memory_space<hbm>> -> memref<1000000x32xf32, #tpu.memory_space<hbm>>
    tpu.enqueue_indirect_dma source(%dma_start3A_814 : memref<1000000x32xf32, #tpu.memory_space<hbm>>) target(%arg6 : memref<128x32xf32, #tpu.memory_space<vmem>>) offsets(%dma_start3A_811 : memref<128xi32, #tpu.memory_space<vmem>>) semaphore(%arg10 : memref<!tpu.dma_semaphore, #tpu.memory_space<semaphore_mem>>)
    %dma_wait3A_815 = arith.constant 49 : i32
    %dma_wait3A_816 = arith.constant 0 : i32
    %dma_wait3A_817 = tpu.memref_slice %arg5[%dma_wait3A_815, %dma_wait3A_816] : memref<104x128xi32, #tpu.memory_space<vmem>> -> memref<1x128xi32, #tpu.memory_space<vmem>>
    %dma_wait3A_818 = tpu.memref_squeeze %dma_wait3A_817 : memref<1x128xi32, #tpu.memory_space<vmem>> -> memref<128xi32, #tpu.memory_space<vmem>>
    %dma_wait3A_819 = arith.constant 0 : i32
    %dma_wait3A_820 = arith.constant 0 : i32
    %dma_wait3A_821 = tpu.memref_slice %arg3[%dma_wait3A_819, %dma_wait3A_820] : memref<1000000x32xf32, #tpu.memory_space<hbm>> -> memref<1000000x32xf32, #tpu.memory_space<hbm>>
    tpu.wait_indirect_dma semaphore(%arg11 : memref<!tpu.dma_semaphore, #tpu.memory_space<semaphore_mem>>) src(%dma_wait3A_821 : memref<1000000x32xf32, #tpu.memory_space<hbm>>) dst(%arg7 : memref<128x32xf32, #tpu.memory_space<vmem>>)
    %add3A_822 = arith.constant 6272 : i32
    %add3A_823 = arith.addi %mul3A_4, %add3A_822 : i32
    "tpu.region"() ({
      %run_scoped3A = tpu.sem_alloc : memref<!tpu.dma_semaphore, #tpu.memory_space<semaphore_mem>>
      %dma_start3A_1667 = arith.constant 0 : i32
      %dma_start3A_1668 = tpu.memref_slice %arg4[%add3A_823, %dma_start3A_1667] : memref<425984x32xf32, #tpu.memory_space<hbm>> -> memref<128x32xf32, #tpu.memory_space<hbm>>
      %dma_start3A_1669 = arith.constant 0 : i32
      %dma_start3A_1670 = tpu.memref_slice %arg4[%add3A_823, %dma_start3A_1669] : memref<425984x32xf32, #tpu.memory_space<hbm>> -> memref<128x32xf32, #tpu.memory_space<hbm>>
      tpu.enqueue_dma source(%arg7 : memref<128x32xf32, #tpu.memory_space<vmem>>) target(%dma_start3A_1670 : memref<128x32xf32, #tpu.memory_space<hbm>>) target_semaphore(%run_scoped3A : memref<!tpu.dma_semaphore, #tpu.memory_space<semaphore_mem>>)
      %dma_wait3A_1671 = arith.constant 0 : i32
      %dma_wait3A_1672 = tpu.memref_slice %arg4[%add3A_823, %dma_wait3A_1671] : memref<425984x32xf32, #tpu.memory_space<hbm>> -> memref<128x32xf32, #tpu.memory_space<hbm>>
      %dma_wait3A_1673 = arith.constant 0 : i32
      %dma_wait3A_1674 = tpu.memref_slice %arg4[%add3A_823, %dma_wait3A_1673] : memref<425984x32xf32, #tpu.memory_space<hbm>> -> memref<128x32xf32, #tpu.memory_space<hbm>>
      tpu.wait_dma2 semaphore(%run_scoped3A : memref<!tpu.dma_semaphore, #tpu.memory_space<semaphore_mem>>) src(%arg7 : memref<128x32xf32, #tpu.memory_space<vmem>>) dst(%dma_wait3A_1674 : memref<128x32xf32, #tpu.memory_space<hbm>>)
      tpu.yield
    }) : () -> ()
    %dma_start3A_824 = arith.constant 53 : i32
    %dma_start3A_825 = arith.constant 0 : i32
    %dma_start3A_826 = tpu.memref_slice %arg5[%dma_start3A_824, %dma_start3A_825] : memref<104x128xi32, #tpu.memory_space<vmem>> -> memref<1x128xi32, #tpu.memory_space<vmem>>
    %dma_start3A_827 = tpu.memref_squeeze %dma_start3A_826 : memref<1x128xi32, #tpu.memory_space<vmem>> -> memref<128xi32, #tpu.memory_space<vmem>>
    %dma_start3A_828 = arith.constant 0 : i32
    %dma_start3A_829 = arith.constant 0 : i32
    %dma_start3A_830 = tpu.memref_slice %arg3[%dma_start3A_828, %dma_start3A_829] : memref<1000000x32xf32, #tpu.memory_space<hbm>> -> memref<1000000x32xf32, #tpu.memory_space<hbm>>
    tpu.enqueue_indirect_dma source(%dma_start3A_830 : memref<1000000x32xf32, #tpu.memory_space<hbm>>) target(%arg7 : memref<128x32xf32, #tpu.memory_space<vmem>>) offsets(%dma_start3A_827 : memref<128xi32, #tpu.memory_space<vmem>>) semaphore(%arg11 : memref<!tpu.dma_semaphore, #tpu.memory_space<semaphore_mem>>)
    %dma_wait3A_831 = arith.constant 50 : i32
    %dma_wait3A_832 = arith.constant 0 : i32
    %dma_wait3A_833 = tpu.memref_slice %arg5[%dma_wait3A_831, %dma_wait3A_832] : memref<104x128xi32, #tpu.memory_space<vmem>> -> memref<1x128xi32, #tpu.memory_space<vmem>>
    %dma_wait3A_834 = tpu.memref_squeeze %dma_wait3A_833 : memref<1x128xi32, #tpu.memory_space<vmem>> -> memref<128xi32, #tpu.memory_space<vmem>>
    %dma_wait3A_835 = arith.constant 0 : i32
    %dma_wait3A_836 = arith.constant 0 : i32
    %dma_wait3A_837 = tpu.memref_slice %arg3[%dma_wait3A_835, %dma_wait3A_836] : memref<1000000x32xf32, #tpu.memory_space<hbm>> -> memref<1000000x32xf32, #tpu.memory_space<hbm>>
    tpu.wait_indirect_dma semaphore(%arg12 : memref<!tpu.dma_semaphore, #tpu.memory_space<semaphore_mem>>) src(%dma_wait3A_837 : memref<1000000x32xf32, #tpu.memory_space<hbm>>) dst(%arg8 : memref<128x32xf32, #tpu.memory_space<vmem>>)
    %add3A_838 = arith.constant 6400 : i32
    %add3A_839 = arith.addi %mul3A_4, %add3A_838 : i32
    "tpu.region"() ({
      %run_scoped3A = tpu.sem_alloc : memref<!tpu.dma_semaphore, #tpu.memory_space<semaphore_mem>>
      %dma_start3A_1667 = arith.constant 0 : i32
      %dma_start3A_1668 = tpu.memref_slice %arg4[%add3A_839, %dma_start3A_1667] : memref<425984x32xf32, #tpu.memory_space<hbm>> -> memref<128x32xf32, #tpu.memory_space<hbm>>
      %dma_start3A_1669 = arith.constant 0 : i32
      %dma_start3A_1670 = tpu.memref_slice %arg4[%add3A_839, %dma_start3A_1669] : memref<425984x32xf32, #tpu.memory_space<hbm>> -> memref<128x32xf32, #tpu.memory_space<hbm>>
      tpu.enqueue_dma source(%arg8 : memref<128x32xf32, #tpu.memory_space<vmem>>) target(%dma_start3A_1670 : memref<128x32xf32, #tpu.memory_space<hbm>>) target_semaphore(%run_scoped3A : memref<!tpu.dma_semaphore, #tpu.memory_space<semaphore_mem>>)
      %dma_wait3A_1671 = arith.constant 0 : i32
      %dma_wait3A_1672 = tpu.memref_slice %arg4[%add3A_839, %dma_wait3A_1671] : memref<425984x32xf32, #tpu.memory_space<hbm>> -> memref<128x32xf32, #tpu.memory_space<hbm>>
      %dma_wait3A_1673 = arith.constant 0 : i32
      %dma_wait3A_1674 = tpu.memref_slice %arg4[%add3A_839, %dma_wait3A_1673] : memref<425984x32xf32, #tpu.memory_space<hbm>> -> memref<128x32xf32, #tpu.memory_space<hbm>>
      tpu.wait_dma2 semaphore(%run_scoped3A : memref<!tpu.dma_semaphore, #tpu.memory_space<semaphore_mem>>) src(%arg8 : memref<128x32xf32, #tpu.memory_space<vmem>>) dst(%dma_wait3A_1674 : memref<128x32xf32, #tpu.memory_space<hbm>>)
      tpu.yield
    }) : () -> ()
    %dma_start3A_840 = arith.constant 54 : i32
    %dma_start3A_841 = arith.constant 0 : i32
    %dma_start3A_842 = tpu.memref_slice %arg5[%dma_start3A_840, %dma_start3A_841] : memref<104x128xi32, #tpu.memory_space<vmem>> -> memref<1x128xi32, #tpu.memory_space<vmem>>
    %dma_start3A_843 = tpu.memref_squeeze %dma_start3A_842 : memref<1x128xi32, #tpu.memory_space<vmem>> -> memref<128xi32, #tpu.memory_space<vmem>>
    %dma_start3A_844 = arith.constant 0 : i32
    %dma_start3A_845 = arith.constant 0 : i32
    %dma_start3A_846 = tpu.memref_slice %arg3[%dma_start3A_844, %dma_start3A_845] : memref<1000000x32xf32, #tpu.memory_space<hbm>> -> memref<1000000x32xf32, #tpu.memory_space<hbm>>
    tpu.enqueue_indirect_dma source(%dma_start3A_846 : memref<1000000x32xf32, #tpu.memory_space<hbm>>) target(%arg8 : memref<128x32xf32, #tpu.memory_space<vmem>>) offsets(%dma_start3A_843 : memref<128xi32, #tpu.memory_space<vmem>>) semaphore(%arg12 : memref<!tpu.dma_semaphore, #tpu.memory_space<semaphore_mem>>)
    %dma_wait3A_847 = arith.constant 51 : i32
    %dma_wait3A_848 = arith.constant 0 : i32
    %dma_wait3A_849 = tpu.memref_slice %arg5[%dma_wait3A_847, %dma_wait3A_848] : memref<104x128xi32, #tpu.memory_space<vmem>> -> memref<1x128xi32, #tpu.memory_space<vmem>>
    %dma_wait3A_850 = tpu.memref_squeeze %dma_wait3A_849 : memref<1x128xi32, #tpu.memory_space<vmem>> -> memref<128xi32, #tpu.memory_space<vmem>>
    %dma_wait3A_851 = arith.constant 0 : i32
    %dma_wait3A_852 = arith.constant 0 : i32
    %dma_wait3A_853 = tpu.memref_slice %arg3[%dma_wait3A_851, %dma_wait3A_852] : memref<1000000x32xf32, #tpu.memory_space<hbm>> -> memref<1000000x32xf32, #tpu.memory_space<hbm>>
    tpu.wait_indirect_dma semaphore(%arg13 : memref<!tpu.dma_semaphore, #tpu.memory_space<semaphore_mem>>) src(%dma_wait3A_853 : memref<1000000x32xf32, #tpu.memory_space<hbm>>) dst(%arg9 : memref<128x32xf32, #tpu.memory_space<vmem>>)
    %add3A_854 = arith.constant 6528 : i32
    %add3A_855 = arith.addi %mul3A_4, %add3A_854 : i32
    "tpu.region"() ({
      %run_scoped3A = tpu.sem_alloc : memref<!tpu.dma_semaphore, #tpu.memory_space<semaphore_mem>>
      %dma_start3A_1667 = arith.constant 0 : i32
      %dma_start3A_1668 = tpu.memref_slice %arg4[%add3A_855, %dma_start3A_1667] : memref<425984x32xf32, #tpu.memory_space<hbm>> -> memref<128x32xf32, #tpu.memory_space<hbm>>
      %dma_start3A_1669 = arith.constant 0 : i32
      %dma_start3A_1670 = tpu.memref_slice %arg4[%add3A_855, %dma_start3A_1669] : memref<425984x32xf32, #tpu.memory_space<hbm>> -> memref<128x32xf32, #tpu.memory_space<hbm>>
      tpu.enqueue_dma source(%arg9 : memref<128x32xf32, #tpu.memory_space<vmem>>) target(%dma_start3A_1670 : memref<128x32xf32, #tpu.memory_space<hbm>>) target_semaphore(%run_scoped3A : memref<!tpu.dma_semaphore, #tpu.memory_space<semaphore_mem>>)
      %dma_wait3A_1671 = arith.constant 0 : i32
      %dma_wait3A_1672 = tpu.memref_slice %arg4[%add3A_855, %dma_wait3A_1671] : memref<425984x32xf32, #tpu.memory_space<hbm>> -> memref<128x32xf32, #tpu.memory_space<hbm>>
      %dma_wait3A_1673 = arith.constant 0 : i32
      %dma_wait3A_1674 = tpu.memref_slice %arg4[%add3A_855, %dma_wait3A_1673] : memref<425984x32xf32, #tpu.memory_space<hbm>> -> memref<128x32xf32, #tpu.memory_space<hbm>>
      tpu.wait_dma2 semaphore(%run_scoped3A : memref<!tpu.dma_semaphore, #tpu.memory_space<semaphore_mem>>) src(%arg9 : memref<128x32xf32, #tpu.memory_space<vmem>>) dst(%dma_wait3A_1674 : memref<128x32xf32, #tpu.memory_space<hbm>>)
      tpu.yield
    }) : () -> ()
    %dma_start3A_856 = arith.constant 55 : i32
    %dma_start3A_857 = arith.constant 0 : i32
    %dma_start3A_858 = tpu.memref_slice %arg5[%dma_start3A_856, %dma_start3A_857] : memref<104x128xi32, #tpu.memory_space<vmem>> -> memref<1x128xi32, #tpu.memory_space<vmem>>
    %dma_start3A_859 = tpu.memref_squeeze %dma_start3A_858 : memref<1x128xi32, #tpu.memory_space<vmem>> -> memref<128xi32, #tpu.memory_space<vmem>>
    %dma_start3A_860 = arith.constant 0 : i32
    %dma_start3A_861 = arith.constant 0 : i32
    %dma_start3A_862 = tpu.memref_slice %arg3[%dma_start3A_860, %dma_start3A_861] : memref<1000000x32xf32, #tpu.memory_space<hbm>> -> memref<1000000x32xf32, #tpu.memory_space<hbm>>
    tpu.enqueue_indirect_dma source(%dma_start3A_862 : memref<1000000x32xf32, #tpu.memory_space<hbm>>) target(%arg9 : memref<128x32xf32, #tpu.memory_space<vmem>>) offsets(%dma_start3A_859 : memref<128xi32, #tpu.memory_space<vmem>>) semaphore(%arg13 : memref<!tpu.dma_semaphore, #tpu.memory_space<semaphore_mem>>)
    %dma_wait3A_863 = arith.constant 52 : i32
    %dma_wait3A_864 = arith.constant 0 : i32
    %dma_wait3A_865 = tpu.memref_slice %arg5[%dma_wait3A_863, %dma_wait3A_864] : memref<104x128xi32, #tpu.memory_space<vmem>> -> memref<1x128xi32, #tpu.memory_space<vmem>>
    %dma_wait3A_866 = tpu.memref_squeeze %dma_wait3A_865 : memref<1x128xi32, #tpu.memory_space<vmem>> -> memref<128xi32, #tpu.memory_space<vmem>>
    %dma_wait3A_867 = arith.constant 0 : i32
    %dma_wait3A_868 = arith.constant 0 : i32
    %dma_wait3A_869 = tpu.memref_slice %arg3[%dma_wait3A_867, %dma_wait3A_868] : memref<1000000x32xf32, #tpu.memory_space<hbm>> -> memref<1000000x32xf32, #tpu.memory_space<hbm>>
    tpu.wait_indirect_dma semaphore(%arg10 : memref<!tpu.dma_semaphore, #tpu.memory_space<semaphore_mem>>) src(%dma_wait3A_869 : memref<1000000x32xf32, #tpu.memory_space<hbm>>) dst(%arg6 : memref<128x32xf32, #tpu.memory_space<vmem>>)
    %add3A_870 = arith.constant 6656 : i32
    %add3A_871 = arith.addi %mul3A_4, %add3A_870 : i32
    "tpu.region"() ({
      %run_scoped3A = tpu.sem_alloc : memref<!tpu.dma_semaphore, #tpu.memory_space<semaphore_mem>>
      %dma_start3A_1667 = arith.constant 0 : i32
      %dma_start3A_1668 = tpu.memref_slice %arg4[%add3A_871, %dma_start3A_1667] : memref<425984x32xf32, #tpu.memory_space<hbm>> -> memref<128x32xf32, #tpu.memory_space<hbm>>
      %dma_start3A_1669 = arith.constant 0 : i32
      %dma_start3A_1670 = tpu.memref_slice %arg4[%add3A_871, %dma_start3A_1669] : memref<425984x32xf32, #tpu.memory_space<hbm>> -> memref<128x32xf32, #tpu.memory_space<hbm>>
      tpu.enqueue_dma source(%arg6 : memref<128x32xf32, #tpu.memory_space<vmem>>) target(%dma_start3A_1670 : memref<128x32xf32, #tpu.memory_space<hbm>>) target_semaphore(%run_scoped3A : memref<!tpu.dma_semaphore, #tpu.memory_space<semaphore_mem>>)
      %dma_wait3A_1671 = arith.constant 0 : i32
      %dma_wait3A_1672 = tpu.memref_slice %arg4[%add3A_871, %dma_wait3A_1671] : memref<425984x32xf32, #tpu.memory_space<hbm>> -> memref<128x32xf32, #tpu.memory_space<hbm>>
      %dma_wait3A_1673 = arith.constant 0 : i32
      %dma_wait3A_1674 = tpu.memref_slice %arg4[%add3A_871, %dma_wait3A_1673] : memref<425984x32xf32, #tpu.memory_space<hbm>> -> memref<128x32xf32, #tpu.memory_space<hbm>>
      tpu.wait_dma2 semaphore(%run_scoped3A : memref<!tpu.dma_semaphore, #tpu.memory_space<semaphore_mem>>) src(%arg6 : memref<128x32xf32, #tpu.memory_space<vmem>>) dst(%dma_wait3A_1674 : memref<128x32xf32, #tpu.memory_space<hbm>>)
      tpu.yield
    }) : () -> ()
    %dma_start3A_872 = arith.constant 56 : i32
    %dma_start3A_873 = arith.constant 0 : i32
    %dma_start3A_874 = tpu.memref_slice %arg5[%dma_start3A_872, %dma_start3A_873] : memref<104x128xi32, #tpu.memory_space<vmem>> -> memref<1x128xi32, #tpu.memory_space<vmem>>
    %dma_start3A_875 = tpu.memref_squeeze %dma_start3A_874 : memref<1x128xi32, #tpu.memory_space<vmem>> -> memref<128xi32, #tpu.memory_space<vmem>>
    %dma_start3A_876 = arith.constant 0 : i32
    %dma_start3A_877 = arith.constant 0 : i32
    %dma_start3A_878 = tpu.memref_slice %arg3[%dma_start3A_876, %dma_start3A_877] : memref<1000000x32xf32, #tpu.memory_space<hbm>> -> memref<1000000x32xf32, #tpu.memory_space<hbm>>
    tpu.enqueue_indirect_dma source(%dma_start3A_878 : memref<1000000x32xf32, #tpu.memory_space<hbm>>) target(%arg6 : memref<128x32xf32, #tpu.memory_space<vmem>>) offsets(%dma_start3A_875 : memref<128xi32, #tpu.memory_space<vmem>>) semaphore(%arg10 : memref<!tpu.dma_semaphore, #tpu.memory_space<semaphore_mem>>)
    %dma_wait3A_879 = arith.constant 53 : i32
    %dma_wait3A_880 = arith.constant 0 : i32
    %dma_wait3A_881 = tpu.memref_slice %arg5[%dma_wait3A_879, %dma_wait3A_880] : memref<104x128xi32, #tpu.memory_space<vmem>> -> memref<1x128xi32, #tpu.memory_space<vmem>>
    %dma_wait3A_882 = tpu.memref_squeeze %dma_wait3A_881 : memref<1x128xi32, #tpu.memory_space<vmem>> -> memref<128xi32, #tpu.memory_space<vmem>>
    %dma_wait3A_883 = arith.constant 0 : i32
    %dma_wait3A_884 = arith.constant 0 : i32
    %dma_wait3A_885 = tpu.memref_slice %arg3[%dma_wait3A_883, %dma_wait3A_884] : memref<1000000x32xf32, #tpu.memory_space<hbm>> -> memref<1000000x32xf32, #tpu.memory_space<hbm>>
    tpu.wait_indirect_dma semaphore(%arg11 : memref<!tpu.dma_semaphore, #tpu.memory_space<semaphore_mem>>) src(%dma_wait3A_885 : memref<1000000x32xf32, #tpu.memory_space<hbm>>) dst(%arg7 : memref<128x32xf32, #tpu.memory_space<vmem>>)
    %add3A_886 = arith.constant 6784 : i32
    %add3A_887 = arith.addi %mul3A_4, %add3A_886 : i32
    "tpu.region"() ({
      %run_scoped3A = tpu.sem_alloc : memref<!tpu.dma_semaphore, #tpu.memory_space<semaphore_mem>>
      %dma_start3A_1667 = arith.constant 0 : i32
      %dma_start3A_1668 = tpu.memref_slice %arg4[%add3A_887, %dma_start3A_1667] : memref<425984x32xf32, #tpu.memory_space<hbm>> -> memref<128x32xf32, #tpu.memory_space<hbm>>
      %dma_start3A_1669 = arith.constant 0 : i32
      %dma_start3A_1670 = tpu.memref_slice %arg4[%add3A_887, %dma_start3A_1669] : memref<425984x32xf32, #tpu.memory_space<hbm>> -> memref<128x32xf32, #tpu.memory_space<hbm>>
      tpu.enqueue_dma source(%arg7 : memref<128x32xf32, #tpu.memory_space<vmem>>) target(%dma_start3A_1670 : memref<128x32xf32, #tpu.memory_space<hbm>>) target_semaphore(%run_scoped3A : memref<!tpu.dma_semaphore, #tpu.memory_space<semaphore_mem>>)
      %dma_wait3A_1671 = arith.constant 0 : i32
      %dma_wait3A_1672 = tpu.memref_slice %arg4[%add3A_887, %dma_wait3A_1671] : memref<425984x32xf32, #tpu.memory_space<hbm>> -> memref<128x32xf32, #tpu.memory_space<hbm>>
      %dma_wait3A_1673 = arith.constant 0 : i32
      %dma_wait3A_1674 = tpu.memref_slice %arg4[%add3A_887, %dma_wait3A_1673] : memref<425984x32xf32, #tpu.memory_space<hbm>> -> memref<128x32xf32, #tpu.memory_space<hbm>>
      tpu.wait_dma2 semaphore(%run_scoped3A : memref<!tpu.dma_semaphore, #tpu.memory_space<semaphore_mem>>) src(%arg7 : memref<128x32xf32, #tpu.memory_space<vmem>>) dst(%dma_wait3A_1674 : memref<128x32xf32, #tpu.memory_space<hbm>>)
      tpu.yield
    }) : () -> ()
    %dma_start3A_888 = arith.constant 57 : i32
    %dma_start3A_889 = arith.constant 0 : i32
    %dma_start3A_890 = tpu.memref_slice %arg5[%dma_start3A_888, %dma_start3A_889] : memref<104x128xi32, #tpu.memory_space<vmem>> -> memref<1x128xi32, #tpu.memory_space<vmem>>
    %dma_start3A_891 = tpu.memref_squeeze %dma_start3A_890 : memref<1x128xi32, #tpu.memory_space<vmem>> -> memref<128xi32, #tpu.memory_space<vmem>>
    %dma_start3A_892 = arith.constant 0 : i32
    %dma_start3A_893 = arith.constant 0 : i32
    %dma_start3A_894 = tpu.memref_slice %arg3[%dma_start3A_892, %dma_start3A_893] : memref<1000000x32xf32, #tpu.memory_space<hbm>> -> memref<1000000x32xf32, #tpu.memory_space<hbm>>
    tpu.enqueue_indirect_dma source(%dma_start3A_894 : memref<1000000x32xf32, #tpu.memory_space<hbm>>) target(%arg7 : memref<128x32xf32, #tpu.memory_space<vmem>>) offsets(%dma_start3A_891 : memref<128xi32, #tpu.memory_space<vmem>>) semaphore(%arg11 : memref<!tpu.dma_semaphore, #tpu.memory_space<semaphore_mem>>)
    %dma_wait3A_895 = arith.constant 54 : i32
    %dma_wait3A_896 = arith.constant 0 : i32
    %dma_wait3A_897 = tpu.memref_slice %arg5[%dma_wait3A_895, %dma_wait3A_896] : memref<104x128xi32, #tpu.memory_space<vmem>> -> memref<1x128xi32, #tpu.memory_space<vmem>>
    %dma_wait3A_898 = tpu.memref_squeeze %dma_wait3A_897 : memref<1x128xi32, #tpu.memory_space<vmem>> -> memref<128xi32, #tpu.memory_space<vmem>>
    %dma_wait3A_899 = arith.constant 0 : i32
    %dma_wait3A_900 = arith.constant 0 : i32
    %dma_wait3A_901 = tpu.memref_slice %arg3[%dma_wait3A_899, %dma_wait3A_900] : memref<1000000x32xf32, #tpu.memory_space<hbm>> -> memref<1000000x32xf32, #tpu.memory_space<hbm>>
    tpu.wait_indirect_dma semaphore(%arg12 : memref<!tpu.dma_semaphore, #tpu.memory_space<semaphore_mem>>) src(%dma_wait3A_901 : memref<1000000x32xf32, #tpu.memory_space<hbm>>) dst(%arg8 : memref<128x32xf32, #tpu.memory_space<vmem>>)
    %add3A_902 = arith.constant 6912 : i32
    %add3A_903 = arith.addi %mul3A_4, %add3A_902 : i32
    "tpu.region"() ({
      %run_scoped3A = tpu.sem_alloc : memref<!tpu.dma_semaphore, #tpu.memory_space<semaphore_mem>>
      %dma_start3A_1667 = arith.constant 0 : i32
      %dma_start3A_1668 = tpu.memref_slice %arg4[%add3A_903, %dma_start3A_1667] : memref<425984x32xf32, #tpu.memory_space<hbm>> -> memref<128x32xf32, #tpu.memory_space<hbm>>
      %dma_start3A_1669 = arith.constant 0 : i32
      %dma_start3A_1670 = tpu.memref_slice %arg4[%add3A_903, %dma_start3A_1669] : memref<425984x32xf32, #tpu.memory_space<hbm>> -> memref<128x32xf32, #tpu.memory_space<hbm>>
      tpu.enqueue_dma source(%arg8 : memref<128x32xf32, #tpu.memory_space<vmem>>) target(%dma_start3A_1670 : memref<128x32xf32, #tpu.memory_space<hbm>>) target_semaphore(%run_scoped3A : memref<!tpu.dma_semaphore, #tpu.memory_space<semaphore_mem>>)
      %dma_wait3A_1671 = arith.constant 0 : i32
      %dma_wait3A_1672 = tpu.memref_slice %arg4[%add3A_903, %dma_wait3A_1671] : memref<425984x32xf32, #tpu.memory_space<hbm>> -> memref<128x32xf32, #tpu.memory_space<hbm>>
      %dma_wait3A_1673 = arith.constant 0 : i32
      %dma_wait3A_1674 = tpu.memref_slice %arg4[%add3A_903, %dma_wait3A_1673] : memref<425984x32xf32, #tpu.memory_space<hbm>> -> memref<128x32xf32, #tpu.memory_space<hbm>>
      tpu.wait_dma2 semaphore(%run_scoped3A : memref<!tpu.dma_semaphore, #tpu.memory_space<semaphore_mem>>) src(%arg8 : memref<128x32xf32, #tpu.memory_space<vmem>>) dst(%dma_wait3A_1674 : memref<128x32xf32, #tpu.memory_space<hbm>>)
      tpu.yield
    }) : () -> ()
    %dma_start3A_904 = arith.constant 58 : i32
    %dma_start3A_905 = arith.constant 0 : i32
    %dma_start3A_906 = tpu.memref_slice %arg5[%dma_start3A_904, %dma_start3A_905] : memref<104x128xi32, #tpu.memory_space<vmem>> -> memref<1x128xi32, #tpu.memory_space<vmem>>
    %dma_start3A_907 = tpu.memref_squeeze %dma_start3A_906 : memref<1x128xi32, #tpu.memory_space<vmem>> -> memref<128xi32, #tpu.memory_space<vmem>>
    %dma_start3A_908 = arith.constant 0 : i32
    %dma_start3A_909 = arith.constant 0 : i32
    %dma_start3A_910 = tpu.memref_slice %arg3[%dma_start3A_908, %dma_start3A_909] : memref<1000000x32xf32, #tpu.memory_space<hbm>> -> memref<1000000x32xf32, #tpu.memory_space<hbm>>
    tpu.enqueue_indirect_dma source(%dma_start3A_910 : memref<1000000x32xf32, #tpu.memory_space<hbm>>) target(%arg8 : memref<128x32xf32, #tpu.memory_space<vmem>>) offsets(%dma_start3A_907 : memref<128xi32, #tpu.memory_space<vmem>>) semaphore(%arg12 : memref<!tpu.dma_semaphore, #tpu.memory_space<semaphore_mem>>)
    %dma_wait3A_911 = arith.constant 55 : i32
    %dma_wait3A_912 = arith.constant 0 : i32
    %dma_wait3A_913 = tpu.memref_slice %arg5[%dma_wait3A_911, %dma_wait3A_912] : memref<104x128xi32, #tpu.memory_space<vmem>> -> memref<1x128xi32, #tpu.memory_space<vmem>>
    %dma_wait3A_914 = tpu.memref_squeeze %dma_wait3A_913 : memref<1x128xi32, #tpu.memory_space<vmem>> -> memref<128xi32, #tpu.memory_space<vmem>>
    %dma_wait3A_915 = arith.constant 0 : i32
    %dma_wait3A_916 = arith.constant 0 : i32
    %dma_wait3A_917 = tpu.memref_slice %arg3[%dma_wait3A_915, %dma_wait3A_916] : memref<1000000x32xf32, #tpu.memory_space<hbm>> -> memref<1000000x32xf32, #tpu.memory_space<hbm>>
    tpu.wait_indirect_dma semaphore(%arg13 : memref<!tpu.dma_semaphore, #tpu.memory_space<semaphore_mem>>) src(%dma_wait3A_917 : memref<1000000x32xf32, #tpu.memory_space<hbm>>) dst(%arg9 : memref<128x32xf32, #tpu.memory_space<vmem>>)
    %add3A_918 = arith.constant 7040 : i32
    %add3A_919 = arith.addi %mul3A_4, %add3A_918 : i32
    "tpu.region"() ({
      %run_scoped3A = tpu.sem_alloc : memref<!tpu.dma_semaphore, #tpu.memory_space<semaphore_mem>>
      %dma_start3A_1667 = arith.constant 0 : i32
      %dma_start3A_1668 = tpu.memref_slice %arg4[%add3A_919, %dma_start3A_1667] : memref<425984x32xf32, #tpu.memory_space<hbm>> -> memref<128x32xf32, #tpu.memory_space<hbm>>
      %dma_start3A_1669 = arith.constant 0 : i32
      %dma_start3A_1670 = tpu.memref_slice %arg4[%add3A_919, %dma_start3A_1669] : memref<425984x32xf32, #tpu.memory_space<hbm>> -> memref<128x32xf32, #tpu.memory_space<hbm>>
      tpu.enqueue_dma source(%arg9 : memref<128x32xf32, #tpu.memory_space<vmem>>) target(%dma_start3A_1670 : memref<128x32xf32, #tpu.memory_space<hbm>>) target_semaphore(%run_scoped3A : memref<!tpu.dma_semaphore, #tpu.memory_space<semaphore_mem>>)
      %dma_wait3A_1671 = arith.constant 0 : i32
      %dma_wait3A_1672 = tpu.memref_slice %arg4[%add3A_919, %dma_wait3A_1671] : memref<425984x32xf32, #tpu.memory_space<hbm>> -> memref<128x32xf32, #tpu.memory_space<hbm>>
      %dma_wait3A_1673 = arith.constant 0 : i32
      %dma_wait3A_1674 = tpu.memref_slice %arg4[%add3A_919, %dma_wait3A_1673] : memref<425984x32xf32, #tpu.memory_space<hbm>> -> memref<128x32xf32, #tpu.memory_space<hbm>>
      tpu.wait_dma2 semaphore(%run_scoped3A : memref<!tpu.dma_semaphore, #tpu.memory_space<semaphore_mem>>) src(%arg9 : memref<128x32xf32, #tpu.memory_space<vmem>>) dst(%dma_wait3A_1674 : memref<128x32xf32, #tpu.memory_space<hbm>>)
      tpu.yield
    }) : () -> ()
    %dma_start3A_920 = arith.constant 59 : i32
    %dma_start3A_921 = arith.constant 0 : i32
    %dma_start3A_922 = tpu.memref_slice %arg5[%dma_start3A_920, %dma_start3A_921] : memref<104x128xi32, #tpu.memory_space<vmem>> -> memref<1x128xi32, #tpu.memory_space<vmem>>
    %dma_start3A_923 = tpu.memref_squeeze %dma_start3A_922 : memref<1x128xi32, #tpu.memory_space<vmem>> -> memref<128xi32, #tpu.memory_space<vmem>>
    %dma_start3A_924 = arith.constant 0 : i32
    %dma_start3A_925 = arith.constant 0 : i32
    %dma_start3A_926 = tpu.memref_slice %arg3[%dma_start3A_924, %dma_start3A_925] : memref<1000000x32xf32, #tpu.memory_space<hbm>> -> memref<1000000x32xf32, #tpu.memory_space<hbm>>
    tpu.enqueue_indirect_dma source(%dma_start3A_926 : memref<1000000x32xf32, #tpu.memory_space<hbm>>) target(%arg9 : memref<128x32xf32, #tpu.memory_space<vmem>>) offsets(%dma_start3A_923 : memref<128xi32, #tpu.memory_space<vmem>>) semaphore(%arg13 : memref<!tpu.dma_semaphore, #tpu.memory_space<semaphore_mem>>)
    %dma_wait3A_927 = arith.constant 56 : i32
    %dma_wait3A_928 = arith.constant 0 : i32
    %dma_wait3A_929 = tpu.memref_slice %arg5[%dma_wait3A_927, %dma_wait3A_928] : memref<104x128xi32, #tpu.memory_space<vmem>> -> memref<1x128xi32, #tpu.memory_space<vmem>>
    %dma_wait3A_930 = tpu.memref_squeeze %dma_wait3A_929 : memref<1x128xi32, #tpu.memory_space<vmem>> -> memref<128xi32, #tpu.memory_space<vmem>>
    %dma_wait3A_931 = arith.constant 0 : i32
    %dma_wait3A_932 = arith.constant 0 : i32
    %dma_wait3A_933 = tpu.memref_slice %arg3[%dma_wait3A_931, %dma_wait3A_932] : memref<1000000x32xf32, #tpu.memory_space<hbm>> -> memref<1000000x32xf32, #tpu.memory_space<hbm>>
    tpu.wait_indirect_dma semaphore(%arg10 : memref<!tpu.dma_semaphore, #tpu.memory_space<semaphore_mem>>) src(%dma_wait3A_933 : memref<1000000x32xf32, #tpu.memory_space<hbm>>) dst(%arg6 : memref<128x32xf32, #tpu.memory_space<vmem>>)
    %add3A_934 = arith.constant 7168 : i32
    %add3A_935 = arith.addi %mul3A_4, %add3A_934 : i32
    "tpu.region"() ({
      %run_scoped3A = tpu.sem_alloc : memref<!tpu.dma_semaphore, #tpu.memory_space<semaphore_mem>>
      %dma_start3A_1667 = arith.constant 0 : i32
      %dma_start3A_1668 = tpu.memref_slice %arg4[%add3A_935, %dma_start3A_1667] : memref<425984x32xf32, #tpu.memory_space<hbm>> -> memref<128x32xf32, #tpu.memory_space<hbm>>
      %dma_start3A_1669 = arith.constant 0 : i32
      %dma_start3A_1670 = tpu.memref_slice %arg4[%add3A_935, %dma_start3A_1669] : memref<425984x32xf32, #tpu.memory_space<hbm>> -> memref<128x32xf32, #tpu.memory_space<hbm>>
      tpu.enqueue_dma source(%arg6 : memref<128x32xf32, #tpu.memory_space<vmem>>) target(%dma_start3A_1670 : memref<128x32xf32, #tpu.memory_space<hbm>>) target_semaphore(%run_scoped3A : memref<!tpu.dma_semaphore, #tpu.memory_space<semaphore_mem>>)
      %dma_wait3A_1671 = arith.constant 0 : i32
      %dma_wait3A_1672 = tpu.memref_slice %arg4[%add3A_935, %dma_wait3A_1671] : memref<425984x32xf32, #tpu.memory_space<hbm>> -> memref<128x32xf32, #tpu.memory_space<hbm>>
      %dma_wait3A_1673 = arith.constant 0 : i32
      %dma_wait3A_1674 = tpu.memref_slice %arg4[%add3A_935, %dma_wait3A_1673] : memref<425984x32xf32, #tpu.memory_space<hbm>> -> memref<128x32xf32, #tpu.memory_space<hbm>>
      tpu.wait_dma2 semaphore(%run_scoped3A : memref<!tpu.dma_semaphore, #tpu.memory_space<semaphore_mem>>) src(%arg6 : memref<128x32xf32, #tpu.memory_space<vmem>>) dst(%dma_wait3A_1674 : memref<128x32xf32, #tpu.memory_space<hbm>>)
      tpu.yield
    }) : () -> ()
    %dma_start3A_936 = arith.constant 60 : i32
    %dma_start3A_937 = arith.constant 0 : i32
    %dma_start3A_938 = tpu.memref_slice %arg5[%dma_start3A_936, %dma_start3A_937] : memref<104x128xi32, #tpu.memory_space<vmem>> -> memref<1x128xi32, #tpu.memory_space<vmem>>
    %dma_start3A_939 = tpu.memref_squeeze %dma_start3A_938 : memref<1x128xi32, #tpu.memory_space<vmem>> -> memref<128xi32, #tpu.memory_space<vmem>>
    %dma_start3A_940 = arith.constant 0 : i32
    %dma_start3A_941 = arith.constant 0 : i32
    %dma_start3A_942 = tpu.memref_slice %arg3[%dma_start3A_940, %dma_start3A_941] : memref<1000000x32xf32, #tpu.memory_space<hbm>> -> memref<1000000x32xf32, #tpu.memory_space<hbm>>
    tpu.enqueue_indirect_dma source(%dma_start3A_942 : memref<1000000x32xf32, #tpu.memory_space<hbm>>) target(%arg6 : memref<128x32xf32, #tpu.memory_space<vmem>>) offsets(%dma_start3A_939 : memref<128xi32, #tpu.memory_space<vmem>>) semaphore(%arg10 : memref<!tpu.dma_semaphore, #tpu.memory_space<semaphore_mem>>)
    %dma_wait3A_943 = arith.constant 57 : i32
    %dma_wait3A_944 = arith.constant 0 : i32
    %dma_wait3A_945 = tpu.memref_slice %arg5[%dma_wait3A_943, %dma_wait3A_944] : memref<104x128xi32, #tpu.memory_space<vmem>> -> memref<1x128xi32, #tpu.memory_space<vmem>>
    %dma_wait3A_946 = tpu.memref_squeeze %dma_wait3A_945 : memref<1x128xi32, #tpu.memory_space<vmem>> -> memref<128xi32, #tpu.memory_space<vmem>>
    %dma_wait3A_947 = arith.constant 0 : i32
    %dma_wait3A_948 = arith.constant 0 : i32
    %dma_wait3A_949 = tpu.memref_slice %arg3[%dma_wait3A_947, %dma_wait3A_948] : memref<1000000x32xf32, #tpu.memory_space<hbm>> -> memref<1000000x32xf32, #tpu.memory_space<hbm>>
    tpu.wait_indirect_dma semaphore(%arg11 : memref<!tpu.dma_semaphore, #tpu.memory_space<semaphore_mem>>) src(%dma_wait3A_949 : memref<1000000x32xf32, #tpu.memory_space<hbm>>) dst(%arg7 : memref<128x32xf32, #tpu.memory_space<vmem>>)
    %add3A_950 = arith.constant 7296 : i32
    %add3A_951 = arith.addi %mul3A_4, %add3A_950 : i32
    "tpu.region"() ({
      %run_scoped3A = tpu.sem_alloc : memref<!tpu.dma_semaphore, #tpu.memory_space<semaphore_mem>>
      %dma_start3A_1667 = arith.constant 0 : i32
      %dma_start3A_1668 = tpu.memref_slice %arg4[%add3A_951, %dma_start3A_1667] : memref<425984x32xf32, #tpu.memory_space<hbm>> -> memref<128x32xf32, #tpu.memory_space<hbm>>
      %dma_start3A_1669 = arith.constant 0 : i32
      %dma_start3A_1670 = tpu.memref_slice %arg4[%add3A_951, %dma_start3A_1669] : memref<425984x32xf32, #tpu.memory_space<hbm>> -> memref<128x32xf32, #tpu.memory_space<hbm>>
      tpu.enqueue_dma source(%arg7 : memref<128x32xf32, #tpu.memory_space<vmem>>) target(%dma_start3A_1670 : memref<128x32xf32, #tpu.memory_space<hbm>>) target_semaphore(%run_scoped3A : memref<!tpu.dma_semaphore, #tpu.memory_space<semaphore_mem>>)
      %dma_wait3A_1671 = arith.constant 0 : i32
      %dma_wait3A_1672 = tpu.memref_slice %arg4[%add3A_951, %dma_wait3A_1671] : memref<425984x32xf32, #tpu.memory_space<hbm>> -> memref<128x32xf32, #tpu.memory_space<hbm>>
      %dma_wait3A_1673 = arith.constant 0 : i32
      %dma_wait3A_1674 = tpu.memref_slice %arg4[%add3A_951, %dma_wait3A_1673] : memref<425984x32xf32, #tpu.memory_space<hbm>> -> memref<128x32xf32, #tpu.memory_space<hbm>>
      tpu.wait_dma2 semaphore(%run_scoped3A : memref<!tpu.dma_semaphore, #tpu.memory_space<semaphore_mem>>) src(%arg7 : memref<128x32xf32, #tpu.memory_space<vmem>>) dst(%dma_wait3A_1674 : memref<128x32xf32, #tpu.memory_space<hbm>>)
      tpu.yield
    }) : () -> ()
    %dma_start3A_952 = arith.constant 61 : i32
    %dma_start3A_953 = arith.constant 0 : i32
    %dma_start3A_954 = tpu.memref_slice %arg5[%dma_start3A_952, %dma_start3A_953] : memref<104x128xi32, #tpu.memory_space<vmem>> -> memref<1x128xi32, #tpu.memory_space<vmem>>
    %dma_start3A_955 = tpu.memref_squeeze %dma_start3A_954 : memref<1x128xi32, #tpu.memory_space<vmem>> -> memref<128xi32, #tpu.memory_space<vmem>>
    %dma_start3A_956 = arith.constant 0 : i32
    %dma_start3A_957 = arith.constant 0 : i32
    %dma_start3A_958 = tpu.memref_slice %arg3[%dma_start3A_956, %dma_start3A_957] : memref<1000000x32xf32, #tpu.memory_space<hbm>> -> memref<1000000x32xf32, #tpu.memory_space<hbm>>
    tpu.enqueue_indirect_dma source(%dma_start3A_958 : memref<1000000x32xf32, #tpu.memory_space<hbm>>) target(%arg7 : memref<128x32xf32, #tpu.memory_space<vmem>>) offsets(%dma_start3A_955 : memref<128xi32, #tpu.memory_space<vmem>>) semaphore(%arg11 : memref<!tpu.dma_semaphore, #tpu.memory_space<semaphore_mem>>)
    %dma_wait3A_959 = arith.constant 58 : i32
    %dma_wait3A_960 = arith.constant 0 : i32
    %dma_wait3A_961 = tpu.memref_slice %arg5[%dma_wait3A_959, %dma_wait3A_960] : memref<104x128xi32, #tpu.memory_space<vmem>> -> memref<1x128xi32, #tpu.memory_space<vmem>>
    %dma_wait3A_962 = tpu.memref_squeeze %dma_wait3A_961 : memref<1x128xi32, #tpu.memory_space<vmem>> -> memref<128xi32, #tpu.memory_space<vmem>>
    %dma_wait3A_963 = arith.constant 0 : i32
    %dma_wait3A_964 = arith.constant 0 : i32
    %dma_wait3A_965 = tpu.memref_slice %arg3[%dma_wait3A_963, %dma_wait3A_964] : memref<1000000x32xf32, #tpu.memory_space<hbm>> -> memref<1000000x32xf32, #tpu.memory_space<hbm>>
    tpu.wait_indirect_dma semaphore(%arg12 : memref<!tpu.dma_semaphore, #tpu.memory_space<semaphore_mem>>) src(%dma_wait3A_965 : memref<1000000x32xf32, #tpu.memory_space<hbm>>) dst(%arg8 : memref<128x32xf32, #tpu.memory_space<vmem>>)
    %add3A_966 = arith.constant 7424 : i32
    %add3A_967 = arith.addi %mul3A_4, %add3A_966 : i32
    "tpu.region"() ({
      %run_scoped3A = tpu.sem_alloc : memref<!tpu.dma_semaphore, #tpu.memory_space<semaphore_mem>>
      %dma_start3A_1667 = arith.constant 0 : i32
      %dma_start3A_1668 = tpu.memref_slice %arg4[%add3A_967, %dma_start3A_1667] : memref<425984x32xf32, #tpu.memory_space<hbm>> -> memref<128x32xf32, #tpu.memory_space<hbm>>
      %dma_start3A_1669 = arith.constant 0 : i32
      %dma_start3A_1670 = tpu.memref_slice %arg4[%add3A_967, %dma_start3A_1669] : memref<425984x32xf32, #tpu.memory_space<hbm>> -> memref<128x32xf32, #tpu.memory_space<hbm>>
      tpu.enqueue_dma source(%arg8 : memref<128x32xf32, #tpu.memory_space<vmem>>) target(%dma_start3A_1670 : memref<128x32xf32, #tpu.memory_space<hbm>>) target_semaphore(%run_scoped3A : memref<!tpu.dma_semaphore, #tpu.memory_space<semaphore_mem>>)
      %dma_wait3A_1671 = arith.constant 0 : i32
      %dma_wait3A_1672 = tpu.memref_slice %arg4[%add3A_967, %dma_wait3A_1671] : memref<425984x32xf32, #tpu.memory_space<hbm>> -> memref<128x32xf32, #tpu.memory_space<hbm>>
      %dma_wait3A_1673 = arith.constant 0 : i32
      %dma_wait3A_1674 = tpu.memref_slice %arg4[%add3A_967, %dma_wait3A_1673] : memref<425984x32xf32, #tpu.memory_space<hbm>> -> memref<128x32xf32, #tpu.memory_space<hbm>>
      tpu.wait_dma2 semaphore(%run_scoped3A : memref<!tpu.dma_semaphore, #tpu.memory_space<semaphore_mem>>) src(%arg8 : memref<128x32xf32, #tpu.memory_space<vmem>>) dst(%dma_wait3A_1674 : memref<128x32xf32, #tpu.memory_space<hbm>>)
      tpu.yield
    }) : () -> ()
    %dma_start3A_968 = arith.constant 62 : i32
    %dma_start3A_969 = arith.constant 0 : i32
    %dma_start3A_970 = tpu.memref_slice %arg5[%dma_start3A_968, %dma_start3A_969] : memref<104x128xi32, #tpu.memory_space<vmem>> -> memref<1x128xi32, #tpu.memory_space<vmem>>
    %dma_start3A_971 = tpu.memref_squeeze %dma_start3A_970 : memref<1x128xi32, #tpu.memory_space<vmem>> -> memref<128xi32, #tpu.memory_space<vmem>>
    %dma_start3A_972 = arith.constant 0 : i32
    %dma_start3A_973 = arith.constant 0 : i32
    %dma_start3A_974 = tpu.memref_slice %arg3[%dma_start3A_972, %dma_start3A_973] : memref<1000000x32xf32, #tpu.memory_space<hbm>> -> memref<1000000x32xf32, #tpu.memory_space<hbm>>
    tpu.enqueue_indirect_dma source(%dma_start3A_974 : memref<1000000x32xf32, #tpu.memory_space<hbm>>) target(%arg8 : memref<128x32xf32, #tpu.memory_space<vmem>>) offsets(%dma_start3A_971 : memref<128xi32, #tpu.memory_space<vmem>>) semaphore(%arg12 : memref<!tpu.dma_semaphore, #tpu.memory_space<semaphore_mem>>)
    %dma_wait3A_975 = arith.constant 59 : i32
    %dma_wait3A_976 = arith.constant 0 : i32
    %dma_wait3A_977 = tpu.memref_slice %arg5[%dma_wait3A_975, %dma_wait3A_976] : memref<104x128xi32, #tpu.memory_space<vmem>> -> memref<1x128xi32, #tpu.memory_space<vmem>>
    %dma_wait3A_978 = tpu.memref_squeeze %dma_wait3A_977 : memref<1x128xi32, #tpu.memory_space<vmem>> -> memref<128xi32, #tpu.memory_space<vmem>>
    %dma_wait3A_979 = arith.constant 0 : i32
    %dma_wait3A_980 = arith.constant 0 : i32
    %dma_wait3A_981 = tpu.memref_slice %arg3[%dma_wait3A_979, %dma_wait3A_980] : memref<1000000x32xf32, #tpu.memory_space<hbm>> -> memref<1000000x32xf32, #tpu.memory_space<hbm>>
    tpu.wait_indirect_dma semaphore(%arg13 : memref<!tpu.dma_semaphore, #tpu.memory_space<semaphore_mem>>) src(%dma_wait3A_981 : memref<1000000x32xf32, #tpu.memory_space<hbm>>) dst(%arg9 : memref<128x32xf32, #tpu.memory_space<vmem>>)
    %add3A_982 = arith.constant 7552 : i32
    %add3A_983 = arith.addi %mul3A_4, %add3A_982 : i32
    "tpu.region"() ({
      %run_scoped3A = tpu.sem_alloc : memref<!tpu.dma_semaphore, #tpu.memory_space<semaphore_mem>>
      %dma_start3A_1667 = arith.constant 0 : i32
      %dma_start3A_1668 = tpu.memref_slice %arg4[%add3A_983, %dma_start3A_1667] : memref<425984x32xf32, #tpu.memory_space<hbm>> -> memref<128x32xf32, #tpu.memory_space<hbm>>
      %dma_start3A_1669 = arith.constant 0 : i32
      %dma_start3A_1670 = tpu.memref_slice %arg4[%add3A_983, %dma_start3A_1669] : memref<425984x32xf32, #tpu.memory_space<hbm>> -> memref<128x32xf32, #tpu.memory_space<hbm>>
      tpu.enqueue_dma source(%arg9 : memref<128x32xf32, #tpu.memory_space<vmem>>) target(%dma_start3A_1670 : memref<128x32xf32, #tpu.memory_space<hbm>>) target_semaphore(%run_scoped3A : memref<!tpu.dma_semaphore, #tpu.memory_space<semaphore_mem>>)
      %dma_wait3A_1671 = arith.constant 0 : i32
      %dma_wait3A_1672 = tpu.memref_slice %arg4[%add3A_983, %dma_wait3A_1671] : memref<425984x32xf32, #tpu.memory_space<hbm>> -> memref<128x32xf32, #tpu.memory_space<hbm>>
      %dma_wait3A_1673 = arith.constant 0 : i32
      %dma_wait3A_1674 = tpu.memref_slice %arg4[%add3A_983, %dma_wait3A_1673] : memref<425984x32xf32, #tpu.memory_space<hbm>> -> memref<128x32xf32, #tpu.memory_space<hbm>>
      tpu.wait_dma2 semaphore(%run_scoped3A : memref<!tpu.dma_semaphore, #tpu.memory_space<semaphore_mem>>) src(%arg9 : memref<128x32xf32, #tpu.memory_space<vmem>>) dst(%dma_wait3A_1674 : memref<128x32xf32, #tpu.memory_space<hbm>>)
      tpu.yield
    }) : () -> ()
    %dma_start3A_984 = arith.constant 63 : i32
    %dma_start3A_985 = arith.constant 0 : i32
    %dma_start3A_986 = tpu.memref_slice %arg5[%dma_start3A_984, %dma_start3A_985] : memref<104x128xi32, #tpu.memory_space<vmem>> -> memref<1x128xi32, #tpu.memory_space<vmem>>
    %dma_start3A_987 = tpu.memref_squeeze %dma_start3A_986 : memref<1x128xi32, #tpu.memory_space<vmem>> -> memref<128xi32, #tpu.memory_space<vmem>>
    %dma_start3A_988 = arith.constant 0 : i32
    %dma_start3A_989 = arith.constant 0 : i32
    %dma_start3A_990 = tpu.memref_slice %arg3[%dma_start3A_988, %dma_start3A_989] : memref<1000000x32xf32, #tpu.memory_space<hbm>> -> memref<1000000x32xf32, #tpu.memory_space<hbm>>
    tpu.enqueue_indirect_dma source(%dma_start3A_990 : memref<1000000x32xf32, #tpu.memory_space<hbm>>) target(%arg9 : memref<128x32xf32, #tpu.memory_space<vmem>>) offsets(%dma_start3A_987 : memref<128xi32, #tpu.memory_space<vmem>>) semaphore(%arg13 : memref<!tpu.dma_semaphore, #tpu.memory_space<semaphore_mem>>)
    %dma_wait3A_991 = arith.constant 60 : i32
    %dma_wait3A_992 = arith.constant 0 : i32
    %dma_wait3A_993 = tpu.memref_slice %arg5[%dma_wait3A_991, %dma_wait3A_992] : memref<104x128xi32, #tpu.memory_space<vmem>> -> memref<1x128xi32, #tpu.memory_space<vmem>>
    %dma_wait3A_994 = tpu.memref_squeeze %dma_wait3A_993 : memref<1x128xi32, #tpu.memory_space<vmem>> -> memref<128xi32, #tpu.memory_space<vmem>>
    %dma_wait3A_995 = arith.constant 0 : i32
    %dma_wait3A_996 = arith.constant 0 : i32
    %dma_wait3A_997 = tpu.memref_slice %arg3[%dma_wait3A_995, %dma_wait3A_996] : memref<1000000x32xf32, #tpu.memory_space<hbm>> -> memref<1000000x32xf32, #tpu.memory_space<hbm>>
    tpu.wait_indirect_dma semaphore(%arg10 : memref<!tpu.dma_semaphore, #tpu.memory_space<semaphore_mem>>) src(%dma_wait3A_997 : memref<1000000x32xf32, #tpu.memory_space<hbm>>) dst(%arg6 : memref<128x32xf32, #tpu.memory_space<vmem>>)
    %add3A_998 = arith.constant 7680 : i32
    %add3A_999 = arith.addi %mul3A_4, %add3A_998 : i32
    "tpu.region"() ({
      %run_scoped3A = tpu.sem_alloc : memref<!tpu.dma_semaphore, #tpu.memory_space<semaphore_mem>>
      %dma_start3A_1667 = arith.constant 0 : i32
      %dma_start3A_1668 = tpu.memref_slice %arg4[%add3A_999, %dma_start3A_1667] : memref<425984x32xf32, #tpu.memory_space<hbm>> -> memref<128x32xf32, #tpu.memory_space<hbm>>
      %dma_start3A_1669 = arith.constant 0 : i32
      %dma_start3A_1670 = tpu.memref_slice %arg4[%add3A_999, %dma_start3A_1669] : memref<425984x32xf32, #tpu.memory_space<hbm>> -> memref<128x32xf32, #tpu.memory_space<hbm>>
      tpu.enqueue_dma source(%arg6 : memref<128x32xf32, #tpu.memory_space<vmem>>) target(%dma_start3A_1670 : memref<128x32xf32, #tpu.memory_space<hbm>>) target_semaphore(%run_scoped3A : memref<!tpu.dma_semaphore, #tpu.memory_space<semaphore_mem>>)
      %dma_wait3A_1671 = arith.constant 0 : i32
      %dma_wait3A_1672 = tpu.memref_slice %arg4[%add3A_999, %dma_wait3A_1671] : memref<425984x32xf32, #tpu.memory_space<hbm>> -> memref<128x32xf32, #tpu.memory_space<hbm>>
      %dma_wait3A_1673 = arith.constant 0 : i32
      %dma_wait3A_1674 = tpu.memref_slice %arg4[%add3A_999, %dma_wait3A_1673] : memref<425984x32xf32, #tpu.memory_space<hbm>> -> memref<128x32xf32, #tpu.memory_space<hbm>>
      tpu.wait_dma2 semaphore(%run_scoped3A : memref<!tpu.dma_semaphore, #tpu.memory_space<semaphore_mem>>) src(%arg6 : memref<128x32xf32, #tpu.memory_space<vmem>>) dst(%dma_wait3A_1674 : memref<128x32xf32, #tpu.memory_space<hbm>>)
      tpu.yield
    }) : () -> ()
    %dma_start3A_1000 = arith.constant 64 : i32
    %dma_start3A_1001 = arith.constant 0 : i32
    %dma_start3A_1002 = tpu.memref_slice %arg5[%dma_start3A_1000, %dma_start3A_1001] : memref<104x128xi32, #tpu.memory_space<vmem>> -> memref<1x128xi32, #tpu.memory_space<vmem>>
    %dma_start3A_1003 = tpu.memref_squeeze %dma_start3A_1002 : memref<1x128xi32, #tpu.memory_space<vmem>> -> memref<128xi32, #tpu.memory_space<vmem>>
    %dma_start3A_1004 = arith.constant 0 : i32
    %dma_start3A_1005 = arith.constant 0 : i32
    %dma_start3A_1006 = tpu.memref_slice %arg3[%dma_start3A_1004, %dma_start3A_1005] : memref<1000000x32xf32, #tpu.memory_space<hbm>> -> memref<1000000x32xf32, #tpu.memory_space<hbm>>
    tpu.enqueue_indirect_dma source(%dma_start3A_1006 : memref<1000000x32xf32, #tpu.memory_space<hbm>>) target(%arg6 : memref<128x32xf32, #tpu.memory_space<vmem>>) offsets(%dma_start3A_1003 : memref<128xi32, #tpu.memory_space<vmem>>) semaphore(%arg10 : memref<!tpu.dma_semaphore, #tpu.memory_space<semaphore_mem>>)
    %dma_wait3A_1007 = arith.constant 61 : i32
    %dma_wait3A_1008 = arith.constant 0 : i32
    %dma_wait3A_1009 = tpu.memref_slice %arg5[%dma_wait3A_1007, %dma_wait3A_1008] : memref<104x128xi32, #tpu.memory_space<vmem>> -> memref<1x128xi32, #tpu.memory_space<vmem>>
    %dma_wait3A_1010 = tpu.memref_squeeze %dma_wait3A_1009 : memref<1x128xi32, #tpu.memory_space<vmem>> -> memref<128xi32, #tpu.memory_space<vmem>>
    %dma_wait3A_1011 = arith.constant 0 : i32
    %dma_wait3A_1012 = arith.constant 0 : i32
    %dma_wait3A_1013 = tpu.memref_slice %arg3[%dma_wait3A_1011, %dma_wait3A_1012] : memref<1000000x32xf32, #tpu.memory_space<hbm>> -> memref<1000000x32xf32, #tpu.memory_space<hbm>>
    tpu.wait_indirect_dma semaphore(%arg11 : memref<!tpu.dma_semaphore, #tpu.memory_space<semaphore_mem>>) src(%dma_wait3A_1013 : memref<1000000x32xf32, #tpu.memory_space<hbm>>) dst(%arg7 : memref<128x32xf32, #tpu.memory_space<vmem>>)
    %add3A_1014 = arith.constant 7808 : i32
    %add3A_1015 = arith.addi %mul3A_4, %add3A_1014 : i32
    "tpu.region"() ({
      %run_scoped3A = tpu.sem_alloc : memref<!tpu.dma_semaphore, #tpu.memory_space<semaphore_mem>>
      %dma_start3A_1667 = arith.constant 0 : i32
      %dma_start3A_1668 = tpu.memref_slice %arg4[%add3A_1015, %dma_start3A_1667] : memref<425984x32xf32, #tpu.memory_space<hbm>> -> memref<128x32xf32, #tpu.memory_space<hbm>>
      %dma_start3A_1669 = arith.constant 0 : i32
      %dma_start3A_1670 = tpu.memref_slice %arg4[%add3A_1015, %dma_start3A_1669] : memref<425984x32xf32, #tpu.memory_space<hbm>> -> memref<128x32xf32, #tpu.memory_space<hbm>>
      tpu.enqueue_dma source(%arg7 : memref<128x32xf32, #tpu.memory_space<vmem>>) target(%dma_start3A_1670 : memref<128x32xf32, #tpu.memory_space<hbm>>) target_semaphore(%run_scoped3A : memref<!tpu.dma_semaphore, #tpu.memory_space<semaphore_mem>>)
      %dma_wait3A_1671 = arith.constant 0 : i32
      %dma_wait3A_1672 = tpu.memref_slice %arg4[%add3A_1015, %dma_wait3A_1671] : memref<425984x32xf32, #tpu.memory_space<hbm>> -> memref<128x32xf32, #tpu.memory_space<hbm>>
      %dma_wait3A_1673 = arith.constant 0 : i32
      %dma_wait3A_1674 = tpu.memref_slice %arg4[%add3A_1015, %dma_wait3A_1673] : memref<425984x32xf32, #tpu.memory_space<hbm>> -> memref<128x32xf32, #tpu.memory_space<hbm>>
      tpu.wait_dma2 semaphore(%run_scoped3A : memref<!tpu.dma_semaphore, #tpu.memory_space<semaphore_mem>>) src(%arg7 : memref<128x32xf32, #tpu.memory_space<vmem>>) dst(%dma_wait3A_1674 : memref<128x32xf32, #tpu.memory_space<hbm>>)
      tpu.yield
    }) : () -> ()
    %dma_start3A_1016 = arith.constant 65 : i32
    %dma_start3A_1017 = arith.constant 0 : i32
    %dma_start3A_1018 = tpu.memref_slice %arg5[%dma_start3A_1016, %dma_start3A_1017] : memref<104x128xi32, #tpu.memory_space<vmem>> -> memref<1x128xi32, #tpu.memory_space<vmem>>
    %dma_start3A_1019 = tpu.memref_squeeze %dma_start3A_1018 : memref<1x128xi32, #tpu.memory_space<vmem>> -> memref<128xi32, #tpu.memory_space<vmem>>
    %dma_start3A_1020 = arith.constant 0 : i32
    %dma_start3A_1021 = arith.constant 0 : i32
    %dma_start3A_1022 = tpu.memref_slice %arg3[%dma_start3A_1020, %dma_start3A_1021] : memref<1000000x32xf32, #tpu.memory_space<hbm>> -> memref<1000000x32xf32, #tpu.memory_space<hbm>>
    tpu.enqueue_indirect_dma source(%dma_start3A_1022 : memref<1000000x32xf32, #tpu.memory_space<hbm>>) target(%arg7 : memref<128x32xf32, #tpu.memory_space<vmem>>) offsets(%dma_start3A_1019 : memref<128xi32, #tpu.memory_space<vmem>>) semaphore(%arg11 : memref<!tpu.dma_semaphore, #tpu.memory_space<semaphore_mem>>)
    %dma_wait3A_1023 = arith.constant 62 : i32
    %dma_wait3A_1024 = arith.constant 0 : i32
    %dma_wait3A_1025 = tpu.memref_slice %arg5[%dma_wait3A_1023, %dma_wait3A_1024] : memref<104x128xi32, #tpu.memory_space<vmem>> -> memref<1x128xi32, #tpu.memory_space<vmem>>
    %dma_wait3A_1026 = tpu.memref_squeeze %dma_wait3A_1025 : memref<1x128xi32, #tpu.memory_space<vmem>> -> memref<128xi32, #tpu.memory_space<vmem>>
    %dma_wait3A_1027 = arith.constant 0 : i32
    %dma_wait3A_1028 = arith.constant 0 : i32
    %dma_wait3A_1029 = tpu.memref_slice %arg3[%dma_wait3A_1027, %dma_wait3A_1028] : memref<1000000x32xf32, #tpu.memory_space<hbm>> -> memref<1000000x32xf32, #tpu.memory_space<hbm>>
    tpu.wait_indirect_dma semaphore(%arg12 : memref<!tpu.dma_semaphore, #tpu.memory_space<semaphore_mem>>) src(%dma_wait3A_1029 : memref<1000000x32xf32, #tpu.memory_space<hbm>>) dst(%arg8 : memref<128x32xf32, #tpu.memory_space<vmem>>)
    %add3A_1030 = arith.constant 7936 : i32
    %add3A_1031 = arith.addi %mul3A_4, %add3A_1030 : i32
    "tpu.region"() ({
      %run_scoped3A = tpu.sem_alloc : memref<!tpu.dma_semaphore, #tpu.memory_space<semaphore_mem>>
      %dma_start3A_1667 = arith.constant 0 : i32
      %dma_start3A_1668 = tpu.memref_slice %arg4[%add3A_1031, %dma_start3A_1667] : memref<425984x32xf32, #tpu.memory_space<hbm>> -> memref<128x32xf32, #tpu.memory_space<hbm>>
      %dma_start3A_1669 = arith.constant 0 : i32
      %dma_start3A_1670 = tpu.memref_slice %arg4[%add3A_1031, %dma_start3A_1669] : memref<425984x32xf32, #tpu.memory_space<hbm>> -> memref<128x32xf32, #tpu.memory_space<hbm>>
      tpu.enqueue_dma source(%arg8 : memref<128x32xf32, #tpu.memory_space<vmem>>) target(%dma_start3A_1670 : memref<128x32xf32, #tpu.memory_space<hbm>>) target_semaphore(%run_scoped3A : memref<!tpu.dma_semaphore, #tpu.memory_space<semaphore_mem>>)
      %dma_wait3A_1671 = arith.constant 0 : i32
      %dma_wait3A_1672 = tpu.memref_slice %arg4[%add3A_1031, %dma_wait3A_1671] : memref<425984x32xf32, #tpu.memory_space<hbm>> -> memref<128x32xf32, #tpu.memory_space<hbm>>
      %dma_wait3A_1673 = arith.constant 0 : i32
      %dma_wait3A_1674 = tpu.memref_slice %arg4[%add3A_1031, %dma_wait3A_1673] : memref<425984x32xf32, #tpu.memory_space<hbm>> -> memref<128x32xf32, #tpu.memory_space<hbm>>
      tpu.wait_dma2 semaphore(%run_scoped3A : memref<!tpu.dma_semaphore, #tpu.memory_space<semaphore_mem>>) src(%arg8 : memref<128x32xf32, #tpu.memory_space<vmem>>) dst(%dma_wait3A_1674 : memref<128x32xf32, #tpu.memory_space<hbm>>)
      tpu.yield
    }) : () -> ()
    %dma_start3A_1032 = arith.constant 66 : i32
    %dma_start3A_1033 = arith.constant 0 : i32
    %dma_start3A_1034 = tpu.memref_slice %arg5[%dma_start3A_1032, %dma_start3A_1033] : memref<104x128xi32, #tpu.memory_space<vmem>> -> memref<1x128xi32, #tpu.memory_space<vmem>>
    %dma_start3A_1035 = tpu.memref_squeeze %dma_start3A_1034 : memref<1x128xi32, #tpu.memory_space<vmem>> -> memref<128xi32, #tpu.memory_space<vmem>>
    %dma_start3A_1036 = arith.constant 0 : i32
    %dma_start3A_1037 = arith.constant 0 : i32
    %dma_start3A_1038 = tpu.memref_slice %arg3[%dma_start3A_1036, %dma_start3A_1037] : memref<1000000x32xf32, #tpu.memory_space<hbm>> -> memref<1000000x32xf32, #tpu.memory_space<hbm>>
    tpu.enqueue_indirect_dma source(%dma_start3A_1038 : memref<1000000x32xf32, #tpu.memory_space<hbm>>) target(%arg8 : memref<128x32xf32, #tpu.memory_space<vmem>>) offsets(%dma_start3A_1035 : memref<128xi32, #tpu.memory_space<vmem>>) semaphore(%arg12 : memref<!tpu.dma_semaphore, #tpu.memory_space<semaphore_mem>>)
    %dma_wait3A_1039 = arith.constant 63 : i32
    %dma_wait3A_1040 = arith.constant 0 : i32
    %dma_wait3A_1041 = tpu.memref_slice %arg5[%dma_wait3A_1039, %dma_wait3A_1040] : memref<104x128xi32, #tpu.memory_space<vmem>> -> memref<1x128xi32, #tpu.memory_space<vmem>>
    %dma_wait3A_1042 = tpu.memref_squeeze %dma_wait3A_1041 : memref<1x128xi32, #tpu.memory_space<vmem>> -> memref<128xi32, #tpu.memory_space<vmem>>
    %dma_wait3A_1043 = arith.constant 0 : i32
    %dma_wait3A_1044 = arith.constant 0 : i32
    %dma_wait3A_1045 = tpu.memref_slice %arg3[%dma_wait3A_1043, %dma_wait3A_1044] : memref<1000000x32xf32, #tpu.memory_space<hbm>> -> memref<1000000x32xf32, #tpu.memory_space<hbm>>
    tpu.wait_indirect_dma semaphore(%arg13 : memref<!tpu.dma_semaphore, #tpu.memory_space<semaphore_mem>>) src(%dma_wait3A_1045 : memref<1000000x32xf32, #tpu.memory_space<hbm>>) dst(%arg9 : memref<128x32xf32, #tpu.memory_space<vmem>>)
    %add3A_1046 = arith.constant 8064 : i32
    %add3A_1047 = arith.addi %mul3A_4, %add3A_1046 : i32
    "tpu.region"() ({
      %run_scoped3A = tpu.sem_alloc : memref<!tpu.dma_semaphore, #tpu.memory_space<semaphore_mem>>
      %dma_start3A_1667 = arith.constant 0 : i32
      %dma_start3A_1668 = tpu.memref_slice %arg4[%add3A_1047, %dma_start3A_1667] : memref<425984x32xf32, #tpu.memory_space<hbm>> -> memref<128x32xf32, #tpu.memory_space<hbm>>
      %dma_start3A_1669 = arith.constant 0 : i32
      %dma_start3A_1670 = tpu.memref_slice %arg4[%add3A_1047, %dma_start3A_1669] : memref<425984x32xf32, #tpu.memory_space<hbm>> -> memref<128x32xf32, #tpu.memory_space<hbm>>
      tpu.enqueue_dma source(%arg9 : memref<128x32xf32, #tpu.memory_space<vmem>>) target(%dma_start3A_1670 : memref<128x32xf32, #tpu.memory_space<hbm>>) target_semaphore(%run_scoped3A : memref<!tpu.dma_semaphore, #tpu.memory_space<semaphore_mem>>)
      %dma_wait3A_1671 = arith.constant 0 : i32
      %dma_wait3A_1672 = tpu.memref_slice %arg4[%add3A_1047, %dma_wait3A_1671] : memref<425984x32xf32, #tpu.memory_space<hbm>> -> memref<128x32xf32, #tpu.memory_space<hbm>>
      %dma_wait3A_1673 = arith.constant 0 : i32
      %dma_wait3A_1674 = tpu.memref_slice %arg4[%add3A_1047, %dma_wait3A_1673] : memref<425984x32xf32, #tpu.memory_space<hbm>> -> memref<128x32xf32, #tpu.memory_space<hbm>>
      tpu.wait_dma2 semaphore(%run_scoped3A : memref<!tpu.dma_semaphore, #tpu.memory_space<semaphore_mem>>) src(%arg9 : memref<128x32xf32, #tpu.memory_space<vmem>>) dst(%dma_wait3A_1674 : memref<128x32xf32, #tpu.memory_space<hbm>>)
      tpu.yield
    }) : () -> ()
    %dma_start3A_1048 = arith.constant 67 : i32
    %dma_start3A_1049 = arith.constant 0 : i32
    %dma_start3A_1050 = tpu.memref_slice %arg5[%dma_start3A_1048, %dma_start3A_1049] : memref<104x128xi32, #tpu.memory_space<vmem>> -> memref<1x128xi32, #tpu.memory_space<vmem>>
    %dma_start3A_1051 = tpu.memref_squeeze %dma_start3A_1050 : memref<1x128xi32, #tpu.memory_space<vmem>> -> memref<128xi32, #tpu.memory_space<vmem>>
    %dma_start3A_1052 = arith.constant 0 : i32
    %dma_start3A_1053 = arith.constant 0 : i32
    %dma_start3A_1054 = tpu.memref_slice %arg3[%dma_start3A_1052, %dma_start3A_1053] : memref<1000000x32xf32, #tpu.memory_space<hbm>> -> memref<1000000x32xf32, #tpu.memory_space<hbm>>
    tpu.enqueue_indirect_dma source(%dma_start3A_1054 : memref<1000000x32xf32, #tpu.memory_space<hbm>>) target(%arg9 : memref<128x32xf32, #tpu.memory_space<vmem>>) offsets(%dma_start3A_1051 : memref<128xi32, #tpu.memory_space<vmem>>) semaphore(%arg13 : memref<!tpu.dma_semaphore, #tpu.memory_space<semaphore_mem>>)
    %dma_wait3A_1055 = arith.constant 64 : i32
    %dma_wait3A_1056 = arith.constant 0 : i32
    %dma_wait3A_1057 = tpu.memref_slice %arg5[%dma_wait3A_1055, %dma_wait3A_1056] : memref<104x128xi32, #tpu.memory_space<vmem>> -> memref<1x128xi32, #tpu.memory_space<vmem>>
    %dma_wait3A_1058 = tpu.memref_squeeze %dma_wait3A_1057 : memref<1x128xi32, #tpu.memory_space<vmem>> -> memref<128xi32, #tpu.memory_space<vmem>>
    %dma_wait3A_1059 = arith.constant 0 : i32
    %dma_wait3A_1060 = arith.constant 0 : i32
    %dma_wait3A_1061 = tpu.memref_slice %arg3[%dma_wait3A_1059, %dma_wait3A_1060] : memref<1000000x32xf32, #tpu.memory_space<hbm>> -> memref<1000000x32xf32, #tpu.memory_space<hbm>>
    tpu.wait_indirect_dma semaphore(%arg10 : memref<!tpu.dma_semaphore, #tpu.memory_space<semaphore_mem>>) src(%dma_wait3A_1061 : memref<1000000x32xf32, #tpu.memory_space<hbm>>) dst(%arg6 : memref<128x32xf32, #tpu.memory_space<vmem>>)
    %add3A_1062 = arith.constant 8192 : i32
    %add3A_1063 = arith.addi %mul3A_4, %add3A_1062 : i32
    "tpu.region"() ({
      %run_scoped3A = tpu.sem_alloc : memref<!tpu.dma_semaphore, #tpu.memory_space<semaphore_mem>>
      %dma_start3A_1667 = arith.constant 0 : i32
      %dma_start3A_1668 = tpu.memref_slice %arg4[%add3A_1063, %dma_start3A_1667] : memref<425984x32xf32, #tpu.memory_space<hbm>> -> memref<128x32xf32, #tpu.memory_space<hbm>>
      %dma_start3A_1669 = arith.constant 0 : i32
      %dma_start3A_1670 = tpu.memref_slice %arg4[%add3A_1063, %dma_start3A_1669] : memref<425984x32xf32, #tpu.memory_space<hbm>> -> memref<128x32xf32, #tpu.memory_space<hbm>>
      tpu.enqueue_dma source(%arg6 : memref<128x32xf32, #tpu.memory_space<vmem>>) target(%dma_start3A_1670 : memref<128x32xf32, #tpu.memory_space<hbm>>) target_semaphore(%run_scoped3A : memref<!tpu.dma_semaphore, #tpu.memory_space<semaphore_mem>>)
      %dma_wait3A_1671 = arith.constant 0 : i32
      %dma_wait3A_1672 = tpu.memref_slice %arg4[%add3A_1063, %dma_wait3A_1671] : memref<425984x32xf32, #tpu.memory_space<hbm>> -> memref<128x32xf32, #tpu.memory_space<hbm>>
      %dma_wait3A_1673 = arith.constant 0 : i32
      %dma_wait3A_1674 = tpu.memref_slice %arg4[%add3A_1063, %dma_wait3A_1673] : memref<425984x32xf32, #tpu.memory_space<hbm>> -> memref<128x32xf32, #tpu.memory_space<hbm>>
      tpu.wait_dma2 semaphore(%run_scoped3A : memref<!tpu.dma_semaphore, #tpu.memory_space<semaphore_mem>>) src(%arg6 : memref<128x32xf32, #tpu.memory_space<vmem>>) dst(%dma_wait3A_1674 : memref<128x32xf32, #tpu.memory_space<hbm>>)
      tpu.yield
    }) : () -> ()
    %dma_start3A_1064 = arith.constant 68 : i32
    %dma_start3A_1065 = arith.constant 0 : i32
    %dma_start3A_1066 = tpu.memref_slice %arg5[%dma_start3A_1064, %dma_start3A_1065] : memref<104x128xi32, #tpu.memory_space<vmem>> -> memref<1x128xi32, #tpu.memory_space<vmem>>
    %dma_start3A_1067 = tpu.memref_squeeze %dma_start3A_1066 : memref<1x128xi32, #tpu.memory_space<vmem>> -> memref<128xi32, #tpu.memory_space<vmem>>
    %dma_start3A_1068 = arith.constant 0 : i32
    %dma_start3A_1069 = arith.constant 0 : i32
    %dma_start3A_1070 = tpu.memref_slice %arg3[%dma_start3A_1068, %dma_start3A_1069] : memref<1000000x32xf32, #tpu.memory_space<hbm>> -> memref<1000000x32xf32, #tpu.memory_space<hbm>>
    tpu.enqueue_indirect_dma source(%dma_start3A_1070 : memref<1000000x32xf32, #tpu.memory_space<hbm>>) target(%arg6 : memref<128x32xf32, #tpu.memory_space<vmem>>) offsets(%dma_start3A_1067 : memref<128xi32, #tpu.memory_space<vmem>>) semaphore(%arg10 : memref<!tpu.dma_semaphore, #tpu.memory_space<semaphore_mem>>)
    %dma_wait3A_1071 = arith.constant 65 : i32
    %dma_wait3A_1072 = arith.constant 0 : i32
    %dma_wait3A_1073 = tpu.memref_slice %arg5[%dma_wait3A_1071, %dma_wait3A_1072] : memref<104x128xi32, #tpu.memory_space<vmem>> -> memref<1x128xi32, #tpu.memory_space<vmem>>
    %dma_wait3A_1074 = tpu.memref_squeeze %dma_wait3A_1073 : memref<1x128xi32, #tpu.memory_space<vmem>> -> memref<128xi32, #tpu.memory_space<vmem>>
    %dma_wait3A_1075 = arith.constant 0 : i32
    %dma_wait3A_1076 = arith.constant 0 : i32
    %dma_wait3A_1077 = tpu.memref_slice %arg3[%dma_wait3A_1075, %dma_wait3A_1076] : memref<1000000x32xf32, #tpu.memory_space<hbm>> -> memref<1000000x32xf32, #tpu.memory_space<hbm>>
    tpu.wait_indirect_dma semaphore(%arg11 : memref<!tpu.dma_semaphore, #tpu.memory_space<semaphore_mem>>) src(%dma_wait3A_1077 : memref<1000000x32xf32, #tpu.memory_space<hbm>>) dst(%arg7 : memref<128x32xf32, #tpu.memory_space<vmem>>)
    %add3A_1078 = arith.constant 8320 : i32
    %add3A_1079 = arith.addi %mul3A_4, %add3A_1078 : i32
    "tpu.region"() ({
      %run_scoped3A = tpu.sem_alloc : memref<!tpu.dma_semaphore, #tpu.memory_space<semaphore_mem>>
      %dma_start3A_1667 = arith.constant 0 : i32
      %dma_start3A_1668 = tpu.memref_slice %arg4[%add3A_1079, %dma_start3A_1667] : memref<425984x32xf32, #tpu.memory_space<hbm>> -> memref<128x32xf32, #tpu.memory_space<hbm>>
      %dma_start3A_1669 = arith.constant 0 : i32
      %dma_start3A_1670 = tpu.memref_slice %arg4[%add3A_1079, %dma_start3A_1669] : memref<425984x32xf32, #tpu.memory_space<hbm>> -> memref<128x32xf32, #tpu.memory_space<hbm>>
      tpu.enqueue_dma source(%arg7 : memref<128x32xf32, #tpu.memory_space<vmem>>) target(%dma_start3A_1670 : memref<128x32xf32, #tpu.memory_space<hbm>>) target_semaphore(%run_scoped3A : memref<!tpu.dma_semaphore, #tpu.memory_space<semaphore_mem>>)
      %dma_wait3A_1671 = arith.constant 0 : i32
      %dma_wait3A_1672 = tpu.memref_slice %arg4[%add3A_1079, %dma_wait3A_1671] : memref<425984x32xf32, #tpu.memory_space<hbm>> -> memref<128x32xf32, #tpu.memory_space<hbm>>
      %dma_wait3A_1673 = arith.constant 0 : i32
      %dma_wait3A_1674 = tpu.memref_slice %arg4[%add3A_1079, %dma_wait3A_1673] : memref<425984x32xf32, #tpu.memory_space<hbm>> -> memref<128x32xf32, #tpu.memory_space<hbm>>
      tpu.wait_dma2 semaphore(%run_scoped3A : memref<!tpu.dma_semaphore, #tpu.memory_space<semaphore_mem>>) src(%arg7 : memref<128x32xf32, #tpu.memory_space<vmem>>) dst(%dma_wait3A_1674 : memref<128x32xf32, #tpu.memory_space<hbm>>)
      tpu.yield
    }) : () -> ()
    %dma_start3A_1080 = arith.constant 69 : i32
    %dma_start3A_1081 = arith.constant 0 : i32
    %dma_start3A_1082 = tpu.memref_slice %arg5[%dma_start3A_1080, %dma_start3A_1081] : memref<104x128xi32, #tpu.memory_space<vmem>> -> memref<1x128xi32, #tpu.memory_space<vmem>>
    %dma_start3A_1083 = tpu.memref_squeeze %dma_start3A_1082 : memref<1x128xi32, #tpu.memory_space<vmem>> -> memref<128xi32, #tpu.memory_space<vmem>>
    %dma_start3A_1084 = arith.constant 0 : i32
    %dma_start3A_1085 = arith.constant 0 : i32
    %dma_start3A_1086 = tpu.memref_slice %arg3[%dma_start3A_1084, %dma_start3A_1085] : memref<1000000x32xf32, #tpu.memory_space<hbm>> -> memref<1000000x32xf32, #tpu.memory_space<hbm>>
    tpu.enqueue_indirect_dma source(%dma_start3A_1086 : memref<1000000x32xf32, #tpu.memory_space<hbm>>) target(%arg7 : memref<128x32xf32, #tpu.memory_space<vmem>>) offsets(%dma_start3A_1083 : memref<128xi32, #tpu.memory_space<vmem>>) semaphore(%arg11 : memref<!tpu.dma_semaphore, #tpu.memory_space<semaphore_mem>>)
    %dma_wait3A_1087 = arith.constant 66 : i32
    %dma_wait3A_1088 = arith.constant 0 : i32
    %dma_wait3A_1089 = tpu.memref_slice %arg5[%dma_wait3A_1087, %dma_wait3A_1088] : memref<104x128xi32, #tpu.memory_space<vmem>> -> memref<1x128xi32, #tpu.memory_space<vmem>>
    %dma_wait3A_1090 = tpu.memref_squeeze %dma_wait3A_1089 : memref<1x128xi32, #tpu.memory_space<vmem>> -> memref<128xi32, #tpu.memory_space<vmem>>
    %dma_wait3A_1091 = arith.constant 0 : i32
    %dma_wait3A_1092 = arith.constant 0 : i32
    %dma_wait3A_1093 = tpu.memref_slice %arg3[%dma_wait3A_1091, %dma_wait3A_1092] : memref<1000000x32xf32, #tpu.memory_space<hbm>> -> memref<1000000x32xf32, #tpu.memory_space<hbm>>
    tpu.wait_indirect_dma semaphore(%arg12 : memref<!tpu.dma_semaphore, #tpu.memory_space<semaphore_mem>>) src(%dma_wait3A_1093 : memref<1000000x32xf32, #tpu.memory_space<hbm>>) dst(%arg8 : memref<128x32xf32, #tpu.memory_space<vmem>>)
    %add3A_1094 = arith.constant 8448 : i32
    %add3A_1095 = arith.addi %mul3A_4, %add3A_1094 : i32
    "tpu.region"() ({
      %run_scoped3A = tpu.sem_alloc : memref<!tpu.dma_semaphore, #tpu.memory_space<semaphore_mem>>
      %dma_start3A_1667 = arith.constant 0 : i32
      %dma_start3A_1668 = tpu.memref_slice %arg4[%add3A_1095, %dma_start3A_1667] : memref<425984x32xf32, #tpu.memory_space<hbm>> -> memref<128x32xf32, #tpu.memory_space<hbm>>
      %dma_start3A_1669 = arith.constant 0 : i32
      %dma_start3A_1670 = tpu.memref_slice %arg4[%add3A_1095, %dma_start3A_1669] : memref<425984x32xf32, #tpu.memory_space<hbm>> -> memref<128x32xf32, #tpu.memory_space<hbm>>
      tpu.enqueue_dma source(%arg8 : memref<128x32xf32, #tpu.memory_space<vmem>>) target(%dma_start3A_1670 : memref<128x32xf32, #tpu.memory_space<hbm>>) target_semaphore(%run_scoped3A : memref<!tpu.dma_semaphore, #tpu.memory_space<semaphore_mem>>)
      %dma_wait3A_1671 = arith.constant 0 : i32
      %dma_wait3A_1672 = tpu.memref_slice %arg4[%add3A_1095, %dma_wait3A_1671] : memref<425984x32xf32, #tpu.memory_space<hbm>> -> memref<128x32xf32, #tpu.memory_space<hbm>>
      %dma_wait3A_1673 = arith.constant 0 : i32
      %dma_wait3A_1674 = tpu.memref_slice %arg4[%add3A_1095, %dma_wait3A_1673] : memref<425984x32xf32, #tpu.memory_space<hbm>> -> memref<128x32xf32, #tpu.memory_space<hbm>>
      tpu.wait_dma2 semaphore(%run_scoped3A : memref<!tpu.dma_semaphore, #tpu.memory_space<semaphore_mem>>) src(%arg8 : memref<128x32xf32, #tpu.memory_space<vmem>>) dst(%dma_wait3A_1674 : memref<128x32xf32, #tpu.memory_space<hbm>>)
      tpu.yield
    }) : () -> ()
    %dma_start3A_1096 = arith.constant 70 : i32
    %dma_start3A_1097 = arith.constant 0 : i32
    %dma_start3A_1098 = tpu.memref_slice %arg5[%dma_start3A_1096, %dma_start3A_1097] : memref<104x128xi32, #tpu.memory_space<vmem>> -> memref<1x128xi32, #tpu.memory_space<vmem>>
    %dma_start3A_1099 = tpu.memref_squeeze %dma_start3A_1098 : memref<1x128xi32, #tpu.memory_space<vmem>> -> memref<128xi32, #tpu.memory_space<vmem>>
    %dma_start3A_1100 = arith.constant 0 : i32
    %dma_start3A_1101 = arith.constant 0 : i32
    %dma_start3A_1102 = tpu.memref_slice %arg3[%dma_start3A_1100, %dma_start3A_1101] : memref<1000000x32xf32, #tpu.memory_space<hbm>> -> memref<1000000x32xf32, #tpu.memory_space<hbm>>
    tpu.enqueue_indirect_dma source(%dma_start3A_1102 : memref<1000000x32xf32, #tpu.memory_space<hbm>>) target(%arg8 : memref<128x32xf32, #tpu.memory_space<vmem>>) offsets(%dma_start3A_1099 : memref<128xi32, #tpu.memory_space<vmem>>) semaphore(%arg12 : memref<!tpu.dma_semaphore, #tpu.memory_space<semaphore_mem>>)
    %dma_wait3A_1103 = arith.constant 67 : i32
    %dma_wait3A_1104 = arith.constant 0 : i32
    %dma_wait3A_1105 = tpu.memref_slice %arg5[%dma_wait3A_1103, %dma_wait3A_1104] : memref<104x128xi32, #tpu.memory_space<vmem>> -> memref<1x128xi32, #tpu.memory_space<vmem>>
    %dma_wait3A_1106 = tpu.memref_squeeze %dma_wait3A_1105 : memref<1x128xi32, #tpu.memory_space<vmem>> -> memref<128xi32, #tpu.memory_space<vmem>>
    %dma_wait3A_1107 = arith.constant 0 : i32
    %dma_wait3A_1108 = arith.constant 0 : i32
    %dma_wait3A_1109 = tpu.memref_slice %arg3[%dma_wait3A_1107, %dma_wait3A_1108] : memref<1000000x32xf32, #tpu.memory_space<hbm>> -> memref<1000000x32xf32, #tpu.memory_space<hbm>>
    tpu.wait_indirect_dma semaphore(%arg13 : memref<!tpu.dma_semaphore, #tpu.memory_space<semaphore_mem>>) src(%dma_wait3A_1109 : memref<1000000x32xf32, #tpu.memory_space<hbm>>) dst(%arg9 : memref<128x32xf32, #tpu.memory_space<vmem>>)
    %add3A_1110 = arith.constant 8576 : i32
    %add3A_1111 = arith.addi %mul3A_4, %add3A_1110 : i32
    "tpu.region"() ({
      %run_scoped3A = tpu.sem_alloc : memref<!tpu.dma_semaphore, #tpu.memory_space<semaphore_mem>>
      %dma_start3A_1667 = arith.constant 0 : i32
      %dma_start3A_1668 = tpu.memref_slice %arg4[%add3A_1111, %dma_start3A_1667] : memref<425984x32xf32, #tpu.memory_space<hbm>> -> memref<128x32xf32, #tpu.memory_space<hbm>>
      %dma_start3A_1669 = arith.constant 0 : i32
      %dma_start3A_1670 = tpu.memref_slice %arg4[%add3A_1111, %dma_start3A_1669] : memref<425984x32xf32, #tpu.memory_space<hbm>> -> memref<128x32xf32, #tpu.memory_space<hbm>>
      tpu.enqueue_dma source(%arg9 : memref<128x32xf32, #tpu.memory_space<vmem>>) target(%dma_start3A_1670 : memref<128x32xf32, #tpu.memory_space<hbm>>) target_semaphore(%run_scoped3A : memref<!tpu.dma_semaphore, #tpu.memory_space<semaphore_mem>>)
      %dma_wait3A_1671 = arith.constant 0 : i32
      %dma_wait3A_1672 = tpu.memref_slice %arg4[%add3A_1111, %dma_wait3A_1671] : memref<425984x32xf32, #tpu.memory_space<hbm>> -> memref<128x32xf32, #tpu.memory_space<hbm>>
      %dma_wait3A_1673 = arith.constant 0 : i32
      %dma_wait3A_1674 = tpu.memref_slice %arg4[%add3A_1111, %dma_wait3A_1673] : memref<425984x32xf32, #tpu.memory_space<hbm>> -> memref<128x32xf32, #tpu.memory_space<hbm>>
      tpu.wait_dma2 semaphore(%run_scoped3A : memref<!tpu.dma_semaphore, #tpu.memory_space<semaphore_mem>>) src(%arg9 : memref<128x32xf32, #tpu.memory_space<vmem>>) dst(%dma_wait3A_1674 : memref<128x32xf32, #tpu.memory_space<hbm>>)
      tpu.yield
    }) : () -> ()
    %dma_start3A_1112 = arith.constant 71 : i32
    %dma_start3A_1113 = arith.constant 0 : i32
    %dma_start3A_1114 = tpu.memref_slice %arg5[%dma_start3A_1112, %dma_start3A_1113] : memref<104x128xi32, #tpu.memory_space<vmem>> -> memref<1x128xi32, #tpu.memory_space<vmem>>
    %dma_start3A_1115 = tpu.memref_squeeze %dma_start3A_1114 : memref<1x128xi32, #tpu.memory_space<vmem>> -> memref<128xi32, #tpu.memory_space<vmem>>
    %dma_start3A_1116 = arith.constant 0 : i32
    %dma_start3A_1117 = arith.constant 0 : i32
    %dma_start3A_1118 = tpu.memref_slice %arg3[%dma_start3A_1116, %dma_start3A_1117] : memref<1000000x32xf32, #tpu.memory_space<hbm>> -> memref<1000000x32xf32, #tpu.memory_space<hbm>>
    tpu.enqueue_indirect_dma source(%dma_start3A_1118 : memref<1000000x32xf32, #tpu.memory_space<hbm>>) target(%arg9 : memref<128x32xf32, #tpu.memory_space<vmem>>) offsets(%dma_start3A_1115 : memref<128xi32, #tpu.memory_space<vmem>>) semaphore(%arg13 : memref<!tpu.dma_semaphore, #tpu.memory_space<semaphore_mem>>)
    %dma_wait3A_1119 = arith.constant 68 : i32
    %dma_wait3A_1120 = arith.constant 0 : i32
    %dma_wait3A_1121 = tpu.memref_slice %arg5[%dma_wait3A_1119, %dma_wait3A_1120] : memref<104x128xi32, #tpu.memory_space<vmem>> -> memref<1x128xi32, #tpu.memory_space<vmem>>
    %dma_wait3A_1122 = tpu.memref_squeeze %dma_wait3A_1121 : memref<1x128xi32, #tpu.memory_space<vmem>> -> memref<128xi32, #tpu.memory_space<vmem>>
    %dma_wait3A_1123 = arith.constant 0 : i32
    %dma_wait3A_1124 = arith.constant 0 : i32
    %dma_wait3A_1125 = tpu.memref_slice %arg3[%dma_wait3A_1123, %dma_wait3A_1124] : memref<1000000x32xf32, #tpu.memory_space<hbm>> -> memref<1000000x32xf32, #tpu.memory_space<hbm>>
    tpu.wait_indirect_dma semaphore(%arg10 : memref<!tpu.dma_semaphore, #tpu.memory_space<semaphore_mem>>) src(%dma_wait3A_1125 : memref<1000000x32xf32, #tpu.memory_space<hbm>>) dst(%arg6 : memref<128x32xf32, #tpu.memory_space<vmem>>)
    %add3A_1126 = arith.constant 8704 : i32
    %add3A_1127 = arith.addi %mul3A_4, %add3A_1126 : i32
    "tpu.region"() ({
      %run_scoped3A = tpu.sem_alloc : memref<!tpu.dma_semaphore, #tpu.memory_space<semaphore_mem>>
      %dma_start3A_1667 = arith.constant 0 : i32
      %dma_start3A_1668 = tpu.memref_slice %arg4[%add3A_1127, %dma_start3A_1667] : memref<425984x32xf32, #tpu.memory_space<hbm>> -> memref<128x32xf32, #tpu.memory_space<hbm>>
      %dma_start3A_1669 = arith.constant 0 : i32
      %dma_start3A_1670 = tpu.memref_slice %arg4[%add3A_1127, %dma_start3A_1669] : memref<425984x32xf32, #tpu.memory_space<hbm>> -> memref<128x32xf32, #tpu.memory_space<hbm>>
      tpu.enqueue_dma source(%arg6 : memref<128x32xf32, #tpu.memory_space<vmem>>) target(%dma_start3A_1670 : memref<128x32xf32, #tpu.memory_space<hbm>>) target_semaphore(%run_scoped3A : memref<!tpu.dma_semaphore, #tpu.memory_space<semaphore_mem>>)
      %dma_wait3A_1671 = arith.constant 0 : i32
      %dma_wait3A_1672 = tpu.memref_slice %arg4[%add3A_1127, %dma_wait3A_1671] : memref<425984x32xf32, #tpu.memory_space<hbm>> -> memref<128x32xf32, #tpu.memory_space<hbm>>
      %dma_wait3A_1673 = arith.constant 0 : i32
      %dma_wait3A_1674 = tpu.memref_slice %arg4[%add3A_1127, %dma_wait3A_1673] : memref<425984x32xf32, #tpu.memory_space<hbm>> -> memref<128x32xf32, #tpu.memory_space<hbm>>
      tpu.wait_dma2 semaphore(%run_scoped3A : memref<!tpu.dma_semaphore, #tpu.memory_space<semaphore_mem>>) src(%arg6 : memref<128x32xf32, #tpu.memory_space<vmem>>) dst(%dma_wait3A_1674 : memref<128x32xf32, #tpu.memory_space<hbm>>)
      tpu.yield
    }) : () -> ()
    %dma_start3A_1128 = arith.constant 72 : i32
    %dma_start3A_1129 = arith.constant 0 : i32
    %dma_start3A_1130 = tpu.memref_slice %arg5[%dma_start3A_1128, %dma_start3A_1129] : memref<104x128xi32, #tpu.memory_space<vmem>> -> memref<1x128xi32, #tpu.memory_space<vmem>>
    %dma_start3A_1131 = tpu.memref_squeeze %dma_start3A_1130 : memref<1x128xi32, #tpu.memory_space<vmem>> -> memref<128xi32, #tpu.memory_space<vmem>>
    %dma_start3A_1132 = arith.constant 0 : i32
    %dma_start3A_1133 = arith.constant 0 : i32
    %dma_start3A_1134 = tpu.memref_slice %arg3[%dma_start3A_1132, %dma_start3A_1133] : memref<1000000x32xf32, #tpu.memory_space<hbm>> -> memref<1000000x32xf32, #tpu.memory_space<hbm>>
    tpu.enqueue_indirect_dma source(%dma_start3A_1134 : memref<1000000x32xf32, #tpu.memory_space<hbm>>) target(%arg6 : memref<128x32xf32, #tpu.memory_space<vmem>>) offsets(%dma_start3A_1131 : memref<128xi32, #tpu.memory_space<vmem>>) semaphore(%arg10 : memref<!tpu.dma_semaphore, #tpu.memory_space<semaphore_mem>>)
    %dma_wait3A_1135 = arith.constant 69 : i32
    %dma_wait3A_1136 = arith.constant 0 : i32
    %dma_wait3A_1137 = tpu.memref_slice %arg5[%dma_wait3A_1135, %dma_wait3A_1136] : memref<104x128xi32, #tpu.memory_space<vmem>> -> memref<1x128xi32, #tpu.memory_space<vmem>>
    %dma_wait3A_1138 = tpu.memref_squeeze %dma_wait3A_1137 : memref<1x128xi32, #tpu.memory_space<vmem>> -> memref<128xi32, #tpu.memory_space<vmem>>
    %dma_wait3A_1139 = arith.constant 0 : i32
    %dma_wait3A_1140 = arith.constant 0 : i32
    %dma_wait3A_1141 = tpu.memref_slice %arg3[%dma_wait3A_1139, %dma_wait3A_1140] : memref<1000000x32xf32, #tpu.memory_space<hbm>> -> memref<1000000x32xf32, #tpu.memory_space<hbm>>
    tpu.wait_indirect_dma semaphore(%arg11 : memref<!tpu.dma_semaphore, #tpu.memory_space<semaphore_mem>>) src(%dma_wait3A_1141 : memref<1000000x32xf32, #tpu.memory_space<hbm>>) dst(%arg7 : memref<128x32xf32, #tpu.memory_space<vmem>>)
    %add3A_1142 = arith.constant 8832 : i32
    %add3A_1143 = arith.addi %mul3A_4, %add3A_1142 : i32
    "tpu.region"() ({
      %run_scoped3A = tpu.sem_alloc : memref<!tpu.dma_semaphore, #tpu.memory_space<semaphore_mem>>
      %dma_start3A_1667 = arith.constant 0 : i32
      %dma_start3A_1668 = tpu.memref_slice %arg4[%add3A_1143, %dma_start3A_1667] : memref<425984x32xf32, #tpu.memory_space<hbm>> -> memref<128x32xf32, #tpu.memory_space<hbm>>
      %dma_start3A_1669 = arith.constant 0 : i32
      %dma_start3A_1670 = tpu.memref_slice %arg4[%add3A_1143, %dma_start3A_1669] : memref<425984x32xf32, #tpu.memory_space<hbm>> -> memref<128x32xf32, #tpu.memory_space<hbm>>
      tpu.enqueue_dma source(%arg7 : memref<128x32xf32, #tpu.memory_space<vmem>>) target(%dma_start3A_1670 : memref<128x32xf32, #tpu.memory_space<hbm>>) target_semaphore(%run_scoped3A : memref<!tpu.dma_semaphore, #tpu.memory_space<semaphore_mem>>)
      %dma_wait3A_1671 = arith.constant 0 : i32
      %dma_wait3A_1672 = tpu.memref_slice %arg4[%add3A_1143, %dma_wait3A_1671] : memref<425984x32xf32, #tpu.memory_space<hbm>> -> memref<128x32xf32, #tpu.memory_space<hbm>>
      %dma_wait3A_1673 = arith.constant 0 : i32
      %dma_wait3A_1674 = tpu.memref_slice %arg4[%add3A_1143, %dma_wait3A_1673] : memref<425984x32xf32, #tpu.memory_space<hbm>> -> memref<128x32xf32, #tpu.memory_space<hbm>>
      tpu.wait_dma2 semaphore(%run_scoped3A : memref<!tpu.dma_semaphore, #tpu.memory_space<semaphore_mem>>) src(%arg7 : memref<128x32xf32, #tpu.memory_space<vmem>>) dst(%dma_wait3A_1674 : memref<128x32xf32, #tpu.memory_space<hbm>>)
      tpu.yield
    }) : () -> ()
    %dma_start3A_1144 = arith.constant 73 : i32
    %dma_start3A_1145 = arith.constant 0 : i32
    %dma_start3A_1146 = tpu.memref_slice %arg5[%dma_start3A_1144, %dma_start3A_1145] : memref<104x128xi32, #tpu.memory_space<vmem>> -> memref<1x128xi32, #tpu.memory_space<vmem>>
    %dma_start3A_1147 = tpu.memref_squeeze %dma_start3A_1146 : memref<1x128xi32, #tpu.memory_space<vmem>> -> memref<128xi32, #tpu.memory_space<vmem>>
    %dma_start3A_1148 = arith.constant 0 : i32
    %dma_start3A_1149 = arith.constant 0 : i32
    %dma_start3A_1150 = tpu.memref_slice %arg3[%dma_start3A_1148, %dma_start3A_1149] : memref<1000000x32xf32, #tpu.memory_space<hbm>> -> memref<1000000x32xf32, #tpu.memory_space<hbm>>
    tpu.enqueue_indirect_dma source(%dma_start3A_1150 : memref<1000000x32xf32, #tpu.memory_space<hbm>>) target(%arg7 : memref<128x32xf32, #tpu.memory_space<vmem>>) offsets(%dma_start3A_1147 : memref<128xi32, #tpu.memory_space<vmem>>) semaphore(%arg11 : memref<!tpu.dma_semaphore, #tpu.memory_space<semaphore_mem>>)
    %dma_wait3A_1151 = arith.constant 70 : i32
    %dma_wait3A_1152 = arith.constant 0 : i32
    %dma_wait3A_1153 = tpu.memref_slice %arg5[%dma_wait3A_1151, %dma_wait3A_1152] : memref<104x128xi32, #tpu.memory_space<vmem>> -> memref<1x128xi32, #tpu.memory_space<vmem>>
    %dma_wait3A_1154 = tpu.memref_squeeze %dma_wait3A_1153 : memref<1x128xi32, #tpu.memory_space<vmem>> -> memref<128xi32, #tpu.memory_space<vmem>>
    %dma_wait3A_1155 = arith.constant 0 : i32
    %dma_wait3A_1156 = arith.constant 0 : i32
    %dma_wait3A_1157 = tpu.memref_slice %arg3[%dma_wait3A_1155, %dma_wait3A_1156] : memref<1000000x32xf32, #tpu.memory_space<hbm>> -> memref<1000000x32xf32, #tpu.memory_space<hbm>>
    tpu.wait_indirect_dma semaphore(%arg12 : memref<!tpu.dma_semaphore, #tpu.memory_space<semaphore_mem>>) src(%dma_wait3A_1157 : memref<1000000x32xf32, #tpu.memory_space<hbm>>) dst(%arg8 : memref<128x32xf32, #tpu.memory_space<vmem>>)
    %add3A_1158 = arith.constant 8960 : i32
    %add3A_1159 = arith.addi %mul3A_4, %add3A_1158 : i32
    "tpu.region"() ({
      %run_scoped3A = tpu.sem_alloc : memref<!tpu.dma_semaphore, #tpu.memory_space<semaphore_mem>>
      %dma_start3A_1667 = arith.constant 0 : i32
      %dma_start3A_1668 = tpu.memref_slice %arg4[%add3A_1159, %dma_start3A_1667] : memref<425984x32xf32, #tpu.memory_space<hbm>> -> memref<128x32xf32, #tpu.memory_space<hbm>>
      %dma_start3A_1669 = arith.constant 0 : i32
      %dma_start3A_1670 = tpu.memref_slice %arg4[%add3A_1159, %dma_start3A_1669] : memref<425984x32xf32, #tpu.memory_space<hbm>> -> memref<128x32xf32, #tpu.memory_space<hbm>>
      tpu.enqueue_dma source(%arg8 : memref<128x32xf32, #tpu.memory_space<vmem>>) target(%dma_start3A_1670 : memref<128x32xf32, #tpu.memory_space<hbm>>) target_semaphore(%run_scoped3A : memref<!tpu.dma_semaphore, #tpu.memory_space<semaphore_mem>>)
      %dma_wait3A_1671 = arith.constant 0 : i32
      %dma_wait3A_1672 = tpu.memref_slice %arg4[%add3A_1159, %dma_wait3A_1671] : memref<425984x32xf32, #tpu.memory_space<hbm>> -> memref<128x32xf32, #tpu.memory_space<hbm>>
      %dma_wait3A_1673 = arith.constant 0 : i32
      %dma_wait3A_1674 = tpu.memref_slice %arg4[%add3A_1159, %dma_wait3A_1673] : memref<425984x32xf32, #tpu.memory_space<hbm>> -> memref<128x32xf32, #tpu.memory_space<hbm>>
      tpu.wait_dma2 semaphore(%run_scoped3A : memref<!tpu.dma_semaphore, #tpu.memory_space<semaphore_mem>>) src(%arg8 : memref<128x32xf32, #tpu.memory_space<vmem>>) dst(%dma_wait3A_1674 : memref<128x32xf32, #tpu.memory_space<hbm>>)
      tpu.yield
    }) : () -> ()
    %dma_start3A_1160 = arith.constant 74 : i32
    %dma_start3A_1161 = arith.constant 0 : i32
    %dma_start3A_1162 = tpu.memref_slice %arg5[%dma_start3A_1160, %dma_start3A_1161] : memref<104x128xi32, #tpu.memory_space<vmem>> -> memref<1x128xi32, #tpu.memory_space<vmem>>
    %dma_start3A_1163 = tpu.memref_squeeze %dma_start3A_1162 : memref<1x128xi32, #tpu.memory_space<vmem>> -> memref<128xi32, #tpu.memory_space<vmem>>
    %dma_start3A_1164 = arith.constant 0 : i32
    %dma_start3A_1165 = arith.constant 0 : i32
    %dma_start3A_1166 = tpu.memref_slice %arg3[%dma_start3A_1164, %dma_start3A_1165] : memref<1000000x32xf32, #tpu.memory_space<hbm>> -> memref<1000000x32xf32, #tpu.memory_space<hbm>>
    tpu.enqueue_indirect_dma source(%dma_start3A_1166 : memref<1000000x32xf32, #tpu.memory_space<hbm>>) target(%arg8 : memref<128x32xf32, #tpu.memory_space<vmem>>) offsets(%dma_start3A_1163 : memref<128xi32, #tpu.memory_space<vmem>>) semaphore(%arg12 : memref<!tpu.dma_semaphore, #tpu.memory_space<semaphore_mem>>)
    %dma_wait3A_1167 = arith.constant 71 : i32
    %dma_wait3A_1168 = arith.constant 0 : i32
    %dma_wait3A_1169 = tpu.memref_slice %arg5[%dma_wait3A_1167, %dma_wait3A_1168] : memref<104x128xi32, #tpu.memory_space<vmem>> -> memref<1x128xi32, #tpu.memory_space<vmem>>
    %dma_wait3A_1170 = tpu.memref_squeeze %dma_wait3A_1169 : memref<1x128xi32, #tpu.memory_space<vmem>> -> memref<128xi32, #tpu.memory_space<vmem>>
    %dma_wait3A_1171 = arith.constant 0 : i32
    %dma_wait3A_1172 = arith.constant 0 : i32
    %dma_wait3A_1173 = tpu.memref_slice %arg3[%dma_wait3A_1171, %dma_wait3A_1172] : memref<1000000x32xf32, #tpu.memory_space<hbm>> -> memref<1000000x32xf32, #tpu.memory_space<hbm>>
    tpu.wait_indirect_dma semaphore(%arg13 : memref<!tpu.dma_semaphore, #tpu.memory_space<semaphore_mem>>) src(%dma_wait3A_1173 : memref<1000000x32xf32, #tpu.memory_space<hbm>>) dst(%arg9 : memref<128x32xf32, #tpu.memory_space<vmem>>)
    %add3A_1174 = arith.constant 9088 : i32
    %add3A_1175 = arith.addi %mul3A_4, %add3A_1174 : i32
    "tpu.region"() ({
      %run_scoped3A = tpu.sem_alloc : memref<!tpu.dma_semaphore, #tpu.memory_space<semaphore_mem>>
      %dma_start3A_1667 = arith.constant 0 : i32
      %dma_start3A_1668 = tpu.memref_slice %arg4[%add3A_1175, %dma_start3A_1667] : memref<425984x32xf32, #tpu.memory_space<hbm>> -> memref<128x32xf32, #tpu.memory_space<hbm>>
      %dma_start3A_1669 = arith.constant 0 : i32
      %dma_start3A_1670 = tpu.memref_slice %arg4[%add3A_1175, %dma_start3A_1669] : memref<425984x32xf32, #tpu.memory_space<hbm>> -> memref<128x32xf32, #tpu.memory_space<hbm>>
      tpu.enqueue_dma source(%arg9 : memref<128x32xf32, #tpu.memory_space<vmem>>) target(%dma_start3A_1670 : memref<128x32xf32, #tpu.memory_space<hbm>>) target_semaphore(%run_scoped3A : memref<!tpu.dma_semaphore, #tpu.memory_space<semaphore_mem>>)
      %dma_wait3A_1671 = arith.constant 0 : i32
      %dma_wait3A_1672 = tpu.memref_slice %arg4[%add3A_1175, %dma_wait3A_1671] : memref<425984x32xf32, #tpu.memory_space<hbm>> -> memref<128x32xf32, #tpu.memory_space<hbm>>
      %dma_wait3A_1673 = arith.constant 0 : i32
      %dma_wait3A_1674 = tpu.memref_slice %arg4[%add3A_1175, %dma_wait3A_1673] : memref<425984x32xf32, #tpu.memory_space<hbm>> -> memref<128x32xf32, #tpu.memory_space<hbm>>
      tpu.wait_dma2 semaphore(%run_scoped3A : memref<!tpu.dma_semaphore, #tpu.memory_space<semaphore_mem>>) src(%arg9 : memref<128x32xf32, #tpu.memory_space<vmem>>) dst(%dma_wait3A_1674 : memref<128x32xf32, #tpu.memory_space<hbm>>)
      tpu.yield
    }) : () -> ()
    %dma_start3A_1176 = arith.constant 75 : i32
    %dma_start3A_1177 = arith.constant 0 : i32
    %dma_start3A_1178 = tpu.memref_slice %arg5[%dma_start3A_1176, %dma_start3A_1177] : memref<104x128xi32, #tpu.memory_space<vmem>> -> memref<1x128xi32, #tpu.memory_space<vmem>>
    %dma_start3A_1179 = tpu.memref_squeeze %dma_start3A_1178 : memref<1x128xi32, #tpu.memory_space<vmem>> -> memref<128xi32, #tpu.memory_space<vmem>>
    %dma_start3A_1180 = arith.constant 0 : i32
    %dma_start3A_1181 = arith.constant 0 : i32
    %dma_start3A_1182 = tpu.memref_slice %arg3[%dma_start3A_1180, %dma_start3A_1181] : memref<1000000x32xf32, #tpu.memory_space<hbm>> -> memref<1000000x32xf32, #tpu.memory_space<hbm>>
    tpu.enqueue_indirect_dma source(%dma_start3A_1182 : memref<1000000x32xf32, #tpu.memory_space<hbm>>) target(%arg9 : memref<128x32xf32, #tpu.memory_space<vmem>>) offsets(%dma_start3A_1179 : memref<128xi32, #tpu.memory_space<vmem>>) semaphore(%arg13 : memref<!tpu.dma_semaphore, #tpu.memory_space<semaphore_mem>>)
    %dma_wait3A_1183 = arith.constant 72 : i32
    %dma_wait3A_1184 = arith.constant 0 : i32
    %dma_wait3A_1185 = tpu.memref_slice %arg5[%dma_wait3A_1183, %dma_wait3A_1184] : memref<104x128xi32, #tpu.memory_space<vmem>> -> memref<1x128xi32, #tpu.memory_space<vmem>>
    %dma_wait3A_1186 = tpu.memref_squeeze %dma_wait3A_1185 : memref<1x128xi32, #tpu.memory_space<vmem>> -> memref<128xi32, #tpu.memory_space<vmem>>
    %dma_wait3A_1187 = arith.constant 0 : i32
    %dma_wait3A_1188 = arith.constant 0 : i32
    %dma_wait3A_1189 = tpu.memref_slice %arg3[%dma_wait3A_1187, %dma_wait3A_1188] : memref<1000000x32xf32, #tpu.memory_space<hbm>> -> memref<1000000x32xf32, #tpu.memory_space<hbm>>
    tpu.wait_indirect_dma semaphore(%arg10 : memref<!tpu.dma_semaphore, #tpu.memory_space<semaphore_mem>>) src(%dma_wait3A_1189 : memref<1000000x32xf32, #tpu.memory_space<hbm>>) dst(%arg6 : memref<128x32xf32, #tpu.memory_space<vmem>>)
    %add3A_1190 = arith.constant 9216 : i32
    %add3A_1191 = arith.addi %mul3A_4, %add3A_1190 : i32
    "tpu.region"() ({
      %run_scoped3A = tpu.sem_alloc : memref<!tpu.dma_semaphore, #tpu.memory_space<semaphore_mem>>
      %dma_start3A_1667 = arith.constant 0 : i32
      %dma_start3A_1668 = tpu.memref_slice %arg4[%add3A_1191, %dma_start3A_1667] : memref<425984x32xf32, #tpu.memory_space<hbm>> -> memref<128x32xf32, #tpu.memory_space<hbm>>
      %dma_start3A_1669 = arith.constant 0 : i32
      %dma_start3A_1670 = tpu.memref_slice %arg4[%add3A_1191, %dma_start3A_1669] : memref<425984x32xf32, #tpu.memory_space<hbm>> -> memref<128x32xf32, #tpu.memory_space<hbm>>
      tpu.enqueue_dma source(%arg6 : memref<128x32xf32, #tpu.memory_space<vmem>>) target(%dma_start3A_1670 : memref<128x32xf32, #tpu.memory_space<hbm>>) target_semaphore(%run_scoped3A : memref<!tpu.dma_semaphore, #tpu.memory_space<semaphore_mem>>)
      %dma_wait3A_1671 = arith.constant 0 : i32
      %dma_wait3A_1672 = tpu.memref_slice %arg4[%add3A_1191, %dma_wait3A_1671] : memref<425984x32xf32, #tpu.memory_space<hbm>> -> memref<128x32xf32, #tpu.memory_space<hbm>>
      %dma_wait3A_1673 = arith.constant 0 : i32
      %dma_wait3A_1674 = tpu.memref_slice %arg4[%add3A_1191, %dma_wait3A_1673] : memref<425984x32xf32, #tpu.memory_space<hbm>> -> memref<128x32xf32, #tpu.memory_space<hbm>>
      tpu.wait_dma2 semaphore(%run_scoped3A : memref<!tpu.dma_semaphore, #tpu.memory_space<semaphore_mem>>) src(%arg6 : memref<128x32xf32, #tpu.memory_space<vmem>>) dst(%dma_wait3A_1674 : memref<128x32xf32, #tpu.memory_space<hbm>>)
      tpu.yield
    }) : () -> ()
    %dma_start3A_1192 = arith.constant 76 : i32
    %dma_start3A_1193 = arith.constant 0 : i32
    %dma_start3A_1194 = tpu.memref_slice %arg5[%dma_start3A_1192, %dma_start3A_1193] : memref<104x128xi32, #tpu.memory_space<vmem>> -> memref<1x128xi32, #tpu.memory_space<vmem>>
    %dma_start3A_1195 = tpu.memref_squeeze %dma_start3A_1194 : memref<1x128xi32, #tpu.memory_space<vmem>> -> memref<128xi32, #tpu.memory_space<vmem>>
    %dma_start3A_1196 = arith.constant 0 : i32
    %dma_start3A_1197 = arith.constant 0 : i32
    %dma_start3A_1198 = tpu.memref_slice %arg3[%dma_start3A_1196, %dma_start3A_1197] : memref<1000000x32xf32, #tpu.memory_space<hbm>> -> memref<1000000x32xf32, #tpu.memory_space<hbm>>
    tpu.enqueue_indirect_dma source(%dma_start3A_1198 : memref<1000000x32xf32, #tpu.memory_space<hbm>>) target(%arg6 : memref<128x32xf32, #tpu.memory_space<vmem>>) offsets(%dma_start3A_1195 : memref<128xi32, #tpu.memory_space<vmem>>) semaphore(%arg10 : memref<!tpu.dma_semaphore, #tpu.memory_space<semaphore_mem>>)
    %dma_wait3A_1199 = arith.constant 73 : i32
    %dma_wait3A_1200 = arith.constant 0 : i32
    %dma_wait3A_1201 = tpu.memref_slice %arg5[%dma_wait3A_1199, %dma_wait3A_1200] : memref<104x128xi32, #tpu.memory_space<vmem>> -> memref<1x128xi32, #tpu.memory_space<vmem>>
    %dma_wait3A_1202 = tpu.memref_squeeze %dma_wait3A_1201 : memref<1x128xi32, #tpu.memory_space<vmem>> -> memref<128xi32, #tpu.memory_space<vmem>>
    %dma_wait3A_1203 = arith.constant 0 : i32
    %dma_wait3A_1204 = arith.constant 0 : i32
    %dma_wait3A_1205 = tpu.memref_slice %arg3[%dma_wait3A_1203, %dma_wait3A_1204] : memref<1000000x32xf32, #tpu.memory_space<hbm>> -> memref<1000000x32xf32, #tpu.memory_space<hbm>>
    tpu.wait_indirect_dma semaphore(%arg11 : memref<!tpu.dma_semaphore, #tpu.memory_space<semaphore_mem>>) src(%dma_wait3A_1205 : memref<1000000x32xf32, #tpu.memory_space<hbm>>) dst(%arg7 : memref<128x32xf32, #tpu.memory_space<vmem>>)
    %add3A_1206 = arith.constant 9344 : i32
    %add3A_1207 = arith.addi %mul3A_4, %add3A_1206 : i32
    "tpu.region"() ({
      %run_scoped3A = tpu.sem_alloc : memref<!tpu.dma_semaphore, #tpu.memory_space<semaphore_mem>>
      %dma_start3A_1667 = arith.constant 0 : i32
      %dma_start3A_1668 = tpu.memref_slice %arg4[%add3A_1207, %dma_start3A_1667] : memref<425984x32xf32, #tpu.memory_space<hbm>> -> memref<128x32xf32, #tpu.memory_space<hbm>>
      %dma_start3A_1669 = arith.constant 0 : i32
      %dma_start3A_1670 = tpu.memref_slice %arg4[%add3A_1207, %dma_start3A_1669] : memref<425984x32xf32, #tpu.memory_space<hbm>> -> memref<128x32xf32, #tpu.memory_space<hbm>>
      tpu.enqueue_dma source(%arg7 : memref<128x32xf32, #tpu.memory_space<vmem>>) target(%dma_start3A_1670 : memref<128x32xf32, #tpu.memory_space<hbm>>) target_semaphore(%run_scoped3A : memref<!tpu.dma_semaphore, #tpu.memory_space<semaphore_mem>>)
      %dma_wait3A_1671 = arith.constant 0 : i32
      %dma_wait3A_1672 = tpu.memref_slice %arg4[%add3A_1207, %dma_wait3A_1671] : memref<425984x32xf32, #tpu.memory_space<hbm>> -> memref<128x32xf32, #tpu.memory_space<hbm>>
      %dma_wait3A_1673 = arith.constant 0 : i32
      %dma_wait3A_1674 = tpu.memref_slice %arg4[%add3A_1207, %dma_wait3A_1673] : memref<425984x32xf32, #tpu.memory_space<hbm>> -> memref<128x32xf32, #tpu.memory_space<hbm>>
      tpu.wait_dma2 semaphore(%run_scoped3A : memref<!tpu.dma_semaphore, #tpu.memory_space<semaphore_mem>>) src(%arg7 : memref<128x32xf32, #tpu.memory_space<vmem>>) dst(%dma_wait3A_1674 : memref<128x32xf32, #tpu.memory_space<hbm>>)
      tpu.yield
    }) : () -> ()
    %dma_start3A_1208 = arith.constant 77 : i32
    %dma_start3A_1209 = arith.constant 0 : i32
    %dma_start3A_1210 = tpu.memref_slice %arg5[%dma_start3A_1208, %dma_start3A_1209] : memref<104x128xi32, #tpu.memory_space<vmem>> -> memref<1x128xi32, #tpu.memory_space<vmem>>
    %dma_start3A_1211 = tpu.memref_squeeze %dma_start3A_1210 : memref<1x128xi32, #tpu.memory_space<vmem>> -> memref<128xi32, #tpu.memory_space<vmem>>
    %dma_start3A_1212 = arith.constant 0 : i32
    %dma_start3A_1213 = arith.constant 0 : i32
    %dma_start3A_1214 = tpu.memref_slice %arg3[%dma_start3A_1212, %dma_start3A_1213] : memref<1000000x32xf32, #tpu.memory_space<hbm>> -> memref<1000000x32xf32, #tpu.memory_space<hbm>>
    tpu.enqueue_indirect_dma source(%dma_start3A_1214 : memref<1000000x32xf32, #tpu.memory_space<hbm>>) target(%arg7 : memref<128x32xf32, #tpu.memory_space<vmem>>) offsets(%dma_start3A_1211 : memref<128xi32, #tpu.memory_space<vmem>>) semaphore(%arg11 : memref<!tpu.dma_semaphore, #tpu.memory_space<semaphore_mem>>)
    %dma_wait3A_1215 = arith.constant 74 : i32
    %dma_wait3A_1216 = arith.constant 0 : i32
    %dma_wait3A_1217 = tpu.memref_slice %arg5[%dma_wait3A_1215, %dma_wait3A_1216] : memref<104x128xi32, #tpu.memory_space<vmem>> -> memref<1x128xi32, #tpu.memory_space<vmem>>
    %dma_wait3A_1218 = tpu.memref_squeeze %dma_wait3A_1217 : memref<1x128xi32, #tpu.memory_space<vmem>> -> memref<128xi32, #tpu.memory_space<vmem>>
    %dma_wait3A_1219 = arith.constant 0 : i32
    %dma_wait3A_1220 = arith.constant 0 : i32
    %dma_wait3A_1221 = tpu.memref_slice %arg3[%dma_wait3A_1219, %dma_wait3A_1220] : memref<1000000x32xf32, #tpu.memory_space<hbm>> -> memref<1000000x32xf32, #tpu.memory_space<hbm>>
    tpu.wait_indirect_dma semaphore(%arg12 : memref<!tpu.dma_semaphore, #tpu.memory_space<semaphore_mem>>) src(%dma_wait3A_1221 : memref<1000000x32xf32, #tpu.memory_space<hbm>>) dst(%arg8 : memref<128x32xf32, #tpu.memory_space<vmem>>)
    %add3A_1222 = arith.constant 9472 : i32
    %add3A_1223 = arith.addi %mul3A_4, %add3A_1222 : i32
    "tpu.region"() ({
      %run_scoped3A = tpu.sem_alloc : memref<!tpu.dma_semaphore, #tpu.memory_space<semaphore_mem>>
      %dma_start3A_1667 = arith.constant 0 : i32
      %dma_start3A_1668 = tpu.memref_slice %arg4[%add3A_1223, %dma_start3A_1667] : memref<425984x32xf32, #tpu.memory_space<hbm>> -> memref<128x32xf32, #tpu.memory_space<hbm>>
      %dma_start3A_1669 = arith.constant 0 : i32
      %dma_start3A_1670 = tpu.memref_slice %arg4[%add3A_1223, %dma_start3A_1669] : memref<425984x32xf32, #tpu.memory_space<hbm>> -> memref<128x32xf32, #tpu.memory_space<hbm>>
      tpu.enqueue_dma source(%arg8 : memref<128x32xf32, #tpu.memory_space<vmem>>) target(%dma_start3A_1670 : memref<128x32xf32, #tpu.memory_space<hbm>>) target_semaphore(%run_scoped3A : memref<!tpu.dma_semaphore, #tpu.memory_space<semaphore_mem>>)
      %dma_wait3A_1671 = arith.constant 0 : i32
      %dma_wait3A_1672 = tpu.memref_slice %arg4[%add3A_1223, %dma_wait3A_1671] : memref<425984x32xf32, #tpu.memory_space<hbm>> -> memref<128x32xf32, #tpu.memory_space<hbm>>
      %dma_wait3A_1673 = arith.constant 0 : i32
      %dma_wait3A_1674 = tpu.memref_slice %arg4[%add3A_1223, %dma_wait3A_1673] : memref<425984x32xf32, #tpu.memory_space<hbm>> -> memref<128x32xf32, #tpu.memory_space<hbm>>
      tpu.wait_dma2 semaphore(%run_scoped3A : memref<!tpu.dma_semaphore, #tpu.memory_space<semaphore_mem>>) src(%arg8 : memref<128x32xf32, #tpu.memory_space<vmem>>) dst(%dma_wait3A_1674 : memref<128x32xf32, #tpu.memory_space<hbm>>)
      tpu.yield
    }) : () -> ()
    %dma_start3A_1224 = arith.constant 78 : i32
    %dma_start3A_1225 = arith.constant 0 : i32
    %dma_start3A_1226 = tpu.memref_slice %arg5[%dma_start3A_1224, %dma_start3A_1225] : memref<104x128xi32, #tpu.memory_space<vmem>> -> memref<1x128xi32, #tpu.memory_space<vmem>>
    %dma_start3A_1227 = tpu.memref_squeeze %dma_start3A_1226 : memref<1x128xi32, #tpu.memory_space<vmem>> -> memref<128xi32, #tpu.memory_space<vmem>>
    %dma_start3A_1228 = arith.constant 0 : i32
    %dma_start3A_1229 = arith.constant 0 : i32
    %dma_start3A_1230 = tpu.memref_slice %arg3[%dma_start3A_1228, %dma_start3A_1229] : memref<1000000x32xf32, #tpu.memory_space<hbm>> -> memref<1000000x32xf32, #tpu.memory_space<hbm>>
    tpu.enqueue_indirect_dma source(%dma_start3A_1230 : memref<1000000x32xf32, #tpu.memory_space<hbm>>) target(%arg8 : memref<128x32xf32, #tpu.memory_space<vmem>>) offsets(%dma_start3A_1227 : memref<128xi32, #tpu.memory_space<vmem>>) semaphore(%arg12 : memref<!tpu.dma_semaphore, #tpu.memory_space<semaphore_mem>>)
    %dma_wait3A_1231 = arith.constant 75 : i32
    %dma_wait3A_1232 = arith.constant 0 : i32
    %dma_wait3A_1233 = tpu.memref_slice %arg5[%dma_wait3A_1231, %dma_wait3A_1232] : memref<104x128xi32, #tpu.memory_space<vmem>> -> memref<1x128xi32, #tpu.memory_space<vmem>>
    %dma_wait3A_1234 = tpu.memref_squeeze %dma_wait3A_1233 : memref<1x128xi32, #tpu.memory_space<vmem>> -> memref<128xi32, #tpu.memory_space<vmem>>
    %dma_wait3A_1235 = arith.constant 0 : i32
    %dma_wait3A_1236 = arith.constant 0 : i32
    %dma_wait3A_1237 = tpu.memref_slice %arg3[%dma_wait3A_1235, %dma_wait3A_1236] : memref<1000000x32xf32, #tpu.memory_space<hbm>> -> memref<1000000x32xf32, #tpu.memory_space<hbm>>
    tpu.wait_indirect_dma semaphore(%arg13 : memref<!tpu.dma_semaphore, #tpu.memory_space<semaphore_mem>>) src(%dma_wait3A_1237 : memref<1000000x32xf32, #tpu.memory_space<hbm>>) dst(%arg9 : memref<128x32xf32, #tpu.memory_space<vmem>>)
    %add3A_1238 = arith.constant 9600 : i32
    %add3A_1239 = arith.addi %mul3A_4, %add3A_1238 : i32
    "tpu.region"() ({
      %run_scoped3A = tpu.sem_alloc : memref<!tpu.dma_semaphore, #tpu.memory_space<semaphore_mem>>
      %dma_start3A_1667 = arith.constant 0 : i32
      %dma_start3A_1668 = tpu.memref_slice %arg4[%add3A_1239, %dma_start3A_1667] : memref<425984x32xf32, #tpu.memory_space<hbm>> -> memref<128x32xf32, #tpu.memory_space<hbm>>
      %dma_start3A_1669 = arith.constant 0 : i32
      %dma_start3A_1670 = tpu.memref_slice %arg4[%add3A_1239, %dma_start3A_1669] : memref<425984x32xf32, #tpu.memory_space<hbm>> -> memref<128x32xf32, #tpu.memory_space<hbm>>
      tpu.enqueue_dma source(%arg9 : memref<128x32xf32, #tpu.memory_space<vmem>>) target(%dma_start3A_1670 : memref<128x32xf32, #tpu.memory_space<hbm>>) target_semaphore(%run_scoped3A : memref<!tpu.dma_semaphore, #tpu.memory_space<semaphore_mem>>)
      %dma_wait3A_1671 = arith.constant 0 : i32
      %dma_wait3A_1672 = tpu.memref_slice %arg4[%add3A_1239, %dma_wait3A_1671] : memref<425984x32xf32, #tpu.memory_space<hbm>> -> memref<128x32xf32, #tpu.memory_space<hbm>>
      %dma_wait3A_1673 = arith.constant 0 : i32
      %dma_wait3A_1674 = tpu.memref_slice %arg4[%add3A_1239, %dma_wait3A_1673] : memref<425984x32xf32, #tpu.memory_space<hbm>> -> memref<128x32xf32, #tpu.memory_space<hbm>>
      tpu.wait_dma2 semaphore(%run_scoped3A : memref<!tpu.dma_semaphore, #tpu.memory_space<semaphore_mem>>) src(%arg9 : memref<128x32xf32, #tpu.memory_space<vmem>>) dst(%dma_wait3A_1674 : memref<128x32xf32, #tpu.memory_space<hbm>>)
      tpu.yield
    }) : () -> ()
    %dma_start3A_1240 = arith.constant 79 : i32
    %dma_start3A_1241 = arith.constant 0 : i32
    %dma_start3A_1242 = tpu.memref_slice %arg5[%dma_start3A_1240, %dma_start3A_1241] : memref<104x128xi32, #tpu.memory_space<vmem>> -> memref<1x128xi32, #tpu.memory_space<vmem>>
    %dma_start3A_1243 = tpu.memref_squeeze %dma_start3A_1242 : memref<1x128xi32, #tpu.memory_space<vmem>> -> memref<128xi32, #tpu.memory_space<vmem>>
    %dma_start3A_1244 = arith.constant 0 : i32
    %dma_start3A_1245 = arith.constant 0 : i32
    %dma_start3A_1246 = tpu.memref_slice %arg3[%dma_start3A_1244, %dma_start3A_1245] : memref<1000000x32xf32, #tpu.memory_space<hbm>> -> memref<1000000x32xf32, #tpu.memory_space<hbm>>
    tpu.enqueue_indirect_dma source(%dma_start3A_1246 : memref<1000000x32xf32, #tpu.memory_space<hbm>>) target(%arg9 : memref<128x32xf32, #tpu.memory_space<vmem>>) offsets(%dma_start3A_1243 : memref<128xi32, #tpu.memory_space<vmem>>) semaphore(%arg13 : memref<!tpu.dma_semaphore, #tpu.memory_space<semaphore_mem>>)
    %dma_wait3A_1247 = arith.constant 76 : i32
    %dma_wait3A_1248 = arith.constant 0 : i32
    %dma_wait3A_1249 = tpu.memref_slice %arg5[%dma_wait3A_1247, %dma_wait3A_1248] : memref<104x128xi32, #tpu.memory_space<vmem>> -> memref<1x128xi32, #tpu.memory_space<vmem>>
    %dma_wait3A_1250 = tpu.memref_squeeze %dma_wait3A_1249 : memref<1x128xi32, #tpu.memory_space<vmem>> -> memref<128xi32, #tpu.memory_space<vmem>>
    %dma_wait3A_1251 = arith.constant 0 : i32
    %dma_wait3A_1252 = arith.constant 0 : i32
    %dma_wait3A_1253 = tpu.memref_slice %arg3[%dma_wait3A_1251, %dma_wait3A_1252] : memref<1000000x32xf32, #tpu.memory_space<hbm>> -> memref<1000000x32xf32, #tpu.memory_space<hbm>>
    tpu.wait_indirect_dma semaphore(%arg10 : memref<!tpu.dma_semaphore, #tpu.memory_space<semaphore_mem>>) src(%dma_wait3A_1253 : memref<1000000x32xf32, #tpu.memory_space<hbm>>) dst(%arg6 : memref<128x32xf32, #tpu.memory_space<vmem>>)
    %add3A_1254 = arith.constant 9728 : i32
    %add3A_1255 = arith.addi %mul3A_4, %add3A_1254 : i32
    "tpu.region"() ({
      %run_scoped3A = tpu.sem_alloc : memref<!tpu.dma_semaphore, #tpu.memory_space<semaphore_mem>>
      %dma_start3A_1667 = arith.constant 0 : i32
      %dma_start3A_1668 = tpu.memref_slice %arg4[%add3A_1255, %dma_start3A_1667] : memref<425984x32xf32, #tpu.memory_space<hbm>> -> memref<128x32xf32, #tpu.memory_space<hbm>>
      %dma_start3A_1669 = arith.constant 0 : i32
      %dma_start3A_1670 = tpu.memref_slice %arg4[%add3A_1255, %dma_start3A_1669] : memref<425984x32xf32, #tpu.memory_space<hbm>> -> memref<128x32xf32, #tpu.memory_space<hbm>>
      tpu.enqueue_dma source(%arg6 : memref<128x32xf32, #tpu.memory_space<vmem>>) target(%dma_start3A_1670 : memref<128x32xf32, #tpu.memory_space<hbm>>) target_semaphore(%run_scoped3A : memref<!tpu.dma_semaphore, #tpu.memory_space<semaphore_mem>>)
      %dma_wait3A_1671 = arith.constant 0 : i32
      %dma_wait3A_1672 = tpu.memref_slice %arg4[%add3A_1255, %dma_wait3A_1671] : memref<425984x32xf32, #tpu.memory_space<hbm>> -> memref<128x32xf32, #tpu.memory_space<hbm>>
      %dma_wait3A_1673 = arith.constant 0 : i32
      %dma_wait3A_1674 = tpu.memref_slice %arg4[%add3A_1255, %dma_wait3A_1673] : memref<425984x32xf32, #tpu.memory_space<hbm>> -> memref<128x32xf32, #tpu.memory_space<hbm>>
      tpu.wait_dma2 semaphore(%run_scoped3A : memref<!tpu.dma_semaphore, #tpu.memory_space<semaphore_mem>>) src(%arg6 : memref<128x32xf32, #tpu.memory_space<vmem>>) dst(%dma_wait3A_1674 : memref<128x32xf32, #tpu.memory_space<hbm>>)
      tpu.yield
    }) : () -> ()
    %dma_start3A_1256 = arith.constant 80 : i32
    %dma_start3A_1257 = arith.constant 0 : i32
    %dma_start3A_1258 = tpu.memref_slice %arg5[%dma_start3A_1256, %dma_start3A_1257] : memref<104x128xi32, #tpu.memory_space<vmem>> -> memref<1x128xi32, #tpu.memory_space<vmem>>
    %dma_start3A_1259 = tpu.memref_squeeze %dma_start3A_1258 : memref<1x128xi32, #tpu.memory_space<vmem>> -> memref<128xi32, #tpu.memory_space<vmem>>
    %dma_start3A_1260 = arith.constant 0 : i32
    %dma_start3A_1261 = arith.constant 0 : i32
    %dma_start3A_1262 = tpu.memref_slice %arg3[%dma_start3A_1260, %dma_start3A_1261] : memref<1000000x32xf32, #tpu.memory_space<hbm>> -> memref<1000000x32xf32, #tpu.memory_space<hbm>>
    tpu.enqueue_indirect_dma source(%dma_start3A_1262 : memref<1000000x32xf32, #tpu.memory_space<hbm>>) target(%arg6 : memref<128x32xf32, #tpu.memory_space<vmem>>) offsets(%dma_start3A_1259 : memref<128xi32, #tpu.memory_space<vmem>>) semaphore(%arg10 : memref<!tpu.dma_semaphore, #tpu.memory_space<semaphore_mem>>)
    %dma_wait3A_1263 = arith.constant 77 : i32
    %dma_wait3A_1264 = arith.constant 0 : i32
    %dma_wait3A_1265 = tpu.memref_slice %arg5[%dma_wait3A_1263, %dma_wait3A_1264] : memref<104x128xi32, #tpu.memory_space<vmem>> -> memref<1x128xi32, #tpu.memory_space<vmem>>
    %dma_wait3A_1266 = tpu.memref_squeeze %dma_wait3A_1265 : memref<1x128xi32, #tpu.memory_space<vmem>> -> memref<128xi32, #tpu.memory_space<vmem>>
    %dma_wait3A_1267 = arith.constant 0 : i32
    %dma_wait3A_1268 = arith.constant 0 : i32
    %dma_wait3A_1269 = tpu.memref_slice %arg3[%dma_wait3A_1267, %dma_wait3A_1268] : memref<1000000x32xf32, #tpu.memory_space<hbm>> -> memref<1000000x32xf32, #tpu.memory_space<hbm>>
    tpu.wait_indirect_dma semaphore(%arg11 : memref<!tpu.dma_semaphore, #tpu.memory_space<semaphore_mem>>) src(%dma_wait3A_1269 : memref<1000000x32xf32, #tpu.memory_space<hbm>>) dst(%arg7 : memref<128x32xf32, #tpu.memory_space<vmem>>)
    %add3A_1270 = arith.constant 9856 : i32
    %add3A_1271 = arith.addi %mul3A_4, %add3A_1270 : i32
    "tpu.region"() ({
      %run_scoped3A = tpu.sem_alloc : memref<!tpu.dma_semaphore, #tpu.memory_space<semaphore_mem>>
      %dma_start3A_1667 = arith.constant 0 : i32
      %dma_start3A_1668 = tpu.memref_slice %arg4[%add3A_1271, %dma_start3A_1667] : memref<425984x32xf32, #tpu.memory_space<hbm>> -> memref<128x32xf32, #tpu.memory_space<hbm>>
      %dma_start3A_1669 = arith.constant 0 : i32
      %dma_start3A_1670 = tpu.memref_slice %arg4[%add3A_1271, %dma_start3A_1669] : memref<425984x32xf32, #tpu.memory_space<hbm>> -> memref<128x32xf32, #tpu.memory_space<hbm>>
      tpu.enqueue_dma source(%arg7 : memref<128x32xf32, #tpu.memory_space<vmem>>) target(%dma_start3A_1670 : memref<128x32xf32, #tpu.memory_space<hbm>>) target_semaphore(%run_scoped3A : memref<!tpu.dma_semaphore, #tpu.memory_space<semaphore_mem>>)
      %dma_wait3A_1671 = arith.constant 0 : i32
      %dma_wait3A_1672 = tpu.memref_slice %arg4[%add3A_1271, %dma_wait3A_1671] : memref<425984x32xf32, #tpu.memory_space<hbm>> -> memref<128x32xf32, #tpu.memory_space<hbm>>
      %dma_wait3A_1673 = arith.constant 0 : i32
      %dma_wait3A_1674 = tpu.memref_slice %arg4[%add3A_1271, %dma_wait3A_1673] : memref<425984x32xf32, #tpu.memory_space<hbm>> -> memref<128x32xf32, #tpu.memory_space<hbm>>
      tpu.wait_dma2 semaphore(%run_scoped3A : memref<!tpu.dma_semaphore, #tpu.memory_space<semaphore_mem>>) src(%arg7 : memref<128x32xf32, #tpu.memory_space<vmem>>) dst(%dma_wait3A_1674 : memref<128x32xf32, #tpu.memory_space<hbm>>)
      tpu.yield
    }) : () -> ()
    %dma_start3A_1272 = arith.constant 81 : i32
    %dma_start3A_1273 = arith.constant 0 : i32
    %dma_start3A_1274 = tpu.memref_slice %arg5[%dma_start3A_1272, %dma_start3A_1273] : memref<104x128xi32, #tpu.memory_space<vmem>> -> memref<1x128xi32, #tpu.memory_space<vmem>>
    %dma_start3A_1275 = tpu.memref_squeeze %dma_start3A_1274 : memref<1x128xi32, #tpu.memory_space<vmem>> -> memref<128xi32, #tpu.memory_space<vmem>>
    %dma_start3A_1276 = arith.constant 0 : i32
    %dma_start3A_1277 = arith.constant 0 : i32
    %dma_start3A_1278 = tpu.memref_slice %arg3[%dma_start3A_1276, %dma_start3A_1277] : memref<1000000x32xf32, #tpu.memory_space<hbm>> -> memref<1000000x32xf32, #tpu.memory_space<hbm>>
    tpu.enqueue_indirect_dma source(%dma_start3A_1278 : memref<1000000x32xf32, #tpu.memory_space<hbm>>) target(%arg7 : memref<128x32xf32, #tpu.memory_space<vmem>>) offsets(%dma_start3A_1275 : memref<128xi32, #tpu.memory_space<vmem>>) semaphore(%arg11 : memref<!tpu.dma_semaphore, #tpu.memory_space<semaphore_mem>>)
    %dma_wait3A_1279 = arith.constant 78 : i32
    %dma_wait3A_1280 = arith.constant 0 : i32
    %dma_wait3A_1281 = tpu.memref_slice %arg5[%dma_wait3A_1279, %dma_wait3A_1280] : memref<104x128xi32, #tpu.memory_space<vmem>> -> memref<1x128xi32, #tpu.memory_space<vmem>>
    %dma_wait3A_1282 = tpu.memref_squeeze %dma_wait3A_1281 : memref<1x128xi32, #tpu.memory_space<vmem>> -> memref<128xi32, #tpu.memory_space<vmem>>
    %dma_wait3A_1283 = arith.constant 0 : i32
    %dma_wait3A_1284 = arith.constant 0 : i32
    %dma_wait3A_1285 = tpu.memref_slice %arg3[%dma_wait3A_1283, %dma_wait3A_1284] : memref<1000000x32xf32, #tpu.memory_space<hbm>> -> memref<1000000x32xf32, #tpu.memory_space<hbm>>
    tpu.wait_indirect_dma semaphore(%arg12 : memref<!tpu.dma_semaphore, #tpu.memory_space<semaphore_mem>>) src(%dma_wait3A_1285 : memref<1000000x32xf32, #tpu.memory_space<hbm>>) dst(%arg8 : memref<128x32xf32, #tpu.memory_space<vmem>>)
    %add3A_1286 = arith.constant 9984 : i32
    %add3A_1287 = arith.addi %mul3A_4, %add3A_1286 : i32
    "tpu.region"() ({
      %run_scoped3A = tpu.sem_alloc : memref<!tpu.dma_semaphore, #tpu.memory_space<semaphore_mem>>
      %dma_start3A_1667 = arith.constant 0 : i32
      %dma_start3A_1668 = tpu.memref_slice %arg4[%add3A_1287, %dma_start3A_1667] : memref<425984x32xf32, #tpu.memory_space<hbm>> -> memref<128x32xf32, #tpu.memory_space<hbm>>
      %dma_start3A_1669 = arith.constant 0 : i32
      %dma_start3A_1670 = tpu.memref_slice %arg4[%add3A_1287, %dma_start3A_1669] : memref<425984x32xf32, #tpu.memory_space<hbm>> -> memref<128x32xf32, #tpu.memory_space<hbm>>
      tpu.enqueue_dma source(%arg8 : memref<128x32xf32, #tpu.memory_space<vmem>>) target(%dma_start3A_1670 : memref<128x32xf32, #tpu.memory_space<hbm>>) target_semaphore(%run_scoped3A : memref<!tpu.dma_semaphore, #tpu.memory_space<semaphore_mem>>)
      %dma_wait3A_1671 = arith.constant 0 : i32
      %dma_wait3A_1672 = tpu.memref_slice %arg4[%add3A_1287, %dma_wait3A_1671] : memref<425984x32xf32, #tpu.memory_space<hbm>> -> memref<128x32xf32, #tpu.memory_space<hbm>>
      %dma_wait3A_1673 = arith.constant 0 : i32
      %dma_wait3A_1674 = tpu.memref_slice %arg4[%add3A_1287, %dma_wait3A_1673] : memref<425984x32xf32, #tpu.memory_space<hbm>> -> memref<128x32xf32, #tpu.memory_space<hbm>>
      tpu.wait_dma2 semaphore(%run_scoped3A : memref<!tpu.dma_semaphore, #tpu.memory_space<semaphore_mem>>) src(%arg8 : memref<128x32xf32, #tpu.memory_space<vmem>>) dst(%dma_wait3A_1674 : memref<128x32xf32, #tpu.memory_space<hbm>>)
      tpu.yield
    }) : () -> ()
    %dma_start3A_1288 = arith.constant 82 : i32
    %dma_start3A_1289 = arith.constant 0 : i32
    %dma_start3A_1290 = tpu.memref_slice %arg5[%dma_start3A_1288, %dma_start3A_1289] : memref<104x128xi32, #tpu.memory_space<vmem>> -> memref<1x128xi32, #tpu.memory_space<vmem>>
    %dma_start3A_1291 = tpu.memref_squeeze %dma_start3A_1290 : memref<1x128xi32, #tpu.memory_space<vmem>> -> memref<128xi32, #tpu.memory_space<vmem>>
    %dma_start3A_1292 = arith.constant 0 : i32
    %dma_start3A_1293 = arith.constant 0 : i32
    %dma_start3A_1294 = tpu.memref_slice %arg3[%dma_start3A_1292, %dma_start3A_1293] : memref<1000000x32xf32, #tpu.memory_space<hbm>> -> memref<1000000x32xf32, #tpu.memory_space<hbm>>
    tpu.enqueue_indirect_dma source(%dma_start3A_1294 : memref<1000000x32xf32, #tpu.memory_space<hbm>>) target(%arg8 : memref<128x32xf32, #tpu.memory_space<vmem>>) offsets(%dma_start3A_1291 : memref<128xi32, #tpu.memory_space<vmem>>) semaphore(%arg12 : memref<!tpu.dma_semaphore, #tpu.memory_space<semaphore_mem>>)
    %dma_wait3A_1295 = arith.constant 79 : i32
    %dma_wait3A_1296 = arith.constant 0 : i32
    %dma_wait3A_1297 = tpu.memref_slice %arg5[%dma_wait3A_1295, %dma_wait3A_1296] : memref<104x128xi32, #tpu.memory_space<vmem>> -> memref<1x128xi32, #tpu.memory_space<vmem>>
    %dma_wait3A_1298 = tpu.memref_squeeze %dma_wait3A_1297 : memref<1x128xi32, #tpu.memory_space<vmem>> -> memref<128xi32, #tpu.memory_space<vmem>>
    %dma_wait3A_1299 = arith.constant 0 : i32
    %dma_wait3A_1300 = arith.constant 0 : i32
    %dma_wait3A_1301 = tpu.memref_slice %arg3[%dma_wait3A_1299, %dma_wait3A_1300] : memref<1000000x32xf32, #tpu.memory_space<hbm>> -> memref<1000000x32xf32, #tpu.memory_space<hbm>>
    tpu.wait_indirect_dma semaphore(%arg13 : memref<!tpu.dma_semaphore, #tpu.memory_space<semaphore_mem>>) src(%dma_wait3A_1301 : memref<1000000x32xf32, #tpu.memory_space<hbm>>) dst(%arg9 : memref<128x32xf32, #tpu.memory_space<vmem>>)
    %add3A_1302 = arith.constant 10112 : i32
    %add3A_1303 = arith.addi %mul3A_4, %add3A_1302 : i32
    "tpu.region"() ({
      %run_scoped3A = tpu.sem_alloc : memref<!tpu.dma_semaphore, #tpu.memory_space<semaphore_mem>>
      %dma_start3A_1667 = arith.constant 0 : i32
      %dma_start3A_1668 = tpu.memref_slice %arg4[%add3A_1303, %dma_start3A_1667] : memref<425984x32xf32, #tpu.memory_space<hbm>> -> memref<128x32xf32, #tpu.memory_space<hbm>>
      %dma_start3A_1669 = arith.constant 0 : i32
      %dma_start3A_1670 = tpu.memref_slice %arg4[%add3A_1303, %dma_start3A_1669] : memref<425984x32xf32, #tpu.memory_space<hbm>> -> memref<128x32xf32, #tpu.memory_space<hbm>>
      tpu.enqueue_dma source(%arg9 : memref<128x32xf32, #tpu.memory_space<vmem>>) target(%dma_start3A_1670 : memref<128x32xf32, #tpu.memory_space<hbm>>) target_semaphore(%run_scoped3A : memref<!tpu.dma_semaphore, #tpu.memory_space<semaphore_mem>>)
      %dma_wait3A_1671 = arith.constant 0 : i32
      %dma_wait3A_1672 = tpu.memref_slice %arg4[%add3A_1303, %dma_wait3A_1671] : memref<425984x32xf32, #tpu.memory_space<hbm>> -> memref<128x32xf32, #tpu.memory_space<hbm>>
      %dma_wait3A_1673 = arith.constant 0 : i32
      %dma_wait3A_1674 = tpu.memref_slice %arg4[%add3A_1303, %dma_wait3A_1673] : memref<425984x32xf32, #tpu.memory_space<hbm>> -> memref<128x32xf32, #tpu.memory_space<hbm>>
      tpu.wait_dma2 semaphore(%run_scoped3A : memref<!tpu.dma_semaphore, #tpu.memory_space<semaphore_mem>>) src(%arg9 : memref<128x32xf32, #tpu.memory_space<vmem>>) dst(%dma_wait3A_1674 : memref<128x32xf32, #tpu.memory_space<hbm>>)
      tpu.yield
    }) : () -> ()
    %dma_start3A_1304 = arith.constant 83 : i32
    %dma_start3A_1305 = arith.constant 0 : i32
    %dma_start3A_1306 = tpu.memref_slice %arg5[%dma_start3A_1304, %dma_start3A_1305] : memref<104x128xi32, #tpu.memory_space<vmem>> -> memref<1x128xi32, #tpu.memory_space<vmem>>
    %dma_start3A_1307 = tpu.memref_squeeze %dma_start3A_1306 : memref<1x128xi32, #tpu.memory_space<vmem>> -> memref<128xi32, #tpu.memory_space<vmem>>
    %dma_start3A_1308 = arith.constant 0 : i32
    %dma_start3A_1309 = arith.constant 0 : i32
    %dma_start3A_1310 = tpu.memref_slice %arg3[%dma_start3A_1308, %dma_start3A_1309] : memref<1000000x32xf32, #tpu.memory_space<hbm>> -> memref<1000000x32xf32, #tpu.memory_space<hbm>>
    tpu.enqueue_indirect_dma source(%dma_start3A_1310 : memref<1000000x32xf32, #tpu.memory_space<hbm>>) target(%arg9 : memref<128x32xf32, #tpu.memory_space<vmem>>) offsets(%dma_start3A_1307 : memref<128xi32, #tpu.memory_space<vmem>>) semaphore(%arg13 : memref<!tpu.dma_semaphore, #tpu.memory_space<semaphore_mem>>)
    %dma_wait3A_1311 = arith.constant 80 : i32
    %dma_wait3A_1312 = arith.constant 0 : i32
    %dma_wait3A_1313 = tpu.memref_slice %arg5[%dma_wait3A_1311, %dma_wait3A_1312] : memref<104x128xi32, #tpu.memory_space<vmem>> -> memref<1x128xi32, #tpu.memory_space<vmem>>
    %dma_wait3A_1314 = tpu.memref_squeeze %dma_wait3A_1313 : memref<1x128xi32, #tpu.memory_space<vmem>> -> memref<128xi32, #tpu.memory_space<vmem>>
    %dma_wait3A_1315 = arith.constant 0 : i32
    %dma_wait3A_1316 = arith.constant 0 : i32
    %dma_wait3A_1317 = tpu.memref_slice %arg3[%dma_wait3A_1315, %dma_wait3A_1316] : memref<1000000x32xf32, #tpu.memory_space<hbm>> -> memref<1000000x32xf32, #tpu.memory_space<hbm>>
    tpu.wait_indirect_dma semaphore(%arg10 : memref<!tpu.dma_semaphore, #tpu.memory_space<semaphore_mem>>) src(%dma_wait3A_1317 : memref<1000000x32xf32, #tpu.memory_space<hbm>>) dst(%arg6 : memref<128x32xf32, #tpu.memory_space<vmem>>)
    %add3A_1318 = arith.constant 10240 : i32
    %add3A_1319 = arith.addi %mul3A_4, %add3A_1318 : i32
    "tpu.region"() ({
      %run_scoped3A = tpu.sem_alloc : memref<!tpu.dma_semaphore, #tpu.memory_space<semaphore_mem>>
      %dma_start3A_1667 = arith.constant 0 : i32
      %dma_start3A_1668 = tpu.memref_slice %arg4[%add3A_1319, %dma_start3A_1667] : memref<425984x32xf32, #tpu.memory_space<hbm>> -> memref<128x32xf32, #tpu.memory_space<hbm>>
      %dma_start3A_1669 = arith.constant 0 : i32
      %dma_start3A_1670 = tpu.memref_slice %arg4[%add3A_1319, %dma_start3A_1669] : memref<425984x32xf32, #tpu.memory_space<hbm>> -> memref<128x32xf32, #tpu.memory_space<hbm>>
      tpu.enqueue_dma source(%arg6 : memref<128x32xf32, #tpu.memory_space<vmem>>) target(%dma_start3A_1670 : memref<128x32xf32, #tpu.memory_space<hbm>>) target_semaphore(%run_scoped3A : memref<!tpu.dma_semaphore, #tpu.memory_space<semaphore_mem>>)
      %dma_wait3A_1671 = arith.constant 0 : i32
      %dma_wait3A_1672 = tpu.memref_slice %arg4[%add3A_1319, %dma_wait3A_1671] : memref<425984x32xf32, #tpu.memory_space<hbm>> -> memref<128x32xf32, #tpu.memory_space<hbm>>
      %dma_wait3A_1673 = arith.constant 0 : i32
      %dma_wait3A_1674 = tpu.memref_slice %arg4[%add3A_1319, %dma_wait3A_1673] : memref<425984x32xf32, #tpu.memory_space<hbm>> -> memref<128x32xf32, #tpu.memory_space<hbm>>
      tpu.wait_dma2 semaphore(%run_scoped3A : memref<!tpu.dma_semaphore, #tpu.memory_space<semaphore_mem>>) src(%arg6 : memref<128x32xf32, #tpu.memory_space<vmem>>) dst(%dma_wait3A_1674 : memref<128x32xf32, #tpu.memory_space<hbm>>)
      tpu.yield
    }) : () -> ()
    %dma_start3A_1320 = arith.constant 84 : i32
    %dma_start3A_1321 = arith.constant 0 : i32
    %dma_start3A_1322 = tpu.memref_slice %arg5[%dma_start3A_1320, %dma_start3A_1321] : memref<104x128xi32, #tpu.memory_space<vmem>> -> memref<1x128xi32, #tpu.memory_space<vmem>>
    %dma_start3A_1323 = tpu.memref_squeeze %dma_start3A_1322 : memref<1x128xi32, #tpu.memory_space<vmem>> -> memref<128xi32, #tpu.memory_space<vmem>>
    %dma_start3A_1324 = arith.constant 0 : i32
    %dma_start3A_1325 = arith.constant 0 : i32
    %dma_start3A_1326 = tpu.memref_slice %arg3[%dma_start3A_1324, %dma_start3A_1325] : memref<1000000x32xf32, #tpu.memory_space<hbm>> -> memref<1000000x32xf32, #tpu.memory_space<hbm>>
    tpu.enqueue_indirect_dma source(%dma_start3A_1326 : memref<1000000x32xf32, #tpu.memory_space<hbm>>) target(%arg6 : memref<128x32xf32, #tpu.memory_space<vmem>>) offsets(%dma_start3A_1323 : memref<128xi32, #tpu.memory_space<vmem>>) semaphore(%arg10 : memref<!tpu.dma_semaphore, #tpu.memory_space<semaphore_mem>>)
    %dma_wait3A_1327 = arith.constant 81 : i32
    %dma_wait3A_1328 = arith.constant 0 : i32
    %dma_wait3A_1329 = tpu.memref_slice %arg5[%dma_wait3A_1327, %dma_wait3A_1328] : memref<104x128xi32, #tpu.memory_space<vmem>> -> memref<1x128xi32, #tpu.memory_space<vmem>>
    %dma_wait3A_1330 = tpu.memref_squeeze %dma_wait3A_1329 : memref<1x128xi32, #tpu.memory_space<vmem>> -> memref<128xi32, #tpu.memory_space<vmem>>
    %dma_wait3A_1331 = arith.constant 0 : i32
    %dma_wait3A_1332 = arith.constant 0 : i32
    %dma_wait3A_1333 = tpu.memref_slice %arg3[%dma_wait3A_1331, %dma_wait3A_1332] : memref<1000000x32xf32, #tpu.memory_space<hbm>> -> memref<1000000x32xf32, #tpu.memory_space<hbm>>
    tpu.wait_indirect_dma semaphore(%arg11 : memref<!tpu.dma_semaphore, #tpu.memory_space<semaphore_mem>>) src(%dma_wait3A_1333 : memref<1000000x32xf32, #tpu.memory_space<hbm>>) dst(%arg7 : memref<128x32xf32, #tpu.memory_space<vmem>>)
    %add3A_1334 = arith.constant 10368 : i32
    %add3A_1335 = arith.addi %mul3A_4, %add3A_1334 : i32
    "tpu.region"() ({
      %run_scoped3A = tpu.sem_alloc : memref<!tpu.dma_semaphore, #tpu.memory_space<semaphore_mem>>
      %dma_start3A_1667 = arith.constant 0 : i32
      %dma_start3A_1668 = tpu.memref_slice %arg4[%add3A_1335, %dma_start3A_1667] : memref<425984x32xf32, #tpu.memory_space<hbm>> -> memref<128x32xf32, #tpu.memory_space<hbm>>
      %dma_start3A_1669 = arith.constant 0 : i32
      %dma_start3A_1670 = tpu.memref_slice %arg4[%add3A_1335, %dma_start3A_1669] : memref<425984x32xf32, #tpu.memory_space<hbm>> -> memref<128x32xf32, #tpu.memory_space<hbm>>
      tpu.enqueue_dma source(%arg7 : memref<128x32xf32, #tpu.memory_space<vmem>>) target(%dma_start3A_1670 : memref<128x32xf32, #tpu.memory_space<hbm>>) target_semaphore(%run_scoped3A : memref<!tpu.dma_semaphore, #tpu.memory_space<semaphore_mem>>)
      %dma_wait3A_1671 = arith.constant 0 : i32
      %dma_wait3A_1672 = tpu.memref_slice %arg4[%add3A_1335, %dma_wait3A_1671] : memref<425984x32xf32, #tpu.memory_space<hbm>> -> memref<128x32xf32, #tpu.memory_space<hbm>>
      %dma_wait3A_1673 = arith.constant 0 : i32
      %dma_wait3A_1674 = tpu.memref_slice %arg4[%add3A_1335, %dma_wait3A_1673] : memref<425984x32xf32, #tpu.memory_space<hbm>> -> memref<128x32xf32, #tpu.memory_space<hbm>>
      tpu.wait_dma2 semaphore(%run_scoped3A : memref<!tpu.dma_semaphore, #tpu.memory_space<semaphore_mem>>) src(%arg7 : memref<128x32xf32, #tpu.memory_space<vmem>>) dst(%dma_wait3A_1674 : memref<128x32xf32, #tpu.memory_space<hbm>>)
      tpu.yield
    }) : () -> ()
    %dma_start3A_1336 = arith.constant 85 : i32
    %dma_start3A_1337 = arith.constant 0 : i32
    %dma_start3A_1338 = tpu.memref_slice %arg5[%dma_start3A_1336, %dma_start3A_1337] : memref<104x128xi32, #tpu.memory_space<vmem>> -> memref<1x128xi32, #tpu.memory_space<vmem>>
    %dma_start3A_1339 = tpu.memref_squeeze %dma_start3A_1338 : memref<1x128xi32, #tpu.memory_space<vmem>> -> memref<128xi32, #tpu.memory_space<vmem>>
    %dma_start3A_1340 = arith.constant 0 : i32
    %dma_start3A_1341 = arith.constant 0 : i32
    %dma_start3A_1342 = tpu.memref_slice %arg3[%dma_start3A_1340, %dma_start3A_1341] : memref<1000000x32xf32, #tpu.memory_space<hbm>> -> memref<1000000x32xf32, #tpu.memory_space<hbm>>
    tpu.enqueue_indirect_dma source(%dma_start3A_1342 : memref<1000000x32xf32, #tpu.memory_space<hbm>>) target(%arg7 : memref<128x32xf32, #tpu.memory_space<vmem>>) offsets(%dma_start3A_1339 : memref<128xi32, #tpu.memory_space<vmem>>) semaphore(%arg11 : memref<!tpu.dma_semaphore, #tpu.memory_space<semaphore_mem>>)
    %dma_wait3A_1343 = arith.constant 82 : i32
    %dma_wait3A_1344 = arith.constant 0 : i32
    %dma_wait3A_1345 = tpu.memref_slice %arg5[%dma_wait3A_1343, %dma_wait3A_1344] : memref<104x128xi32, #tpu.memory_space<vmem>> -> memref<1x128xi32, #tpu.memory_space<vmem>>
    %dma_wait3A_1346 = tpu.memref_squeeze %dma_wait3A_1345 : memref<1x128xi32, #tpu.memory_space<vmem>> -> memref<128xi32, #tpu.memory_space<vmem>>
    %dma_wait3A_1347 = arith.constant 0 : i32
    %dma_wait3A_1348 = arith.constant 0 : i32
    %dma_wait3A_1349 = tpu.memref_slice %arg3[%dma_wait3A_1347, %dma_wait3A_1348] : memref<1000000x32xf32, #tpu.memory_space<hbm>> -> memref<1000000x32xf32, #tpu.memory_space<hbm>>
    tpu.wait_indirect_dma semaphore(%arg12 : memref<!tpu.dma_semaphore, #tpu.memory_space<semaphore_mem>>) src(%dma_wait3A_1349 : memref<1000000x32xf32, #tpu.memory_space<hbm>>) dst(%arg8 : memref<128x32xf32, #tpu.memory_space<vmem>>)
    %add3A_1350 = arith.constant 10496 : i32
    %add3A_1351 = arith.addi %mul3A_4, %add3A_1350 : i32
    "tpu.region"() ({
      %run_scoped3A = tpu.sem_alloc : memref<!tpu.dma_semaphore, #tpu.memory_space<semaphore_mem>>
      %dma_start3A_1667 = arith.constant 0 : i32
      %dma_start3A_1668 = tpu.memref_slice %arg4[%add3A_1351, %dma_start3A_1667] : memref<425984x32xf32, #tpu.memory_space<hbm>> -> memref<128x32xf32, #tpu.memory_space<hbm>>
      %dma_start3A_1669 = arith.constant 0 : i32
      %dma_start3A_1670 = tpu.memref_slice %arg4[%add3A_1351, %dma_start3A_1669] : memref<425984x32xf32, #tpu.memory_space<hbm>> -> memref<128x32xf32, #tpu.memory_space<hbm>>
      tpu.enqueue_dma source(%arg8 : memref<128x32xf32, #tpu.memory_space<vmem>>) target(%dma_start3A_1670 : memref<128x32xf32, #tpu.memory_space<hbm>>) target_semaphore(%run_scoped3A : memref<!tpu.dma_semaphore, #tpu.memory_space<semaphore_mem>>)
      %dma_wait3A_1671 = arith.constant 0 : i32
      %dma_wait3A_1672 = tpu.memref_slice %arg4[%add3A_1351, %dma_wait3A_1671] : memref<425984x32xf32, #tpu.memory_space<hbm>> -> memref<128x32xf32, #tpu.memory_space<hbm>>
      %dma_wait3A_1673 = arith.constant 0 : i32
      %dma_wait3A_1674 = tpu.memref_slice %arg4[%add3A_1351, %dma_wait3A_1673] : memref<425984x32xf32, #tpu.memory_space<hbm>> -> memref<128x32xf32, #tpu.memory_space<hbm>>
      tpu.wait_dma2 semaphore(%run_scoped3A : memref<!tpu.dma_semaphore, #tpu.memory_space<semaphore_mem>>) src(%arg8 : memref<128x32xf32, #tpu.memory_space<vmem>>) dst(%dma_wait3A_1674 : memref<128x32xf32, #tpu.memory_space<hbm>>)
      tpu.yield
    }) : () -> ()
    %dma_start3A_1352 = arith.constant 86 : i32
    %dma_start3A_1353 = arith.constant 0 : i32
    %dma_start3A_1354 = tpu.memref_slice %arg5[%dma_start3A_1352, %dma_start3A_1353] : memref<104x128xi32, #tpu.memory_space<vmem>> -> memref<1x128xi32, #tpu.memory_space<vmem>>
    %dma_start3A_1355 = tpu.memref_squeeze %dma_start3A_1354 : memref<1x128xi32, #tpu.memory_space<vmem>> -> memref<128xi32, #tpu.memory_space<vmem>>
    %dma_start3A_1356 = arith.constant 0 : i32
    %dma_start3A_1357 = arith.constant 0 : i32
    %dma_start3A_1358 = tpu.memref_slice %arg3[%dma_start3A_1356, %dma_start3A_1357] : memref<1000000x32xf32, #tpu.memory_space<hbm>> -> memref<1000000x32xf32, #tpu.memory_space<hbm>>
    tpu.enqueue_indirect_dma source(%dma_start3A_1358 : memref<1000000x32xf32, #tpu.memory_space<hbm>>) target(%arg8 : memref<128x32xf32, #tpu.memory_space<vmem>>) offsets(%dma_start3A_1355 : memref<128xi32, #tpu.memory_space<vmem>>) semaphore(%arg12 : memref<!tpu.dma_semaphore, #tpu.memory_space<semaphore_mem>>)
    %dma_wait3A_1359 = arith.constant 83 : i32
    %dma_wait3A_1360 = arith.constant 0 : i32
    %dma_wait3A_1361 = tpu.memref_slice %arg5[%dma_wait3A_1359, %dma_wait3A_1360] : memref<104x128xi32, #tpu.memory_space<vmem>> -> memref<1x128xi32, #tpu.memory_space<vmem>>
    %dma_wait3A_1362 = tpu.memref_squeeze %dma_wait3A_1361 : memref<1x128xi32, #tpu.memory_space<vmem>> -> memref<128xi32, #tpu.memory_space<vmem>>
    %dma_wait3A_1363 = arith.constant 0 : i32
    %dma_wait3A_1364 = arith.constant 0 : i32
    %dma_wait3A_1365 = tpu.memref_slice %arg3[%dma_wait3A_1363, %dma_wait3A_1364] : memref<1000000x32xf32, #tpu.memory_space<hbm>> -> memref<1000000x32xf32, #tpu.memory_space<hbm>>
    tpu.wait_indirect_dma semaphore(%arg13 : memref<!tpu.dma_semaphore, #tpu.memory_space<semaphore_mem>>) src(%dma_wait3A_1365 : memref<1000000x32xf32, #tpu.memory_space<hbm>>) dst(%arg9 : memref<128x32xf32, #tpu.memory_space<vmem>>)
    %add3A_1366 = arith.constant 10624 : i32
    %add3A_1367 = arith.addi %mul3A_4, %add3A_1366 : i32
    "tpu.region"() ({
      %run_scoped3A = tpu.sem_alloc : memref<!tpu.dma_semaphore, #tpu.memory_space<semaphore_mem>>
      %dma_start3A_1667 = arith.constant 0 : i32
      %dma_start3A_1668 = tpu.memref_slice %arg4[%add3A_1367, %dma_start3A_1667] : memref<425984x32xf32, #tpu.memory_space<hbm>> -> memref<128x32xf32, #tpu.memory_space<hbm>>
      %dma_start3A_1669 = arith.constant 0 : i32
      %dma_start3A_1670 = tpu.memref_slice %arg4[%add3A_1367, %dma_start3A_1669] : memref<425984x32xf32, #tpu.memory_space<hbm>> -> memref<128x32xf32, #tpu.memory_space<hbm>>
      tpu.enqueue_dma source(%arg9 : memref<128x32xf32, #tpu.memory_space<vmem>>) target(%dma_start3A_1670 : memref<128x32xf32, #tpu.memory_space<hbm>>) target_semaphore(%run_scoped3A : memref<!tpu.dma_semaphore, #tpu.memory_space<semaphore_mem>>)
      %dma_wait3A_1671 = arith.constant 0 : i32
      %dma_wait3A_1672 = tpu.memref_slice %arg4[%add3A_1367, %dma_wait3A_1671] : memref<425984x32xf32, #tpu.memory_space<hbm>> -> memref<128x32xf32, #tpu.memory_space<hbm>>
      %dma_wait3A_1673 = arith.constant 0 : i32
      %dma_wait3A_1674 = tpu.memref_slice %arg4[%add3A_1367, %dma_wait3A_1673] : memref<425984x32xf32, #tpu.memory_space<hbm>> -> memref<128x32xf32, #tpu.memory_space<hbm>>
      tpu.wait_dma2 semaphore(%run_scoped3A : memref<!tpu.dma_semaphore, #tpu.memory_space<semaphore_mem>>) src(%arg9 : memref<128x32xf32, #tpu.memory_space<vmem>>) dst(%dma_wait3A_1674 : memref<128x32xf32, #tpu.memory_space<hbm>>)
      tpu.yield
    }) : () -> ()
    %dma_start3A_1368 = arith.constant 87 : i32
    %dma_start3A_1369 = arith.constant 0 : i32
    %dma_start3A_1370 = tpu.memref_slice %arg5[%dma_start3A_1368, %dma_start3A_1369] : memref<104x128xi32, #tpu.memory_space<vmem>> -> memref<1x128xi32, #tpu.memory_space<vmem>>
    %dma_start3A_1371 = tpu.memref_squeeze %dma_start3A_1370 : memref<1x128xi32, #tpu.memory_space<vmem>> -> memref<128xi32, #tpu.memory_space<vmem>>
    %dma_start3A_1372 = arith.constant 0 : i32
    %dma_start3A_1373 = arith.constant 0 : i32
    %dma_start3A_1374 = tpu.memref_slice %arg3[%dma_start3A_1372, %dma_start3A_1373] : memref<1000000x32xf32, #tpu.memory_space<hbm>> -> memref<1000000x32xf32, #tpu.memory_space<hbm>>
    tpu.enqueue_indirect_dma source(%dma_start3A_1374 : memref<1000000x32xf32, #tpu.memory_space<hbm>>) target(%arg9 : memref<128x32xf32, #tpu.memory_space<vmem>>) offsets(%dma_start3A_1371 : memref<128xi32, #tpu.memory_space<vmem>>) semaphore(%arg13 : memref<!tpu.dma_semaphore, #tpu.memory_space<semaphore_mem>>)
    %dma_wait3A_1375 = arith.constant 84 : i32
    %dma_wait3A_1376 = arith.constant 0 : i32
    %dma_wait3A_1377 = tpu.memref_slice %arg5[%dma_wait3A_1375, %dma_wait3A_1376] : memref<104x128xi32, #tpu.memory_space<vmem>> -> memref<1x128xi32, #tpu.memory_space<vmem>>
    %dma_wait3A_1378 = tpu.memref_squeeze %dma_wait3A_1377 : memref<1x128xi32, #tpu.memory_space<vmem>> -> memref<128xi32, #tpu.memory_space<vmem>>
    %dma_wait3A_1379 = arith.constant 0 : i32
    %dma_wait3A_1380 = arith.constant 0 : i32
    %dma_wait3A_1381 = tpu.memref_slice %arg3[%dma_wait3A_1379, %dma_wait3A_1380] : memref<1000000x32xf32, #tpu.memory_space<hbm>> -> memref<1000000x32xf32, #tpu.memory_space<hbm>>
    tpu.wait_indirect_dma semaphore(%arg10 : memref<!tpu.dma_semaphore, #tpu.memory_space<semaphore_mem>>) src(%dma_wait3A_1381 : memref<1000000x32xf32, #tpu.memory_space<hbm>>) dst(%arg6 : memref<128x32xf32, #tpu.memory_space<vmem>>)
    %add3A_1382 = arith.constant 10752 : i32
    %add3A_1383 = arith.addi %mul3A_4, %add3A_1382 : i32
    "tpu.region"() ({
      %run_scoped3A = tpu.sem_alloc : memref<!tpu.dma_semaphore, #tpu.memory_space<semaphore_mem>>
      %dma_start3A_1667 = arith.constant 0 : i32
      %dma_start3A_1668 = tpu.memref_slice %arg4[%add3A_1383, %dma_start3A_1667] : memref<425984x32xf32, #tpu.memory_space<hbm>> -> memref<128x32xf32, #tpu.memory_space<hbm>>
      %dma_start3A_1669 = arith.constant 0 : i32
      %dma_start3A_1670 = tpu.memref_slice %arg4[%add3A_1383, %dma_start3A_1669] : memref<425984x32xf32, #tpu.memory_space<hbm>> -> memref<128x32xf32, #tpu.memory_space<hbm>>
      tpu.enqueue_dma source(%arg6 : memref<128x32xf32, #tpu.memory_space<vmem>>) target(%dma_start3A_1670 : memref<128x32xf32, #tpu.memory_space<hbm>>) target_semaphore(%run_scoped3A : memref<!tpu.dma_semaphore, #tpu.memory_space<semaphore_mem>>)
      %dma_wait3A_1671 = arith.constant 0 : i32
      %dma_wait3A_1672 = tpu.memref_slice %arg4[%add3A_1383, %dma_wait3A_1671] : memref<425984x32xf32, #tpu.memory_space<hbm>> -> memref<128x32xf32, #tpu.memory_space<hbm>>
      %dma_wait3A_1673 = arith.constant 0 : i32
      %dma_wait3A_1674 = tpu.memref_slice %arg4[%add3A_1383, %dma_wait3A_1673] : memref<425984x32xf32, #tpu.memory_space<hbm>> -> memref<128x32xf32, #tpu.memory_space<hbm>>
      tpu.wait_dma2 semaphore(%run_scoped3A : memref<!tpu.dma_semaphore, #tpu.memory_space<semaphore_mem>>) src(%arg6 : memref<128x32xf32, #tpu.memory_space<vmem>>) dst(%dma_wait3A_1674 : memref<128x32xf32, #tpu.memory_space<hbm>>)
      tpu.yield
    }) : () -> ()
    %dma_start3A_1384 = arith.constant 88 : i32
    %dma_start3A_1385 = arith.constant 0 : i32
    %dma_start3A_1386 = tpu.memref_slice %arg5[%dma_start3A_1384, %dma_start3A_1385] : memref<104x128xi32, #tpu.memory_space<vmem>> -> memref<1x128xi32, #tpu.memory_space<vmem>>
    %dma_start3A_1387 = tpu.memref_squeeze %dma_start3A_1386 : memref<1x128xi32, #tpu.memory_space<vmem>> -> memref<128xi32, #tpu.memory_space<vmem>>
    %dma_start3A_1388 = arith.constant 0 : i32
    %dma_start3A_1389 = arith.constant 0 : i32
    %dma_start3A_1390 = tpu.memref_slice %arg3[%dma_start3A_1388, %dma_start3A_1389] : memref<1000000x32xf32, #tpu.memory_space<hbm>> -> memref<1000000x32xf32, #tpu.memory_space<hbm>>
    tpu.enqueue_indirect_dma source(%dma_start3A_1390 : memref<1000000x32xf32, #tpu.memory_space<hbm>>) target(%arg6 : memref<128x32xf32, #tpu.memory_space<vmem>>) offsets(%dma_start3A_1387 : memref<128xi32, #tpu.memory_space<vmem>>) semaphore(%arg10 : memref<!tpu.dma_semaphore, #tpu.memory_space<semaphore_mem>>)
    %dma_wait3A_1391 = arith.constant 85 : i32
    %dma_wait3A_1392 = arith.constant 0 : i32
    %dma_wait3A_1393 = tpu.memref_slice %arg5[%dma_wait3A_1391, %dma_wait3A_1392] : memref<104x128xi32, #tpu.memory_space<vmem>> -> memref<1x128xi32, #tpu.memory_space<vmem>>
    %dma_wait3A_1394 = tpu.memref_squeeze %dma_wait3A_1393 : memref<1x128xi32, #tpu.memory_space<vmem>> -> memref<128xi32, #tpu.memory_space<vmem>>
    %dma_wait3A_1395 = arith.constant 0 : i32
    %dma_wait3A_1396 = arith.constant 0 : i32
    %dma_wait3A_1397 = tpu.memref_slice %arg3[%dma_wait3A_1395, %dma_wait3A_1396] : memref<1000000x32xf32, #tpu.memory_space<hbm>> -> memref<1000000x32xf32, #tpu.memory_space<hbm>>
    tpu.wait_indirect_dma semaphore(%arg11 : memref<!tpu.dma_semaphore, #tpu.memory_space<semaphore_mem>>) src(%dma_wait3A_1397 : memref<1000000x32xf32, #tpu.memory_space<hbm>>) dst(%arg7 : memref<128x32xf32, #tpu.memory_space<vmem>>)
    %add3A_1398 = arith.constant 10880 : i32
    %add3A_1399 = arith.addi %mul3A_4, %add3A_1398 : i32
    "tpu.region"() ({
      %run_scoped3A = tpu.sem_alloc : memref<!tpu.dma_semaphore, #tpu.memory_space<semaphore_mem>>
      %dma_start3A_1667 = arith.constant 0 : i32
      %dma_start3A_1668 = tpu.memref_slice %arg4[%add3A_1399, %dma_start3A_1667] : memref<425984x32xf32, #tpu.memory_space<hbm>> -> memref<128x32xf32, #tpu.memory_space<hbm>>
      %dma_start3A_1669 = arith.constant 0 : i32
      %dma_start3A_1670 = tpu.memref_slice %arg4[%add3A_1399, %dma_start3A_1669] : memref<425984x32xf32, #tpu.memory_space<hbm>> -> memref<128x32xf32, #tpu.memory_space<hbm>>
      tpu.enqueue_dma source(%arg7 : memref<128x32xf32, #tpu.memory_space<vmem>>) target(%dma_start3A_1670 : memref<128x32xf32, #tpu.memory_space<hbm>>) target_semaphore(%run_scoped3A : memref<!tpu.dma_semaphore, #tpu.memory_space<semaphore_mem>>)
      %dma_wait3A_1671 = arith.constant 0 : i32
      %dma_wait3A_1672 = tpu.memref_slice %arg4[%add3A_1399, %dma_wait3A_1671] : memref<425984x32xf32, #tpu.memory_space<hbm>> -> memref<128x32xf32, #tpu.memory_space<hbm>>
      %dma_wait3A_1673 = arith.constant 0 : i32
      %dma_wait3A_1674 = tpu.memref_slice %arg4[%add3A_1399, %dma_wait3A_1673] : memref<425984x32xf32, #tpu.memory_space<hbm>> -> memref<128x32xf32, #tpu.memory_space<hbm>>
      tpu.wait_dma2 semaphore(%run_scoped3A : memref<!tpu.dma_semaphore, #tpu.memory_space<semaphore_mem>>) src(%arg7 : memref<128x32xf32, #tpu.memory_space<vmem>>) dst(%dma_wait3A_1674 : memref<128x32xf32, #tpu.memory_space<hbm>>)
      tpu.yield
    }) : () -> ()
    %dma_start3A_1400 = arith.constant 89 : i32
    %dma_start3A_1401 = arith.constant 0 : i32
    %dma_start3A_1402 = tpu.memref_slice %arg5[%dma_start3A_1400, %dma_start3A_1401] : memref<104x128xi32, #tpu.memory_space<vmem>> -> memref<1x128xi32, #tpu.memory_space<vmem>>
    %dma_start3A_1403 = tpu.memref_squeeze %dma_start3A_1402 : memref<1x128xi32, #tpu.memory_space<vmem>> -> memref<128xi32, #tpu.memory_space<vmem>>
    %dma_start3A_1404 = arith.constant 0 : i32
    %dma_start3A_1405 = arith.constant 0 : i32
    %dma_start3A_1406 = tpu.memref_slice %arg3[%dma_start3A_1404, %dma_start3A_1405] : memref<1000000x32xf32, #tpu.memory_space<hbm>> -> memref<1000000x32xf32, #tpu.memory_space<hbm>>
    tpu.enqueue_indirect_dma source(%dma_start3A_1406 : memref<1000000x32xf32, #tpu.memory_space<hbm>>) target(%arg7 : memref<128x32xf32, #tpu.memory_space<vmem>>) offsets(%dma_start3A_1403 : memref<128xi32, #tpu.memory_space<vmem>>) semaphore(%arg11 : memref<!tpu.dma_semaphore, #tpu.memory_space<semaphore_mem>>)
    %dma_wait3A_1407 = arith.constant 86 : i32
    %dma_wait3A_1408 = arith.constant 0 : i32
    %dma_wait3A_1409 = tpu.memref_slice %arg5[%dma_wait3A_1407, %dma_wait3A_1408] : memref<104x128xi32, #tpu.memory_space<vmem>> -> memref<1x128xi32, #tpu.memory_space<vmem>>
    %dma_wait3A_1410 = tpu.memref_squeeze %dma_wait3A_1409 : memref<1x128xi32, #tpu.memory_space<vmem>> -> memref<128xi32, #tpu.memory_space<vmem>>
    %dma_wait3A_1411 = arith.constant 0 : i32
    %dma_wait3A_1412 = arith.constant 0 : i32
    %dma_wait3A_1413 = tpu.memref_slice %arg3[%dma_wait3A_1411, %dma_wait3A_1412] : memref<1000000x32xf32, #tpu.memory_space<hbm>> -> memref<1000000x32xf32, #tpu.memory_space<hbm>>
    tpu.wait_indirect_dma semaphore(%arg12 : memref<!tpu.dma_semaphore, #tpu.memory_space<semaphore_mem>>) src(%dma_wait3A_1413 : memref<1000000x32xf32, #tpu.memory_space<hbm>>) dst(%arg8 : memref<128x32xf32, #tpu.memory_space<vmem>>)
    %add3A_1414 = arith.constant 11008 : i32
    %add3A_1415 = arith.addi %mul3A_4, %add3A_1414 : i32
    "tpu.region"() ({
      %run_scoped3A = tpu.sem_alloc : memref<!tpu.dma_semaphore, #tpu.memory_space<semaphore_mem>>
      %dma_start3A_1667 = arith.constant 0 : i32
      %dma_start3A_1668 = tpu.memref_slice %arg4[%add3A_1415, %dma_start3A_1667] : memref<425984x32xf32, #tpu.memory_space<hbm>> -> memref<128x32xf32, #tpu.memory_space<hbm>>
      %dma_start3A_1669 = arith.constant 0 : i32
      %dma_start3A_1670 = tpu.memref_slice %arg4[%add3A_1415, %dma_start3A_1669] : memref<425984x32xf32, #tpu.memory_space<hbm>> -> memref<128x32xf32, #tpu.memory_space<hbm>>
      tpu.enqueue_dma source(%arg8 : memref<128x32xf32, #tpu.memory_space<vmem>>) target(%dma_start3A_1670 : memref<128x32xf32, #tpu.memory_space<hbm>>) target_semaphore(%run_scoped3A : memref<!tpu.dma_semaphore, #tpu.memory_space<semaphore_mem>>)
      %dma_wait3A_1671 = arith.constant 0 : i32
      %dma_wait3A_1672 = tpu.memref_slice %arg4[%add3A_1415, %dma_wait3A_1671] : memref<425984x32xf32, #tpu.memory_space<hbm>> -> memref<128x32xf32, #tpu.memory_space<hbm>>
      %dma_wait3A_1673 = arith.constant 0 : i32
      %dma_wait3A_1674 = tpu.memref_slice %arg4[%add3A_1415, %dma_wait3A_1673] : memref<425984x32xf32, #tpu.memory_space<hbm>> -> memref<128x32xf32, #tpu.memory_space<hbm>>
      tpu.wait_dma2 semaphore(%run_scoped3A : memref<!tpu.dma_semaphore, #tpu.memory_space<semaphore_mem>>) src(%arg8 : memref<128x32xf32, #tpu.memory_space<vmem>>) dst(%dma_wait3A_1674 : memref<128x32xf32, #tpu.memory_space<hbm>>)
      tpu.yield
    }) : () -> ()
    %dma_start3A_1416 = arith.constant 90 : i32
    %dma_start3A_1417 = arith.constant 0 : i32
    %dma_start3A_1418 = tpu.memref_slice %arg5[%dma_start3A_1416, %dma_start3A_1417] : memref<104x128xi32, #tpu.memory_space<vmem>> -> memref<1x128xi32, #tpu.memory_space<vmem>>
    %dma_start3A_1419 = tpu.memref_squeeze %dma_start3A_1418 : memref<1x128xi32, #tpu.memory_space<vmem>> -> memref<128xi32, #tpu.memory_space<vmem>>
    %dma_start3A_1420 = arith.constant 0 : i32
    %dma_start3A_1421 = arith.constant 0 : i32
    %dma_start3A_1422 = tpu.memref_slice %arg3[%dma_start3A_1420, %dma_start3A_1421] : memref<1000000x32xf32, #tpu.memory_space<hbm>> -> memref<1000000x32xf32, #tpu.memory_space<hbm>>
    tpu.enqueue_indirect_dma source(%dma_start3A_1422 : memref<1000000x32xf32, #tpu.memory_space<hbm>>) target(%arg8 : memref<128x32xf32, #tpu.memory_space<vmem>>) offsets(%dma_start3A_1419 : memref<128xi32, #tpu.memory_space<vmem>>) semaphore(%arg12 : memref<!tpu.dma_semaphore, #tpu.memory_space<semaphore_mem>>)
    %dma_wait3A_1423 = arith.constant 87 : i32
    %dma_wait3A_1424 = arith.constant 0 : i32
    %dma_wait3A_1425 = tpu.memref_slice %arg5[%dma_wait3A_1423, %dma_wait3A_1424] : memref<104x128xi32, #tpu.memory_space<vmem>> -> memref<1x128xi32, #tpu.memory_space<vmem>>
    %dma_wait3A_1426 = tpu.memref_squeeze %dma_wait3A_1425 : memref<1x128xi32, #tpu.memory_space<vmem>> -> memref<128xi32, #tpu.memory_space<vmem>>
    %dma_wait3A_1427 = arith.constant 0 : i32
    %dma_wait3A_1428 = arith.constant 0 : i32
    %dma_wait3A_1429 = tpu.memref_slice %arg3[%dma_wait3A_1427, %dma_wait3A_1428] : memref<1000000x32xf32, #tpu.memory_space<hbm>> -> memref<1000000x32xf32, #tpu.memory_space<hbm>>
    tpu.wait_indirect_dma semaphore(%arg13 : memref<!tpu.dma_semaphore, #tpu.memory_space<semaphore_mem>>) src(%dma_wait3A_1429 : memref<1000000x32xf32, #tpu.memory_space<hbm>>) dst(%arg9 : memref<128x32xf32, #tpu.memory_space<vmem>>)
    %add3A_1430 = arith.constant 11136 : i32
    %add3A_1431 = arith.addi %mul3A_4, %add3A_1430 : i32
    "tpu.region"() ({
      %run_scoped3A = tpu.sem_alloc : memref<!tpu.dma_semaphore, #tpu.memory_space<semaphore_mem>>
      %dma_start3A_1667 = arith.constant 0 : i32
      %dma_start3A_1668 = tpu.memref_slice %arg4[%add3A_1431, %dma_start3A_1667] : memref<425984x32xf32, #tpu.memory_space<hbm>> -> memref<128x32xf32, #tpu.memory_space<hbm>>
      %dma_start3A_1669 = arith.constant 0 : i32
      %dma_start3A_1670 = tpu.memref_slice %arg4[%add3A_1431, %dma_start3A_1669] : memref<425984x32xf32, #tpu.memory_space<hbm>> -> memref<128x32xf32, #tpu.memory_space<hbm>>
      tpu.enqueue_dma source(%arg9 : memref<128x32xf32, #tpu.memory_space<vmem>>) target(%dma_start3A_1670 : memref<128x32xf32, #tpu.memory_space<hbm>>) target_semaphore(%run_scoped3A : memref<!tpu.dma_semaphore, #tpu.memory_space<semaphore_mem>>)
      %dma_wait3A_1671 = arith.constant 0 : i32
      %dma_wait3A_1672 = tpu.memref_slice %arg4[%add3A_1431, %dma_wait3A_1671] : memref<425984x32xf32, #tpu.memory_space<hbm>> -> memref<128x32xf32, #tpu.memory_space<hbm>>
      %dma_wait3A_1673 = arith.constant 0 : i32
      %dma_wait3A_1674 = tpu.memref_slice %arg4[%add3A_1431, %dma_wait3A_1673] : memref<425984x32xf32, #tpu.memory_space<hbm>> -> memref<128x32xf32, #tpu.memory_space<hbm>>
      tpu.wait_dma2 semaphore(%run_scoped3A : memref<!tpu.dma_semaphore, #tpu.memory_space<semaphore_mem>>) src(%arg9 : memref<128x32xf32, #tpu.memory_space<vmem>>) dst(%dma_wait3A_1674 : memref<128x32xf32, #tpu.memory_space<hbm>>)
      tpu.yield
    }) : () -> ()
    %dma_start3A_1432 = arith.constant 91 : i32
    %dma_start3A_1433 = arith.constant 0 : i32
    %dma_start3A_1434 = tpu.memref_slice %arg5[%dma_start3A_1432, %dma_start3A_1433] : memref<104x128xi32, #tpu.memory_space<vmem>> -> memref<1x128xi32, #tpu.memory_space<vmem>>
    %dma_start3A_1435 = tpu.memref_squeeze %dma_start3A_1434 : memref<1x128xi32, #tpu.memory_space<vmem>> -> memref<128xi32, #tpu.memory_space<vmem>>
    %dma_start3A_1436 = arith.constant 0 : i32
    %dma_start3A_1437 = arith.constant 0 : i32
    %dma_start3A_1438 = tpu.memref_slice %arg3[%dma_start3A_1436, %dma_start3A_1437] : memref<1000000x32xf32, #tpu.memory_space<hbm>> -> memref<1000000x32xf32, #tpu.memory_space<hbm>>
    tpu.enqueue_indirect_dma source(%dma_start3A_1438 : memref<1000000x32xf32, #tpu.memory_space<hbm>>) target(%arg9 : memref<128x32xf32, #tpu.memory_space<vmem>>) offsets(%dma_start3A_1435 : memref<128xi32, #tpu.memory_space<vmem>>) semaphore(%arg13 : memref<!tpu.dma_semaphore, #tpu.memory_space<semaphore_mem>>)
    %dma_wait3A_1439 = arith.constant 88 : i32
    %dma_wait3A_1440 = arith.constant 0 : i32
    %dma_wait3A_1441 = tpu.memref_slice %arg5[%dma_wait3A_1439, %dma_wait3A_1440] : memref<104x128xi32, #tpu.memory_space<vmem>> -> memref<1x128xi32, #tpu.memory_space<vmem>>
    %dma_wait3A_1442 = tpu.memref_squeeze %dma_wait3A_1441 : memref<1x128xi32, #tpu.memory_space<vmem>> -> memref<128xi32, #tpu.memory_space<vmem>>
    %dma_wait3A_1443 = arith.constant 0 : i32
    %dma_wait3A_1444 = arith.constant 0 : i32
    %dma_wait3A_1445 = tpu.memref_slice %arg3[%dma_wait3A_1443, %dma_wait3A_1444] : memref<1000000x32xf32, #tpu.memory_space<hbm>> -> memref<1000000x32xf32, #tpu.memory_space<hbm>>
    tpu.wait_indirect_dma semaphore(%arg10 : memref<!tpu.dma_semaphore, #tpu.memory_space<semaphore_mem>>) src(%dma_wait3A_1445 : memref<1000000x32xf32, #tpu.memory_space<hbm>>) dst(%arg6 : memref<128x32xf32, #tpu.memory_space<vmem>>)
    %add3A_1446 = arith.constant 11264 : i32
    %add3A_1447 = arith.addi %mul3A_4, %add3A_1446 : i32
    "tpu.region"() ({
      %run_scoped3A = tpu.sem_alloc : memref<!tpu.dma_semaphore, #tpu.memory_space<semaphore_mem>>
      %dma_start3A_1667 = arith.constant 0 : i32
      %dma_start3A_1668 = tpu.memref_slice %arg4[%add3A_1447, %dma_start3A_1667] : memref<425984x32xf32, #tpu.memory_space<hbm>> -> memref<128x32xf32, #tpu.memory_space<hbm>>
      %dma_start3A_1669 = arith.constant 0 : i32
      %dma_start3A_1670 = tpu.memref_slice %arg4[%add3A_1447, %dma_start3A_1669] : memref<425984x32xf32, #tpu.memory_space<hbm>> -> memref<128x32xf32, #tpu.memory_space<hbm>>
      tpu.enqueue_dma source(%arg6 : memref<128x32xf32, #tpu.memory_space<vmem>>) target(%dma_start3A_1670 : memref<128x32xf32, #tpu.memory_space<hbm>>) target_semaphore(%run_scoped3A : memref<!tpu.dma_semaphore, #tpu.memory_space<semaphore_mem>>)
      %dma_wait3A_1671 = arith.constant 0 : i32
      %dma_wait3A_1672 = tpu.memref_slice %arg4[%add3A_1447, %dma_wait3A_1671] : memref<425984x32xf32, #tpu.memory_space<hbm>> -> memref<128x32xf32, #tpu.memory_space<hbm>>
      %dma_wait3A_1673 = arith.constant 0 : i32
      %dma_wait3A_1674 = tpu.memref_slice %arg4[%add3A_1447, %dma_wait3A_1673] : memref<425984x32xf32, #tpu.memory_space<hbm>> -> memref<128x32xf32, #tpu.memory_space<hbm>>
      tpu.wait_dma2 semaphore(%run_scoped3A : memref<!tpu.dma_semaphore, #tpu.memory_space<semaphore_mem>>) src(%arg6 : memref<128x32xf32, #tpu.memory_space<vmem>>) dst(%dma_wait3A_1674 : memref<128x32xf32, #tpu.memory_space<hbm>>)
      tpu.yield
    }) : () -> ()
    %dma_start3A_1448 = arith.constant 92 : i32
    %dma_start3A_1449 = arith.constant 0 : i32
    %dma_start3A_1450 = tpu.memref_slice %arg5[%dma_start3A_1448, %dma_start3A_1449] : memref<104x128xi32, #tpu.memory_space<vmem>> -> memref<1x128xi32, #tpu.memory_space<vmem>>
    %dma_start3A_1451 = tpu.memref_squeeze %dma_start3A_1450 : memref<1x128xi32, #tpu.memory_space<vmem>> -> memref<128xi32, #tpu.memory_space<vmem>>
    %dma_start3A_1452 = arith.constant 0 : i32
    %dma_start3A_1453 = arith.constant 0 : i32
    %dma_start3A_1454 = tpu.memref_slice %arg3[%dma_start3A_1452, %dma_start3A_1453] : memref<1000000x32xf32, #tpu.memory_space<hbm>> -> memref<1000000x32xf32, #tpu.memory_space<hbm>>
    tpu.enqueue_indirect_dma source(%dma_start3A_1454 : memref<1000000x32xf32, #tpu.memory_space<hbm>>) target(%arg6 : memref<128x32xf32, #tpu.memory_space<vmem>>) offsets(%dma_start3A_1451 : memref<128xi32, #tpu.memory_space<vmem>>) semaphore(%arg10 : memref<!tpu.dma_semaphore, #tpu.memory_space<semaphore_mem>>)
    %dma_wait3A_1455 = arith.constant 89 : i32
    %dma_wait3A_1456 = arith.constant 0 : i32
    %dma_wait3A_1457 = tpu.memref_slice %arg5[%dma_wait3A_1455, %dma_wait3A_1456] : memref<104x128xi32, #tpu.memory_space<vmem>> -> memref<1x128xi32, #tpu.memory_space<vmem>>
    %dma_wait3A_1458 = tpu.memref_squeeze %dma_wait3A_1457 : memref<1x128xi32, #tpu.memory_space<vmem>> -> memref<128xi32, #tpu.memory_space<vmem>>
    %dma_wait3A_1459 = arith.constant 0 : i32
    %dma_wait3A_1460 = arith.constant 0 : i32
    %dma_wait3A_1461 = tpu.memref_slice %arg3[%dma_wait3A_1459, %dma_wait3A_1460] : memref<1000000x32xf32, #tpu.memory_space<hbm>> -> memref<1000000x32xf32, #tpu.memory_space<hbm>>
    tpu.wait_indirect_dma semaphore(%arg11 : memref<!tpu.dma_semaphore, #tpu.memory_space<semaphore_mem>>) src(%dma_wait3A_1461 : memref<1000000x32xf32, #tpu.memory_space<hbm>>) dst(%arg7 : memref<128x32xf32, #tpu.memory_space<vmem>>)
    %add3A_1462 = arith.constant 11392 : i32
    %add3A_1463 = arith.addi %mul3A_4, %add3A_1462 : i32
    "tpu.region"() ({
      %run_scoped3A = tpu.sem_alloc : memref<!tpu.dma_semaphore, #tpu.memory_space<semaphore_mem>>
      %dma_start3A_1667 = arith.constant 0 : i32
      %dma_start3A_1668 = tpu.memref_slice %arg4[%add3A_1463, %dma_start3A_1667] : memref<425984x32xf32, #tpu.memory_space<hbm>> -> memref<128x32xf32, #tpu.memory_space<hbm>>
      %dma_start3A_1669 = arith.constant 0 : i32
      %dma_start3A_1670 = tpu.memref_slice %arg4[%add3A_1463, %dma_start3A_1669] : memref<425984x32xf32, #tpu.memory_space<hbm>> -> memref<128x32xf32, #tpu.memory_space<hbm>>
      tpu.enqueue_dma source(%arg7 : memref<128x32xf32, #tpu.memory_space<vmem>>) target(%dma_start3A_1670 : memref<128x32xf32, #tpu.memory_space<hbm>>) target_semaphore(%run_scoped3A : memref<!tpu.dma_semaphore, #tpu.memory_space<semaphore_mem>>)
      %dma_wait3A_1671 = arith.constant 0 : i32
      %dma_wait3A_1672 = tpu.memref_slice %arg4[%add3A_1463, %dma_wait3A_1671] : memref<425984x32xf32, #tpu.memory_space<hbm>> -> memref<128x32xf32, #tpu.memory_space<hbm>>
      %dma_wait3A_1673 = arith.constant 0 : i32
      %dma_wait3A_1674 = tpu.memref_slice %arg4[%add3A_1463, %dma_wait3A_1673] : memref<425984x32xf32, #tpu.memory_space<hbm>> -> memref<128x32xf32, #tpu.memory_space<hbm>>
      tpu.wait_dma2 semaphore(%run_scoped3A : memref<!tpu.dma_semaphore, #tpu.memory_space<semaphore_mem>>) src(%arg7 : memref<128x32xf32, #tpu.memory_space<vmem>>) dst(%dma_wait3A_1674 : memref<128x32xf32, #tpu.memory_space<hbm>>)
      tpu.yield
    }) : () -> ()
    %dma_start3A_1464 = arith.constant 93 : i32
    %dma_start3A_1465 = arith.constant 0 : i32
    %dma_start3A_1466 = tpu.memref_slice %arg5[%dma_start3A_1464, %dma_start3A_1465] : memref<104x128xi32, #tpu.memory_space<vmem>> -> memref<1x128xi32, #tpu.memory_space<vmem>>
    %dma_start3A_1467 = tpu.memref_squeeze %dma_start3A_1466 : memref<1x128xi32, #tpu.memory_space<vmem>> -> memref<128xi32, #tpu.memory_space<vmem>>
    %dma_start3A_1468 = arith.constant 0 : i32
    %dma_start3A_1469 = arith.constant 0 : i32
    %dma_start3A_1470 = tpu.memref_slice %arg3[%dma_start3A_1468, %dma_start3A_1469] : memref<1000000x32xf32, #tpu.memory_space<hbm>> -> memref<1000000x32xf32, #tpu.memory_space<hbm>>
    tpu.enqueue_indirect_dma source(%dma_start3A_1470 : memref<1000000x32xf32, #tpu.memory_space<hbm>>) target(%arg7 : memref<128x32xf32, #tpu.memory_space<vmem>>) offsets(%dma_start3A_1467 : memref<128xi32, #tpu.memory_space<vmem>>) semaphore(%arg11 : memref<!tpu.dma_semaphore, #tpu.memory_space<semaphore_mem>>)
    %dma_wait3A_1471 = arith.constant 90 : i32
    %dma_wait3A_1472 = arith.constant 0 : i32
    %dma_wait3A_1473 = tpu.memref_slice %arg5[%dma_wait3A_1471, %dma_wait3A_1472] : memref<104x128xi32, #tpu.memory_space<vmem>> -> memref<1x128xi32, #tpu.memory_space<vmem>>
    %dma_wait3A_1474 = tpu.memref_squeeze %dma_wait3A_1473 : memref<1x128xi32, #tpu.memory_space<vmem>> -> memref<128xi32, #tpu.memory_space<vmem>>
    %dma_wait3A_1475 = arith.constant 0 : i32
    %dma_wait3A_1476 = arith.constant 0 : i32
    %dma_wait3A_1477 = tpu.memref_slice %arg3[%dma_wait3A_1475, %dma_wait3A_1476] : memref<1000000x32xf32, #tpu.memory_space<hbm>> -> memref<1000000x32xf32, #tpu.memory_space<hbm>>
    tpu.wait_indirect_dma semaphore(%arg12 : memref<!tpu.dma_semaphore, #tpu.memory_space<semaphore_mem>>) src(%dma_wait3A_1477 : memref<1000000x32xf32, #tpu.memory_space<hbm>>) dst(%arg8 : memref<128x32xf32, #tpu.memory_space<vmem>>)
    %add3A_1478 = arith.constant 11520 : i32
    %add3A_1479 = arith.addi %mul3A_4, %add3A_1478 : i32
    "tpu.region"() ({
      %run_scoped3A = tpu.sem_alloc : memref<!tpu.dma_semaphore, #tpu.memory_space<semaphore_mem>>
      %dma_start3A_1667 = arith.constant 0 : i32
      %dma_start3A_1668 = tpu.memref_slice %arg4[%add3A_1479, %dma_start3A_1667] : memref<425984x32xf32, #tpu.memory_space<hbm>> -> memref<128x32xf32, #tpu.memory_space<hbm>>
      %dma_start3A_1669 = arith.constant 0 : i32
      %dma_start3A_1670 = tpu.memref_slice %arg4[%add3A_1479, %dma_start3A_1669] : memref<425984x32xf32, #tpu.memory_space<hbm>> -> memref<128x32xf32, #tpu.memory_space<hbm>>
      tpu.enqueue_dma source(%arg8 : memref<128x32xf32, #tpu.memory_space<vmem>>) target(%dma_start3A_1670 : memref<128x32xf32, #tpu.memory_space<hbm>>) target_semaphore(%run_scoped3A : memref<!tpu.dma_semaphore, #tpu.memory_space<semaphore_mem>>)
      %dma_wait3A_1671 = arith.constant 0 : i32
      %dma_wait3A_1672 = tpu.memref_slice %arg4[%add3A_1479, %dma_wait3A_1671] : memref<425984x32xf32, #tpu.memory_space<hbm>> -> memref<128x32xf32, #tpu.memory_space<hbm>>
      %dma_wait3A_1673 = arith.constant 0 : i32
      %dma_wait3A_1674 = tpu.memref_slice %arg4[%add3A_1479, %dma_wait3A_1673] : memref<425984x32xf32, #tpu.memory_space<hbm>> -> memref<128x32xf32, #tpu.memory_space<hbm>>
      tpu.wait_dma2 semaphore(%run_scoped3A : memref<!tpu.dma_semaphore, #tpu.memory_space<semaphore_mem>>) src(%arg8 : memref<128x32xf32, #tpu.memory_space<vmem>>) dst(%dma_wait3A_1674 : memref<128x32xf32, #tpu.memory_space<hbm>>)
      tpu.yield
    }) : () -> ()
    %dma_start3A_1480 = arith.constant 94 : i32
    %dma_start3A_1481 = arith.constant 0 : i32
    %dma_start3A_1482 = tpu.memref_slice %arg5[%dma_start3A_1480, %dma_start3A_1481] : memref<104x128xi32, #tpu.memory_space<vmem>> -> memref<1x128xi32, #tpu.memory_space<vmem>>
    %dma_start3A_1483 = tpu.memref_squeeze %dma_start3A_1482 : memref<1x128xi32, #tpu.memory_space<vmem>> -> memref<128xi32, #tpu.memory_space<vmem>>
    %dma_start3A_1484 = arith.constant 0 : i32
    %dma_start3A_1485 = arith.constant 0 : i32
    %dma_start3A_1486 = tpu.memref_slice %arg3[%dma_start3A_1484, %dma_start3A_1485] : memref<1000000x32xf32, #tpu.memory_space<hbm>> -> memref<1000000x32xf32, #tpu.memory_space<hbm>>
    tpu.enqueue_indirect_dma source(%dma_start3A_1486 : memref<1000000x32xf32, #tpu.memory_space<hbm>>) target(%arg8 : memref<128x32xf32, #tpu.memory_space<vmem>>) offsets(%dma_start3A_1483 : memref<128xi32, #tpu.memory_space<vmem>>) semaphore(%arg12 : memref<!tpu.dma_semaphore, #tpu.memory_space<semaphore_mem>>)
    %dma_wait3A_1487 = arith.constant 91 : i32
    %dma_wait3A_1488 = arith.constant 0 : i32
    %dma_wait3A_1489 = tpu.memref_slice %arg5[%dma_wait3A_1487, %dma_wait3A_1488] : memref<104x128xi32, #tpu.memory_space<vmem>> -> memref<1x128xi32, #tpu.memory_space<vmem>>
    %dma_wait3A_1490 = tpu.memref_squeeze %dma_wait3A_1489 : memref<1x128xi32, #tpu.memory_space<vmem>> -> memref<128xi32, #tpu.memory_space<vmem>>
    %dma_wait3A_1491 = arith.constant 0 : i32
    %dma_wait3A_1492 = arith.constant 0 : i32
    %dma_wait3A_1493 = tpu.memref_slice %arg3[%dma_wait3A_1491, %dma_wait3A_1492] : memref<1000000x32xf32, #tpu.memory_space<hbm>> -> memref<1000000x32xf32, #tpu.memory_space<hbm>>
    tpu.wait_indirect_dma semaphore(%arg13 : memref<!tpu.dma_semaphore, #tpu.memory_space<semaphore_mem>>) src(%dma_wait3A_1493 : memref<1000000x32xf32, #tpu.memory_space<hbm>>) dst(%arg9 : memref<128x32xf32, #tpu.memory_space<vmem>>)
    %add3A_1494 = arith.constant 11648 : i32
    %add3A_1495 = arith.addi %mul3A_4, %add3A_1494 : i32
    "tpu.region"() ({
      %run_scoped3A = tpu.sem_alloc : memref<!tpu.dma_semaphore, #tpu.memory_space<semaphore_mem>>
      %dma_start3A_1667 = arith.constant 0 : i32
      %dma_start3A_1668 = tpu.memref_slice %arg4[%add3A_1495, %dma_start3A_1667] : memref<425984x32xf32, #tpu.memory_space<hbm>> -> memref<128x32xf32, #tpu.memory_space<hbm>>
      %dma_start3A_1669 = arith.constant 0 : i32
      %dma_start3A_1670 = tpu.memref_slice %arg4[%add3A_1495, %dma_start3A_1669] : memref<425984x32xf32, #tpu.memory_space<hbm>> -> memref<128x32xf32, #tpu.memory_space<hbm>>
      tpu.enqueue_dma source(%arg9 : memref<128x32xf32, #tpu.memory_space<vmem>>) target(%dma_start3A_1670 : memref<128x32xf32, #tpu.memory_space<hbm>>) target_semaphore(%run_scoped3A : memref<!tpu.dma_semaphore, #tpu.memory_space<semaphore_mem>>)
      %dma_wait3A_1671 = arith.constant 0 : i32
      %dma_wait3A_1672 = tpu.memref_slice %arg4[%add3A_1495, %dma_wait3A_1671] : memref<425984x32xf32, #tpu.memory_space<hbm>> -> memref<128x32xf32, #tpu.memory_space<hbm>>
      %dma_wait3A_1673 = arith.constant 0 : i32
      %dma_wait3A_1674 = tpu.memref_slice %arg4[%add3A_1495, %dma_wait3A_1673] : memref<425984x32xf32, #tpu.memory_space<hbm>> -> memref<128x32xf32, #tpu.memory_space<hbm>>
      tpu.wait_dma2 semaphore(%run_scoped3A : memref<!tpu.dma_semaphore, #tpu.memory_space<semaphore_mem>>) src(%arg9 : memref<128x32xf32, #tpu.memory_space<vmem>>) dst(%dma_wait3A_1674 : memref<128x32xf32, #tpu.memory_space<hbm>>)
      tpu.yield
    }) : () -> ()
    %dma_start3A_1496 = arith.constant 95 : i32
    %dma_start3A_1497 = arith.constant 0 : i32
    %dma_start3A_1498 = tpu.memref_slice %arg5[%dma_start3A_1496, %dma_start3A_1497] : memref<104x128xi32, #tpu.memory_space<vmem>> -> memref<1x128xi32, #tpu.memory_space<vmem>>
    %dma_start3A_1499 = tpu.memref_squeeze %dma_start3A_1498 : memref<1x128xi32, #tpu.memory_space<vmem>> -> memref<128xi32, #tpu.memory_space<vmem>>
    %dma_start3A_1500 = arith.constant 0 : i32
    %dma_start3A_1501 = arith.constant 0 : i32
    %dma_start3A_1502 = tpu.memref_slice %arg3[%dma_start3A_1500, %dma_start3A_1501] : memref<1000000x32xf32, #tpu.memory_space<hbm>> -> memref<1000000x32xf32, #tpu.memory_space<hbm>>
    tpu.enqueue_indirect_dma source(%dma_start3A_1502 : memref<1000000x32xf32, #tpu.memory_space<hbm>>) target(%arg9 : memref<128x32xf32, #tpu.memory_space<vmem>>) offsets(%dma_start3A_1499 : memref<128xi32, #tpu.memory_space<vmem>>) semaphore(%arg13 : memref<!tpu.dma_semaphore, #tpu.memory_space<semaphore_mem>>)
    %dma_wait3A_1503 = arith.constant 92 : i32
    %dma_wait3A_1504 = arith.constant 0 : i32
    %dma_wait3A_1505 = tpu.memref_slice %arg5[%dma_wait3A_1503, %dma_wait3A_1504] : memref<104x128xi32, #tpu.memory_space<vmem>> -> memref<1x128xi32, #tpu.memory_space<vmem>>
    %dma_wait3A_1506 = tpu.memref_squeeze %dma_wait3A_1505 : memref<1x128xi32, #tpu.memory_space<vmem>> -> memref<128xi32, #tpu.memory_space<vmem>>
    %dma_wait3A_1507 = arith.constant 0 : i32
    %dma_wait3A_1508 = arith.constant 0 : i32
    %dma_wait3A_1509 = tpu.memref_slice %arg3[%dma_wait3A_1507, %dma_wait3A_1508] : memref<1000000x32xf32, #tpu.memory_space<hbm>> -> memref<1000000x32xf32, #tpu.memory_space<hbm>>
    tpu.wait_indirect_dma semaphore(%arg10 : memref<!tpu.dma_semaphore, #tpu.memory_space<semaphore_mem>>) src(%dma_wait3A_1509 : memref<1000000x32xf32, #tpu.memory_space<hbm>>) dst(%arg6 : memref<128x32xf32, #tpu.memory_space<vmem>>)
    %add3A_1510 = arith.constant 11776 : i32
    %add3A_1511 = arith.addi %mul3A_4, %add3A_1510 : i32
    "tpu.region"() ({
      %run_scoped3A = tpu.sem_alloc : memref<!tpu.dma_semaphore, #tpu.memory_space<semaphore_mem>>
      %dma_start3A_1667 = arith.constant 0 : i32
      %dma_start3A_1668 = tpu.memref_slice %arg4[%add3A_1511, %dma_start3A_1667] : memref<425984x32xf32, #tpu.memory_space<hbm>> -> memref<128x32xf32, #tpu.memory_space<hbm>>
      %dma_start3A_1669 = arith.constant 0 : i32
      %dma_start3A_1670 = tpu.memref_slice %arg4[%add3A_1511, %dma_start3A_1669] : memref<425984x32xf32, #tpu.memory_space<hbm>> -> memref<128x32xf32, #tpu.memory_space<hbm>>
      tpu.enqueue_dma source(%arg6 : memref<128x32xf32, #tpu.memory_space<vmem>>) target(%dma_start3A_1670 : memref<128x32xf32, #tpu.memory_space<hbm>>) target_semaphore(%run_scoped3A : memref<!tpu.dma_semaphore, #tpu.memory_space<semaphore_mem>>)
      %dma_wait3A_1671 = arith.constant 0 : i32
      %dma_wait3A_1672 = tpu.memref_slice %arg4[%add3A_1511, %dma_wait3A_1671] : memref<425984x32xf32, #tpu.memory_space<hbm>> -> memref<128x32xf32, #tpu.memory_space<hbm>>
      %dma_wait3A_1673 = arith.constant 0 : i32
      %dma_wait3A_1674 = tpu.memref_slice %arg4[%add3A_1511, %dma_wait3A_1673] : memref<425984x32xf32, #tpu.memory_space<hbm>> -> memref<128x32xf32, #tpu.memory_space<hbm>>
      tpu.wait_dma2 semaphore(%run_scoped3A : memref<!tpu.dma_semaphore, #tpu.memory_space<semaphore_mem>>) src(%arg6 : memref<128x32xf32, #tpu.memory_space<vmem>>) dst(%dma_wait3A_1674 : memref<128x32xf32, #tpu.memory_space<hbm>>)
      tpu.yield
    }) : () -> ()
    %dma_start3A_1512 = arith.constant 96 : i32
    %dma_start3A_1513 = arith.constant 0 : i32
    %dma_start3A_1514 = tpu.memref_slice %arg5[%dma_start3A_1512, %dma_start3A_1513] : memref<104x128xi32, #tpu.memory_space<vmem>> -> memref<1x128xi32, #tpu.memory_space<vmem>>
    %dma_start3A_1515 = tpu.memref_squeeze %dma_start3A_1514 : memref<1x128xi32, #tpu.memory_space<vmem>> -> memref<128xi32, #tpu.memory_space<vmem>>
    %dma_start3A_1516 = arith.constant 0 : i32
    %dma_start3A_1517 = arith.constant 0 : i32
    %dma_start3A_1518 = tpu.memref_slice %arg3[%dma_start3A_1516, %dma_start3A_1517] : memref<1000000x32xf32, #tpu.memory_space<hbm>> -> memref<1000000x32xf32, #tpu.memory_space<hbm>>
    tpu.enqueue_indirect_dma source(%dma_start3A_1518 : memref<1000000x32xf32, #tpu.memory_space<hbm>>) target(%arg6 : memref<128x32xf32, #tpu.memory_space<vmem>>) offsets(%dma_start3A_1515 : memref<128xi32, #tpu.memory_space<vmem>>) semaphore(%arg10 : memref<!tpu.dma_semaphore, #tpu.memory_space<semaphore_mem>>)
    %dma_wait3A_1519 = arith.constant 93 : i32
    %dma_wait3A_1520 = arith.constant 0 : i32
    %dma_wait3A_1521 = tpu.memref_slice %arg5[%dma_wait3A_1519, %dma_wait3A_1520] : memref<104x128xi32, #tpu.memory_space<vmem>> -> memref<1x128xi32, #tpu.memory_space<vmem>>
    %dma_wait3A_1522 = tpu.memref_squeeze %dma_wait3A_1521 : memref<1x128xi32, #tpu.memory_space<vmem>> -> memref<128xi32, #tpu.memory_space<vmem>>
    %dma_wait3A_1523 = arith.constant 0 : i32
    %dma_wait3A_1524 = arith.constant 0 : i32
    %dma_wait3A_1525 = tpu.memref_slice %arg3[%dma_wait3A_1523, %dma_wait3A_1524] : memref<1000000x32xf32, #tpu.memory_space<hbm>> -> memref<1000000x32xf32, #tpu.memory_space<hbm>>
    tpu.wait_indirect_dma semaphore(%arg11 : memref<!tpu.dma_semaphore, #tpu.memory_space<semaphore_mem>>) src(%dma_wait3A_1525 : memref<1000000x32xf32, #tpu.memory_space<hbm>>) dst(%arg7 : memref<128x32xf32, #tpu.memory_space<vmem>>)
    %add3A_1526 = arith.constant 11904 : i32
    %add3A_1527 = arith.addi %mul3A_4, %add3A_1526 : i32
    "tpu.region"() ({
      %run_scoped3A = tpu.sem_alloc : memref<!tpu.dma_semaphore, #tpu.memory_space<semaphore_mem>>
      %dma_start3A_1667 = arith.constant 0 : i32
      %dma_start3A_1668 = tpu.memref_slice %arg4[%add3A_1527, %dma_start3A_1667] : memref<425984x32xf32, #tpu.memory_space<hbm>> -> memref<128x32xf32, #tpu.memory_space<hbm>>
      %dma_start3A_1669 = arith.constant 0 : i32
      %dma_start3A_1670 = tpu.memref_slice %arg4[%add3A_1527, %dma_start3A_1669] : memref<425984x32xf32, #tpu.memory_space<hbm>> -> memref<128x32xf32, #tpu.memory_space<hbm>>
      tpu.enqueue_dma source(%arg7 : memref<128x32xf32, #tpu.memory_space<vmem>>) target(%dma_start3A_1670 : memref<128x32xf32, #tpu.memory_space<hbm>>) target_semaphore(%run_scoped3A : memref<!tpu.dma_semaphore, #tpu.memory_space<semaphore_mem>>)
      %dma_wait3A_1671 = arith.constant 0 : i32
      %dma_wait3A_1672 = tpu.memref_slice %arg4[%add3A_1527, %dma_wait3A_1671] : memref<425984x32xf32, #tpu.memory_space<hbm>> -> memref<128x32xf32, #tpu.memory_space<hbm>>
      %dma_wait3A_1673 = arith.constant 0 : i32
      %dma_wait3A_1674 = tpu.memref_slice %arg4[%add3A_1527, %dma_wait3A_1673] : memref<425984x32xf32, #tpu.memory_space<hbm>> -> memref<128x32xf32, #tpu.memory_space<hbm>>
      tpu.wait_dma2 semaphore(%run_scoped3A : memref<!tpu.dma_semaphore, #tpu.memory_space<semaphore_mem>>) src(%arg7 : memref<128x32xf32, #tpu.memory_space<vmem>>) dst(%dma_wait3A_1674 : memref<128x32xf32, #tpu.memory_space<hbm>>)
      tpu.yield
    }) : () -> ()
    %dma_start3A_1528 = arith.constant 97 : i32
    %dma_start3A_1529 = arith.constant 0 : i32
    %dma_start3A_1530 = tpu.memref_slice %arg5[%dma_start3A_1528, %dma_start3A_1529] : memref<104x128xi32, #tpu.memory_space<vmem>> -> memref<1x128xi32, #tpu.memory_space<vmem>>
    %dma_start3A_1531 = tpu.memref_squeeze %dma_start3A_1530 : memref<1x128xi32, #tpu.memory_space<vmem>> -> memref<128xi32, #tpu.memory_space<vmem>>
    %dma_start3A_1532 = arith.constant 0 : i32
    %dma_start3A_1533 = arith.constant 0 : i32
    %dma_start3A_1534 = tpu.memref_slice %arg3[%dma_start3A_1532, %dma_start3A_1533] : memref<1000000x32xf32, #tpu.memory_space<hbm>> -> memref<1000000x32xf32, #tpu.memory_space<hbm>>
    tpu.enqueue_indirect_dma source(%dma_start3A_1534 : memref<1000000x32xf32, #tpu.memory_space<hbm>>) target(%arg7 : memref<128x32xf32, #tpu.memory_space<vmem>>) offsets(%dma_start3A_1531 : memref<128xi32, #tpu.memory_space<vmem>>) semaphore(%arg11 : memref<!tpu.dma_semaphore, #tpu.memory_space<semaphore_mem>>)
    %dma_wait3A_1535 = arith.constant 94 : i32
    %dma_wait3A_1536 = arith.constant 0 : i32
    %dma_wait3A_1537 = tpu.memref_slice %arg5[%dma_wait3A_1535, %dma_wait3A_1536] : memref<104x128xi32, #tpu.memory_space<vmem>> -> memref<1x128xi32, #tpu.memory_space<vmem>>
    %dma_wait3A_1538 = tpu.memref_squeeze %dma_wait3A_1537 : memref<1x128xi32, #tpu.memory_space<vmem>> -> memref<128xi32, #tpu.memory_space<vmem>>
    %dma_wait3A_1539 = arith.constant 0 : i32
    %dma_wait3A_1540 = arith.constant 0 : i32
    %dma_wait3A_1541 = tpu.memref_slice %arg3[%dma_wait3A_1539, %dma_wait3A_1540] : memref<1000000x32xf32, #tpu.memory_space<hbm>> -> memref<1000000x32xf32, #tpu.memory_space<hbm>>
    tpu.wait_indirect_dma semaphore(%arg12 : memref<!tpu.dma_semaphore, #tpu.memory_space<semaphore_mem>>) src(%dma_wait3A_1541 : memref<1000000x32xf32, #tpu.memory_space<hbm>>) dst(%arg8 : memref<128x32xf32, #tpu.memory_space<vmem>>)
    %add3A_1542 = arith.constant 12032 : i32
    %add3A_1543 = arith.addi %mul3A_4, %add3A_1542 : i32
    "tpu.region"() ({
      %run_scoped3A = tpu.sem_alloc : memref<!tpu.dma_semaphore, #tpu.memory_space<semaphore_mem>>
      %dma_start3A_1667 = arith.constant 0 : i32
      %dma_start3A_1668 = tpu.memref_slice %arg4[%add3A_1543, %dma_start3A_1667] : memref<425984x32xf32, #tpu.memory_space<hbm>> -> memref<128x32xf32, #tpu.memory_space<hbm>>
      %dma_start3A_1669 = arith.constant 0 : i32
      %dma_start3A_1670 = tpu.memref_slice %arg4[%add3A_1543, %dma_start3A_1669] : memref<425984x32xf32, #tpu.memory_space<hbm>> -> memref<128x32xf32, #tpu.memory_space<hbm>>
      tpu.enqueue_dma source(%arg8 : memref<128x32xf32, #tpu.memory_space<vmem>>) target(%dma_start3A_1670 : memref<128x32xf32, #tpu.memory_space<hbm>>) target_semaphore(%run_scoped3A : memref<!tpu.dma_semaphore, #tpu.memory_space<semaphore_mem>>)
      %dma_wait3A_1671 = arith.constant 0 : i32
      %dma_wait3A_1672 = tpu.memref_slice %arg4[%add3A_1543, %dma_wait3A_1671] : memref<425984x32xf32, #tpu.memory_space<hbm>> -> memref<128x32xf32, #tpu.memory_space<hbm>>
      %dma_wait3A_1673 = arith.constant 0 : i32
      %dma_wait3A_1674 = tpu.memref_slice %arg4[%add3A_1543, %dma_wait3A_1673] : memref<425984x32xf32, #tpu.memory_space<hbm>> -> memref<128x32xf32, #tpu.memory_space<hbm>>
      tpu.wait_dma2 semaphore(%run_scoped3A : memref<!tpu.dma_semaphore, #tpu.memory_space<semaphore_mem>>) src(%arg8 : memref<128x32xf32, #tpu.memory_space<vmem>>) dst(%dma_wait3A_1674 : memref<128x32xf32, #tpu.memory_space<hbm>>)
      tpu.yield
    }) : () -> ()
    %dma_start3A_1544 = arith.constant 98 : i32
    %dma_start3A_1545 = arith.constant 0 : i32
    %dma_start3A_1546 = tpu.memref_slice %arg5[%dma_start3A_1544, %dma_start3A_1545] : memref<104x128xi32, #tpu.memory_space<vmem>> -> memref<1x128xi32, #tpu.memory_space<vmem>>
    %dma_start3A_1547 = tpu.memref_squeeze %dma_start3A_1546 : memref<1x128xi32, #tpu.memory_space<vmem>> -> memref<128xi32, #tpu.memory_space<vmem>>
    %dma_start3A_1548 = arith.constant 0 : i32
    %dma_start3A_1549 = arith.constant 0 : i32
    %dma_start3A_1550 = tpu.memref_slice %arg3[%dma_start3A_1548, %dma_start3A_1549] : memref<1000000x32xf32, #tpu.memory_space<hbm>> -> memref<1000000x32xf32, #tpu.memory_space<hbm>>
    tpu.enqueue_indirect_dma source(%dma_start3A_1550 : memref<1000000x32xf32, #tpu.memory_space<hbm>>) target(%arg8 : memref<128x32xf32, #tpu.memory_space<vmem>>) offsets(%dma_start3A_1547 : memref<128xi32, #tpu.memory_space<vmem>>) semaphore(%arg12 : memref<!tpu.dma_semaphore, #tpu.memory_space<semaphore_mem>>)
    %dma_wait3A_1551 = arith.constant 95 : i32
    %dma_wait3A_1552 = arith.constant 0 : i32
    %dma_wait3A_1553 = tpu.memref_slice %arg5[%dma_wait3A_1551, %dma_wait3A_1552] : memref<104x128xi32, #tpu.memory_space<vmem>> -> memref<1x128xi32, #tpu.memory_space<vmem>>
    %dma_wait3A_1554 = tpu.memref_squeeze %dma_wait3A_1553 : memref<1x128xi32, #tpu.memory_space<vmem>> -> memref<128xi32, #tpu.memory_space<vmem>>
    %dma_wait3A_1555 = arith.constant 0 : i32
    %dma_wait3A_1556 = arith.constant 0 : i32
    %dma_wait3A_1557 = tpu.memref_slice %arg3[%dma_wait3A_1555, %dma_wait3A_1556] : memref<1000000x32xf32, #tpu.memory_space<hbm>> -> memref<1000000x32xf32, #tpu.memory_space<hbm>>
    tpu.wait_indirect_dma semaphore(%arg13 : memref<!tpu.dma_semaphore, #tpu.memory_space<semaphore_mem>>) src(%dma_wait3A_1557 : memref<1000000x32xf32, #tpu.memory_space<hbm>>) dst(%arg9 : memref<128x32xf32, #tpu.memory_space<vmem>>)
    %add3A_1558 = arith.constant 12160 : i32
    %add3A_1559 = arith.addi %mul3A_4, %add3A_1558 : i32
    "tpu.region"() ({
      %run_scoped3A = tpu.sem_alloc : memref<!tpu.dma_semaphore, #tpu.memory_space<semaphore_mem>>
      %dma_start3A_1667 = arith.constant 0 : i32
      %dma_start3A_1668 = tpu.memref_slice %arg4[%add3A_1559, %dma_start3A_1667] : memref<425984x32xf32, #tpu.memory_space<hbm>> -> memref<128x32xf32, #tpu.memory_space<hbm>>
      %dma_start3A_1669 = arith.constant 0 : i32
      %dma_start3A_1670 = tpu.memref_slice %arg4[%add3A_1559, %dma_start3A_1669] : memref<425984x32xf32, #tpu.memory_space<hbm>> -> memref<128x32xf32, #tpu.memory_space<hbm>>
      tpu.enqueue_dma source(%arg9 : memref<128x32xf32, #tpu.memory_space<vmem>>) target(%dma_start3A_1670 : memref<128x32xf32, #tpu.memory_space<hbm>>) target_semaphore(%run_scoped3A : memref<!tpu.dma_semaphore, #tpu.memory_space<semaphore_mem>>)
      %dma_wait3A_1671 = arith.constant 0 : i32
      %dma_wait3A_1672 = tpu.memref_slice %arg4[%add3A_1559, %dma_wait3A_1671] : memref<425984x32xf32, #tpu.memory_space<hbm>> -> memref<128x32xf32, #tpu.memory_space<hbm>>
      %dma_wait3A_1673 = arith.constant 0 : i32
      %dma_wait3A_1674 = tpu.memref_slice %arg4[%add3A_1559, %dma_wait3A_1673] : memref<425984x32xf32, #tpu.memory_space<hbm>> -> memref<128x32xf32, #tpu.memory_space<hbm>>
      tpu.wait_dma2 semaphore(%run_scoped3A : memref<!tpu.dma_semaphore, #tpu.memory_space<semaphore_mem>>) src(%arg9 : memref<128x32xf32, #tpu.memory_space<vmem>>) dst(%dma_wait3A_1674 : memref<128x32xf32, #tpu.memory_space<hbm>>)
      tpu.yield
    }) : () -> ()
    %dma_start3A_1560 = arith.constant 99 : i32
    %dma_start3A_1561 = arith.constant 0 : i32
    %dma_start3A_1562 = tpu.memref_slice %arg5[%dma_start3A_1560, %dma_start3A_1561] : memref<104x128xi32, #tpu.memory_space<vmem>> -> memref<1x128xi32, #tpu.memory_space<vmem>>
    %dma_start3A_1563 = tpu.memref_squeeze %dma_start3A_1562 : memref<1x128xi32, #tpu.memory_space<vmem>> -> memref<128xi32, #tpu.memory_space<vmem>>
    %dma_start3A_1564 = arith.constant 0 : i32
    %dma_start3A_1565 = arith.constant 0 : i32
    %dma_start3A_1566 = tpu.memref_slice %arg3[%dma_start3A_1564, %dma_start3A_1565] : memref<1000000x32xf32, #tpu.memory_space<hbm>> -> memref<1000000x32xf32, #tpu.memory_space<hbm>>
    tpu.enqueue_indirect_dma source(%dma_start3A_1566 : memref<1000000x32xf32, #tpu.memory_space<hbm>>) target(%arg9 : memref<128x32xf32, #tpu.memory_space<vmem>>) offsets(%dma_start3A_1563 : memref<128xi32, #tpu.memory_space<vmem>>) semaphore(%arg13 : memref<!tpu.dma_semaphore, #tpu.memory_space<semaphore_mem>>)
    %dma_wait3A_1567 = arith.constant 96 : i32
    %dma_wait3A_1568 = arith.constant 0 : i32
    %dma_wait3A_1569 = tpu.memref_slice %arg5[%dma_wait3A_1567, %dma_wait3A_1568] : memref<104x128xi32, #tpu.memory_space<vmem>> -> memref<1x128xi32, #tpu.memory_space<vmem>>
    %dma_wait3A_1570 = tpu.memref_squeeze %dma_wait3A_1569 : memref<1x128xi32, #tpu.memory_space<vmem>> -> memref<128xi32, #tpu.memory_space<vmem>>
    %dma_wait3A_1571 = arith.constant 0 : i32
    %dma_wait3A_1572 = arith.constant 0 : i32
    %dma_wait3A_1573 = tpu.memref_slice %arg3[%dma_wait3A_1571, %dma_wait3A_1572] : memref<1000000x32xf32, #tpu.memory_space<hbm>> -> memref<1000000x32xf32, #tpu.memory_space<hbm>>
    tpu.wait_indirect_dma semaphore(%arg10 : memref<!tpu.dma_semaphore, #tpu.memory_space<semaphore_mem>>) src(%dma_wait3A_1573 : memref<1000000x32xf32, #tpu.memory_space<hbm>>) dst(%arg6 : memref<128x32xf32, #tpu.memory_space<vmem>>)
    %add3A_1574 = arith.constant 12288 : i32
    %add3A_1575 = arith.addi %mul3A_4, %add3A_1574 : i32
    "tpu.region"() ({
      %run_scoped3A = tpu.sem_alloc : memref<!tpu.dma_semaphore, #tpu.memory_space<semaphore_mem>>
      %dma_start3A_1667 = arith.constant 0 : i32
      %dma_start3A_1668 = tpu.memref_slice %arg4[%add3A_1575, %dma_start3A_1667] : memref<425984x32xf32, #tpu.memory_space<hbm>> -> memref<128x32xf32, #tpu.memory_space<hbm>>
      %dma_start3A_1669 = arith.constant 0 : i32
      %dma_start3A_1670 = tpu.memref_slice %arg4[%add3A_1575, %dma_start3A_1669] : memref<425984x32xf32, #tpu.memory_space<hbm>> -> memref<128x32xf32, #tpu.memory_space<hbm>>
      tpu.enqueue_dma source(%arg6 : memref<128x32xf32, #tpu.memory_space<vmem>>) target(%dma_start3A_1670 : memref<128x32xf32, #tpu.memory_space<hbm>>) target_semaphore(%run_scoped3A : memref<!tpu.dma_semaphore, #tpu.memory_space<semaphore_mem>>)
      %dma_wait3A_1671 = arith.constant 0 : i32
      %dma_wait3A_1672 = tpu.memref_slice %arg4[%add3A_1575, %dma_wait3A_1671] : memref<425984x32xf32, #tpu.memory_space<hbm>> -> memref<128x32xf32, #tpu.memory_space<hbm>>
      %dma_wait3A_1673 = arith.constant 0 : i32
      %dma_wait3A_1674 = tpu.memref_slice %arg4[%add3A_1575, %dma_wait3A_1673] : memref<425984x32xf32, #tpu.memory_space<hbm>> -> memref<128x32xf32, #tpu.memory_space<hbm>>
      tpu.wait_dma2 semaphore(%run_scoped3A : memref<!tpu.dma_semaphore, #tpu.memory_space<semaphore_mem>>) src(%arg6 : memref<128x32xf32, #tpu.memory_space<vmem>>) dst(%dma_wait3A_1674 : memref<128x32xf32, #tpu.memory_space<hbm>>)
      tpu.yield
    }) : () -> ()
    %dma_start3A_1576 = arith.constant 100 : i32
    %dma_start3A_1577 = arith.constant 0 : i32
    %dma_start3A_1578 = tpu.memref_slice %arg5[%dma_start3A_1576, %dma_start3A_1577] : memref<104x128xi32, #tpu.memory_space<vmem>> -> memref<1x128xi32, #tpu.memory_space<vmem>>
    %dma_start3A_1579 = tpu.memref_squeeze %dma_start3A_1578 : memref<1x128xi32, #tpu.memory_space<vmem>> -> memref<128xi32, #tpu.memory_space<vmem>>
    %dma_start3A_1580 = arith.constant 0 : i32
    %dma_start3A_1581 = arith.constant 0 : i32
    %dma_start3A_1582 = tpu.memref_slice %arg3[%dma_start3A_1580, %dma_start3A_1581] : memref<1000000x32xf32, #tpu.memory_space<hbm>> -> memref<1000000x32xf32, #tpu.memory_space<hbm>>
    tpu.enqueue_indirect_dma source(%dma_start3A_1582 : memref<1000000x32xf32, #tpu.memory_space<hbm>>) target(%arg6 : memref<128x32xf32, #tpu.memory_space<vmem>>) offsets(%dma_start3A_1579 : memref<128xi32, #tpu.memory_space<vmem>>) semaphore(%arg10 : memref<!tpu.dma_semaphore, #tpu.memory_space<semaphore_mem>>)
    %dma_wait3A_1583 = arith.constant 97 : i32
    %dma_wait3A_1584 = arith.constant 0 : i32
    %dma_wait3A_1585 = tpu.memref_slice %arg5[%dma_wait3A_1583, %dma_wait3A_1584] : memref<104x128xi32, #tpu.memory_space<vmem>> -> memref<1x128xi32, #tpu.memory_space<vmem>>
    %dma_wait3A_1586 = tpu.memref_squeeze %dma_wait3A_1585 : memref<1x128xi32, #tpu.memory_space<vmem>> -> memref<128xi32, #tpu.memory_space<vmem>>
    %dma_wait3A_1587 = arith.constant 0 : i32
    %dma_wait3A_1588 = arith.constant 0 : i32
    %dma_wait3A_1589 = tpu.memref_slice %arg3[%dma_wait3A_1587, %dma_wait3A_1588] : memref<1000000x32xf32, #tpu.memory_space<hbm>> -> memref<1000000x32xf32, #tpu.memory_space<hbm>>
    tpu.wait_indirect_dma semaphore(%arg11 : memref<!tpu.dma_semaphore, #tpu.memory_space<semaphore_mem>>) src(%dma_wait3A_1589 : memref<1000000x32xf32, #tpu.memory_space<hbm>>) dst(%arg7 : memref<128x32xf32, #tpu.memory_space<vmem>>)
    %add3A_1590 = arith.constant 12416 : i32
    %add3A_1591 = arith.addi %mul3A_4, %add3A_1590 : i32
    "tpu.region"() ({
      %run_scoped3A = tpu.sem_alloc : memref<!tpu.dma_semaphore, #tpu.memory_space<semaphore_mem>>
      %dma_start3A_1667 = arith.constant 0 : i32
      %dma_start3A_1668 = tpu.memref_slice %arg4[%add3A_1591, %dma_start3A_1667] : memref<425984x32xf32, #tpu.memory_space<hbm>> -> memref<128x32xf32, #tpu.memory_space<hbm>>
      %dma_start3A_1669 = arith.constant 0 : i32
      %dma_start3A_1670 = tpu.memref_slice %arg4[%add3A_1591, %dma_start3A_1669] : memref<425984x32xf32, #tpu.memory_space<hbm>> -> memref<128x32xf32, #tpu.memory_space<hbm>>
      tpu.enqueue_dma source(%arg7 : memref<128x32xf32, #tpu.memory_space<vmem>>) target(%dma_start3A_1670 : memref<128x32xf32, #tpu.memory_space<hbm>>) target_semaphore(%run_scoped3A : memref<!tpu.dma_semaphore, #tpu.memory_space<semaphore_mem>>)
      %dma_wait3A_1671 = arith.constant 0 : i32
      %dma_wait3A_1672 = tpu.memref_slice %arg4[%add3A_1591, %dma_wait3A_1671] : memref<425984x32xf32, #tpu.memory_space<hbm>> -> memref<128x32xf32, #tpu.memory_space<hbm>>
      %dma_wait3A_1673 = arith.constant 0 : i32
      %dma_wait3A_1674 = tpu.memref_slice %arg4[%add3A_1591, %dma_wait3A_1673] : memref<425984x32xf32, #tpu.memory_space<hbm>> -> memref<128x32xf32, #tpu.memory_space<hbm>>
      tpu.wait_dma2 semaphore(%run_scoped3A : memref<!tpu.dma_semaphore, #tpu.memory_space<semaphore_mem>>) src(%arg7 : memref<128x32xf32, #tpu.memory_space<vmem>>) dst(%dma_wait3A_1674 : memref<128x32xf32, #tpu.memory_space<hbm>>)
      tpu.yield
    }) : () -> ()
    %dma_start3A_1592 = arith.constant 101 : i32
    %dma_start3A_1593 = arith.constant 0 : i32
    %dma_start3A_1594 = tpu.memref_slice %arg5[%dma_start3A_1592, %dma_start3A_1593] : memref<104x128xi32, #tpu.memory_space<vmem>> -> memref<1x128xi32, #tpu.memory_space<vmem>>
    %dma_start3A_1595 = tpu.memref_squeeze %dma_start3A_1594 : memref<1x128xi32, #tpu.memory_space<vmem>> -> memref<128xi32, #tpu.memory_space<vmem>>
    %dma_start3A_1596 = arith.constant 0 : i32
    %dma_start3A_1597 = arith.constant 0 : i32
    %dma_start3A_1598 = tpu.memref_slice %arg3[%dma_start3A_1596, %dma_start3A_1597] : memref<1000000x32xf32, #tpu.memory_space<hbm>> -> memref<1000000x32xf32, #tpu.memory_space<hbm>>
    tpu.enqueue_indirect_dma source(%dma_start3A_1598 : memref<1000000x32xf32, #tpu.memory_space<hbm>>) target(%arg7 : memref<128x32xf32, #tpu.memory_space<vmem>>) offsets(%dma_start3A_1595 : memref<128xi32, #tpu.memory_space<vmem>>) semaphore(%arg11 : memref<!tpu.dma_semaphore, #tpu.memory_space<semaphore_mem>>)
    %dma_wait3A_1599 = arith.constant 98 : i32
    %dma_wait3A_1600 = arith.constant 0 : i32
    %dma_wait3A_1601 = tpu.memref_slice %arg5[%dma_wait3A_1599, %dma_wait3A_1600] : memref<104x128xi32, #tpu.memory_space<vmem>> -> memref<1x128xi32, #tpu.memory_space<vmem>>
    %dma_wait3A_1602 = tpu.memref_squeeze %dma_wait3A_1601 : memref<1x128xi32, #tpu.memory_space<vmem>> -> memref<128xi32, #tpu.memory_space<vmem>>
    %dma_wait3A_1603 = arith.constant 0 : i32
    %dma_wait3A_1604 = arith.constant 0 : i32
    %dma_wait3A_1605 = tpu.memref_slice %arg3[%dma_wait3A_1603, %dma_wait3A_1604] : memref<1000000x32xf32, #tpu.memory_space<hbm>> -> memref<1000000x32xf32, #tpu.memory_space<hbm>>
    tpu.wait_indirect_dma semaphore(%arg12 : memref<!tpu.dma_semaphore, #tpu.memory_space<semaphore_mem>>) src(%dma_wait3A_1605 : memref<1000000x32xf32, #tpu.memory_space<hbm>>) dst(%arg8 : memref<128x32xf32, #tpu.memory_space<vmem>>)
    %add3A_1606 = arith.constant 12544 : i32
    %add3A_1607 = arith.addi %mul3A_4, %add3A_1606 : i32
    "tpu.region"() ({
      %run_scoped3A = tpu.sem_alloc : memref<!tpu.dma_semaphore, #tpu.memory_space<semaphore_mem>>
      %dma_start3A_1667 = arith.constant 0 : i32
      %dma_start3A_1668 = tpu.memref_slice %arg4[%add3A_1607, %dma_start3A_1667] : memref<425984x32xf32, #tpu.memory_space<hbm>> -> memref<128x32xf32, #tpu.memory_space<hbm>>
      %dma_start3A_1669 = arith.constant 0 : i32
      %dma_start3A_1670 = tpu.memref_slice %arg4[%add3A_1607, %dma_start3A_1669] : memref<425984x32xf32, #tpu.memory_space<hbm>> -> memref<128x32xf32, #tpu.memory_space<hbm>>
      tpu.enqueue_dma source(%arg8 : memref<128x32xf32, #tpu.memory_space<vmem>>) target(%dma_start3A_1670 : memref<128x32xf32, #tpu.memory_space<hbm>>) target_semaphore(%run_scoped3A : memref<!tpu.dma_semaphore, #tpu.memory_space<semaphore_mem>>)
      %dma_wait3A_1671 = arith.constant 0 : i32
      %dma_wait3A_1672 = tpu.memref_slice %arg4[%add3A_1607, %dma_wait3A_1671] : memref<425984x32xf32, #tpu.memory_space<hbm>> -> memref<128x32xf32, #tpu.memory_space<hbm>>
      %dma_wait3A_1673 = arith.constant 0 : i32
      %dma_wait3A_1674 = tpu.memref_slice %arg4[%add3A_1607, %dma_wait3A_1673] : memref<425984x32xf32, #tpu.memory_space<hbm>> -> memref<128x32xf32, #tpu.memory_space<hbm>>
      tpu.wait_dma2 semaphore(%run_scoped3A : memref<!tpu.dma_semaphore, #tpu.memory_space<semaphore_mem>>) src(%arg8 : memref<128x32xf32, #tpu.memory_space<vmem>>) dst(%dma_wait3A_1674 : memref<128x32xf32, #tpu.memory_space<hbm>>)
      tpu.yield
    }) : () -> ()
    %dma_start3A_1608 = arith.constant 102 : i32
    %dma_start3A_1609 = arith.constant 0 : i32
    %dma_start3A_1610 = tpu.memref_slice %arg5[%dma_start3A_1608, %dma_start3A_1609] : memref<104x128xi32, #tpu.memory_space<vmem>> -> memref<1x128xi32, #tpu.memory_space<vmem>>
    %dma_start3A_1611 = tpu.memref_squeeze %dma_start3A_1610 : memref<1x128xi32, #tpu.memory_space<vmem>> -> memref<128xi32, #tpu.memory_space<vmem>>
    %dma_start3A_1612 = arith.constant 0 : i32
    %dma_start3A_1613 = arith.constant 0 : i32
    %dma_start3A_1614 = tpu.memref_slice %arg3[%dma_start3A_1612, %dma_start3A_1613] : memref<1000000x32xf32, #tpu.memory_space<hbm>> -> memref<1000000x32xf32, #tpu.memory_space<hbm>>
    tpu.enqueue_indirect_dma source(%dma_start3A_1614 : memref<1000000x32xf32, #tpu.memory_space<hbm>>) target(%arg8 : memref<128x32xf32, #tpu.memory_space<vmem>>) offsets(%dma_start3A_1611 : memref<128xi32, #tpu.memory_space<vmem>>) semaphore(%arg12 : memref<!tpu.dma_semaphore, #tpu.memory_space<semaphore_mem>>)
    %dma_wait3A_1615 = arith.constant 99 : i32
    %dma_wait3A_1616 = arith.constant 0 : i32
    %dma_wait3A_1617 = tpu.memref_slice %arg5[%dma_wait3A_1615, %dma_wait3A_1616] : memref<104x128xi32, #tpu.memory_space<vmem>> -> memref<1x128xi32, #tpu.memory_space<vmem>>
    %dma_wait3A_1618 = tpu.memref_squeeze %dma_wait3A_1617 : memref<1x128xi32, #tpu.memory_space<vmem>> -> memref<128xi32, #tpu.memory_space<vmem>>
    %dma_wait3A_1619 = arith.constant 0 : i32
    %dma_wait3A_1620 = arith.constant 0 : i32
    %dma_wait3A_1621 = tpu.memref_slice %arg3[%dma_wait3A_1619, %dma_wait3A_1620] : memref<1000000x32xf32, #tpu.memory_space<hbm>> -> memref<1000000x32xf32, #tpu.memory_space<hbm>>
    tpu.wait_indirect_dma semaphore(%arg13 : memref<!tpu.dma_semaphore, #tpu.memory_space<semaphore_mem>>) src(%dma_wait3A_1621 : memref<1000000x32xf32, #tpu.memory_space<hbm>>) dst(%arg9 : memref<128x32xf32, #tpu.memory_space<vmem>>)
    %add3A_1622 = arith.constant 12672 : i32
    %add3A_1623 = arith.addi %mul3A_4, %add3A_1622 : i32
    "tpu.region"() ({
      %run_scoped3A = tpu.sem_alloc : memref<!tpu.dma_semaphore, #tpu.memory_space<semaphore_mem>>
      %dma_start3A_1667 = arith.constant 0 : i32
      %dma_start3A_1668 = tpu.memref_slice %arg4[%add3A_1623, %dma_start3A_1667] : memref<425984x32xf32, #tpu.memory_space<hbm>> -> memref<128x32xf32, #tpu.memory_space<hbm>>
      %dma_start3A_1669 = arith.constant 0 : i32
      %dma_start3A_1670 = tpu.memref_slice %arg4[%add3A_1623, %dma_start3A_1669] : memref<425984x32xf32, #tpu.memory_space<hbm>> -> memref<128x32xf32, #tpu.memory_space<hbm>>
      tpu.enqueue_dma source(%arg9 : memref<128x32xf32, #tpu.memory_space<vmem>>) target(%dma_start3A_1670 : memref<128x32xf32, #tpu.memory_space<hbm>>) target_semaphore(%run_scoped3A : memref<!tpu.dma_semaphore, #tpu.memory_space<semaphore_mem>>)
      %dma_wait3A_1671 = arith.constant 0 : i32
      %dma_wait3A_1672 = tpu.memref_slice %arg4[%add3A_1623, %dma_wait3A_1671] : memref<425984x32xf32, #tpu.memory_space<hbm>> -> memref<128x32xf32, #tpu.memory_space<hbm>>
      %dma_wait3A_1673 = arith.constant 0 : i32
      %dma_wait3A_1674 = tpu.memref_slice %arg4[%add3A_1623, %dma_wait3A_1673] : memref<425984x32xf32, #tpu.memory_space<hbm>> -> memref<128x32xf32, #tpu.memory_space<hbm>>
      tpu.wait_dma2 semaphore(%run_scoped3A : memref<!tpu.dma_semaphore, #tpu.memory_space<semaphore_mem>>) src(%arg9 : memref<128x32xf32, #tpu.memory_space<vmem>>) dst(%dma_wait3A_1674 : memref<128x32xf32, #tpu.memory_space<hbm>>)
      tpu.yield
    }) : () -> ()
    %dma_start3A_1624 = arith.constant 103 : i32
    %dma_start3A_1625 = arith.constant 0 : i32
    %dma_start3A_1626 = tpu.memref_slice %arg5[%dma_start3A_1624, %dma_start3A_1625] : memref<104x128xi32, #tpu.memory_space<vmem>> -> memref<1x128xi32, #tpu.memory_space<vmem>>
    %dma_start3A_1627 = tpu.memref_squeeze %dma_start3A_1626 : memref<1x128xi32, #tpu.memory_space<vmem>> -> memref<128xi32, #tpu.memory_space<vmem>>
    %dma_start3A_1628 = arith.constant 0 : i32
    %dma_start3A_1629 = arith.constant 0 : i32
    %dma_start3A_1630 = tpu.memref_slice %arg3[%dma_start3A_1628, %dma_start3A_1629] : memref<1000000x32xf32, #tpu.memory_space<hbm>> -> memref<1000000x32xf32, #tpu.memory_space<hbm>>
    tpu.enqueue_indirect_dma source(%dma_start3A_1630 : memref<1000000x32xf32, #tpu.memory_space<hbm>>) target(%arg9 : memref<128x32xf32, #tpu.memory_space<vmem>>) offsets(%dma_start3A_1627 : memref<128xi32, #tpu.memory_space<vmem>>) semaphore(%arg13 : memref<!tpu.dma_semaphore, #tpu.memory_space<semaphore_mem>>)
    %dma_wait3A_1631 = arith.constant 100 : i32
    %dma_wait3A_1632 = arith.constant 0 : i32
    %dma_wait3A_1633 = tpu.memref_slice %arg5[%dma_wait3A_1631, %dma_wait3A_1632] : memref<104x128xi32, #tpu.memory_space<vmem>> -> memref<1x128xi32, #tpu.memory_space<vmem>>
    %dma_wait3A_1634 = tpu.memref_squeeze %dma_wait3A_1633 : memref<1x128xi32, #tpu.memory_space<vmem>> -> memref<128xi32, #tpu.memory_space<vmem>>
    %dma_wait3A_1635 = arith.constant 0 : i32
    %dma_wait3A_1636 = arith.constant 0 : i32
    %dma_wait3A_1637 = tpu.memref_slice %arg3[%dma_wait3A_1635, %dma_wait3A_1636] : memref<1000000x32xf32, #tpu.memory_space<hbm>> -> memref<1000000x32xf32, #tpu.memory_space<hbm>>
    tpu.wait_indirect_dma semaphore(%arg10 : memref<!tpu.dma_semaphore, #tpu.memory_space<semaphore_mem>>) src(%dma_wait3A_1637 : memref<1000000x32xf32, #tpu.memory_space<hbm>>) dst(%arg6 : memref<128x32xf32, #tpu.memory_space<vmem>>)
    %add3A_1638 = arith.constant 12800 : i32
    %add3A_1639 = arith.addi %mul3A_4, %add3A_1638 : i32
    "tpu.region"() ({
      %run_scoped3A = tpu.sem_alloc : memref<!tpu.dma_semaphore, #tpu.memory_space<semaphore_mem>>
      %dma_start3A_1667 = arith.constant 0 : i32
      %dma_start3A_1668 = tpu.memref_slice %arg4[%add3A_1639, %dma_start3A_1667] : memref<425984x32xf32, #tpu.memory_space<hbm>> -> memref<128x32xf32, #tpu.memory_space<hbm>>
      %dma_start3A_1669 = arith.constant 0 : i32
      %dma_start3A_1670 = tpu.memref_slice %arg4[%add3A_1639, %dma_start3A_1669] : memref<425984x32xf32, #tpu.memory_space<hbm>> -> memref<128x32xf32, #tpu.memory_space<hbm>>
      tpu.enqueue_dma source(%arg6 : memref<128x32xf32, #tpu.memory_space<vmem>>) target(%dma_start3A_1670 : memref<128x32xf32, #tpu.memory_space<hbm>>) target_semaphore(%run_scoped3A : memref<!tpu.dma_semaphore, #tpu.memory_space<semaphore_mem>>)
      %dma_wait3A_1671 = arith.constant 0 : i32
      %dma_wait3A_1672 = tpu.memref_slice %arg4[%add3A_1639, %dma_wait3A_1671] : memref<425984x32xf32, #tpu.memory_space<hbm>> -> memref<128x32xf32, #tpu.memory_space<hbm>>
      %dma_wait3A_1673 = arith.constant 0 : i32
      %dma_wait3A_1674 = tpu.memref_slice %arg4[%add3A_1639, %dma_wait3A_1673] : memref<425984x32xf32, #tpu.memory_space<hbm>> -> memref<128x32xf32, #tpu.memory_space<hbm>>
      tpu.wait_dma2 semaphore(%run_scoped3A : memref<!tpu.dma_semaphore, #tpu.memory_space<semaphore_mem>>) src(%arg6 : memref<128x32xf32, #tpu.memory_space<vmem>>) dst(%dma_wait3A_1674 : memref<128x32xf32, #tpu.memory_space<hbm>>)
      tpu.yield
    }) : () -> ()
    %dma_wait3A_1640 = arith.constant 101 : i32
    %dma_wait3A_1641 = arith.constant 0 : i32
    %dma_wait3A_1642 = tpu.memref_slice %arg5[%dma_wait3A_1640, %dma_wait3A_1641] : memref<104x128xi32, #tpu.memory_space<vmem>> -> memref<1x128xi32, #tpu.memory_space<vmem>>
    %dma_wait3A_1643 = tpu.memref_squeeze %dma_wait3A_1642 : memref<1x128xi32, #tpu.memory_space<vmem>> -> memref<128xi32, #tpu.memory_space<vmem>>
    %dma_wait3A_1644 = arith.constant 0 : i32
    %dma_wait3A_1645 = arith.constant 0 : i32
    %dma_wait3A_1646 = tpu.memref_slice %arg3[%dma_wait3A_1644, %dma_wait3A_1645] : memref<1000000x32xf32, #tpu.memory_space<hbm>> -> memref<1000000x32xf32, #tpu.memory_space<hbm>>
    tpu.wait_indirect_dma semaphore(%arg11 : memref<!tpu.dma_semaphore, #tpu.memory_space<semaphore_mem>>) src(%dma_wait3A_1646 : memref<1000000x32xf32, #tpu.memory_space<hbm>>) dst(%arg7 : memref<128x32xf32, #tpu.memory_space<vmem>>)
    %add3A_1647 = arith.constant 12928 : i32
    %add3A_1648 = arith.addi %mul3A_4, %add3A_1647 : i32
    "tpu.region"() ({
      %run_scoped3A = tpu.sem_alloc : memref<!tpu.dma_semaphore, #tpu.memory_space<semaphore_mem>>
      %dma_start3A_1667 = arith.constant 0 : i32
      %dma_start3A_1668 = tpu.memref_slice %arg4[%add3A_1648, %dma_start3A_1667] : memref<425984x32xf32, #tpu.memory_space<hbm>> -> memref<128x32xf32, #tpu.memory_space<hbm>>
      %dma_start3A_1669 = arith.constant 0 : i32
      %dma_start3A_1670 = tpu.memref_slice %arg4[%add3A_1648, %dma_start3A_1669] : memref<425984x32xf32, #tpu.memory_space<hbm>> -> memref<128x32xf32, #tpu.memory_space<hbm>>
      tpu.enqueue_dma source(%arg7 : memref<128x32xf32, #tpu.memory_space<vmem>>) target(%dma_start3A_1670 : memref<128x32xf32, #tpu.memory_space<hbm>>) target_semaphore(%run_scoped3A : memref<!tpu.dma_semaphore, #tpu.memory_space<semaphore_mem>>)
      %dma_wait3A_1671 = arith.constant 0 : i32
      %dma_wait3A_1672 = tpu.memref_slice %arg4[%add3A_1648, %dma_wait3A_1671] : memref<425984x32xf32, #tpu.memory_space<hbm>> -> memref<128x32xf32, #tpu.memory_space<hbm>>
      %dma_wait3A_1673 = arith.constant 0 : i32
      %dma_wait3A_1674 = tpu.memref_slice %arg4[%add3A_1648, %dma_wait3A_1673] : memref<425984x32xf32, #tpu.memory_space<hbm>> -> memref<128x32xf32, #tpu.memory_space<hbm>>
      tpu.wait_dma2 semaphore(%run_scoped3A : memref<!tpu.dma_semaphore, #tpu.memory_space<semaphore_mem>>) src(%arg7 : memref<128x32xf32, #tpu.memory_space<vmem>>) dst(%dma_wait3A_1674 : memref<128x32xf32, #tpu.memory_space<hbm>>)
      tpu.yield
    }) : () -> ()
    %dma_wait3A_1649 = arith.constant 102 : i32
    %dma_wait3A_1650 = arith.constant 0 : i32
    %dma_wait3A_1651 = tpu.memref_slice %arg5[%dma_wait3A_1649, %dma_wait3A_1650] : memref<104x128xi32, #tpu.memory_space<vmem>> -> memref<1x128xi32, #tpu.memory_space<vmem>>
    %dma_wait3A_1652 = tpu.memref_squeeze %dma_wait3A_1651 : memref<1x128xi32, #tpu.memory_space<vmem>> -> memref<128xi32, #tpu.memory_space<vmem>>
    %dma_wait3A_1653 = arith.constant 0 : i32
    %dma_wait3A_1654 = arith.constant 0 : i32
    %dma_wait3A_1655 = tpu.memref_slice %arg3[%dma_wait3A_1653, %dma_wait3A_1654] : memref<1000000x32xf32, #tpu.memory_space<hbm>> -> memref<1000000x32xf32, #tpu.memory_space<hbm>>
    tpu.wait_indirect_dma semaphore(%arg12 : memref<!tpu.dma_semaphore, #tpu.memory_space<semaphore_mem>>) src(%dma_wait3A_1655 : memref<1000000x32xf32, #tpu.memory_space<hbm>>) dst(%arg8 : memref<128x32xf32, #tpu.memory_space<vmem>>)
    %add3A_1656 = arith.constant 13056 : i32
    %add3A_1657 = arith.addi %mul3A_4, %add3A_1656 : i32
    "tpu.region"() ({
      %run_scoped3A = tpu.sem_alloc : memref<!tpu.dma_semaphore, #tpu.memory_space<semaphore_mem>>
      %dma_start3A_1667 = arith.constant 0 : i32
      %dma_start3A_1668 = tpu.memref_slice %arg4[%add3A_1657, %dma_start3A_1667] : memref<425984x32xf32, #tpu.memory_space<hbm>> -> memref<128x32xf32, #tpu.memory_space<hbm>>
      %dma_start3A_1669 = arith.constant 0 : i32
      %dma_start3A_1670 = tpu.memref_slice %arg4[%add3A_1657, %dma_start3A_1669] : memref<425984x32xf32, #tpu.memory_space<hbm>> -> memref<128x32xf32, #tpu.memory_space<hbm>>
      tpu.enqueue_dma source(%arg8 : memref<128x32xf32, #tpu.memory_space<vmem>>) target(%dma_start3A_1670 : memref<128x32xf32, #tpu.memory_space<hbm>>) target_semaphore(%run_scoped3A : memref<!tpu.dma_semaphore, #tpu.memory_space<semaphore_mem>>)
      %dma_wait3A_1671 = arith.constant 0 : i32
      %dma_wait3A_1672 = tpu.memref_slice %arg4[%add3A_1657, %dma_wait3A_1671] : memref<425984x32xf32, #tpu.memory_space<hbm>> -> memref<128x32xf32, #tpu.memory_space<hbm>>
      %dma_wait3A_1673 = arith.constant 0 : i32
      %dma_wait3A_1674 = tpu.memref_slice %arg4[%add3A_1657, %dma_wait3A_1673] : memref<425984x32xf32, #tpu.memory_space<hbm>> -> memref<128x32xf32, #tpu.memory_space<hbm>>
      tpu.wait_dma2 semaphore(%run_scoped3A : memref<!tpu.dma_semaphore, #tpu.memory_space<semaphore_mem>>) src(%arg8 : memref<128x32xf32, #tpu.memory_space<vmem>>) dst(%dma_wait3A_1674 : memref<128x32xf32, #tpu.memory_space<hbm>>)
      tpu.yield
    }) : () -> ()
    %dma_wait3A_1658 = arith.constant 103 : i32
    %dma_wait3A_1659 = arith.constant 0 : i32
    %dma_wait3A_1660 = tpu.memref_slice %arg5[%dma_wait3A_1658, %dma_wait3A_1659] : memref<104x128xi32, #tpu.memory_space<vmem>> -> memref<1x128xi32, #tpu.memory_space<vmem>>
    %dma_wait3A_1661 = tpu.memref_squeeze %dma_wait3A_1660 : memref<1x128xi32, #tpu.memory_space<vmem>> -> memref<128xi32, #tpu.memory_space<vmem>>
    %dma_wait3A_1662 = arith.constant 0 : i32
    %dma_wait3A_1663 = arith.constant 0 : i32
    %dma_wait3A_1664 = tpu.memref_slice %arg3[%dma_wait3A_1662, %dma_wait3A_1663] : memref<1000000x32xf32, #tpu.memory_space<hbm>> -> memref<1000000x32xf32, #tpu.memory_space<hbm>>
    tpu.wait_indirect_dma semaphore(%arg13 : memref<!tpu.dma_semaphore, #tpu.memory_space<semaphore_mem>>) src(%dma_wait3A_1664 : memref<1000000x32xf32, #tpu.memory_space<hbm>>) dst(%arg9 : memref<128x32xf32, #tpu.memory_space<vmem>>)
    %add3A_1665 = arith.constant 13184 : i32
    %add3A_1666 = arith.addi %mul3A_4, %add3A_1665 : i32
    "tpu.region"() ({
      %run_scoped3A = tpu.sem_alloc : memref<!tpu.dma_semaphore, #tpu.memory_space<semaphore_mem>>
      %dma_start3A_1667 = arith.constant 0 : i32
      %dma_start3A_1668 = tpu.memref_slice %arg4[%add3A_1666, %dma_start3A_1667] : memref<425984x32xf32, #tpu.memory_space<hbm>> -> memref<128x32xf32, #tpu.memory_space<hbm>>
      %dma_start3A_1669 = arith.constant 0 : i32
      %dma_start3A_1670 = tpu.memref_slice %arg4[%add3A_1666, %dma_start3A_1669] : memref<425984x32xf32, #tpu.memory_space<hbm>> -> memref<128x32xf32, #tpu.memory_space<hbm>>
      tpu.enqueue_dma source(%arg9 : memref<128x32xf32, #tpu.memory_space<vmem>>) target(%dma_start3A_1670 : memref<128x32xf32, #tpu.memory_space<hbm>>) target_semaphore(%run_scoped3A : memref<!tpu.dma_semaphore, #tpu.memory_space<semaphore_mem>>)
      %dma_wait3A_1671 = arith.constant 0 : i32
      %dma_wait3A_1672 = tpu.memref_slice %arg4[%add3A_1666, %dma_wait3A_1671] : memref<425984x32xf32, #tpu.memory_space<hbm>> -> memref<128x32xf32, #tpu.memory_space<hbm>>
      %dma_wait3A_1673 = arith.constant 0 : i32
      %dma_wait3A_1674 = tpu.memref_slice %arg4[%add3A_1666, %dma_wait3A_1673] : memref<425984x32xf32, #tpu.memory_space<hbm>> -> memref<128x32xf32, #tpu.memory_space<hbm>>
      tpu.wait_dma2 semaphore(%run_scoped3A : memref<!tpu.dma_semaphore, #tpu.memory_space<semaphore_mem>>) src(%arg9 : memref<128x32xf32, #tpu.memory_space<vmem>>) dst(%dma_wait3A_1674 : memref<128x32xf32, #tpu.memory_space<hbm>>)
      tpu.yield
    }) : () -> ()
    return
  }
}

module attributes {stable_mosaic.version = 14 : i64} {
  func.func @_tc_body(%arg0: i32, %arg1: memref<39x512xf32, #tpu.memory_space<vmem>>, %arg2: memref<26x512xi32, #tpu.memory_space<vmem>>, %arg3: memref<52x512xf32, #tpu.memory_space<vmem>>, %arg4: memref<512x832xf32, #tpu.memory_space<vmem>>, %arg5: memref<416x39xf32, #tpu.memory_space<vmem>>, %arg6: memref<832x52xf32, #tpu.memory_space<vmem>>, %arg7: memref<1248x1xf32, #tpu.memory_space<vmem>>, %arg8: memref<1248x1xf32, #tpu.memory_space<vmem>>, %arg9: memref<1248x1xf32, #tpu.memory_space<vmem>>, %arg10: memref<1248x1xf32, #tpu.memory_space<vmem>>, %arg11: memref<39x1248xf32, #tpu.memory_space<vmem>>, %arg12: memref<1248x39xf32, #tpu.memory_space<vmem>>, %arg13: memref<39x39xf32, #tpu.memory_space<vmem>>, %arg14: memref<39x26xf32, #tpu.memory_space<vmem>>, %arg15: memref<78x39xf32, #tpu.memory_space<vmem>>, %arg16: memref<78x52xf32, #tpu.memory_space<vmem>>, %arg17: memref<78x26xf32, #tpu.memory_space<vmem>>, %arg18: memref<1248x512xf32, #tpu.memory_space<vmem>>, %arg19: memref<39x512xf32, #tpu.memory_space<vmem>>, %arg20: memref<39x512xf32, #tpu.memory_space<vmem>>, %arg21: memref<78x512xf32, #tpu.memory_space<vmem>>) attributes {dimension_semantics = [#tpu.dimension_semantics<parallel>], iteration_bounds = array<i64: 32>, scalar_prefetch = 0 : i64, scratch_operands = 0 : i64, tpu.core_type = #tpu.core_type<tc>, window_params = [{transform_indices = @transform_0, window_bounds = array<i64: 39, 512>}, {transform_indices = @transform_1, window_bounds = array<i64: 26, 512>}, {transform_indices = @transform_2, window_bounds = array<i64: 52, 512>}, {transform_indices = @transform_3, window_bounds = array<i64: 512, 832>}, {pipeline_mode = #tpu.pipeline_mode<synchronous>, transform_indices = @transform_4, window_bounds = array<i64: 416, 39>}, {pipeline_mode = #tpu.pipeline_mode<synchronous>, transform_indices = @transform_5, window_bounds = array<i64: 832, 52>}, {pipeline_mode = #tpu.pipeline_mode<synchronous>, transform_indices = @transform_6, window_bounds = array<i64: 1248, 1>}, {pipeline_mode = #tpu.pipeline_mode<synchronous>, transform_indices = @transform_7, window_bounds = array<i64: 1248, 1>}, {pipeline_mode = #tpu.pipeline_mode<synchronous>, transform_indices = @transform_8, window_bounds = array<i64: 1248, 1>}, {pipeline_mode = #tpu.pipeline_mode<synchronous>, transform_indices = @transform_9, window_bounds = array<i64: 1248, 1>}, {pipeline_mode = #tpu.pipeline_mode<synchronous>, transform_indices = @transform_10, window_bounds = array<i64: 39, 1248>}, {pipeline_mode = #tpu.pipeline_mode<synchronous>, transform_indices = @transform_11, window_bounds = array<i64: 1248, 39>}, {pipeline_mode = #tpu.pipeline_mode<synchronous>, transform_indices = @transform_12, window_bounds = array<i64: 39, 39>}, {pipeline_mode = #tpu.pipeline_mode<synchronous>, transform_indices = @transform_13, window_bounds = array<i64: 39, 26>}, {pipeline_mode = #tpu.pipeline_mode<synchronous>, transform_indices = @transform_14, window_bounds = array<i64: 78, 39>}, {pipeline_mode = #tpu.pipeline_mode<synchronous>, transform_indices = @transform_15, window_bounds = array<i64: 78, 52>}, {pipeline_mode = #tpu.pipeline_mode<synchronous>, transform_indices = @transform_16, window_bounds = array<i64: 78, 26>}, {transform_indices = @transform_17, window_bounds = array<i64: 1248, 512>}, {transform_indices = @transform_18, window_bounds = array<i64: 39, 512>}, {transform_indices = @transform_19, window_bounds = array<i64: 39, 512>}, {transform_indices = @transform_20, window_bounds = array<i64: 78, 512>}]} {
    %get3A = arith.constant 0 : index
    %get3A_0 = arith.constant 0 : index
    %get3A_1 = vector.load %arg1[%get3A, %get3A_0] : memref<39x512xf32, #tpu.memory_space<vmem>>, vector<39x512xf32>
    %get3A_2 = arith.constant 0 : index
    %get3A_3 = arith.constant 0 : index
    %get3A_4 = vector.load %arg2[%get3A_2, %get3A_3] : memref<26x512xi32, #tpu.memory_space<vmem>>, vector<26x512xi32>
    %get3A_5 = arith.constant 0 : index
    %get3A_6 = arith.constant 0 : index
    %get3A_7 = vector.load %arg3[%get3A_5, %get3A_6] : memref<52x512xf32, #tpu.memory_space<vmem>>, vector<52x512xf32>
    %get3A_8 = arith.constant 0 : index
    %get3A_9 = arith.constant 0 : index
    %get3A_10 = vector.load %arg4[%get3A_8, %get3A_9] : memref<512x832xf32, #tpu.memory_space<vmem>>, vector<512x832xf32>
    %iota3A = tpu.iota {dimensions = array<i32: 0>} : vector<512x512xi32>
    %iota3A_11 = tpu.iota {dimensions = array<i32: 1>} : vector<512x512xi32>
    %eq3A = arith.cmpi eq, %iota3A, %iota3A_11 : vector<512x512xi32>
    %jit3A = arith.constant 1.000000e+00 : f32
    %jit3A_12 = arith.constant 0.000000e+00 : f32
    %broadcast_in_dim3A = vector.broadcast %jit3A : f32 to vector<512x512xf32>
    %broadcast_in_dim3A_13 = vector.broadcast %jit3A_12 : f32 to vector<512x512xf32>
    %select_n3A = arith.select %eq3A, %broadcast_in_dim3A, %broadcast_in_dim3A_13 : vector<512x512xi1>, vector<512x512xf32>
    %dot_general3A = arith.constant dense<0.000000e+00> : vector<832x512xf32>
    %dot_general3A_14 = tpu.matmul %get3A_10, %select_n3A, %dot_general3A {dimension_numbers = #tpu.dot_dimension_numbers<[0], [0], [1], [1], [0, 1, 1, 1], [], []>, transpose_lhs_hint = false} : vector<512x832xf32>, vector<512x512xf32>, vector<832x512xf32> -> vector<832x512xf32>
    %get3A_15 = arith.constant 0 : index
    %get3A_16 = arith.constant 0 : index
    %get3A_17 = vector.load %arg5[%get3A_15, %get3A_16] : memref<416x39xf32, #tpu.memory_space<vmem>>, vector<416x39xf32>
    %dot_general3A_18 = arith.constant dense<0.000000e+00> : vector<416x512xf32>
    %dot_general3A_19 = tpu.matmul %get3A_17, %get3A_1, %dot_general3A_18 {dimension_numbers = #tpu.dot_dimension_numbers<[1], [0], [0], [1], [0, 0, 1, 1], [], []>, transpose_lhs_hint = false} : vector<416x39xf32>, vector<39x512xf32>, vector<416x512xf32> -> vector<416x512xf32>
    %get3A_20 = arith.constant 0 : index
    %get3A_21 = arith.constant 0 : index
    %get3A_22 = vector.load %arg6[%get3A_20, %get3A_21] : memref<832x52xf32, #tpu.memory_space<vmem>>, vector<832x52xf32>
    %dot_general3A_23 = arith.constant dense<0.000000e+00> : vector<832x512xf32>
    %dot_general3A_24 = tpu.matmul %get3A_22, %get3A_7, %dot_general3A_23 {dimension_numbers = #tpu.dot_dimension_numbers<[1], [0], [0], [1], [0, 0, 1, 1], [], []>, transpose_lhs_hint = false} : vector<832x52xf32>, vector<52x512xf32>, vector<832x512xf32> -> vector<832x512xf32>
    %add3A = arith.addf %dot_general3A_24, %dot_general3A_14 : vector<832x512xf32>
    %concatenate3A = tpu.concatenate %dot_general3A_19, %add3A in 0 : vector<416x512xf32>, vector<832x512xf32> -> vector<1248x512xf32>
    %get3A_25 = arith.constant 0 : index
    %get3A_26 = arith.constant 0 : index
    %get3A_27 = vector.load %arg7[%get3A_25, %get3A_26] : memref<1248x1xf32, #tpu.memory_space<vmem>>, vector<1248x1xf32>
    %add3A_28 = vector.broadcast %get3A_27 : vector<1248x1xf32> to vector<1248x512xf32>
    %add3A_29 = arith.addf %concatenate3A, %add3A_28 : vector<1248x512xf32>
    %mul3A = arith.constant 5.000000e-01 : f32
    %mul3A_30 = vector.broadcast %mul3A : f32 to vector<1248x512xf32>
    %mul3A_31 = arith.mulf %mul3A_30, %add3A_29 : vector<1248x512xf32>
    %mul3A_32 = arith.constant 0.707106769 : f32
    %mul3A_33 = vector.broadcast %mul3A_32 : f32 to vector<1248x512xf32>
    %mul3A_34 = arith.mulf %add3A_29, %mul3A_33 : vector<1248x512xf32>
    %erf3A = math.erf %mul3A_34 : vector<1248x512xf32>
    %add3A_35 = arith.constant 1.000000e+00 : f32
    %add3A_36 = vector.broadcast %add3A_35 : f32 to vector<1248x512xf32>
    %add3A_37 = arith.addf %add3A_36, %erf3A : vector<1248x512xf32>
    %mul3A_38 = arith.mulf %mul3A_31, %add3A_37 : vector<1248x512xf32>
    %get3A_39 = arith.constant 0 : index
    %get3A_40 = arith.constant 0 : index
    %get3A_41 = vector.load %arg8[%get3A_39, %get3A_40] : memref<1248x1xf32, #tpu.memory_space<vmem>>, vector<1248x1xf32>
    %add3A_42 = vector.broadcast %get3A_41 : vector<1248x1xf32> to vector<1248x512xf32>
    %add3A_43 = arith.addf %mul3A_38, %add3A_42 : vector<1248x512xf32>
    %get3A_44 = arith.constant 0 : index
    %get3A_45 = arith.constant 0 : index
    %get3A_46 = vector.load %arg11[%get3A_44, %get3A_45] : memref<39x1248xf32, #tpu.memory_space<vmem>>, vector<39x1248xf32>
    %get3A_47 = arith.constant 0 : index
    %get3A_48 = arith.constant 0 : index
    %get3A_49 = vector.load %arg12[%get3A_47, %get3A_48] : memref<1248x39xf32, #tpu.memory_space<vmem>>, vector<1248x39xf32>
    %dot_general3A_50 = arith.constant dense<0.000000e+00> : vector<39x512xf32>
    %dot_general3A_51 = tpu.matmul %get3A_46, %add3A_43, %dot_general3A_50 {dimension_numbers = #tpu.dot_dimension_numbers<[1], [0], [0], [1], [0, 0, 1, 1], [], []>, transpose_lhs_hint = false} : vector<39x1248xf32>, vector<1248x512xf32>, vector<39x512xf32> -> vector<39x512xf32>
    %dot_general3A_52 = arith.constant dense<0.000000e+00> : vector<1248x512xf32>
    %dot_general3A_53 = tpu.matmul %get3A_49, %dot_general3A_51, %dot_general3A_52 {dimension_numbers = #tpu.dot_dimension_numbers<[1], [0], [0], [1], [0, 0, 1, 1], [], []>, transpose_lhs_hint = false} : vector<1248x39xf32>, vector<39x512xf32>, vector<1248x512xf32> -> vector<1248x512xf32>
    %sub3A = arith.subf %add3A_43, %dot_general3A_53 : vector<1248x512xf32>
    %mul3A_54 = arith.mulf %sub3A, %sub3A : vector<1248x512xf32>
    %dot_general3A_55 = arith.constant dense<0.000000e+00> : vector<39x512xf32>
    %dot_general3A_56 = tpu.matmul %get3A_46, %mul3A_54, %dot_general3A_55 {dimension_numbers = #tpu.dot_dimension_numbers<[1], [0], [0], [1], [0, 0, 1, 1], [], []>, transpose_lhs_hint = false} : vector<39x1248xf32>, vector<1248x512xf32>, vector<39x512xf32> -> vector<39x512xf32>
    %add3A_57 = arith.constant 9.99999974E-6 : f32
    %add3A_58 = vector.broadcast %add3A_57 : f32 to vector<39x512xf32>
    %add3A_59 = arith.addf %dot_general3A_56, %add3A_58 : vector<39x512xf32>
    %rsqrt3A = math.rsqrt %add3A_59 : vector<39x512xf32>
    %dot_general3A_60 = arith.constant dense<0.000000e+00> : vector<1248x512xf32>
    %dot_general3A_61 = tpu.matmul %get3A_49, %rsqrt3A, %dot_general3A_60 {dimension_numbers = #tpu.dot_dimension_numbers<[1], [0], [0], [1], [0, 0, 1, 1], [], []>, transpose_lhs_hint = false} : vector<1248x39xf32>, vector<39x512xf32>, vector<1248x512xf32> -> vector<1248x512xf32>
    %mul3A_62 = arith.mulf %sub3A, %dot_general3A_61 : vector<1248x512xf32>
    %get3A_63 = arith.constant 0 : index
    %get3A_64 = arith.constant 0 : index
    %get3A_65 = vector.load %arg9[%get3A_63, %get3A_64] : memref<1248x1xf32, #tpu.memory_space<vmem>>, vector<1248x1xf32>
    %mul3A_66 = vector.broadcast %get3A_65 : vector<1248x1xf32> to vector<1248x512xf32>
    %mul3A_67 = arith.mulf %mul3A_62, %mul3A_66 : vector<1248x512xf32>
    %get3A_68 = arith.constant 0 : index
    %get3A_69 = arith.constant 0 : index
    %get3A_70 = vector.load %arg10[%get3A_68, %get3A_69] : memref<1248x1xf32, #tpu.memory_space<vmem>>, vector<1248x1xf32>
    %add3A_71 = vector.broadcast %get3A_70 : vector<1248x1xf32> to vector<1248x512xf32>
    %add3A_72 = arith.addf %mul3A_67, %add3A_71 : vector<1248x512xf32>
    %swap3A = arith.constant 0 : index
    %swap3A_73 = arith.constant 0 : index
    %swap3A_74 = vector.load %arg18[%swap3A, %swap3A_73] : memref<1248x512xf32, #tpu.memory_space<vmem>>, vector<1248x512xf32>
    tpu.vector_store %arg18[%swap3A, %swap3A_73], %add3A_72 {strides = array<i32>} : memref<1248x512xf32, #tpu.memory_space<vmem>>, vector<1248x512xf32>,
    %convert_element_type3A = arith.sitofp %get3A_4 : vector<26x512xi32> to vector<26x512xf32>
    %get3A_75 = arith.constant 0 : index
    %get3A_76 = arith.constant 0 : index
    %get3A_77 = vector.load %arg13[%get3A_75, %get3A_76] : memref<39x39xf32, #tpu.memory_space<vmem>>, vector<39x39xf32>
    %dot_general3A_78 = arith.constant dense<0.000000e+00> : vector<39x512xf32>
    %dot_general3A_79 = tpu.matmul %get3A_77, %get3A_1, %dot_general3A_78 {dimension_numbers = #tpu.dot_dimension_numbers<[1], [0], [0], [1], [0, 0, 1, 1], [], []>, precision = #tpu.contract_precision<fp32>, transpose_lhs_hint = false} : vector<39x39xf32>, vector<39x512xf32>, vector<39x512xf32> -> vector<39x512xf32>
    %get3A_80 = arith.constant 0 : index
    %get3A_81 = arith.constant 0 : index
    %get3A_82 = vector.load %arg14[%get3A_80, %get3A_81] : memref<39x26xf32, #tpu.memory_space<vmem>>, vector<39x26xf32>
    %dot_general3A_83 = arith.constant dense<0.000000e+00> : vector<39x512xf32>
    %dot_general3A_84 = tpu.matmul %get3A_82, %convert_element_type3A, %dot_general3A_83 {dimension_numbers = #tpu.dot_dimension_numbers<[1], [0], [0], [1], [0, 0, 1, 1], [], []>, precision = #tpu.contract_precision<fp32>, transpose_lhs_hint = false} : vector<39x26xf32>, vector<26x512xf32>, vector<39x512xf32> -> vector<39x512xf32>
    %add3A_85 = arith.addf %dot_general3A_79, %dot_general3A_84 : vector<39x512xf32>
    %swap3A_86 = arith.constant 0 : index
    %swap3A_87 = arith.constant 0 : index
    %swap3A_88 = vector.load %arg19[%swap3A_86, %swap3A_87] : memref<39x512xf32, #tpu.memory_space<vmem>>, vector<39x512xf32>
    tpu.vector_store %arg19[%swap3A_86, %swap3A_87], %add3A_85 {strides = array<i32>} : memref<39x512xf32, #tpu.memory_space<vmem>>, vector<39x512xf32>,
    %iota3A_89 = tpu.iota {dimensions = array<i32: 0>} : vector<39x512xi32>
    %lt3A = arith.constant 13 : i32
    %lt3A_90 = vector.broadcast %lt3A : i32 to vector<39x512xi32>
    %lt3A_91 = arith.cmpi slt, %iota3A_89, %lt3A_90 : vector<39x512xi32>
    %jit3A_92 = arith.constant 1.000000e+00 : f32
    %jit3A_93 = arith.constant 0.000000e+00 : f32
    %broadcast_in_dim3A_94 = vector.broadcast %jit3A_92 : f32 to vector<39x512xf32>
    %broadcast_in_dim3A_95 = vector.broadcast %jit3A_93 : f32 to vector<39x512xf32>
    %select_n3A_96 = arith.select %lt3A_91, %broadcast_in_dim3A_94, %broadcast_in_dim3A_95 : vector<39x512xi1>, vector<39x512xf32>
    %swap3A_97 = arith.constant 0 : index
    %swap3A_98 = arith.constant 0 : index
    %swap3A_99 = vector.load %arg20[%swap3A_97, %swap3A_98] : memref<39x512xf32, #tpu.memory_space<vmem>>, vector<39x512xf32>
    tpu.vector_store %arg20[%swap3A_97, %swap3A_98], %select_n3A_96 {strides = array<i32>} : memref<39x512xf32, #tpu.memory_space<vmem>>, vector<39x512xf32>,
    %and3A = arith.constant 1 : i32
    %and3A_100 = vector.broadcast %and3A : i32 to vector<26x512xi32>
    %and3A_101 = arith.andi %get3A_4, %and3A_100 : vector<26x512xi32>
    %mul3A_102 = arith.constant 2 : i32
    %mul3A_103 = vector.broadcast %mul3A_102 : i32 to vector<26x512xi32>
    %mul3A_104 = arith.muli %and3A_101, %mul3A_103 : vector<26x512xi32>
    %sub3A_105 = arith.constant 1 : i32
    %sub3A_106 = vector.broadcast %sub3A_105 : i32 to vector<26x512xi32>
    %sub3A_107 = arith.subi %mul3A_104, %sub3A_106 : vector<26x512xi32>
    %convert_element_type3A_108 = arith.sitofp %sub3A_107 : vector<26x512xi32> to vector<26x512xf32>
    %get3A_109 = arith.constant 0 : index
    %get3A_110 = arith.constant 0 : index
    %get3A_111 = vector.load %arg15[%get3A_109, %get3A_110] : memref<78x39xf32, #tpu.memory_space<vmem>>, vector<78x39xf32>
    %dot_general3A_112 = arith.constant dense<0.000000e+00> : vector<78x512xf32>
    %dot_general3A_113 = tpu.matmul %get3A_111, %get3A_1, %dot_general3A_112 {dimension_numbers = #tpu.dot_dimension_numbers<[1], [0], [0], [1], [0, 0, 1, 1], [], []>, precision = #tpu.contract_precision<fp32>, transpose_lhs_hint = false} : vector<78x39xf32>, vector<39x512xf32>, vector<78x512xf32> -> vector<78x512xf32>
    %get3A_114 = arith.constant 0 : index
    %get3A_115 = arith.constant 0 : index
    %get3A_116 = vector.load %arg16[%get3A_114, %get3A_115] : memref<78x52xf32, #tpu.memory_space<vmem>>, vector<78x52xf32>
    %dot_general3A_117 = arith.constant dense<0.000000e+00> : vector<78x512xf32>
    %dot_general3A_118 = tpu.matmul %get3A_116, %get3A_7, %dot_general3A_117 {dimension_numbers = #tpu.dot_dimension_numbers<[1], [0], [0], [1], [0, 0, 1, 1], [], []>, precision = #tpu.contract_precision<fp32>, transpose_lhs_hint = false} : vector<78x52xf32>, vector<52x512xf32>, vector<78x512xf32> -> vector<78x512xf32>
    %add3A_119 = arith.addf %dot_general3A_113, %dot_general3A_118 : vector<78x512xf32>
    %get3A_120 = arith.constant 0 : index
    %get3A_121 = arith.constant 0 : index
    %get3A_122 = vector.load %arg17[%get3A_120, %get3A_121] : memref<78x26xf32, #tpu.memory_space<vmem>>, vector<78x26xf32>
    %dot_general3A_123 = arith.constant dense<0.000000e+00> : vector<78x512xf32>
    %dot_general3A_124 = tpu.matmul %get3A_122, %convert_element_type3A_108, %dot_general3A_123 {dimension_numbers = #tpu.dot_dimension_numbers<[1], [0], [0], [1], [0, 0, 1, 1], [], []>, transpose_lhs_hint = false} : vector<78x26xf32>, vector<26x512xf32>, vector<78x512xf32> -> vector<78x512xf32>
    %iota3A_125 = tpu.iota {dimensions = array<i32: 0>} : vector<78x512xi32>
    %ge3A = arith.constant 26 : i32
    %ge3A_126 = vector.broadcast %ge3A : i32 to vector<78x512xi32>
    %ge3A_127 = arith.cmpi sge, %iota3A_125, %ge3A_126 : vector<78x512xi32>
    %jit3A_128 = arith.constant 2 : i32
    %eq3A_129 = arith.constant 0 : i32
    %eq3A_130 = arith.cmpi eq, %jit3A_128, %eq3A_129 : i32
    %jit3A_131 = arith.constant 1 : i32
    %select_n3A_132 = arith.select %eq3A_130, %jit3A_131, %jit3A_128 : i32
    %rem3A = vector.broadcast %select_n3A_132 : i32 to vector<78x512xi32>
    %rem3A_133 = arith.remsi %iota3A_125, %rem3A : vector<78x512xi32>
    %ne3A = arith.constant 0 : i32
    %ne3A_134 = vector.broadcast %ne3A : i32 to vector<78x512xi32>
    %ne3A_135 = arith.cmpi ne, %rem3A_133, %ne3A_134 : vector<78x512xi32>
    %lt3A_136 = arith.constant 0 : i32
    %lt3A_137 = vector.broadcast %lt3A_136 : i32 to vector<78x512xi32>
    %lt3A_138 = arith.cmpi slt, %rem3A_133, %lt3A_137 : vector<78x512xi32>
    %lt3A_139 = arith.constant 0 : i32
    %lt3A_140 = arith.cmpi slt, %select_n3A_132, %lt3A_139 : i32
    %ne3A_141 = vector.broadcast %lt3A_140 : i1 to vector<78x512xi1>
    %ne3A_142 = vector.broadcast %ne3A_141 : vector<78x512xi1> to vector<78x512xi1>
    %ne3A_143 = arith.xori %lt3A_138, %ne3A_142 : vector<78x512xi1>
    %and3A_144 = arith.andi %ne3A_143, %ne3A_135 : vector<78x512xi1>
    %add3A_145 = vector.broadcast %select_n3A_132 : i32 to vector<78x512xi32>
    %add3A_146 = arith.addi %rem3A_133, %add3A_145 : vector<78x512xi32>
    %select_n3A_147 = arith.select %and3A_144, %add3A_146, %rem3A_133 : vector<78x512xi1>, vector<78x512xi32>
    %eq3A_148 = arith.constant 0 : i32
    %eq3A_149 = vector.broadcast %eq3A_148 : i32 to vector<78x512xi32>
    %eq3A_150 = arith.cmpi eq, %select_n3A_147, %eq3A_149 : vector<78x512xi32>
    %and3A_151 = arith.andi %ge3A_127, %eq3A_150 : vector<78x512xi1>
    %mul3A_152 = arith.constant 5.000000e-01 : f32
    %mul3A_153 = vector.broadcast %mul3A_152 : f32 to vector<78x512xf32>
    %mul3A_154 = arith.mulf %dot_general3A_124, %mul3A_153 : vector<78x512xf32>
    %sub3A_155 = arith.constant 1.000000e+00 : f32
    %sub3A_156 = vector.broadcast %sub3A_155 : f32 to vector<78x512xf32>
    %sub3A_157 = arith.subf %sub3A_156, %add3A_119 : vector<78x512xf32>
    %mul3A_158 = arith.mulf %mul3A_154, %sub3A_157 : vector<78x512xf32>
    %add3A_159 = arith.constant 5.000000e-01 : f32
    %add3A_160 = vector.broadcast %add3A_159 : f32 to vector<78x512xf32>
    %add3A_161 = arith.addf %add3A_160, %mul3A_158 : vector<78x512xf32>
    %select_n3A_162 = arith.select %and3A_151, %add3A_161, %add3A_119 : vector<78x512xi1>, vector<78x512xf32>
    %swap3A_163 = arith.constant 0 : index
    %swap3A_164 = arith.constant 0 : index
    %swap3A_165 = vector.load %arg21[%swap3A_163, %swap3A_164] : memref<78x512xf32, #tpu.memory_space<vmem>>, vector<78x512xf32>
    tpu.vector_store %arg21[%swap3A_163, %swap3A_164], %select_n3A_162 {strides = array<i32>} : memref<78x512xf32, #tpu.memory_space<vmem>>, vector<78x512xf32>,
    return
  }
  func.func @transform_0(%arg0: i32) -> (i32, i32) {
    %c0_i32 = arith.constant 0 : i32
    %c0_i32_0 = arith.constant 0 : i32
    return %c0_i32, %arg0 : i32, i32
  }
  func.func @transform_1(%arg0: i32) -> (i32, i32) {
    %c0_i32 = arith.constant 0 : i32
    %c0_i32_0 = arith.constant 0 : i32
    return %c0_i32, %arg0 : i32, i32
  }
  func.func @transform_2(%arg0: i32) -> (i32, i32) {
    %c0_i32 = arith.constant 0 : i32
    %c0_i32_0 = arith.constant 0 : i32
    return %c0_i32, %arg0 : i32, i32
  }
  func.func @transform_3(%arg0: i32) -> (i32, i32) {
    %c0_i32 = arith.constant 0 : i32
    %c0_i32_0 = arith.constant 0 : i32
    return %arg0, %c0_i32 : i32, i32
  }
  func.func @transform_4(%arg0: i32) -> (i32, i32) {
    %c0_i32 = arith.constant 0 : i32
    %c0_i32_0 = arith.constant 0 : i32
    %c0_i32_1 = arith.constant 0 : i32
    return %c0_i32, %c0_i32_0 : i32, i32
  }
  func.func @transform_5(%arg0: i32) -> (i32, i32) {
    %c0_i32 = arith.constant 0 : i32
    %c0_i32_0 = arith.constant 0 : i32
    %c0_i32_1 = arith.constant 0 : i32
    return %c0_i32, %c0_i32_0 : i32, i32
  }
  func.func @transform_6(%arg0: i32) -> (i32, i32) {
    %c0_i32 = arith.constant 0 : i32
    %c0_i32_0 = arith.constant 0 : i32
    %c0_i32_1 = arith.constant 0 : i32
    return %c0_i32, %c0_i32_0 : i32, i32
  }
  func.func @transform_7(%arg0: i32) -> (i32, i32) {
    %c0_i32 = arith.constant 0 : i32
    %c0_i32_0 = arith.constant 0 : i32
    %c0_i32_1 = arith.constant 0 : i32
    return %c0_i32, %c0_i32_0 : i32, i32
  }
  func.func @transform_8(%arg0: i32) -> (i32, i32) {
    %c0_i32 = arith.constant 0 : i32
    %c0_i32_0 = arith.constant 0 : i32
    %c0_i32_1 = arith.constant 0 : i32
    return %c0_i32, %c0_i32_0 : i32, i32
  }
  func.func @transform_9(%arg0: i32) -> (i32, i32) {
    %c0_i32 = arith.constant 0 : i32
    %c0_i32_0 = arith.constant 0 : i32
    %c0_i32_1 = arith.constant 0 : i32
    return %c0_i32, %c0_i32_0 : i32, i32
  }
  func.func @transform_10(%arg0: i32) -> (i32, i32) {
    %c0_i32 = arith.constant 0 : i32
    %c0_i32_0 = arith.constant 0 : i32
    %c0_i32_1 = arith.constant 0 : i32
    return %c0_i32, %c0_i32_0 : i32, i32
  }
  func.func @transform_11(%arg0: i32) -> (i32, i32) {
    %c0_i32 = arith.constant 0 : i32
    %c0_i32_0 = arith.constant 0 : i32
    %c0_i32_1 = arith.constant 0 : i32
    return %c0_i32, %c0_i32_0 : i32, i32
  }
  func.func @transform_12(%arg0: i32) -> (i32, i32) {
    %c0_i32 = arith.constant 0 : i32
    %c0_i32_0 = arith.constant 0 : i32
    %c0_i32_1 = arith.constant 0 : i32
    return %c0_i32, %c0_i32_0 : i32, i32
  }
  func.func @transform_13(%arg0: i32) -> (i32, i32) {
    %c0_i32 = arith.constant 0 : i32
    %c0_i32_0 = arith.constant 0 : i32
    %c0_i32_1 = arith.constant 0 : i32
    return %c0_i32, %c0_i32_0 : i32, i32
  }
  func.func @transform_14(%arg0: i32) -> (i32, i32) {
    %c0_i32 = arith.constant 0 : i32
    %c0_i32_0 = arith.constant 0 : i32
    %c0_i32_1 = arith.constant 0 : i32
    return %c0_i32, %c0_i32_0 : i32, i32
  }
  func.func @transform_15(%arg0: i32) -> (i32, i32) {
    %c0_i32 = arith.constant 0 : i32
    %c0_i32_0 = arith.constant 0 : i32
    %c0_i32_1 = arith.constant 0 : i32
    return %c0_i32, %c0_i32_0 : i32, i32
  }
  func.func @transform_16(%arg0: i32) -> (i32, i32) {
    %c0_i32 = arith.constant 0 : i32
    %c0_i32_0 = arith.constant 0 : i32
    %c0_i32_1 = arith.constant 0 : i32
    return %c0_i32, %c0_i32_0 : i32, i32
  }
  func.func @transform_17(%arg0: i32) -> (i32, i32) {
    %c0_i32 = arith.constant 0 : i32
    %c0_i32_0 = arith.constant 0 : i32
    return %c0_i32, %arg0 : i32, i32
  }
  func.func @transform_18(%arg0: i32) -> (i32, i32) {
    %c0_i32 = arith.constant 0 : i32
    %c0_i32_0 = arith.constant 0 : i32
    return %c0_i32, %arg0 : i32, i32
  }
  func.func @transform_19(%arg0: i32) -> (i32, i32) {
    %c0_i32 = arith.constant 0 : i32
    %c0_i32_0 = arith.constant 0 : i32
    return %c0_i32, %arg0 : i32, i32
  }
  func.func @transform_20(%arg0: i32) -> (i32, i32) {
    %c0_i32 = arith.constant 0 : i32
    %c0_i32_0 = arith.constant 0 : i32
    return %c0_i32, %arg0 : i32, i32
  }
}

</mosaic_0001>

<sc_bundles>
// kernel: kernel.4.cloned.1.call-start
scs
__scs_entry_jumppad:
0x0: {  	(pc) =	sbr.rel $0x88, $3  }
0x1: {  	(tag) =	ssettag $0x0;
	lr =	simm.s32 $0x1  }
0x2: {  	[smem:$0x3F96] =	sst lr;
	_ =	strace $0xD0000000  }
0x3: {  	_ = 	snop  }
0x4: {  	_ = 	snop  }
0x5: {  	_ = 	snop  }
0x6: {  	_ = 	snop  }
0x7: {  	_ = 	snop  }
__scs_overlays_trampoline_lowered:
0x8: {  	[smem:$0x3FA5] =	sst s0  }
0x9: {  	[smem:$0x3FA6] =	sst s1  }
0xa: {  	[smem:$0x3FA7] =	sst s2  }
0xb: {  	[smem:$0x3FA8] =	sst s3  }
0xc: {  	[smem:$0x3FA9] =	sst s4  }
0xd: {  	[smem:$0x3FAA] =	sst s5  }
0xe: {  	[smem:$0x3FAB] =	sst s6  }
0xf: {  	[smem:$0x3FAC] =	sst s7  }
0x10: {  	[smem:$0x3FAD] =	sst s8  }
0x11: {  	[smem:$0x3FAE] =	sst s9;
	s0 =	simm.s32 @!p0 $0x0  }
0x12: {  	s1 =	sld [smem:$0x3F94];
	s0 =	simm.s32 @p0 $0x1  }
0x13: {  	[smem:$0x3FAF] =	sst s0;
	s0 =	simm.s32 @!p1 $0x0  }
0x14: {  	s2 =	sld [smem:$0x3F93];
	s0 =	simm.s32 @p1 $0x1  }
0x15: {  	[smem:$0x3FB0] =	sst s0;
	s0 =	simm.s32 @!p2 $0x0  }
0x16: {  	s3 =	sld [smem:$0x3FDB];
	s0 =	simm.s32 @p2 $0x1  }
0x17: {  	s4 =	simm.s32 $0x1BF5;
	[smem:$0x3FB2] =	sst s0  }
0x18: {  	s0 =	sld [smem:$0x3F95];
	_ =	swait.ge [sflag:s4], $0x0  }
0x19: {  	s7 =	sld [smem:$0x3F96]  }
0x1a: {  	s8 =	sadd.s32 $0xFFFFE003, lr  }
0x1b: {  	s9 =	sadd.s32 $0xFFFFFEF7, lr;
	s5 =	simm.s32 $0xFFFFFFFF;
	p2 =	slt.u32 s8, $0xFFFFF086  }
0x1c: {  	p1 =	slt.u32 s9, $0xF7A;
	s5 =	simm.s32 @!p2 $0x0  }
0x1d: {  	s5 =	simm.s32 @p1 $0x1;
	p0 =	seq.s32 s7, s2  }
0x1e: {  	s7 =	smul.u32 @!p0 $0xF7A, s2;
	p2 =	seq.s32 @!p0 s5, $0x0  }
0x1f: {  	s9 =	smul.u32 $0xF7A, s1;
	s8 =	simm.s32 @!p0 $0x1BF5;
	p2 =	por !p2, p0  }
0x20: {  	[sflag:s8] =	ssyncset.s32 @!p0 $0xFFFFF086;
	s6 =	sadd.s32 @!p0 s3, s7;
	s7 =	simm.s32 @!p0 $0x108  }
0x21: {  	s3 =	sadd.s32 s3, s9;
	s6 =	sadd.s32 @!p0 $0x88, s6;
	s7 =	simm.s32 @p2 $0x1082  }
0x22: {  	[simem:s7], [sflag:s8] =	dma.local @!p0 [hbm:s6], $0xF7A  }
0x23: {  	s9 =	sor.u32 $0xD0000000, s2;
	s6 =	simm.s32 $0x108;
	_ =	swait.ge @!p0 [sflag:s8], $0x0  }
0x24: {  	s3 =	sadd.s32 $0x88, s3;
	s6 =	simm.s32 @!p1 $0x1082;
	[sflag:s4] =	ssyncset.s32 $0xFFFFF086  }
0x25: {  	[simem:s6], [sflag:s4] =	dma.local [hbm:s3], $0xF7A  }
0x26: {  	[smem:$0x3F96] =	sst s1;
	(tag) =	ssettag s2;
	_ =	strace s9  }
0x27: {  	s1 =	sld [smem:$0x3FA6]  }
0x28: {  	s2 =	sld [smem:$0x3FA7]  }
0x29: {  	s4 =	sld [smem:$0x3FA9]  }
0x2a: {  	p0 =	seq.s32 s5, $0x0;
	s5 =	sld [smem:$0x3FAA]  }
0x2b: {  	s6 =	sld [smem:$0x3FAB]  }
0x2c: {  	s7 =	sld [smem:$0x3FAC]  }
0x2d: {  	s3 =	simm.s32 $0x108;
	s8 =	sld [smem:$0x3FAD]  }
0x2e: {  	s3 =	simm.s32 @!p0 $0x1082;
	s9 =	sld [smem:$0x3FAE]  }
0x2f: {  	lr =	sadd.s32 s0, s3;
	s0 =	sld [smem:$0x3FA5]  }
0x30: {  	s3 =	sld [smem:$0x3FA8]  }
0x31: {  	[smem:$0x3FB1] =	sst s10  }
0x32: {  	s10 =	sld [smem:$0x3FAF];
	_ =	sdelay $0x3  }
0x33: {  	p0 =	seq.s32 s10, $0x1;
	s10 =	sld [smem:$0x3FB1];
	_ =	sdelay $0x3  }
0x34: {  	[smem:$0x3FB1] =	sst s10  }
0x35: {  	s10 =	sld [smem:$0x3FB0];
	_ =	sdelay $0x3  }
0x36: {  	p1 =	seq.s32 s10, $0x1;
	s10 =	sld [smem:$0x3FB1];
	_ =	sdelay $0x3  }
0x37: {  	[smem:$0x3FB1] =	sst s10  }
0x38: {  	s10 =	sld [smem:$0x3FB2]  }
0x39: {  	_ = 	snop;
	(pc) =	sbr.ind lr, $3  }
0x3a: {  	_ = 	snop  }
0x3b: {  	_ = 	snop  }
0x3c: {  	p2 =	seq.s32 s10, $0x1;
	s10 =	sld [smem:$0x3FB1]  }
0x3d: {  	_ =	shalt  }
0x3e: {  	_ =	shalt  }
0x3f: {  	_ =	shalt  }
0x40: {  	_ =	shalt  }
0x41: {  	_ =	shalt  }
0x42: {  	_ =	shalt  }
0x43: {  	_ =	shalt  }
0x44: {  	_ =	shalt  }
0x45: {  	_ =	shalt  }
0x46: {  	_ =	shalt  }
0x47: {  	_ =	shalt  }
0x48: {  	_ =	shalt  }
0x49: {  	_ =	shalt  }
0x4a: {  	_ =	shalt  }
0x4b: {  	_ =	shalt  }
0x4c: {  	_ =	shalt  }
0x4d: {  	_ =	shalt  }
0x4e: {  	_ =	shalt  }
0x4f: {  	_ =	shalt  }
0x50: {  	_ =	shalt  }
0x51: {  	_ =	shalt  }
0x52: {  	_ =	shalt  }
0x53: {  	_ =	shalt  }
0x54: {  	_ =	shalt  }
0x55: {  	_ =	shalt  }
0x56: {  	_ =	shalt  }
0x57: {  	_ =	shalt  }
0x58: {  	_ =	shalt  }
0x59: {  	_ =	shalt  }
0x5a: {  	_ =	shalt  }
0x5b: {  	_ =	shalt  }
0x5c: {  	_ =	shalt  }
0x5d: {  	_ =	shalt  }
0x5e: {  	_ =	shalt  }
0x5f: {  	_ =	shalt  }
0x60: {  	_ =	shalt  }
0x61: {  	_ =	shalt  }
0x62: {  	_ =	shalt  }
0x63: {  	_ =	shalt  }
0x64: {  	_ =	shalt  }
0x65: {  	_ =	shalt  }
0x66: {  	_ =	shalt  }
0x67: {  	_ =	shalt  }
0x68: {  	_ =	shalt  }
0x69: {  	_ =	shalt  }
0x6a: {  	_ =	shalt  }
0x6b: {  	_ =	shalt  }
0x6c: {  	_ =	shalt  }
0x6d: {  	_ =	shalt  }
0x6e: {  	_ =	shalt  }
0x6f: {  	_ =	shalt  }
0x70: {  	_ =	shalt  }
0x71: {  	_ =	shalt  }
0x72: {  	_ =	shalt  }
0x73: {  	_ =	shalt  }
0x74: {  	_ =	shalt  }
0x75: {  	_ =	shalt  }
0x76: {  	_ =	shalt  }
0x77: {  	_ =	shalt  }
0x78: {  	_ =	shalt  }
0x79: {  	_ =	shalt  }
0x7a: {  	_ =	shalt  }
0x7b: {  	_ =	shalt  }
0x7c: {  	_ =	shalt  }
0x7d: {  	_ =	shalt  }
0x7e: {  	_ =	shalt  }
0x7f: {  	_ =	shalt  }
0x80: {  	_ =	shalt  }
0x81: {  	_ =	shalt  }
0x82: {  	_ =	shalt  }
0x83: {  	_ =	shalt  }
0x84: {  	_ =	shalt  }
0x85: {  	_ =	shalt  }
0x86: {  	_ =	shalt  }
0x87: {  	_ =	shalt  }
.Lfunc_end0:
.L_simem_size_0:
called_computation_lowered:
.L_overlay_start_0:
0x88: {  	s2 =	sld [smem:$0x3FD9]  }
0x89: {  	s3 =	sld [smem:$0x3FFE];
	_ =	sdelay $0x1  }
0x8a: {  	s1 =	srdreg.scid  }
0x8b: {  	s0 =	sand.u32 $0x1, s1  }
0x8c: {  	s14 =	sshll.u32 s0, $0xA;
	s2 =	sadd.s32 s3, s2  }
0x8d: {  	s2 =	sadd.s32 s2, s14  }
0x8e: {  	[smem:$0x3FBD] =	sst s2  }
0x8f: {  	_ = 	snop  }
0x90: {  	s2 =	sld [smem:$0x3FD0];
	_ =	sdelay $0x2  }
0x91: {  	s15 =	simm.s32 $0xA;
	s4 =	simm.s32 $0x10  }
0x92: {  	[smem:s4], [sflag:s15] =	dma.local [hbm:s2], $0x1  }
0x93: {  	_ =	swait.eq [sflag:s15], $0x1  }
0x94: {  	[sflag:s15] =	ssyncset.done $0x0  }
0x95: {  	s16 =	sld [smem:$0x10];
	[sflag:s15] =	ssyncadd.s32 $0xFFFFFFFF  }
0x96: {  	s17 =	sld [smem:$0x11];
	(tm) =	ssettm $0x1  }
0x97: {  	s18 =	sld [smem:$0x3FFB];
	_ =	sdelay $0x3  }
0x98: {  	_ =	strace s18  }
0x99: {  	s4 =	sld [smem:$0x3FFC];
	_ =	sdelay $0x3  }
0x9a: {  	_ =	strace s4  }
0x9b: {  	s4 =	sld [smem:$0x3FFD];
	_ =	sdelay $0x3  }
0x9c: {  	_ =	strace s4  }
0x9d: {  	_ =	strace $0x8FFFFFFF  }
0x9e: {  	s19 =	sld [smem:$0x3FDB];
	_ =	sdelay $0x1  }
0x9f: {  	s5 =	simm.s32 $_scs_section_size  }
0xa0: {  	s6 =	simm.s32 $_size__tile_overlayer_lowered;
	s7 =	simm.s32 $_tile_overlayer_lowered  }
0xa1: {  	s22 =	simm.s32 $0x1BFF;
	s21 =	sshll.u32 s7, $0x1;
	s4 =	sadd.s32 s5, s19  }
0xa2: {  	s8 =	simm.s32 $0x0;
	s20 =	sshll.u32 s6, $0x1;
	s6 =	sadd.s32 s21, s4  }
0xa3: {  	[timem:s8], [sflag:s22] =	dma.local [hbm:s6], s20  }
0xa4: {  	_ =	swait.ge [sflag:s22], s20  }
0xa5: {  	s5 =	ssub.s32 $0x0, s20;
	[sflag:s22] =	ssyncset.done $0x0  }
0xa6: {  	[sflag:s22] =	ssyncadd.s32 s5;
	_ =	sdelay $0x1  }
0xa7: {  	s23 =	simm.s32 $0x1B8B  }
0xa8: {  	_ =	swait.ge [sflag:s23], $0x1  }
0xa9: {  	[sflag:s23] =	ssyncset.done $0x0  }
0xaa: {  	s25 =	simm.s32 $0x1B8E;
	s24 =	sld [smem:$0x3FFE];
	[sflag:s23] =	ssyncadd.s32 $0xFFFFFFFF  }
0xab: {  	s26 =	simm.s32 $execute0_lowered;
	[smem:$0x3FD2] =	sst s25  }
0xac: {  	s6 =	sshll.u32 s26, $0x1;
	_ =	strace $0x80000046;
	[dreg:$0x1] =	wrdreg $0xFFFFFFFF  }
0xad: {  	s28 =	simm.s32 $_size_execute0_lowered;
	s4 =	sadd.s32 s4, s6;
	[dreg:$0x0] =	wrdreg $0x0  }
0xae: {  	s6 =	sshll.u32 s28, $0x1;
	[dreg:$0x2] =	wrdreg s4  }
0xaf: {  	[dreg:$0x3] =	wrdreg s6  }
0xb0: {  	[dreg:$0x4] =	wrdreg $0xC0  }
0xb1: {  	_ =	task [dreg:s8], $0x5FFFF  }
0xb2: {  	[dreg:$0x1] =	wrdreg $0xFFFFFFFF  }
0xb3: {  	[dreg:$0x0] =	wrdreg $0x60  }
0xb4: {  	[dreg:$0x2] =	wrdreg s17  }
0xb5: {  	[dreg:$0x3] =	wrdreg s24  }
0xb6: {  	[dreg:$0x4] =	wrdreg s16  }
0xb7: {  	[dreg:$0x5] =	wrdreg $0x9  }
0xb8: {  	_ =	task.clear_ibuf [dreg:s8], $0x6FFFF;
	_ =	strace $0x90000046  }
0xb9: {  	s29 =	simm.s32 $0x9;
	_ =	strace $0x80000048  }
0xba: {  	_ =	swait.ge [sflag:s29], $0x1  }
0xbb: {  	[sflag:s29] =	ssyncadd.s32 $0xFFFFFFFF  }
0xbc: {  	_ =	strace $0x90000048  }
0xbd: {  	_ =	sfence  }
0xbe: {  	s30 =	sld [smem:$0x0];
	_ =	sdelay $0x2  }
0xbf: {  	s31 =	sshll.u32 s1, $0xD;
	s1 =	sshrl.u32 s1, $0x2  }
0xc0: {  	s3 =	sand.u32 $0x4000, s31;
	s1 =	sadd.s32 s1, s30  }
0xc1: {  	s0 =	sor.u32 s3, s0;
	s1 =	sshll.u32 s1, $0x11  }
0xc2: {  	s0 =	sor.u32 s1, s0  }
0xc3: {  	s0 =	sadd.s32 $0x8F2B, s0  }
0xc4: {  	[sflag:s0] =	ssyncadd.remote.s32 $0x1  }
0xc5: {  	_ =	sfence.sel $0xFFFF  }
0xc6: {  	[dreg:$0x0] =	wrdreg $0xFFFFFFFF;
	(pc) =	sbr.abs _section_cstart, $3  }
0xc7: {  	[dreg:$0x1] =	wrdreg $0xFFFFFFFF  }
0xc8: {  	_ =	task.clear_ibuf [dreg:s8], $0x2FFFF;
	_ =	strace $0x9FFFFFFF  }
0xc9: {  	(tm) =	ssettm $0x7FFFFFFF  }
tec
execute0_lowered:
.L_overlay_start_1:
0x0: {  	(tag) =	ssettag $0x1  }
0x1: {  	s1 =	srdreg.scid;
	s0 =	stileid.u32  }
0x2: {  	s1 =	sand.u32 $0x1, s1;
	s2 =	sshll.u32 s0, $0x1  }
0x3: {  	s5 =	sor.u32 s1, s2  }
0x4: {  	s3 =	rddreg [dreg:$0x0];
	s7 =	smul.u32 $0x680, s5  }
0x5: {  	s4 =	rddreg [dreg:$0x1];
	s8 =	smul.u32 $0xD000, s5  }
0x6: {  	s6 =	rddreg [dreg:$0x2];
	s2 =	simm.s32 $0x0  }
0x7: {  	[smem:$0x7FF] =	sst s2;
	s7 =	sadd.s32 s3, s7;
	s3 =	sadd.s32 s6, s8  }
0x8: {  	_ =	strace $0x80000047;
	[dreg:$0x4] =	wrdreg s7;
	s11 =	sadd.s32 $0x200, s3  }
0x9: {  	s12 =	sadd.s32 $0x400, s3;
	[dreg:$0x5] =	wrdreg s11  }
0xa: {  	s13 =	sadd.s32 $0x600, s3;
	[dreg:$0x6] =	wrdreg s12  }
0xb: {  	s5 =	smul.u32 $0x68000, s5;
	s14 =	sadd.s32 $0x800, s3;
	[dreg:$0x7] =	wrdreg s13  }
0xc: {  	s15 =	sadd.s32 $0xA00, s3;
	[dreg:$0x8] =	wrdreg s14  }
0xd: {  	s5 =	sshrl.u32 s5, $0x3;
	s16 =	sadd.s32 $0xC00, s3;
	[dreg:$0x9] =	wrdreg s15  }
0xe: {  	s17 =	sadd.s32 $0xE00, s3;
	s5 =	sadd.s32 s6, s5;
	[dreg:$0xa] =	wrdreg s16  }
0xf: {  	[dreg:$0xb] =	wrdreg s17;
	s6 =	sadd.s32 $0x1000, s5  }
0x10: {  	s18 =	sadd.s32 $0x1200, s5;
	[dreg:$0xc] =	wrdreg s6  }
0x11: {  	s19 =	sadd.s32 $0x1400, s5;
	[dreg:$0xd] =	wrdreg s18  }
0x12: {  	s20 =	sadd.s32 $0x1600, s5;
	[dreg:$0xe] =	wrdreg s19  }
0x13: {  	s21 =	sadd.s32 $0x1800, s5;
	[dreg:$0xf] =	wrdreg s20  }
0x14: {  	s22 =	sadd.s32 $0x1A00, s5;
	[dreg:$0x10] =	wrdreg s21  }
0x15: {  	s23 =	sadd.s32 $0x1C00, s5;
	[dreg:$0x11] =	wrdreg s22  }
0x16: {  	s24 =	sadd.s32 $0x1E00, s5;
	[dreg:$0x12] =	wrdreg s23  }
0x17: {  	s25 =	sadd.s32 $0x2000, s5;
	[dreg:$0x13] =	wrdreg s24  }
0x18: {  	s26 =	sadd.s32 $0x2200, s5;
	[dreg:$0x14] =	wrdreg s25  }
0x19: {  	s0 =	sadd.s32 $0x2400, s5;
	[dreg:$0x15] =	wrdreg s26  }
0x1a: {  	s7 =	sadd.s32 $0x2600, s5;
	[dreg:$0x16] =	wrdreg s0  }
0x1b: {  	s8 =	sadd.s32 $0x2800, s5;
	[dreg:$0x17] =	wrdreg s7  }
0x1c: {  	s9 =	sadd.s32 $0x2A00, s5;
	[dreg:$0x18] =	wrdreg s8  }
0x1d: {  	s10 =	sadd.s32 $0x2C00, s5;
	[dreg:$0x19] =	wrdreg s9  }
0x1e: {  	s11 =	sadd.s32 $0x2E00, s5;
	[dreg:$0x1a] =	wrdreg s10  }
0x1f: {  	s12 =	sadd.s32 $0x3000, s5;
	[dreg:$0x1b] =	wrdreg s11  }
0x20: {  	s13 =	sadd.s32 $0x3200, s5;
	[dreg:$0x1c] =	wrdreg s12  }
0x21: {  	s14 =	sadd.s32 $0x3400, s5;
	[dreg:$0x1d] =	wrdreg s13  }
0x22: {  	s15 =	sadd.s32 $0x3600, s5;
	[dreg:$0x1e] =	wrdreg s14  }
0x23: {  	s16 =	sadd.s32 $0x3800, s5;
	[dreg:$0x1f] =	wrdreg s15  }
0x24: {  	s17 =	sadd.s32 $0x3A00, s5;
	[smem:$0x75C] =	sst s16  }
0x25: {  	[smem:$0x75D] =	sst s17;
	s18 =	sadd.s32 $0x3C00, s5  }
0x26: {  	s19 =	sadd.s32 $0x3E00, s5;
	[smem:$0x75E] =	sst s18  }
0x27: {  	s20 =	sadd.s32 $0x4000, s5;
	[smem:$0x75F] =	sst s19  }
0x28: {  	s21 =	sadd.s32 $0x4200, s5;
	[smem:$0x760] =	sst s20  }
0x29: {  	s22 =	sadd.s32 $0x4400, s5;
	[smem:$0x761] =	sst s21  }
0x2a: {  	s23 =	sadd.s32 $0x4600, s5;
	[smem:$0x762] =	sst s22  }
0x2b: {  	s24 =	sadd.s32 $0x4800, s5;
	[smem:$0x763] =	sst s23  }
0x2c: {  	s25 =	sadd.s32 $0x4A00, s5;
	[smem:$0x764] =	sst s24  }
0x2d: {  	s26 =	sadd.s32 $0x4C00, s5;
	[smem:$0x765] =	sst s25  }
0x2e: {  	s0 =	sadd.s32 $0x4E00, s5;
	[smem:$0x766] =	sst s26  }
0x2f: {  	s7 =	sadd.s32 $0x5000, s5;
	[smem:$0x767] =	sst s0  }
0x30: {  	s8 =	sadd.s32 $0x5200, s5;
	[smem:$0x768] =	sst s7  }
0x31: {  	s9 =	sadd.s32 $0x5400, s5;
	[smem:$0x769] =	sst s8  }
0x32: {  	s10 =	sadd.s32 $0x5600, s5;
	[smem:$0x76A] =	sst s9  }
0x33: {  	s11 =	sadd.s32 $0x5800, s5;
	[smem:$0x76B] =	sst s10  }
0x34: {  	s12 =	sadd.s32 $0x5A00, s5;
	[smem:$0x76C] =	sst s11  }
0x35: {  	s13 =	sadd.s32 $0x5C00, s5;
	[smem:$0x76D] =	sst s12  }
0x36: {  	s14 =	sadd.s32 $0x5E00, s5;
	[smem:$0x76E] =	sst s13  }
0x37: {  	s15 =	sadd.s32 $0x6000, s5;
	[smem:$0x76F] =	sst s14  }
0x38: {  	s16 =	sadd.s32 $0x6200, s5;
	[smem:$0x770] =	sst s15  }
0x39: {  	s17 =	sadd.s32 $0x6400, s5;
	[smem:$0x771] =	sst s16  }
0x3a: {  	s6 =	simm.s32 $0x100;
	[smem:$0x772] =	sst s17  }
0x3b: {  	s18 =	sadd.s32 $0x6600, s5;
	[smem:$0x7A8] =	sst s6  }
0x3c: {  	s19 =	sadd.s32 $0x6800, s5;
	[smem:$0x773] =	sst s18  }
0x3d: {  	s20 =	sadd.s32 $0x6A00, s5;
	[smem:$0x774] =	sst s19  }
0x3e: {  	s21 =	sadd.s32 $0x6C00, s5;
	[smem:$0x775] =	sst s20  }
0x3f: {  	s22 =	sadd.s32 $0x6E00, s5;
	[smem:$0x776] =	sst s21  }
0x40: {  	s23 =	sadd.s32 $0x7000, s5;
	[smem:$0x777] =	sst s22  }
0x41: {  	s24 =	sadd.s32 $0x7200, s5;
	[smem:$0x778] =	sst s23  }
0x42: {  	s25 =	sadd.s32 $0x7400, s5;
	[smem:$0x779] =	sst s24  }
0x43: {  	s26 =	sadd.s32 $0x7600, s5;
	[smem:$0x77A] =	sst s25  }
0x44: {  	s0 =	sadd.s32 $0x7800, s5;
	[smem:$0x77B] =	sst s26  }
0x45: {  	s7 =	sadd.s32 $0x7A00, s5;
	[smem:$0x77C] =	sst s0  }
0x46: {  	s8 =	sadd.s32 $0x7C00, s5;
	[smem:$0x77D] =	sst s7  }
0x47: {  	s9 =	sadd.s32 $0x7E00, s5;
	[smem:$0x77E] =	sst s8  }
0x48: {  	s10 =	sadd.s32 $0x8000, s5;
	[smem:$0x77F] =	sst s9  }
0x49: {  	s11 =	sadd.s32 $0x8200, s5;
	[smem:$0x780] =	sst s10  }
0x4a: {  	s12 =	sadd.s32 $0x8400, s5;
	[smem:$0x781] =	sst s11  }
0x4b: {  	s13 =	sadd.s32 $0x8600, s5;
	[smem:$0x782] =	sst s12  }
0x4c: {  	s14 =	sadd.s32 $0x8800, s5;
	[smem:$0x783] =	sst s13  }
0x4d: {  	s15 =	sadd.s32 $0x8A00, s5;
	[smem:$0x784] =	sst s14  }
0x4e: {  	s16 =	sadd.s32 $0x8C00, s5;
	[smem:$0x785] =	sst s15  }
0x4f: {  	s17 =	sadd.s32 $0x8E00, s5;
	[smem:$0x786] =	sst s16  }
0x50: {  	s6 =	simm.s32 $0xC00;
	[smem:$0x787] =	sst s17  }
0x51: {  	s18 =	sadd.s32 $0x9000, s5;
	[smem:$0x7BE] =	sst s6  }
0x52: {  	s19 =	sadd.s32 $0x9200, s5;
	[smem:$0x788] =	sst s18  }
0x53: {  	s20 =	sadd.s32 $0x9400, s5;
	[smem:$0x789] =	sst s19  }
0x54: {  	s21 =	sadd.s32 $0x9600, s5;
	[smem:$0x78A] =	sst s20  }
0x55: {  	s22 =	sadd.s32 $0x9800, s5;
	[smem:$0x78B] =	sst s21  }
0x56: {  	s23 =	sadd.s32 $0x9A00, s5;
	[smem:$0x78C] =	sst s22  }
0x57: {  	s24 =	sadd.s32 $0x9C00, s5;
	[smem:$0x78D] =	sst s23  }
0x58: {  	s25 =	sadd.s32 $0x9E00, s5;
	[smem:$0x78E] =	sst s24  }
0x59: {  	s26 =	sadd.s32 $0xA000, s5;
	[smem:$0x78F] =	sst s25  }
0x5a: {  	s0 =	sadd.s32 $0xA200, s5;
	[smem:$0x790] =	sst s26  }
0x5b: {  	s7 =	sadd.s32 $0xA400, s5;
	[smem:$0x791] =	sst s0  }
0x5c: {  	s8 =	sadd.s32 $0xA600, s5;
	[smem:$0x792] =	sst s7  }
0x5d: {  	s9 =	sadd.s32 $0xA800, s5;
	[smem:$0x793] =	sst s8  }
0x5e: {  	s10 =	sadd.s32 $0xAA00, s5;
	[smem:$0x794] =	sst s9  }
0x5f: {  	s11 =	sadd.s32 $0xAC00, s5;
	[smem:$0x795] =	sst s10  }
0x60: {  	s12 =	sadd.s32 $0xAE00, s5;
	[smem:$0x796] =	sst s11  }
0x61: {  	s13 =	sadd.s32 $0xB000, s5;
	[smem:$0x797] =	sst s12  }
0x62: {  	s14 =	sadd.s32 $0xB200, s5;
	[smem:$0x798] =	sst s13  }
0x63: {  	s15 =	sadd.s32 $0xB400, s5;
	[smem:$0x799] =	sst s14  }
0x64: {  	s16 =	sadd.s32 $0xB600, s5;
	[smem:$0x79A] =	sst s15  }
0x65: {  	s17 =	sadd.s32 $0xB800, s5;
	[smem:$0x79B] =	sst s16  }
0x66: {  	s6 =	simm.s32 $0x1700;
	[smem:$0x79C] =	sst s17  }
0x67: {  	s18 =	sadd.s32 $0xBA00, s5;
	[smem:$0x7D4] =	sst s6  }
0x68: {  	s19 =	sadd.s32 $0xBC00, s5;
	[smem:$0x79D] =	sst s18  }
0x69: {  	s20 =	sadd.s32 $0xBE00, s5;
	[smem:$0x79E] =	sst s19  }
0x6a: {  	s21 =	sadd.s32 $0xC000, s5;
	[smem:$0x79F] =	sst s20  }
0x6b: {  	s22 =	sadd.s32 $0xC200, s5;
	[smem:$0x7A0] =	sst s21  }
0x6c: {  	s23 =	sadd.s32 $0xC400, s5;
	[smem:$0x7A1] =	sst s22  }
0x6d: {  	s24 =	sadd.s32 $0xC600, s5;
	[smem:$0x7A2] =	sst s23  }
0x6e: {  	s25 =	sadd.s32 $0xC800, s5;
	[smem:$0x7A3] =	sst s24  }
0x6f: {  	s26 =	sadd.s32 $0xCA00, s5;
	[smem:$0x7A4] =	sst s25  }
0x70: {  	s0 =	sadd.s32 $0xCC00, s5;
	[smem:$0x7A5] =	sst s26  }
0x71: {  	s5 =	sadd.s32 $0xCE00, s5;
	[smem:$0x7A6] =	sst s0  }
0x72: {  	s7 =	simm.s32 $0x180;
	[smem:$0x7A7] =	sst s5  }
0x73: {  	s8 =	simm.s32 $0x200;
	[smem:$0x7A9] =	sst s7  }
0x74: {  	s9 =	simm.s32 $0x280;
	[smem:$0x7AA] =	sst s8  }
0x75: {  	s10 =	simm.s32 $0x300;
	[smem:$0x7AB] =	sst s9  }
0x76: {  	s11 =	simm.s32 $0x380;
	[smem:$0x7AC] =	sst s10  }
0x77: {  	s12 =	simm.s32 $0x400;
	[smem:$0x7AD] =	sst s11  }
0x78: {  	s13 =	simm.s32 $0x480;
	[smem:$0x7AE] =	sst s12  }
0x79: {  	s14 =	simm.s32 $0x500;
	[smem:$0x7AF] =	sst s13  }
0x7a: {  	s15 =	simm.s32 $0x580;
	[smem:$0x7B0] =	sst s14  }
0x7b: {  	s16 =	simm.s32 $0x600;
	[smem:$0x7B1] =	sst s15  }
0x7c: {  	s17 =	simm.s32 $0x680;
	[smem:$0x7B2] =	sst s16  }
0x7d: {  	s6 =	simm.s32 $0x2200;
	[smem:$0x7B3] =	sst s17  }
0x7e: {  	s18 =	simm.s32 $0x700;
	[smem:$0x7EA] =	sst s6  }
0x7f: {  	s19 =	simm.s32 $0x780;
	[smem:$0x7B4] =	sst s18  }
0x80: {  	s20 =	simm.s32 $0x800;
	[smem:$0x7B5] =	sst s19  }
0x81: {  	s21 =	simm.s32 $0x880;
	[smem:$0x7B6] =	sst s20  }
0x82: {  	s22 =	simm.s32 $0x900;
	[smem:$0x7B7] =	sst s21  }
0x83: {  	s23 =	simm.s32 $0x980;
	[smem:$0x7B8] =	sst s22  }
0x84: {  	s24 =	simm.s32 $0xA00;
	[smem:$0x7B9] =	sst s23  }
0x85: {  	s25 =	simm.s32 $0xA80;
	[smem:$0x7BA] =	sst s24  }
0x86: {  	s26 =	simm.s32 $0xB00;
	[smem:$0x7BB] =	sst s25  }
0x87: {  	s0 =	simm.s32 $0xB80;
	[smem:$0x7BC] =	sst s26  }
0x88: {  	s7 =	simm.s32 $0xC80;
	[smem:$0x7BD] =	sst s0  }
0x89: {  	s8 =	simm.s32 $0xD00;
	[smem:$0x7BF] =	sst s7  }
0x8a: {  	s9 =	simm.s32 $0xD80;
	[smem:$0x7C0] =	sst s8  }
0x8b: {  	s10 =	simm.s32 $0xE00;
	[smem:$0x7C1] =	sst s9  }
0x8c: {  	s11 =	simm.s32 $0xE80;
	[smem:$0x7C2] =	sst s10  }
0x8d: {  	s12 =	simm.s32 $0xF00;
	[smem:$0x7C3] =	sst s11  }
0x8e: {  	s13 =	simm.s32 $0xF80;
	[smem:$0x7C4] =	sst s12  }
0x8f: {  	s14 =	simm.s32 $0x1000;
	[smem:$0x7C5] =	sst s13  }
0x90: {  	s15 =	simm.s32 $0x1080;
	[smem:$0x7C6] =	sst s14  }
0x91: {  	s16 =	simm.s32 $0x1100;
	[smem:$0x7C7] =	sst s15  }
0x92: {  	s17 =	simm.s32 $0x1180;
	[smem:$0x7C8] =	sst s16  }
0x93: {  	[smem:$0x7C9] =	sst s17;
	s18 =	simm.s32 $0x1200  }
0x94: {  	s19 =	simm.s32 $0x1280;
	[smem:$0x7CA] =	sst s18  }
0x95: {  	s20 =	simm.s32 $0x1300;
	[smem:$0x7CB] =	sst s19  }
0x96: {  	s21 =	simm.s32 $0x1380;
	[smem:$0x7CC] =	sst s20  }
0x97: {  	s22 =	simm.s32 $0x1400;
	[smem:$0x7CD] =	sst s21  }
0x98: {  	s23 =	simm.s32 $0x1480;
	[smem:$0x7CE] =	sst s22  }
0x99: {  	s24 =	simm.s32 $0x1500;
	[smem:$0x7CF] =	sst s23  }
0x9a: {  	s25 =	simm.s32 $0x1580;
	[smem:$0x7D0] =	sst s24  }
0x9b: {  	s26 =	simm.s32 $0x1600;
	[smem:$0x7D1] =	sst s25  }
0x9c: {  	s0 =	simm.s32 $0x1680;
	[smem:$0x7D2] =	sst s26  }
0x9d: {  	s7 =	simm.s32 $0x1780;
	[smem:$0x7D3] =	sst s0  }
0x9e: {  	s8 =	simm.s32 $0x1800;
	[smem:$0x7D5] =	sst s7  }
0x9f: {  	s9 =	simm.s32 $0x1880;
	[smem:$0x7D6] =	sst s8  }
0xa0: {  	s10 =	simm.s32 $0x1900;
	[smem:$0x7D7] =	sst s9  }
0xa1: {  	s11 =	simm.s32 $0x1980;
	[smem:$0x7D8] =	sst s10  }
0xa2: {  	s12 =	simm.s32 $0x1A00;
	[smem:$0x7D9] =	sst s11  }
0xa3: {  	s13 =	simm.s32 $0x1A80;
	[smem:$0x7DA] =	sst s12  }
0xa4: {  	s14 =	simm.s32 $0x1B00;
	[smem:$0x7DB] =	sst s13  }
0xa5: {  	s15 =	simm.s32 $0x1B80;
	[smem:$0x7DC] =	sst s14  }
0xa6: {  	s16 =	simm.s32 $0x1C00;
	[smem:$0x7DD] =	sst s15  }
0xa7: {  	s17 =	simm.s32 $0x1C80;
	[smem:$0x7DE] =	sst s16  }
0xa8: {  	[smem:$0x7DF] =	sst s17;
	s18 =	simm.s32 $0x1D00  }
0xa9: {  	s19 =	simm.s32 $0x1D80;
	[smem:$0x7E0] =	sst s18  }
0xaa: {  	s20 =	simm.s32 $0x1E00;
	[smem:$0x7E1] =	sst s19  }
0xab: {  	s21 =	simm.s32 $0x1E80;
	[smem:$0x7E2] =	sst s20  }
0xac: {  	s22 =	simm.s32 $0x1F00;
	[smem:$0x7E3] =	sst s21  }
0xad: {  	s23 =	simm.s32 $0x1F80;
	[smem:$0x7E4] =	sst s22  }
0xae: {  	s24 =	simm.s32 $0x2000;
	[smem:$0x7E5] =	sst s23  }
0xaf: {  	s25 =	simm.s32 $0x2080;
	[smem:$0x7E6] =	sst s24  }
0xb0: {  	s26 =	simm.s32 $0x2100;
	[smem:$0x7E7] =	sst s25  }
0xb1: {  	s0 =	simm.s32 $0x2180;
	[smem:$0x7E8] =	sst s26  }
0xb2: {  	s7 =	simm.s32 $0x2280;
	[smem:$0x7E9] =	sst s0  }
0xb3: {  	s8 =	simm.s32 $0x2300;
	[smem:$0x7EB] =	sst s7  }
0xb4: {  	s9 =	simm.s32 $0x2380;
	[smem:$0x7EC] =	sst s8  }
0xb5: {  	s28 =	simm.s32 $0x3180;
	s10 =	simm.s32 $0x2400;
	[smem:$0x7ED] =	sst s9  }
0xb6: {  	s29 =	simm.s32 $0x3200;
	s11 =	simm.s32 $0x2480;
	[smem:$0x7EE] =	sst s10  }
0xb7: {  	s30 =	simm.s32 $0x3280;
	s12 =	simm.s32 $0x2500;
	[smem:$0x7EF] =	sst s11  }
0xb8: {  	s31 =	simm.s32 $0x3300;
	s13 =	simm.s32 $0x2580;
	[smem:$0x7F0] =	sst s12  }
0xb9: {  	s4 =	sadd.s32 $0xF44E00, s4;
	s15 =	simm.s32 $0x2600;
	[smem:$0x7F1] =	sst s13  }
0xba: {  	s1 =	ssub.s32 $0x2, s1;
	s16 =	simm.s32 $0x2680;
	[smem:$0x7F2] =	sst s15  }
0xbb: {  	s14 =	sshrl.u32 s1, $0x1;
	s17 =	simm.s32 $0x2700;
	[smem:$0x7F3] =	sst s16  }
0xbc: {  	s6 =	simm.s32 $0x5;
	s1 =	ssub.s32 s1, s14;
	[smem:$0x7F4] =	sst s17  }
0xbd: {  	s18 =	simm.s32 $0x2780;
	s7 =	simm.s32 $0x80;
	s19 =	simm.s32 $0x2800  }
0xbe: {  	s8 =	simm.s32 $0x3400;
	s20 =	simm.s32 $0x2880;
	[smem:$0x7F5] =	sst s18  }
0xbf: {  	s9 =	simm.s32 $0x4400;
	s21 =	simm.s32 $0x2900;
	[smem:$0x7F6] =	sst s19  }
0xc0: {  	s10 =	simm.s32 $0x5400;
	s22 =	simm.s32 $0x2980;
	[smem:$0x7F7] =	sst s20  }
0xc1: {  	s11 =	simm.s32 $0x6400;
	s23 =	simm.s32 $0x2A00;
	[smem:$0x7F8] =	sst s21  }
0xc2: {  	s12 =	simm.s32 $0x1;
	s24 =	simm.s32 $0x2A80;
	[smem:$0x7F9] =	sst s22  }
0xc3: {  	s13 =	simm.s32 $0x2;
	s25 =	simm.s32 $0x2B00;
	[smem:$0x7FA] =	sst s23  }
0xc4: {  	s14 =	simm.s32 $0x3;
	s26 =	simm.s32 $0x2B80;
	[smem:$0x7FB] =	sst s24  }
0xc5: {  	s15 =	simm.s32 $0x4;
	s17 =	simm.s32 $0x2C80;
	[smem:$0x7FC] =	sst s25  }
0xc6: {  	s5 =	smax.u32 s1, $0x1;
	[smem:$0x7FD] =	sst s26;
	s18 =	simm.s32 $0x2D00  }
0xc7: {  	s19 =	simm.s32 $0x2D80;
	s20 =	simm.s32 $0x2E00;
	s21 =	simm.s32 $0x2E80  }
0xc8: {  	s22 =	simm.s32 $0x2F00;
	s23 =	simm.s32 $0x2F80;
	s24 =	simm.s32 $0x3000  }
0xc9: {  	s25 =	simm.s32 $0x3080;
	s26 =	simm.s32 $0x3100;
	s1 =	simm.s32 $0x3380  }
.LBB2_1:
0xca: {  	s0 =	rddreg [dreg:$0x4]  }
0xcb: {  	[tilespmem:s2], [sflag:$0x5] =	stream.linear.gather [hbm4b:s0+s2], $0x3400, $0x38;
	[tilespmem:$0x7400] =	vst v63  }
0xcc: {  	_ =	swait.ge [sflag:s6], $0x3400  }
0xcd: {  	[sflag:s6] =	ssyncset.done $0x0  }
0xce: {  	[sflag:s6] =	ssyncadd.s32 $0xFFFFCC00  }
0xcf: {  	[tilespmem:s8], [sflag:$0x1] =	stream.indirect.gather [hbm4b:s4+s7], $0x20, s2, s7, $0xb8;
	[tilespmem:$0x7400] =	vst v63  }
0xd0: {  	s0 =	sld [smem:$0x7A8]  }
0xd1: {  	[tilespmem:s9], [sflag:$0x2] =	stream.indirect.gather [hbm4b:s4+s7], $0x20, s7, s7, $0xb8;
	[tilespmem:$0x7400] =	vst v63  }
0xd2: {  	s16 =	sld [smem:$0x7A9]  }
0xd3: {  	[tilespmem:s10], [sflag:$0x3] =	stream.indirect.gather [hbm4b:s4+s7], $0x20, s0, s7, $0xb8;
	[tilespmem:$0x7400] =	vst v63  }
0xd4: {  	_ = 	snop  }
0xd5: {  	[tilespmem:s11], [sflag:$0x4] =	stream.indirect.gather [hbm4b:s4+s7], $0x20, s16, s7, $0xb8;
	[tilespmem:$0x7400] =	vst v63  }
0xd6: {  	_ =	swait.ge [sflag:s12], $0x1000  }
0xd7: {  	[sflag:s12] =	ssyncset.done $0x0  }
0xd8: {  	[sflag:s12] =	ssyncadd.s32 $0xFFFFF000  }
0xd9: {  	[hbm4b:s3+s2] =	stream.linear.scatter [tilespmem:s8], [sflag:$0x5], $0x1000, $0x38;
	[tilespmem:$0x7400] =	vst v63  }
0xda: {  	_ =	swait.ge [sflag:s6], $0x1000  }
0xdb: {  	s16 =	sld [smem:$0x7AA]  }
0xdc: {  	[sflag:s6] =	ssyncset.done $0x0  }
0xdd: {  	[sflag:s6] =	ssyncadd.s32 $0xFFFFF000  }
0xde: {  	[tilespmem:s8], [sflag:$0x1] =	stream.indirect.gather [hbm4b:s4+s7], $0x20, s16, s7, $0xb8;
	[tilespmem:$0x7400] =	vst v63  }
0xdf: {  	_ =	swait.ge [sflag:s13], $0x1000  }
0xe0: {  	[sflag:s13] =	ssyncset.done $0x0  }
0xe1: {  	s16 =	rddreg [dreg:$0x5];
	[sflag:s13] =	ssyncadd.s32 $0xFFFFF000  }
0xe2: {  	[hbm4b:s16+s2] =	stream.linear.scatter [tilespmem:s9], [sflag:$0x5], $0x1000, $0x38;
	[tilespmem:$0x7400] =	vst v63  }
0xe3: {  	_ =	swait.ge [sflag:s6], $0x1000  }
0xe4: {  	s16 =	sld [smem:$0x7AB]  }
0xe5: {  	[sflag:s6] =	ssyncset.done $0x0  }
0xe6: {  	[sflag:s6] =	ssyncadd.s32 $0xFFFFF000  }
0xe7: {  	[tilespmem:s9], [sflag:$0x2] =	stream.indirect.gather [hbm4b:s4+s7], $0x20, s16, s7, $0xb8;
	[tilespmem:$0x7400] =	vst v63  }
0xe8: {  	_ =	swait.ge [sflag:s14], $0x1000  }
0xe9: {  	[sflag:s14] =	ssyncset.done $0x0  }
0xea: {  	s16 =	rddreg [dreg:$0x6];
	[sflag:s14] =	ssyncadd.s32 $0xFFFFF000  }
0xeb: {  	[hbm4b:s16+s2] =	stream.linear.scatter [tilespmem:s10], [sflag:$0x5], $0x1000, $0x38;
	[tilespmem:$0x7400] =	vst v63  }
0xec: {  	_ =	swait.ge [sflag:s6], $0x1000  }
0xed: {  	s16 =	sld [smem:$0x7AC]  }
0xee: {  	[sflag:s6] =	ssyncset.done $0x0  }
0xef: {  	[sflag:s6] =	ssyncadd.s32 $0xFFFFF000  }
0xf0: {  	[tilespmem:s10], [sflag:$0x3] =	stream.indirect.gather [hbm4b:s4+s7], $0x20, s16, s7, $0xb8;
	[tilespmem:$0x7400] =	vst v63  }
0xf1: {  	_ =	swait.ge [sflag:s15], $0x1000  }
0xf2: {  	[sflag:s15] =	ssyncset.done $0x0  }
0xf3: {  	s16 =	rddreg [dreg:$0x7];
	[sflag:s15] =	ssyncadd.s32 $0xFFFFF000  }
0xf4: {  	[hbm4b:s16+s2] =	stream.linear.scatter [tilespmem:s11], [sflag:$0x5], $0x1000, $0x38;
	[tilespmem:$0x7400] =	vst v63  }
0xf5: {  	_ =	swait.ge [sflag:s6], $0x1000  }
0xf6: {  	s16 =	sld [smem:$0x7AD]  }
0xf7: {  	[sflag:s6] =	ssyncset.done $0x0  }
0xf8: {  	[sflag:s6] =	ssyncadd.s32 $0xFFFFF000  }
0xf9: {  	[tilespmem:s11], [sflag:$0x4] =	stream.indirect.gather [hbm4b:s4+s7], $0x20, s16, s7, $0xb8;
	[tilespmem:$0x7400] =	vst v63  }
0xfa: {  	_ =	swait.ge [sflag:s12], $0x1000  }
0xfb: {  	[sflag:s12] =	ssyncset.done $0x0  }
0xfc: {  	s16 =	rddreg [dreg:$0x8];
	[sflag:s12] =	ssyncadd.s32 $0xFFFFF000  }
0xfd: {  	[hbm4b:s16+s2] =	stream.linear.scatter [tilespmem:s8], [sflag:$0x5], $0x1000, $0x38;
	[tilespmem:$0x7400] =	vst v63  }
0xfe: {  	_ =	swait.ge [sflag:s6], $0x1000  }
0xff: {  	s16 =	sld [smem:$0x7AE]  }
0x100: {  	[sflag:s6] =	ssyncset.done $0x0  }
0x101: {  	[sflag:s6] =	ssyncadd.s32 $0xFFFFF000  }
0x102: {  	[tilespmem:s8], [sflag:$0x1] =	stream.indirect.gather [hbm4b:s4+s7], $0x20, s16, s7, $0xb8;
	[tilespmem:$0x7400] =	vst v63  }
0x103: {  	_ =	swait.ge [sflag:s13], $0x1000  }
0x104: {  	[sflag:s13] =	ssyncset.done $0x0  }
0x105: {  	s16 =	rddreg [dreg:$0x9];
	[sflag:s13] =	ssyncadd.s32 $0xFFFFF000  }
0x106: {  	[hbm4b:s16+s2] =	stream.linear.scatter [tilespmem:s9], [sflag:$0x5], $0x1000, $0x38;
	[tilespmem:$0x7400] =	vst v63  }
0x107: {  	_ =	swait.ge [sflag:s6], $0x1000  }
0x108: {  	s16 =	sld [smem:$0x7AF]  }
0x109: {  	[sflag:s6] =	ssyncset.done $0x0  }
0x10a: {  	[sflag:s6] =	ssyncadd.s32 $0xFFFFF000  }
0x10b: {  	[tilespmem:s9], [sflag:$0x2] =	stream.indirect.gather [hbm4b:s4+s7], $0x20, s16, s7, $0xb8;
	[tilespmem:$0x7400] =	vst v63  }
0x10c: {  	_ =	swait.ge [sflag:s14], $0x1000  }
0x10d: {  	[sflag:s14] =	ssyncset.done $0x0  }
0x10e: {  	s16 =	rddreg [dreg:$0xa];
	[sflag:s14] =	ssyncadd.s32 $0xFFFFF000  }
0x10f: {  	[hbm4b:s16+s2] =	stream.linear.scatter [tilespmem:s10], [sflag:$0x5], $0x1000, $0x38;
	[tilespmem:$0x7400] =	vst v63  }
0x110: {  	_ =	swait.ge [sflag:s6], $0x1000  }
0x111: {  	s16 =	sld [smem:$0x7B0]  }
0x112: {  	[sflag:s6] =	ssyncset.done $0x0  }
0x113: {  	[sflag:s6] =	ssyncadd.s32 $0xFFFFF000  }
0x114: {  	[tilespmem:s10], [sflag:$0x3] =	stream.indirect.gather [hbm4b:s4+s7], $0x20, s16, s7, $0xb8;
	[tilespmem:$0x7400] =	vst v63  }
0x115: {  	_ =	swait.ge [sflag:s15], $0x1000  }
0x116: {  	[sflag:s15] =	ssyncset.done $0x0  }
0x117: {  	s16 =	rddreg [dreg:$0xb];
	[sflag:s15] =	ssyncadd.s32 $0xFFFFF000  }
0x118: {  	[hbm4b:s16+s2] =	stream.linear.scatter [tilespmem:s11], [sflag:$0x5], $0x1000, $0x38;
	[tilespmem:$0x7400] =	vst v63  }
0x119: {  	_ =	swait.ge [sflag:s6], $0x1000  }
0x11a: {  	s16 =	sld [smem:$0x7B1]  }
0x11b: {  	[sflag:s6] =	ssyncset.done $0x0  }
0x11c: {  	[sflag:s6] =	ssyncadd.s32 $0xFFFFF000  }
0x11d: {  	[tilespmem:s11], [sflag:$0x4] =	stream.indirect.gather [hbm4b:s4+s7], $0x20, s16, s7, $0xb8;
	[tilespmem:$0x7400] =	vst v63  }
0x11e: {  	_ =	swait.ge [sflag:s12], $0x1000  }
0x11f: {  	[sflag:s12] =	ssyncset.done $0x0  }
0x120: {  	s16 =	rddreg [dreg:$0xc];
	[sflag:s12] =	ssyncadd.s32 $0xFFFFF000  }
0x121: {  	[hbm4b:s16+s2] =	stream.linear.scatter [tilespmem:s8], [sflag:$0x5], $0x1000, $0x38;
	[tilespmem:$0x7400] =	vst v63  }
0x122: {  	_ =	swait.ge [sflag:s6], $0x1000  }
0x123: {  	s16 =	sld [smem:$0x7B2]  }
0x124: {  	[sflag:s6] =	ssyncset.done $0x0  }
0x125: {  	[sflag:s6] =	ssyncadd.s32 $0xFFFFF000  }
0x126: {  	[tilespmem:s8], [sflag:$0x1] =	stream.indirect.gather [hbm4b:s4+s7], $0x20, s16, s7, $0xb8;
	[tilespmem:$0x7400] =	vst v63  }
0x127: {  	_ =	swait.ge [sflag:s13], $0x1000  }
0x128: {  	[sflag:s13] =	ssyncset.done $0x0  }
0x129: {  	s16 =	rddreg [dreg:$0xd];
	[sflag:s13] =	ssyncadd.s32 $0xFFFFF000  }
0x12a: {  	[hbm4b:s16+s2] =	stream.linear.scatter [tilespmem:s9], [sflag:$0x5], $0x1000, $0x38;
	[tilespmem:$0x7400] =	vst v63  }
0x12b: {  	_ =	swait.ge [sflag:s6], $0x1000  }
0x12c: {  	s16 =	sld [smem:$0x7B3]  }
0x12d: {  	[sflag:s6] =	ssyncset.done $0x0  }
0x12e: {  	[sflag:s6] =	ssyncadd.s32 $0xFFFFF000  }
0x12f: {  	[tilespmem:s9], [sflag:$0x2] =	stream.indirect.gather [hbm4b:s4+s7], $0x20, s16, s7, $0xb8;
	[tilespmem:$0x7400] =	vst v63  }
0x130: {  	_ =	swait.ge [sflag:s14], $0x1000  }
0x131: {  	[sflag:s14] =	ssyncset.done $0x0  }
0x132: {  	s16 =	rddreg [dreg:$0xe];
	[sflag:s14] =	ssyncadd.s32 $0xFFFFF000  }
0x133: {  	[hbm4b:s16+s2] =	stream.linear.scatter [tilespmem:s10], [sflag:$0x5], $0x1000, $0x38;
	[tilespmem:$0x7400] =	vst v63  }
0x134: {  	_ =	swait.ge [sflag:s6], $0x1000  }
0x135: {  	s16 =	sld [smem:$0x7B4]  }
0x136: {  	[sflag:s6] =	ssyncset.done $0x0  }
0x137: {  	[sflag:s6] =	ssyncadd.s32 $0xFFFFF000  }
0x138: {  	[tilespmem:s10], [sflag:$0x3] =	stream.indirect.gather [hbm4b:s4+s7], $0x20, s16, s7, $0xb8;
	[tilespmem:$0x7400] =	vst v63  }
0x139: {  	_ =	swait.ge [sflag:s15], $0x1000  }
0x13a: {  	[sflag:s15] =	ssyncset.done $0x0  }
0x13b: {  	s16 =	rddreg [dreg:$0xf];
	[sflag:s15] =	ssyncadd.s32 $0xFFFFF000  }
0x13c: {  	[hbm4b:s16+s2] =	stream.linear.scatter [tilespmem:s11], [sflag:$0x5], $0x1000, $0x38;
	[tilespmem:$0x7400] =	vst v63  }
0x13d: {  	_ =	swait.ge [sflag:s6], $0x1000  }
0x13e: {  	s16 =	sld [smem:$0x7B5]  }
0x13f: {  	[sflag:s6] =	ssyncset.done $0x0  }
0x140: {  	[sflag:s6] =	ssyncadd.s32 $0xFFFFF000  }
0x141: {  	[tilespmem:s11], [sflag:$0x4] =	stream.indirect.gather [hbm4b:s4+s7], $0x20, s16, s7, $0xb8;
	[tilespmem:$0x7400] =	vst v63  }
0x142: {  	_ =	swait.ge [sflag:s12], $0x1000  }
0x143: {  	[sflag:s12] =	ssyncset.done $0x0  }
0x144: {  	s16 =	rddreg [dreg:$0x10];
	[sflag:s12] =	ssyncadd.s32 $0xFFFFF000  }
0x145: {  	[hbm4b:s16+s2] =	stream.linear.scatter [tilespmem:s8], [sflag:$0x5], $0x1000, $0x38;
	[tilespmem:$0x7400] =	vst v63  }
0x146: {  	_ =	swait.ge [sflag:s6], $0x1000  }
0x147: {  	s16 =	sld [smem:$0x7B6]  }
0x148: {  	[sflag:s6] =	ssyncset.done $0x0  }
0x149: {  	[sflag:s6] =	ssyncadd.s32 $0xFFFFF000  }
0x14a: {  	[tilespmem:s8], [sflag:$0x1] =	stream.indirect.gather [hbm4b:s4+s7], $0x20, s16, s7, $0xb8;
	[tilespmem:$0x7400] =	vst v63  }
0x14b: {  	_ =	swait.ge [sflag:s13], $0x1000  }
0x14c: {  	[sflag:s13] =	ssyncset.done $0x0  }
0x14d: {  	s16 =	rddreg [dreg:$0x11];
	[sflag:s13] =	ssyncadd.s32 $0xFFFFF000  }
0x14e: {  	[hbm4b:s16+s2] =	stream.linear.scatter [tilespmem:s9], [sflag:$0x5], $0x1000, $0x38;
	[tilespmem:$0x7400] =	vst v63  }
0x14f: {  	_ =	swait.ge [sflag:s6], $0x1000  }
0x150: {  	s16 =	sld [smem:$0x7B7]  }
0x151: {  	[sflag:s6] =	ssyncset.done $0x0  }
0x152: {  	[sflag:s6] =	ssyncadd.s32 $0xFFFFF000  }
0x153: {  	[tilespmem:s9], [sflag:$0x2] =	stream.indirect.gather [hbm4b:s4+s7], $0x20, s16, s7, $0xb8;
	[tilespmem:$0x7400] =	vst v63  }
0x154: {  	_ =	swait.ge [sflag:s14], $0x1000  }
0x155: {  	[sflag:s14] =	ssyncset.done $0x0  }
0x156: {  	s16 =	rddreg [dreg:$0x12];
	[sflag:s14] =	ssyncadd.s32 $0xFFFFF000  }
0x157: {  	[hbm4b:s16+s2] =	stream.linear.scatter [tilespmem:s10], [sflag:$0x5], $0x1000, $0x38;
	[tilespmem:$0x7400] =	vst v63  }
0x158: {  	_ =	swait.ge [sflag:s6], $0x1000  }
0x159: {  	s16 =	sld [smem:$0x7B8]  }
0x15a: {  	[sflag:s6] =	ssyncset.done $0x0  }
0x15b: {  	[sflag:s6] =	ssyncadd.s32 $0xFFFFF000  }
0x15c: {  	[tilespmem:s10], [sflag:$0x3] =	stream.indirect.gather [hbm4b:s4+s7], $0x20, s16, s7, $0xb8;
	[tilespmem:$0x7400] =	vst v63  }
0x15d: {  	_ =	swait.ge [sflag:s15], $0x1000  }
0x15e: {  	[sflag:s15] =	ssyncset.done $0x0  }
0x15f: {  	s16 =	rddreg [dreg:$0x13];
	[sflag:s15] =	ssyncadd.s32 $0xFFFFF000  }
0x160: {  	[hbm4b:s16+s2] =	stream.linear.scatter [tilespmem:s11], [sflag:$0x5], $0x1000, $0x38;
	[tilespmem:$0x7400] =	vst v63  }
0x161: {  	_ =	swait.ge [sflag:s6], $0x1000  }
0x162: {  	s16 =	sld [smem:$0x7B9]  }
0x163: {  	[sflag:s6] =	ssyncset.done $0x0  }
0x164: {  	[sflag:s6] =	ssyncadd.s32 $0xFFFFF000  }
0x165: {  	[tilespmem:s11], [sflag:$0x4] =	stream.indirect.gather [hbm4b:s4+s7], $0x20, s16, s7, $0xb8;
	[tilespmem:$0x7400] =	vst v63  }
0x166: {  	_ =	swait.ge [sflag:s12], $0x1000  }
0x167: {  	[sflag:s12] =	ssyncset.done $0x0  }
0x168: {  	s16 =	rddreg [dreg:$0x14];
	[sflag:s12] =	ssyncadd.s32 $0xFFFFF000  }
0x169: {  	[hbm4b:s16+s2] =	stream.linear.scatter [tilespmem:s8], [sflag:$0x5], $0x1000, $0x38;
	[tilespmem:$0x7400] =	vst v63  }
0x16a: {  	_ =	swait.ge [sflag:s6], $0x1000  }
0x16b: {  	s16 =	sld [smem:$0x7BA]  }
0x16c: {  	[sflag:s6] =	ssyncset.done $0x0  }
0x16d: {  	[sflag:s6] =	ssyncadd.s32 $0xFFFFF000  }
0x16e: {  	[tilespmem:s8], [sflag:$0x1] =	stream.indirect.gather [hbm4b:s4+s7], $0x20, s16, s7, $0xb8;
	[tilespmem:$0x7400] =	vst v63  }
0x16f: {  	_ =	swait.ge [sflag:s13], $0x1000  }
0x170: {  	[sflag:s13] =	ssyncset.done $0x0  }
0x171: {  	s16 =	rddreg [dreg:$0x15];
	[sflag:s13] =	ssyncadd.s32 $0xFFFFF000  }
0x172: {  	[hbm4b:s16+s2] =	stream.linear.scatter [tilespmem:s9], [sflag:$0x5], $0x1000, $0x38;
	[tilespmem:$0x7400] =	vst v63  }
0x173: {  	_ =	swait.ge [sflag:s6], $0x1000  }
0x174: {  	s16 =	sld [smem:$0x7BB]  }
0x175: {  	[sflag:s6] =	ssyncset.done $0x0  }
0x176: {  	[sflag:s6] =	ssyncadd.s32 $0xFFFFF000  }
0x177: {  	[tilespmem:s9], [sflag:$0x2] =	stream.indirect.gather [hbm4b:s4+s7], $0x20, s16, s7, $0xb8;
	[tilespmem:$0x7400] =	vst v63  }
0x178: {  	_ =	swait.ge [sflag:s14], $0x1000  }
0x179: {  	[sflag:s14] =	ssyncset.done $0x0  }
0x17a: {  	s16 =	rddreg [dreg:$0x16];
	[sflag:s14] =	ssyncadd.s32 $0xFFFFF000  }
0x17b: {  	[hbm4b:s16+s2] =	stream.linear.scatter [tilespmem:s10], [sflag:$0x5], $0x1000, $0x38;
	[tilespmem:$0x7400] =	vst v63  }
0x17c: {  	_ =	swait.ge [sflag:s6], $0x1000  }
0x17d: {  	s16 =	sld [smem:$0x7BC]  }
0x17e: {  	[sflag:s6] =	ssyncset.done $0x0  }
0x17f: {  	[sflag:s6] =	ssyncadd.s32 $0xFFFFF000  }
0x180: {  	[tilespmem:s10], [sflag:$0x3] =	stream.indirect.gather [hbm4b:s4+s7], $0x20, s16, s7, $0xb8;
	[tilespmem:$0x7400] =	vst v63  }
0x181: {  	_ =	swait.ge [sflag:s15], $0x1000  }
0x182: {  	[sflag:s15] =	ssyncset.done $0x0  }
0x183: {  	s16 =	rddreg [dreg:$0x17];
	[sflag:s15] =	ssyncadd.s32 $0xFFFFF000  }
0x184: {  	[hbm4b:s16+s2] =	stream.linear.scatter [tilespmem:s11], [sflag:$0x5], $0x1000, $0x38;
	[tilespmem:$0x7400] =	vst v63  }
0x185: {  	_ =	swait.ge [sflag:s6], $0x1000  }
0x186: {  	s16 =	sld [smem:$0x7BD]  }
0x187: {  	[sflag:s6] =	ssyncset.done $0x0  }
0x188: {  	[sflag:s6] =	ssyncadd.s32 $0xFFFFF000  }
0x189: {  	[tilespmem:s11], [sflag:$0x4] =	stream.indirect.gather [hbm4b:s4+s7], $0x20, s16, s7, $0xb8;
	[tilespmem:$0x7400] =	vst v63  }
0x18a: {  	_ =	swait.ge [sflag:s12], $0x1000  }
0x18b: {  	[sflag:s12] =	ssyncset.done $0x0  }
0x18c: {  	s16 =	rddreg [dreg:$0x18];
	[sflag:s12] =	ssyncadd.s32 $0xFFFFF000  }
0x18d: {  	[hbm4b:s16+s2] =	stream.linear.scatter [tilespmem:s8], [sflag:$0x5], $0x1000, $0x38;
	[tilespmem:$0x7400] =	vst v63  }
0x18e: {  	_ =	swait.ge [sflag:s6], $0x1000  }
0x18f: {  	s16 =	sld [smem:$0x7BE]  }
0x190: {  	[sflag:s6] =	ssyncset.done $0x0  }
0x191: {  	[sflag:s6] =	ssyncadd.s32 $0xFFFFF000  }
0x192: {  	[tilespmem:s8], [sflag:$0x1] =	stream.indirect.gather [hbm4b:s4+s7], $0x20, s16, s7, $0xb8;
	[tilespmem:$0x7400] =	vst v63  }
0x193: {  	_ =	swait.ge [sflag:s13], $0x1000  }
0x194: {  	[sflag:s13] =	ssyncset.done $0x0  }
0x195: {  	s16 =	rddreg [dreg:$0x19];
	[sflag:s13] =	ssyncadd.s32 $0xFFFFF000  }
0x196: {  	[hbm4b:s16+s2] =	stream.linear.scatter [tilespmem:s9], [sflag:$0x5], $0x1000, $0x38;
	[tilespmem:$0x7400] =	vst v63  }
0x197: {  	_ =	swait.ge [sflag:s6], $0x1000  }
0x198: {  	s16 =	sld [smem:$0x7BF]  }
0x199: {  	[sflag:s6] =	ssyncset.done $0x0  }
0x19a: {  	[sflag:s6] =	ssyncadd.s32 $0xFFFFF000  }
0x19b: {  	[tilespmem:s9], [sflag:$0x2] =	stream.indirect.gather [hbm4b:s4+s7], $0x20, s16, s7, $0xb8;
	[tilespmem:$0x7400] =	vst v63  }
0x19c: {  	_ =	swait.ge [sflag:s14], $0x1000  }
0x19d: {  	[sflag:s14] =	ssyncset.done $0x0  }
0x19e: {  	s16 =	rddreg [dreg:$0x1a];
	[sflag:s14] =	ssyncadd.s32 $0xFFFFF000  }
0x19f: {  	[hbm4b:s16+s2] =	stream.linear.scatter [tilespmem:s10], [sflag:$0x5], $0x1000, $0x38;
	[tilespmem:$0x7400] =	vst v63  }
0x1a0: {  	_ =	swait.ge [sflag:s6], $0x1000  }
0x1a1: {  	s16 =	sld [smem:$0x7C0]  }
0x1a2: {  	[sflag:s6] =	ssyncset.done $0x0  }
0x1a3: {  	[sflag:s6] =	ssyncadd.s32 $0xFFFFF000  }
0x1a4: {  	[tilespmem:s10], [sflag:$0x3] =	stream.indirect.gather [hbm4b:s4+s7], $0x20, s16, s7, $0xb8;
	[tilespmem:$0x7400] =	vst v63  }
0x1a5: {  	_ =	swait.ge [sflag:s15], $0x1000  }
0x1a6: {  	[sflag:s15] =	ssyncset.done $0x0  }
0x1a7: {  	s16 =	rddreg [dreg:$0x1b];
	[sflag:s15] =	ssyncadd.s32 $0xFFFFF000  }
0x1a8: {  	[hbm4b:s16+s2] =	stream.linear.scatter [tilespmem:s11], [sflag:$0x5], $0x1000, $0x38;
	[tilespmem:$0x7400] =	vst v63  }
0x1a9: {  	_ =	swait.ge [sflag:s6], $0x1000  }
0x1aa: {  	s16 =	sld [smem:$0x7C1]  }
0x1ab: {  	[sflag:s6] =	ssyncset.done $0x0  }
0x1ac: {  	[sflag:s6] =	ssyncadd.s32 $0xFFFFF000  }
0x1ad: {  	[tilespmem:s11], [sflag:$0x4] =	stream.indirect.gather [hbm4b:s4+s7], $0x20, s16, s7, $0xb8;
	[tilespmem:$0x7400] =	vst v63  }
0x1ae: {  	_ =	swait.ge [sflag:s12], $0x1000  }
0x1af: {  	[sflag:s12] =	ssyncset.done $0x0  }
0x1b0: {  	s16 =	rddreg [dreg:$0x1c];
	[sflag:s12] =	ssyncadd.s32 $0xFFFFF000  }
0x1b1: {  	[hbm4b:s16+s2] =	stream.linear.scatter [tilespmem:s8], [sflag:$0x5], $0x1000, $0x38;
	[tilespmem:$0x7400] =	vst v63  }
0x1b2: {  	_ =	swait.ge [sflag:s6], $0x1000  }
0x1b3: {  	s16 =	sld [smem:$0x7C2]  }
0x1b4: {  	[sflag:s6] =	ssyncset.done $0x0  }
0x1b5: {  	[sflag:s6] =	ssyncadd.s32 $0xFFFFF000  }
0x1b6: {  	[tilespmem:s8], [sflag:$0x1] =	stream.indirect.gather [hbm4b:s4+s7], $0x20, s16, s7, $0xb8;
	[tilespmem:$0x7400] =	vst v63  }
0x1b7: {  	_ =	swait.ge [sflag:s13], $0x1000  }
0x1b8: {  	[sflag:s13] =	ssyncset.done $0x0  }
0x1b9: {  	s16 =	rddreg [dreg:$0x1d];
	[sflag:s13] =	ssyncadd.s32 $0xFFFFF000  }
0x1ba: {  	[hbm4b:s16+s2] =	stream.linear.scatter [tilespmem:s9], [sflag:$0x5], $0x1000, $0x38;
	[tilespmem:$0x7400] =	vst v63  }
0x1bb: {  	_ =	swait.ge [sflag:s6], $0x1000  }
0x1bc: {  	s16 =	sld [smem:$0x7C3]  }
0x1bd: {  	[sflag:s6] =	ssyncset.done $0x0  }
0x1be: {  	[sflag:s6] =	ssyncadd.s32 $0xFFFFF000  }
0x1bf: {  	[tilespmem:s9], [sflag:$0x2] =	stream.indirect.gather [hbm4b:s4+s7], $0x20, s16, s7, $0xb8;
	[tilespmem:$0x7400] =	vst v63  }
0x1c0: {  	_ =	swait.ge [sflag:s14], $0x1000  }
0x1c1: {  	[sflag:s14] =	ssyncset.done $0x0  }
0x1c2: {  	s16 =	rddreg [dreg:$0x1e];
	[sflag:s14] =	ssyncadd.s32 $0xFFFFF000  }
0x1c3: {  	[hbm4b:s16+s2] =	stream.linear.scatter [tilespmem:s10], [sflag:$0x5], $0x1000, $0x38;
	[tilespmem:$0x7400] =	vst v63  }
0x1c4: {  	_ =	swait.ge [sflag:s6], $0x1000  }
0x1c5: {  	s16 =	sld [smem:$0x7C4]  }
0x1c6: {  	[sflag:s6] =	ssyncset.done $0x0  }
0x1c7: {  	[sflag:s6] =	ssyncadd.s32 $0xFFFFF000  }
0x1c8: {  	[tilespmem:s10], [sflag:$0x3] =	stream.indirect.gather [hbm4b:s4+s7], $0x20, s16, s7, $0xb8;
	[tilespmem:$0x7400] =	vst v63  }
0x1c9: {  	_ =	swait.ge [sflag:s15], $0x1000  }
0x1ca: {  	[sflag:s15] =	ssyncset.done $0x0  }
0x1cb: {  	s16 =	rddreg [dreg:$0x1f];
	[sflag:s15] =	ssyncadd.s32 $0xFFFFF000  }
0x1cc: {  	[hbm4b:s16+s2] =	stream.linear.scatter [tilespmem:s11], [sflag:$0x5], $0x1000, $0x38;
	[tilespmem:$0x7400] =	vst v63  }
0x1cd: {  	_ =	swait.ge [sflag:s6], $0x1000  }
0x1ce: {  	s16 =	sld [smem:$0x7C5]  }
0x1cf: {  	[sflag:s6] =	ssyncset.done $0x0  }
0x1d0: {  	[sflag:s6] =	ssyncadd.s32 $0xFFFFF000  }
0x1d1: {  	[tilespmem:s11], [sflag:$0x4] =	stream.indirect.gather [hbm4b:s4+s7], $0x20, s16, s7, $0xb8;
	[tilespmem:$0x7400] =	vst v63  }
0x1d2: {  	_ =	swait.ge [sflag:s12], $0x1000  }
0x1d3: {  	s16 =	sld [smem:$0x75C]  }
0x1d4: {  	[sflag:s12] =	ssyncset.done $0x0  }
0x1d5: {  	[sflag:s12] =	ssyncadd.s32 $0xFFFFF000  }
0x1d6: {  	[hbm4b:s16+s2] =	stream.linear.scatter [tilespmem:s8], [sflag:$0x5], $0x1000, $0x38;
	[tilespmem:$0x7400] =	vst v63  }
0x1d7: {  	_ =	swait.ge [sflag:s6], $0x1000  }
0x1d8: {  	s16 =	sld [smem:$0x7C6]  }
0x1d9: {  	[sflag:s6] =	ssyncset.done $0x0  }
0x1da: {  	[sflag:s6] =	ssyncadd.s32 $0xFFFFF000  }
0x1db: {  	[tilespmem:s8], [sflag:$0x1] =	stream.indirect.gather [hbm4b:s4+s7], $0x20, s16, s7, $0xb8;
	[tilespmem:$0x7400] =	vst v63  }
0x1dc: {  	_ =	swait.ge [sflag:s13], $0x1000  }
0x1dd: {  	s16 =	sld [smem:$0x75D]  }
0x1de: {  	[sflag:s13] =	ssyncset.done $0x0  }
0x1df: {  	[sflag:s13] =	ssyncadd.s32 $0xFFFFF000  }
0x1e0: {  	[hbm4b:s16+s2] =	stream.linear.scatter [tilespmem:s9], [sflag:$0x5], $0x1000, $0x38;
	[tilespmem:$0x7400] =	vst v63  }
0x1e1: {  	_ =	swait.ge [sflag:s6], $0x1000  }
0x1e2: {  	s16 =	sld [smem:$0x7C7]  }
0x1e3: {  	[sflag:s6] =	ssyncset.done $0x0  }
0x1e4: {  	[sflag:s6] =	ssyncadd.s32 $0xFFFFF000  }
0x1e5: {  	[tilespmem:s9], [sflag:$0x2] =	stream.indirect.gather [hbm4b:s4+s7], $0x20, s16, s7, $0xb8;
	[tilespmem:$0x7400] =	vst v63  }
0x1e6: {  	_ =	swait.ge [sflag:s14], $0x1000  }
0x1e7: {  	s16 =	sld [smem:$0x75E]  }
0x1e8: {  	[sflag:s14] =	ssyncset.done $0x0  }
0x1e9: {  	[sflag:s14] =	ssyncadd.s32 $0xFFFFF000  }
0x1ea: {  	[hbm4b:s16+s2] =	stream.linear.scatter [tilespmem:s10], [sflag:$0x5], $0x1000, $0x38;
	[tilespmem:$0x7400] =	vst v63  }
0x1eb: {  	_ =	swait.ge [sflag:s6], $0x1000  }
0x1ec: {  	s16 =	sld [smem:$0x7C8]  }
0x1ed: {  	[sflag:s6] =	ssyncset.done $0x0  }
0x1ee: {  	[sflag:s6] =	ssyncadd.s32 $0xFFFFF000  }
0x1ef: {  	[tilespmem:s10], [sflag:$0x3] =	stream.indirect.gather [hbm4b:s4+s7], $0x20, s16, s7, $0xb8;
	[tilespmem:$0x7400] =	vst v63  }
0x1f0: {  	_ =	swait.ge [sflag:s15], $0x1000  }
0x1f1: {  	s16 =	sld [smem:$0x75F]  }
0x1f2: {  	[sflag:s15] =	ssyncset.done $0x0  }
0x1f3: {  	[sflag:s15] =	ssyncadd.s32 $0xFFFFF000  }
0x1f4: {  	[hbm4b:s16+s2] =	stream.linear.scatter [tilespmem:s11], [sflag:$0x5], $0x1000, $0x38;
	[tilespmem:$0x7400] =	vst v63  }
0x1f5: {  	_ =	swait.ge [sflag:s6], $0x1000  }
0x1f6: {  	s16 =	sld [smem:$0x7C9]  }
0x1f7: {  	[sflag:s6] =	ssyncset.done $0x0  }
0x1f8: {  	[sflag:s6] =	ssyncadd.s32 $0xFFFFF000  }
0x1f9: {  	[tilespmem:s11], [sflag:$0x4] =	stream.indirect.gather [hbm4b:s4+s7], $0x20, s16, s7, $0xb8;
	[tilespmem:$0x7400] =	vst v63  }
0x1fa: {  	_ =	swait.ge [sflag:s12], $0x1000  }
0x1fb: {  	s16 =	sld [smem:$0x760]  }
0x1fc: {  	[sflag:s12] =	ssyncset.done $0x0  }
0x1fd: {  	[sflag:s12] =	ssyncadd.s32 $0xFFFFF000  }
0x1fe: {  	[hbm4b:s16+s2] =	stream.linear.scatter [tilespmem:s8], [sflag:$0x5], $0x1000, $0x38;
	[tilespmem:$0x7400] =	vst v63  }
0x1ff: {  	_ =	swait.ge [sflag:s6], $0x1000  }
0x200: {  	s16 =	sld [smem:$0x7CA]  }
0x201: {  	[sflag:s6] =	ssyncset.done $0x0  }
0x202: {  	[sflag:s6] =	ssyncadd.s32 $0xFFFFF000  }
0x203: {  	[tilespmem:s8], [sflag:$0x1] =	stream.indirect.gather [hbm4b:s4+s7], $0x20, s16, s7, $0xb8;
	[tilespmem:$0x7400] =	vst v63  }
0x204: {  	_ =	swait.ge [sflag:s13], $0x1000  }
0x205: {  	s16 =	sld [smem:$0x761]  }
0x206: {  	[sflag:s13] =	ssyncset.done $0x0  }
0x207: {  	[sflag:s13] =	ssyncadd.s32 $0xFFFFF000  }
0x208: {  	[hbm4b:s16+s2] =	stream.linear.scatter [tilespmem:s9], [sflag:$0x5], $0x1000, $0x38;
	[tilespmem:$0x7400] =	vst v63  }
0x209: {  	_ =	swait.ge [sflag:s6], $0x1000  }
0x20a: {  	s16 =	sld [smem:$0x7CB]  }
0x20b: {  	[sflag:s6] =	ssyncset.done $0x0  }
0x20c: {  	[sflag:s6] =	ssyncadd.s32 $0xFFFFF000  }
0x20d: {  	[tilespmem:s9], [sflag:$0x2] =	stream.indirect.gather [hbm4b:s4+s7], $0x20, s16, s7, $0xb8;
	[tilespmem:$0x7400] =	vst v63  }
0x20e: {  	_ =	swait.ge [sflag:s14], $0x1000  }
0x20f: {  	s16 =	sld [smem:$0x762]  }
0x210: {  	[sflag:s14] =	ssyncset.done $0x0  }
0x211: {  	[sflag:s14] =	ssyncadd.s32 $0xFFFFF000  }
0x212: {  	[hbm4b:s16+s2] =	stream.linear.scatter [tilespmem:s10], [sflag:$0x5], $0x1000, $0x38;
	[tilespmem:$0x7400] =	vst v63  }
0x213: {  	_ =	swait.ge [sflag:s6], $0x1000  }
0x214: {  	s16 =	sld [smem:$0x7CC]  }
0x215: {  	[sflag:s6] =	ssyncset.done $0x0  }
0x216: {  	[sflag:s6] =	ssyncadd.s32 $0xFFFFF000  }
0x217: {  	[tilespmem:s10], [sflag:$0x3] =	stream.indirect.gather [hbm4b:s4+s7], $0x20, s16, s7, $0xb8;
	[tilespmem:$0x7400] =	vst v63  }
0x218: {  	_ =	swait.ge [sflag:s15], $0x1000  }
0x219: {  	s16 =	sld [smem:$0x763]  }
0x21a: {  	[sflag:s15] =	ssyncset.done $0x0  }
0x21b: {  	[sflag:s15] =	ssyncadd.s32 $0xFFFFF000  }
0x21c: {  	[hbm4b:s16+s2] =	stream.linear.scatter [tilespmem:s11], [sflag:$0x5], $0x1000, $0x38;
	[tilespmem:$0x7400] =	vst v63  }
0x21d: {  	_ =	swait.ge [sflag:s6], $0x1000  }
0x21e: {  	s16 =	sld [smem:$0x7CD]  }
0x21f: {  	[sflag:s6] =	ssyncset.done $0x0  }
0x220: {  	[sflag:s6] =	ssyncadd.s32 $0xFFFFF000  }
0x221: {  	[tilespmem:s11], [sflag:$0x4] =	stream.indirect.gather [hbm4b:s4+s7], $0x20, s16, s7, $0xb8;
	[tilespmem:$0x7400] =	vst v63  }
0x222: {  	_ =	swait.ge [sflag:s12], $0x1000  }
0x223: {  	s16 =	sld [smem:$0x764]  }
0x224: {  	[sflag:s12] =	ssyncset.done $0x0  }
0x225: {  	[sflag:s12] =	ssyncadd.s32 $0xFFFFF000  }
0x226: {  	[hbm4b:s16+s2] =	stream.linear.scatter [tilespmem:s8], [sflag:$0x5], $0x1000, $0x38;
	[tilespmem:$0x7400] =	vst v63  }
0x227: {  	_ =	swait.ge [sflag:s6], $0x1000  }
0x228: {  	s16 =	sld [smem:$0x7CE]  }
0x229: {  	[sflag:s6] =	ssyncset.done $0x0  }
0x22a: {  	[sflag:s6] =	ssyncadd.s32 $0xFFFFF000  }
0x22b: {  	[tilespmem:s8], [sflag:$0x1] =	stream.indirect.gather [hbm4b:s4+s7], $0x20, s16, s7, $0xb8;
	[tilespmem:$0x7400] =	vst v63  }
0x22c: {  	_ =	swait.ge [sflag:s13], $0x1000  }
0x22d: {  	s16 =	sld [smem:$0x765]  }
0x22e: {  	[sflag:s13] =	ssyncset.done $0x0  }
0x22f: {  	[sflag:s13] =	ssyncadd.s32 $0xFFFFF000  }
0x230: {  	[hbm4b:s16+s2] =	stream.linear.scatter [tilespmem:s9], [sflag:$0x5], $0x1000, $0x38;
	[tilespmem:$0x7400] =	vst v63  }
0x231: {  	_ =	swait.ge [sflag:s6], $0x1000  }
0x232: {  	s16 =	sld [smem:$0x7CF]  }
0x233: {  	[sflag:s6] =	ssyncset.done $0x0  }
0x234: {  	[sflag:s6] =	ssyncadd.s32 $0xFFFFF000  }
0x235: {  	[tilespmem:s9], [sflag:$0x2] =	stream.indirect.gather [hbm4b:s4+s7], $0x20, s16, s7, $0xb8;
	[tilespmem:$0x7400] =	vst v63  }
0x236: {  	_ =	swait.ge [sflag:s14], $0x1000  }
0x237: {  	s16 =	sld [smem:$0x766]  }
0x238: {  	[sflag:s14] =	ssyncset.done $0x0  }
0x239: {  	[sflag:s14] =	ssyncadd.s32 $0xFFFFF000  }
0x23a: {  	[hbm4b:s16+s2] =	stream.linear.scatter [tilespmem:s10], [sflag:$0x5], $0x1000, $0x38;
	[tilespmem:$0x7400] =	vst v63  }
0x23b: {  	_ =	swait.ge [sflag:s6], $0x1000  }
0x23c: {  	[sflag:s6] =	ssyncset.done $0x0  }
0x23d: {  	s16 =	sld [smem:$0x7D0];
	_ =	sdelay $0x1  }
0x23e: {  	[sflag:s6] =	ssyncadd.s32 $0xFFFFF000  }
0x23f: {  	[tilespmem:s10], [sflag:$0x3] =	stream.indirect.gather [hbm4b:s4+s7], $0x20, s16, s7, $0xb8;
	[tilespmem:$0x7400] =	vst v63  }
0x240: {  	_ =	swait.ge [sflag:s15], $0x1000  }
0x241: {  	s16 =	sld [smem:$0x767]  }
0x242: {  	[sflag:s15] =	ssyncset.done $0x0  }
0x243: {  	[sflag:s15] =	ssyncadd.s32 $0xFFFFF000  }
0x244: {  	[hbm4b:s16+s2] =	stream.linear.scatter [tilespmem:s11], [sflag:$0x5], $0x1000, $0x38;
	[tilespmem:$0x7400] =	vst v63  }
0x245: {  	_ =	swait.ge [sflag:s6], $0x1000  }
0x246: {  	s16 =	sld [smem:$0x7D1]  }
0x247: {  	[sflag:s6] =	ssyncset.done $0x0  }
0x248: {  	[sflag:s6] =	ssyncadd.s32 $0xFFFFF000  }
0x249: {  	[tilespmem:s11], [sflag:$0x4] =	stream.indirect.gather [hbm4b:s4+s7], $0x20, s16, s7, $0xb8;
	[tilespmem:$0x7400] =	vst v63  }
0x24a: {  	_ =	swait.ge [sflag:s12], $0x1000  }
0x24b: {  	s16 =	sld [smem:$0x768]  }
0x24c: {  	[sflag:s12] =	ssyncset.done $0x0  }
0x24d: {  	[sflag:s12] =	ssyncadd.s32 $0xFFFFF000  }
0x24e: {  	[hbm4b:s16+s2] =	stream.linear.scatter [tilespmem:s8], [sflag:$0x5], $0x1000, $0x38;
	[tilespmem:$0x7400] =	vst v63  }
0x24f: {  	_ =	swait.ge [sflag:s6], $0x1000  }
0x250: {  	s16 =	sld [smem:$0x7D2]  }
0x251: {  	[sflag:s6] =	ssyncset.done $0x0  }
0x252: {  	[sflag:s6] =	ssyncadd.s32 $0xFFFFF000  }
0x253: {  	[tilespmem:s8], [sflag:$0x1] =	stream.indirect.gather [hbm4b:s4+s7], $0x20, s16, s7, $0xb8;
	[tilespmem:$0x7400] =	vst v63  }
0x254: {  	_ =	swait.ge [sflag:s13], $0x1000  }
0x255: {  	s16 =	sld [smem:$0x769]  }
0x256: {  	[sflag:s13] =	ssyncset.done $0x0  }
0x257: {  	[sflag:s13] =	ssyncadd.s32 $0xFFFFF000  }
0x258: {  	[hbm4b:s16+s2] =	stream.linear.scatter [tilespmem:s9], [sflag:$0x5], $0x1000, $0x38;
	[tilespmem:$0x7400] =	vst v63  }
0x259: {  	_ =	swait.ge [sflag:s6], $0x1000  }
0x25a: {  	s16 =	sld [smem:$0x7D3]  }
0x25b: {  	[sflag:s6] =	ssyncset.done $0x0  }
0x25c: {  	[sflag:s6] =	ssyncadd.s32 $0xFFFFF000  }
0x25d: {  	[tilespmem:s9], [sflag:$0x2] =	stream.indirect.gather [hbm4b:s4+s7], $0x20, s16, s7, $0xb8;
	[tilespmem:$0x7400] =	vst v63  }
0x25e: {  	_ =	swait.ge [sflag:s14], $0x1000  }
0x25f: {  	s16 =	sld [smem:$0x76A]  }
0x260: {  	[sflag:s14] =	ssyncset.done $0x0  }
0x261: {  	[sflag:s14] =	ssyncadd.s32 $0xFFFFF000  }
0x262: {  	[hbm4b:s16+s2] =	stream.linear.scatter [tilespmem:s10], [sflag:$0x5], $0x1000, $0x38;
	[tilespmem:$0x7400] =	vst v63  }
0x263: {  	_ =	swait.ge [sflag:s6], $0x1000  }
0x264: {  	s16 =	sld [smem:$0x7D4]  }
0x265: {  	[sflag:s6] =	ssyncset.done $0x0  }
0x266: {  	[sflag:s6] =	ssyncadd.s32 $0xFFFFF000  }
0x267: {  	[tilespmem:s10], [sflag:$0x3] =	stream.indirect.gather [hbm4b:s4+s7], $0x20, s16, s7, $0xb8;
	[tilespmem:$0x7400] =	vst v63  }
0x268: {  	_ =	swait.ge [sflag:s15], $0x1000  }
0x269: {  	s16 =	sld [smem:$0x76B]  }
0x26a: {  	[sflag:s15] =	ssyncset.done $0x0  }
0x26b: {  	[sflag:s15] =	ssyncadd.s32 $0xFFFFF000  }
0x26c: {  	[hbm4b:s16+s2] =	stream.linear.scatter [tilespmem:s11], [sflag:$0x5], $0x1000, $0x38;
	[tilespmem:$0x7400] =	vst v63  }
0x26d: {  	_ =	swait.ge [sflag:s6], $0x1000  }
0x26e: {  	s16 =	sld [smem:$0x7D5]  }
0x26f: {  	[sflag:s6] =	ssyncset.done $0x0  }
0x270: {  	[sflag:s6] =	ssyncadd.s32 $0xFFFFF000  }
0x271: {  	[tilespmem:s11], [sflag:$0x4] =	stream.indirect.gather [hbm4b:s4+s7], $0x20, s16, s7, $0xb8;
	[tilespmem:$0x7400] =	vst v63  }
0x272: {  	_ =	swait.ge [sflag:s12], $0x1000  }
0x273: {  	s16 =	sld [smem:$0x76C]  }
0x274: {  	[sflag:s12] =	ssyncset.done $0x0  }
0x275: {  	[sflag:s12] =	ssyncadd.s32 $0xFFFFF000  }
0x276: {  	[hbm4b:s16+s2] =	stream.linear.scatter [tilespmem:s8], [sflag:$0x5], $0x1000, $0x38;
	[tilespmem:$0x7400] =	vst v63  }
0x277: {  	_ =	swait.ge [sflag:s6], $0x1000  }
0x278: {  	s16 =	sld [smem:$0x7D6]  }
0x279: {  	[sflag:s6] =	ssyncset.done $0x0  }
0x27a: {  	[sflag:s6] =	ssyncadd.s32 $0xFFFFF000  }
0x27b: {  	[tilespmem:s8], [sflag:$0x1] =	stream.indirect.gather [hbm4b:s4+s7], $0x20, s16, s7, $0xb8;
	[tilespmem:$0x7400] =	vst v63  }
0x27c: {  	_ =	swait.ge [sflag:s13], $0x1000  }
0x27d: {  	s16 =	sld [smem:$0x76D]  }
0x27e: {  	[sflag:s13] =	ssyncset.done $0x0  }
0x27f: {  	[sflag:s13] =	ssyncadd.s32 $0xFFFFF000  }
0x280: {  	[hbm4b:s16+s2] =	stream.linear.scatter [tilespmem:s9], [sflag:$0x5], $0x1000, $0x38;
	[tilespmem:$0x7400] =	vst v63  }
0x281: {  	_ =	swait.ge [sflag:s6], $0x1000  }
0x282: {  	s16 =	sld [smem:$0x7D7]  }
0x283: {  	[sflag:s6] =	ssyncset.done $0x0  }
0x284: {  	[sflag:s6] =	ssyncadd.s32 $0xFFFFF000  }
0x285: {  	[tilespmem:s9], [sflag:$0x2] =	stream.indirect.gather [hbm4b:s4+s7], $0x20, s16, s7, $0xb8;
	[tilespmem:$0x7400] =	vst v63  }
0x286: {  	_ =	swait.ge [sflag:s14], $0x1000  }
0x287: {  	s16 =	sld [smem:$0x76E]  }
0x288: {  	[sflag:s14] =	ssyncset.done $0x0  }
0x289: {  	[sflag:s14] =	ssyncadd.s32 $0xFFFFF000  }
0x28a: {  	[hbm4b:s16+s2] =	stream.linear.scatter [tilespmem:s10], [sflag:$0x5], $0x1000, $0x38;
	[tilespmem:$0x7400] =	vst v63  }
0x28b: {  	_ =	swait.ge [sflag:s6], $0x1000  }
0x28c: {  	s16 =	sld [smem:$0x7D8]  }
0x28d: {  	[sflag:s6] =	ssyncset.done $0x0  }
0x28e: {  	[sflag:s6] =	ssyncadd.s32 $0xFFFFF000  }
0x28f: {  	[tilespmem:s10], [sflag:$0x3] =	stream.indirect.gather [hbm4b:s4+s7], $0x20, s16, s7, $0xb8;
	[tilespmem:$0x7400] =	vst v63  }
0x290: {  	_ =	swait.ge [sflag:s15], $0x1000  }
0x291: {  	s16 =	sld [smem:$0x76F]  }
0x292: {  	[sflag:s15] =	ssyncset.done $0x0  }
0x293: {  	[sflag:s15] =	ssyncadd.s32 $0xFFFFF000  }
0x294: {  	[hbm4b:s16+s2] =	stream.linear.scatter [tilespmem:s11], [sflag:$0x5], $0x1000, $0x38;
	[tilespmem:$0x7400] =	vst v63  }
0x295: {  	_ =	swait.ge [sflag:s6], $0x1000  }
0x296: {  	s16 =	sld [smem:$0x7D9]  }
0x297: {  	[sflag:s6] =	ssyncset.done $0x0  }
0x298: {  	[sflag:s6] =	ssyncadd.s32 $0xFFFFF000  }
0x299: {  	[tilespmem:s11], [sflag:$0x4] =	stream.indirect.gather [hbm4b:s4+s7], $0x20, s16, s7, $0xb8;
	[tilespmem:$0x7400] =	vst v63  }
0x29a: {  	_ =	swait.ge [sflag:s12], $0x1000  }
0x29b: {  	s16 =	sld [smem:$0x770]  }
0x29c: {  	[sflag:s12] =	ssyncset.done $0x0  }
0x29d: {  	[sflag:s12] =	ssyncadd.s32 $0xFFFFF000  }
0x29e: {  	[hbm4b:s16+s2] =	stream.linear.scatter [tilespmem:s8], [sflag:$0x5], $0x1000, $0x38;
	[tilespmem:$0x7400] =	vst v63  }
0x29f: {  	_ =	swait.ge [sflag:s6], $0x1000  }
0x2a0: {  	s16 =	sld [smem:$0x7DA]  }
0x2a1: {  	[sflag:s6] =	ssyncset.done $0x0  }
0x2a2: {  	[sflag:s6] =	ssyncadd.s32 $0xFFFFF000  }
0x2a3: {  	[tilespmem:s8], [sflag:$0x1] =	stream.indirect.gather [hbm4b:s4+s7], $0x20, s16, s7, $0xb8;
	[tilespmem:$0x7400] =	vst v63  }
0x2a4: {  	_ =	swait.ge [sflag:s13], $0x1000  }
0x2a5: {  	s16 =	sld [smem:$0x771]  }
0x2a6: {  	[sflag:s13] =	ssyncset.done $0x0  }
0x2a7: {  	[sflag:s13] =	ssyncadd.s32 $0xFFFFF000  }
0x2a8: {  	[hbm4b:s16+s2] =	stream.linear.scatter [tilespmem:s9], [sflag:$0x5], $0x1000, $0x38;
	[tilespmem:$0x7400] =	vst v63  }
0x2a9: {  	_ =	swait.ge [sflag:s6], $0x1000  }
0x2aa: {  	s16 =	sld [smem:$0x7DB]  }
0x2ab: {  	[sflag:s6] =	ssyncset.done $0x0  }
0x2ac: {  	[sflag:s6] =	ssyncadd.s32 $0xFFFFF000  }
0x2ad: {  	[tilespmem:s9], [sflag:$0x2] =	stream.indirect.gather [hbm4b:s4+s7], $0x20, s16, s7, $0xb8;
	[tilespmem:$0x7400] =	vst v63  }
0x2ae: {  	_ =	swait.ge [sflag:s14], $0x1000  }
0x2af: {  	s16 =	sld [smem:$0x772]  }
0x2b0: {  	[sflag:s14] =	ssyncset.done $0x0  }
0x2b1: {  	[sflag:s14] =	ssyncadd.s32 $0xFFFFF000  }
0x2b2: {  	[hbm4b:s16+s2] =	stream.linear.scatter [tilespmem:s10], [sflag:$0x5], $0x1000, $0x38;
	[tilespmem:$0x7400] =	vst v63  }
0x2b3: {  	_ =	swait.ge [sflag:s6], $0x1000  }
0x2b4: {  	s16 =	sld [smem:$0x7DC]  }
0x2b5: {  	[sflag:s6] =	ssyncset.done $0x0  }
0x2b6: {  	[sflag:s6] =	ssyncadd.s32 $0xFFFFF000  }
0x2b7: {  	[tilespmem:s10], [sflag:$0x3] =	stream.indirect.gather [hbm4b:s4+s7], $0x20, s16, s7, $0xb8;
	[tilespmem:$0x7400] =	vst v63  }
0x2b8: {  	_ =	swait.ge [sflag:s15], $0x1000  }
0x2b9: {  	s16 =	sld [smem:$0x773]  }
0x2ba: {  	[sflag:s15] =	ssyncset.done $0x0  }
0x2bb: {  	[sflag:s15] =	ssyncadd.s32 $0xFFFFF000  }
0x2bc: {  	[hbm4b:s16+s2] =	stream.linear.scatter [tilespmem:s11], [sflag:$0x5], $0x1000, $0x38;
	[tilespmem:$0x7400] =	vst v63  }
0x2bd: {  	_ =	swait.ge [sflag:s6], $0x1000  }
0x2be: {  	s16 =	sld [smem:$0x7DD]  }
0x2bf: {  	[sflag:s6] =	ssyncset.done $0x0  }
0x2c0: {  	[sflag:s6] =	ssyncadd.s32 $0xFFFFF000  }
0x2c1: {  	[tilespmem:s11], [sflag:$0x4] =	stream.indirect.gather [hbm4b:s4+s7], $0x20, s16, s7, $0xb8;
	[tilespmem:$0x7400] =	vst v63  }
0x2c2: {  	_ =	swait.ge [sflag:s12], $0x1000  }
0x2c3: {  	s16 =	sld [smem:$0x774]  }
0x2c4: {  	[sflag:s12] =	ssyncset.done $0x0  }
0x2c5: {  	[sflag:s12] =	ssyncadd.s32 $0xFFFFF000  }
0x2c6: {  	[hbm4b:s16+s2] =	stream.linear.scatter [tilespmem:s8], [sflag:$0x5], $0x1000, $0x38;
	[tilespmem:$0x7400] =	vst v63  }
0x2c7: {  	_ =	swait.ge [sflag:s6], $0x1000  }
0x2c8: {  	s16 =	sld [smem:$0x7DE]  }
0x2c9: {  	[sflag:s6] =	ssyncset.done $0x0  }
0x2ca: {  	[sflag:s6] =	ssyncadd.s32 $0xFFFFF000  }
0x2cb: {  	[tilespmem:s8], [sflag:$0x1] =	stream.indirect.gather [hbm4b:s4+s7], $0x20, s16, s7, $0xb8;
	[tilespmem:$0x7400] =	vst v63  }
0x2cc: {  	_ =	swait.ge [sflag:s13], $0x1000  }
0x2cd: {  	s16 =	sld [smem:$0x775]  }
0x2ce: {  	[sflag:s13] =	ssyncset.done $0x0  }
0x2cf: {  	[sflag:s13] =	ssyncadd.s32 $0xFFFFF000  }
0x2d0: {  	[hbm4b:s16+s2] =	stream.linear.scatter [tilespmem:s9], [sflag:$0x5], $0x1000, $0x38;
	[tilespmem:$0x7400] =	vst v63  }
0x2d1: {  	_ =	swait.ge [sflag:s6], $0x1000  }
0x2d2: {  	s16 =	sld [smem:$0x7DF]  }
0x2d3: {  	[sflag:s6] =	ssyncset.done $0x0  }
0x2d4: {  	[sflag:s6] =	ssyncadd.s32 $0xFFFFF000  }
0x2d5: {  	[tilespmem:s9], [sflag:$0x2] =	stream.indirect.gather [hbm4b:s4+s7], $0x20, s16, s7, $0xb8;
	[tilespmem:$0x7400] =	vst v63  }
0x2d6: {  	_ =	swait.ge [sflag:s14], $0x1000  }
0x2d7: {  	s16 =	sld [smem:$0x776]  }
0x2d8: {  	[sflag:s14] =	ssyncset.done $0x0  }
0x2d9: {  	[sflag:s14] =	ssyncadd.s32 $0xFFFFF000  }
0x2da: {  	[hbm4b:s16+s2] =	stream.linear.scatter [tilespmem:s10], [sflag:$0x5], $0x1000, $0x38;
	[tilespmem:$0x7400] =	vst v63  }
0x2db: {  	_ =	swait.ge [sflag:s6], $0x1000  }
0x2dc: {  	s16 =	sld [smem:$0x7E0]  }
0x2dd: {  	[sflag:s6] =	ssyncset.done $0x0  }
0x2de: {  	[sflag:s6] =	ssyncadd.s32 $0xFFFFF000  }
0x2df: {  	[tilespmem:s10], [sflag:$0x3] =	stream.indirect.gather [hbm4b:s4+s7], $0x20, s16, s7, $0xb8;
	[tilespmem:$0x7400] =	vst v63  }
0x2e0: {  	_ =	swait.ge [sflag:s15], $0x1000  }
0x2e1: {  	s16 =	sld [smem:$0x777]  }
0x2e2: {  	[sflag:s15] =	ssyncset.done $0x0  }
0x2e3: {  	[sflag:s15] =	ssyncadd.s32 $0xFFFFF000  }
0x2e4: {  	[hbm4b:s16+s2] =	stream.linear.scatter [tilespmem:s11], [sflag:$0x5], $0x1000, $0x38;
	[tilespmem:$0x7400] =	vst v63  }
0x2e5: {  	_ =	swait.ge [sflag:s6], $0x1000  }
0x2e6: {  	s16 =	sld [smem:$0x7E1]  }
0x2e7: {  	[sflag:s6] =	ssyncset.done $0x0  }
0x2e8: {  	[sflag:s6] =	ssyncadd.s32 $0xFFFFF000  }
0x2e9: {  	[tilespmem:s11], [sflag:$0x4] =	stream.indirect.gather [hbm4b:s4+s7], $0x20, s16, s7, $0xb8;
	[tilespmem:$0x7400] =	vst v63  }
0x2ea: {  	_ =	swait.ge [sflag:s12], $0x1000  }
0x2eb: {  	s16 =	sld [smem:$0x778]  }
0x2ec: {  	[sflag:s12] =	ssyncset.done $0x0  }
0x2ed: {  	[sflag:s12] =	ssyncadd.s32 $0xFFFFF000  }
0x2ee: {  	[hbm4b:s16+s2] =	stream.linear.scatter [tilespmem:s8], [sflag:$0x5], $0x1000, $0x38;
	[tilespmem:$0x7400] =	vst v63  }
0x2ef: {  	_ =	swait.ge [sflag:s6], $0x1000  }
0x2f0: {  	s16 =	sld [smem:$0x7E2]  }
0x2f1: {  	[sflag:s6] =	ssyncset.done $0x0  }
0x2f2: {  	[sflag:s6] =	ssyncadd.s32 $0xFFFFF000  }
0x2f3: {  	[tilespmem:s8], [sflag:$0x1] =	stream.indirect.gather [hbm4b:s4+s7], $0x20, s16, s7, $0xb8;
	[tilespmem:$0x7400] =	vst v63  }
0x2f4: {  	_ =	swait.ge [sflag:s13], $0x1000  }
0x2f5: {  	s16 =	sld [smem:$0x779]  }
0x2f6: {  	[sflag:s13] =	ssyncset.done $0x0  }
0x2f7: {  	[sflag:s13] =	ssyncadd.s32 $0xFFFFF000  }
0x2f8: {  	[hbm4b:s16+s2] =	stream.linear.scatter [tilespmem:s9], [sflag:$0x5], $0x1000, $0x38;
	[tilespmem:$0x7400] =	vst v63  }
0x2f9: {  	_ =	swait.ge [sflag:s6], $0x1000  }
0x2fa: {  	s16 =	sld [smem:$0x7E3]  }
0x2fb: {  	[sflag:s6] =	ssyncset.done $0x0  }
0x2fc: {  	[sflag:s6] =	ssyncadd.s32 $0xFFFFF000  }
0x2fd: {  	[tilespmem:s9], [sflag:$0x2] =	stream.indirect.gather [hbm4b:s4+s7], $0x20, s16, s7, $0xb8;
	[tilespmem:$0x7400] =	vst v63  }
0x2fe: {  	_ =	swait.ge [sflag:s14], $0x1000  }
0x2ff: {  	s16 =	sld [smem:$0x77A]  }
0x300: {  	[sflag:s14] =	ssyncset.done $0x0  }
0x301: {  	[sflag:s14] =	ssyncadd.s32 $0xFFFFF000  }
0x302: {  	[hbm4b:s16+s2] =	stream.linear.scatter [tilespmem:s10], [sflag:$0x5], $0x1000, $0x38;
	[tilespmem:$0x7400] =	vst v63  }
0x303: {  	_ =	swait.ge [sflag:s6], $0x1000  }
0x304: {  	s16 =	sld [smem:$0x7E4]  }
0x305: {  	[sflag:s6] =	ssyncset.done $0x0  }
0x306: {  	[sflag:s6] =	ssyncadd.s32 $0xFFFFF000  }
0x307: {  	[tilespmem:s10], [sflag:$0x3] =	stream.indirect.gather [hbm4b:s4+s7], $0x20, s16, s7, $0xb8;
	[tilespmem:$0x7400] =	vst v63  }
0x308: {  	_ =	swait.ge [sflag:s15], $0x1000  }
0x309: {  	s16 =	sld [smem:$0x77B]  }
0x30a: {  	[sflag:s15] =	ssyncset.done $0x0  }
0x30b: {  	[sflag:s15] =	ssyncadd.s32 $0xFFFFF000  }
0x30c: {  	[hbm4b:s16+s2] =	stream.linear.scatter [tilespmem:s11], [sflag:$0x5], $0x1000, $0x38;
	[tilespmem:$0x7400] =	vst v63  }
0x30d: {  	_ =	swait.ge [sflag:s6], $0x1000  }
0x30e: {  	s16 =	sld [smem:$0x7E5]  }
0x30f: {  	[sflag:s6] =	ssyncset.done $0x0  }
0x310: {  	[sflag:s6] =	ssyncadd.s32 $0xFFFFF000  }
0x311: {  	[tilespmem:s11], [sflag:$0x4] =	stream.indirect.gather [hbm4b:s4+s7], $0x20, s16, s7, $0xb8;
	[tilespmem:$0x7400] =	vst v63  }
0x312: {  	_ =	swait.ge [sflag:s12], $0x1000  }
0x313: {  	s16 =	sld [smem:$0x77C]  }
0x314: {  	[sflag:s12] =	ssyncset.done $0x0  }
0x315: {  	[sflag:s12] =	ssyncadd.s32 $0xFFFFF000  }
0x316: {  	[hbm4b:s16+s2] =	stream.linear.scatter [tilespmem:s8], [sflag:$0x5], $0x1000, $0x38;
	[tilespmem:$0x7400] =	vst v63  }
0x317: {  	_ =	swait.ge [sflag:s6], $0x1000  }
0x318: {  	s16 =	sld [smem:$0x7E6]  }
0x319: {  	[sflag:s6] =	ssyncset.done $0x0  }
0x31a: {  	[sflag:s6] =	ssyncadd.s32 $0xFFFFF000  }
0x31b: {  	[tilespmem:s8], [sflag:$0x1] =	stream.indirect.gather [hbm4b:s4+s7], $0x20, s16, s7, $0xb8;
	[tilespmem:$0x7400] =	vst v63  }
0x31c: {  	_ =	swait.ge [sflag:s13], $0x1000  }
0x31d: {  	s16 =	sld [smem:$0x77D]  }
0x31e: {  	[sflag:s13] =	ssyncset.done $0x0  }
0x31f: {  	[sflag:s13] =	ssyncadd.s32 $0xFFFFF000  }
0x320: {  	[hbm4b:s16+s2] =	stream.linear.scatter [tilespmem:s9], [sflag:$0x5], $0x1000, $0x38;
	[tilespmem:$0x7400] =	vst v63  }
0x321: {  	_ =	swait.ge [sflag:s6], $0x1000  }
0x322: {  	s16 =	sld [smem:$0x7E7]  }
0x323: {  	[sflag:s6] =	ssyncset.done $0x0  }
0x324: {  	[sflag:s6] =	ssyncadd.s32 $0xFFFFF000  }
0x325: {  	[tilespmem:s9], [sflag:$0x2] =	stream.indirect.gather [hbm4b:s4+s7], $0x20, s16, s7, $0xb8;
	[tilespmem:$0x7400] =	vst v63  }
0x326: {  	_ =	swait.ge [sflag:s14], $0x1000  }
0x327: {  	s16 =	sld [smem:$0x77E]  }
0x328: {  	[sflag:s14] =	ssyncset.done $0x0  }
0x329: {  	[sflag:s14] =	ssyncadd.s32 $0xFFFFF000  }
0x32a: {  	[hbm4b:s16+s2] =	stream.linear.scatter [tilespmem:s10], [sflag:$0x5], $0x1000, $0x38;
	[tilespmem:$0x7400] =	vst v63  }
0x32b: {  	_ =	swait.ge [sflag:s6], $0x1000  }
0x32c: {  	s16 =	sld [smem:$0x7E8]  }
0x32d: {  	[sflag:s6] =	ssyncset.done $0x0  }
0x32e: {  	[sflag:s6] =	ssyncadd.s32 $0xFFFFF000  }
0x32f: {  	[tilespmem:s10], [sflag:$0x3] =	stream.indirect.gather [hbm4b:s4+s7], $0x20, s16, s7, $0xb8;
	[tilespmem:$0x7400] =	vst v63  }
0x330: {  	_ =	swait.ge [sflag:s15], $0x1000  }
0x331: {  	s16 =	sld [smem:$0x77F]  }
0x332: {  	[sflag:s15] =	ssyncset.done $0x0  }
0x333: {  	[sflag:s15] =	ssyncadd.s32 $0xFFFFF000  }
0x334: {  	[hbm4b:s16+s2] =	stream.linear.scatter [tilespmem:s11], [sflag:$0x5], $0x1000, $0x38;
	[tilespmem:$0x7400] =	vst v63  }
0x335: {  	_ =	swait.ge [sflag:s6], $0x1000  }
0x336: {  	s16 =	sld [smem:$0x7E9]  }
0x337: {  	[sflag:s6] =	ssyncset.done $0x0  }
0x338: {  	[sflag:s6] =	ssyncadd.s32 $0xFFFFF000  }
0x339: {  	[tilespmem:s11], [sflag:$0x4] =	stream.indirect.gather [hbm4b:s4+s7], $0x20, s16, s7, $0xb8;
	[tilespmem:$0x7400] =	vst v63  }
0x33a: {  	_ =	swait.ge [sflag:s12], $0x1000  }
0x33b: {  	s16 =	sld [smem:$0x780]  }
0x33c: {  	[sflag:s12] =	ssyncset.done $0x0  }
0x33d: {  	[sflag:s12] =	ssyncadd.s32 $0xFFFFF000  }
0x33e: {  	[hbm4b:s16+s2] =	stream.linear.scatter [tilespmem:s8], [sflag:$0x5], $0x1000, $0x38;
	[tilespmem:$0x7400] =	vst v63  }
0x33f: {  	_ =	swait.ge [sflag:s6], $0x1000  }
0x340: {  	s16 =	sld [smem:$0x7EA]  }
0x341: {  	[sflag:s6] =	ssyncset.done $0x0  }
0x342: {  	[sflag:s6] =	ssyncadd.s32 $0xFFFFF000  }
0x343: {  	[tilespmem:s8], [sflag:$0x1] =	stream.indirect.gather [hbm4b:s4+s7], $0x20, s16, s7, $0xb8;
	[tilespmem:$0x7400] =	vst v63  }
0x344: {  	_ =	swait.ge [sflag:s13], $0x1000  }
0x345: {  	s16 =	sld [smem:$0x781]  }
0x346: {  	[sflag:s13] =	ssyncset.done $0x0  }
0x347: {  	[sflag:s13] =	ssyncadd.s32 $0xFFFFF000  }
0x348: {  	[hbm4b:s16+s2] =	stream.linear.scatter [tilespmem:s9], [sflag:$0x5], $0x1000, $0x38;
	[tilespmem:$0x7400] =	vst v63  }
0x349: {  	_ =	swait.ge [sflag:s6], $0x1000  }
0x34a: {  	s16 =	sld [smem:$0x7EB]  }
0x34b: {  	[sflag:s6] =	ssyncset.done $0x0  }
0x34c: {  	[sflag:s6] =	ssyncadd.s32 $0xFFFFF000  }
0x34d: {  	[tilespmem:s9], [sflag:$0x2] =	stream.indirect.gather [hbm4b:s4+s7], $0x20, s16, s7, $0xb8;
	[tilespmem:$0x7400] =	vst v63  }
0x34e: {  	_ =	swait.ge [sflag:s14], $0x1000  }
0x34f: {  	s16 =	sld [smem:$0x782]  }
0x350: {  	[sflag:s14] =	ssyncset.done $0x0  }
0x351: {  	[sflag:s14] =	ssyncadd.s32 $0xFFFFF000  }
0x352: {  	[hbm4b:s16+s2] =	stream.linear.scatter [tilespmem:s10], [sflag:$0x5], $0x1000, $0x38;
	[tilespmem:$0x7400] =	vst v63  }
0x353: {  	_ =	swait.ge [sflag:s6], $0x1000  }
0x354: {  	s16 =	sld [smem:$0x7EC]  }
0x355: {  	[sflag:s6] =	ssyncset.done $0x0  }
0x356: {  	[sflag:s6] =	ssyncadd.s32 $0xFFFFF000  }
0x357: {  	[tilespmem:s10], [sflag:$0x3] =	stream.indirect.gather [hbm4b:s4+s7], $0x20, s16, s7, $0xb8;
	[tilespmem:$0x7400] =	vst v63  }
0x358: {  	_ =	swait.ge [sflag:s15], $0x1000  }
0x359: {  	s16 =	sld [smem:$0x783]  }
0x35a: {  	[sflag:s15] =	ssyncset.done $0x0  }
0x35b: {  	[sflag:s15] =	ssyncadd.s32 $0xFFFFF000  }
0x35c: {  	[hbm4b:s16+s2] =	stream.linear.scatter [tilespmem:s11], [sflag:$0x5], $0x1000, $0x38;
	[tilespmem:$0x7400] =	vst v63  }
0x35d: {  	_ =	swait.ge [sflag:s6], $0x1000  }
0x35e: {  	s16 =	sld [smem:$0x7ED]  }
0x35f: {  	[sflag:s6] =	ssyncset.done $0x0  }
0x360: {  	[sflag:s6] =	ssyncadd.s32 $0xFFFFF000  }
0x361: {  	[tilespmem:s11], [sflag:$0x4] =	stream.indirect.gather [hbm4b:s4+s7], $0x20, s16, s7, $0xb8;
	[tilespmem:$0x7400] =	vst v63  }
0x362: {  	_ =	swait.ge [sflag:s12], $0x1000  }
0x363: {  	s16 =	sld [smem:$0x784]  }
0x364: {  	[sflag:s12] =	ssyncset.done $0x0  }
0x365: {  	[sflag:s12] =	ssyncadd.s32 $0xFFFFF000  }
0x366: {  	[hbm4b:s16+s2] =	stream.linear.scatter [tilespmem:s8], [sflag:$0x5], $0x1000, $0x38;
	[tilespmem:$0x7400] =	vst v63  }
0x367: {  	_ =	swait.ge [sflag:s6], $0x1000  }
0x368: {  	s16 =	sld [smem:$0x7EE]  }
0x369: {  	[sflag:s6] =	ssyncset.done $0x0  }
0x36a: {  	[sflag:s6] =	ssyncadd.s32 $0xFFFFF000  }
0x36b: {  	[tilespmem:s8], [sflag:$0x1] =	stream.indirect.gather [hbm4b:s4+s7], $0x20, s16, s7, $0xb8;
	[tilespmem:$0x7400] =	vst v63  }
0x36c: {  	_ =	swait.ge [sflag:s13], $0x1000  }
0x36d: {  	s16 =	sld [smem:$0x785]  }
0x36e: {  	[sflag:s13] =	ssyncset.done $0x0  }
0x36f: {  	[sflag:s13] =	ssyncadd.s32 $0xFFFFF000  }
0x370: {  	[hbm4b:s16+s2] =	stream.linear.scatter [tilespmem:s9], [sflag:$0x5], $0x1000, $0x38;
	[tilespmem:$0x7400] =	vst v63  }
0x371: {  	_ =	swait.ge [sflag:s6], $0x1000  }
0x372: {  	s16 =	sld [smem:$0x7EF]  }
0x373: {  	[sflag:s6] =	ssyncset.done $0x0  }
0x374: {  	[sflag:s6] =	ssyncadd.s32 $0xFFFFF000  }
0x375: {  	[tilespmem:s9], [sflag:$0x2] =	stream.indirect.gather [hbm4b:s4+s7], $0x20, s16, s7, $0xb8;
	[tilespmem:$0x7400] =	vst v63  }
0x376: {  	_ =	swait.ge [sflag:s14], $0x1000  }
0x377: {  	s16 =	sld [smem:$0x786]  }
0x378: {  	[sflag:s14] =	ssyncset.done $0x0  }
0x379: {  	[sflag:s14] =	ssyncadd.s32 $0xFFFFF000  }
0x37a: {  	[hbm4b:s16+s2] =	stream.linear.scatter [tilespmem:s10], [sflag:$0x5], $0x1000, $0x38;
	[tilespmem:$0x7400] =	vst v63  }
0x37b: {  	_ =	swait.ge [sflag:s6], $0x1000  }
0x37c: {  	s16 =	sld [smem:$0x7F0]  }
0x37d: {  	[sflag:s6] =	ssyncset.done $0x0  }
0x37e: {  	[sflag:s6] =	ssyncadd.s32 $0xFFFFF000  }
0x37f: {  	[tilespmem:s10], [sflag:$0x3] =	stream.indirect.gather [hbm4b:s4+s7], $0x20, s16, s7, $0xb8;
	[tilespmem:$0x7400] =	vst v63  }
0x380: {  	_ =	swait.ge [sflag:s15], $0x1000  }
0x381: {  	s16 =	sld [smem:$0x787]  }
0x382: {  	[sflag:s15] =	ssyncset.done $0x0  }
0x383: {  	[sflag:s15] =	ssyncadd.s32 $0xFFFFF000  }
0x384: {  	[hbm4b:s16+s2] =	stream.linear.scatter [tilespmem:s11], [sflag:$0x5], $0x1000, $0x38;
	[tilespmem:$0x7400] =	vst v63  }
0x385: {  	_ =	swait.ge [sflag:s6], $0x1000  }
0x386: {  	s16 =	sld [smem:$0x7F1]  }
0x387: {  	[sflag:s6] =	ssyncset.done $0x0  }
0x388: {  	[sflag:s6] =	ssyncadd.s32 $0xFFFFF000  }
0x389: {  	[tilespmem:s11], [sflag:$0x4] =	stream.indirect.gather [hbm4b:s4+s7], $0x20, s16, s7, $0xb8;
	[tilespmem:$0x7400] =	vst v63  }
0x38a: {  	_ =	swait.ge [sflag:s12], $0x1000  }
0x38b: {  	s16 =	sld [smem:$0x788]  }
0x38c: {  	[sflag:s12] =	ssyncset.done $0x0  }
0x38d: {  	[sflag:s12] =	ssyncadd.s32 $0xFFFFF000  }
0x38e: {  	[hbm4b:s16+s2] =	stream.linear.scatter [tilespmem:s8], [sflag:$0x5], $0x1000, $0x38;
	[tilespmem:$0x7400] =	vst v63  }
0x38f: {  	_ =	swait.ge [sflag:s6], $0x1000  }
0x390: {  	s16 =	sld [smem:$0x7F2]  }
0x391: {  	[sflag:s6] =	ssyncset.done $0x0  }
0x392: {  	[sflag:s6] =	ssyncadd.s32 $0xFFFFF000  }
0x393: {  	[tilespmem:s8], [sflag:$0x1] =	stream.indirect.gather [hbm4b:s4+s7], $0x20, s16, s7, $0xb8;
	[tilespmem:$0x7400] =	vst v63  }
0x394: {  	_ =	swait.ge [sflag:s13], $0x1000  }
0x395: {  	s16 =	sld [smem:$0x789]  }
0x396: {  	[sflag:s13] =	ssyncset.done $0x0  }
0x397: {  	[sflag:s13] =	ssyncadd.s32 $0xFFFFF000  }
0x398: {  	[hbm4b:s16+s2] =	stream.linear.scatter [tilespmem:s9], [sflag:$0x5], $0x1000, $0x38;
	[tilespmem:$0x7400] =	vst v63  }
0x399: {  	_ =	swait.ge [sflag:s6], $0x1000  }
0x39a: {  	s16 =	sld [smem:$0x7F3]  }
0x39b: {  	[sflag:s6] =	ssyncset.done $0x0  }
0x39c: {  	[sflag:s6] =	ssyncadd.s32 $0xFFFFF000  }
0x39d: {  	[tilespmem:s9], [sflag:$0x2] =	stream.indirect.gather [hbm4b:s4+s7], $0x20, s16, s7, $0xb8;
	[tilespmem:$0x7400] =	vst v63  }
0x39e: {  	_ =	swait.ge [sflag:s14], $0x1000  }
0x39f: {  	s16 =	sld [smem:$0x78A]  }
0x3a0: {  	[sflag:s14] =	ssyncset.done $0x0  }
0x3a1: {  	[sflag:s14] =	ssyncadd.s32 $0xFFFFF000  }
0x3a2: {  	[hbm4b:s16+s2] =	stream.linear.scatter [tilespmem:s10], [sflag:$0x5], $0x1000, $0x38;
	[tilespmem:$0x7400] =	vst v63  }
0x3a3: {  	_ =	swait.ge [sflag:s6], $0x1000  }
0x3a4: {  	s16 =	sld [smem:$0x7F4]  }
0x3a5: {  	[sflag:s6] =	ssyncset.done $0x0  }
0x3a6: {  	[sflag:s6] =	ssyncadd.s32 $0xFFFFF000  }
0x3a7: {  	[tilespmem:s10], [sflag:$0x3] =	stream.indirect.gather [hbm4b:s4+s7], $0x20, s16, s7, $0xb8;
	[tilespmem:$0x7400] =	vst v63  }
0x3a8: {  	_ =	swait.ge [sflag:s15], $0x1000  }
0x3a9: {  	s16 =	sld [smem:$0x78B]  }
0x3aa: {  	[sflag:s15] =	ssyncset.done $0x0  }
0x3ab: {  	[sflag:s15] =	ssyncadd.s32 $0xFFFFF000  }
0x3ac: {  	[hbm4b:s16+s2] =	stream.linear.scatter [tilespmem:s11], [sflag:$0x5], $0x1000, $0x38;
	[tilespmem:$0x7400] =	vst v63  }
0x3ad: {  	_ =	swait.ge [sflag:s6], $0x1000  }
0x3ae: {  	s16 =	sld [smem:$0x7F5]  }
0x3af: {  	[sflag:s6] =	ssyncset.done $0x0  }
0x3b0: {  	[sflag:s6] =	ssyncadd.s32 $0xFFFFF000  }
0x3b1: {  	[tilespmem:s11], [sflag:$0x4] =	stream.indirect.gather [hbm4b:s4+s7], $0x20, s16, s7, $0xb8;
	[tilespmem:$0x7400] =	vst v63  }
0x3b2: {  	_ =	swait.ge [sflag:s12], $0x1000  }
0x3b3: {  	s16 =	sld [smem:$0x78C]  }
0x3b4: {  	[sflag:s12] =	ssyncset.done $0x0  }
0x3b5: {  	[sflag:s12] =	ssyncadd.s32 $0xFFFFF000  }
0x3b6: {  	[hbm4b:s16+s2] =	stream.linear.scatter [tilespmem:s8], [sflag:$0x5], $0x1000, $0x38;
	[tilespmem:$0x7400] =	vst v63  }
0x3b7: {  	_ =	swait.ge [sflag:s6], $0x1000  }
0x3b8: {  	s16 =	sld [smem:$0x7F6]  }
0x3b9: {  	[sflag:s6] =	ssyncset.done $0x0  }
0x3ba: {  	[sflag:s6] =	ssyncadd.s32 $0xFFFFF000  }
0x3bb: {  	[tilespmem:s8], [sflag:$0x1] =	stream.indirect.gather [hbm4b:s4+s7], $0x20, s16, s7, $0xb8;
	[tilespmem:$0x7400] =	vst v63  }
0x3bc: {  	_ =	swait.ge [sflag:s13], $0x1000  }
0x3bd: {  	s16 =	sld [smem:$0x78D]  }
0x3be: {  	[sflag:s13] =	ssyncset.done $0x0  }
0x3bf: {  	[sflag:s13] =	ssyncadd.s32 $0xFFFFF000  }
0x3c0: {  	[hbm4b:s16+s2] =	stream.linear.scatter [tilespmem:s9], [sflag:$0x5], $0x1000, $0x38;
	[tilespmem:$0x7400] =	vst v63  }
0x3c1: {  	_ =	swait.ge [sflag:s6], $0x1000  }
0x3c2: {  	s16 =	sld [smem:$0x7F7]  }
0x3c3: {  	[sflag:s6] =	ssyncset.done $0x0  }
0x3c4: {  	[sflag:s6] =	ssyncadd.s32 $0xFFFFF000  }
0x3c5: {  	[tilespmem:s9], [sflag:$0x2] =	stream.indirect.gather [hbm4b:s4+s7], $0x20, s16, s7, $0xb8;
	[tilespmem:$0x7400] =	vst v63  }
0x3c6: {  	_ =	swait.ge [sflag:s14], $0x1000  }
0x3c7: {  	s16 =	sld [smem:$0x78E]  }
0x3c8: {  	[sflag:s14] =	ssyncset.done $0x0  }
0x3c9: {  	[sflag:s14] =	ssyncadd.s32 $0xFFFFF000  }
0x3ca: {  	[hbm4b:s16+s2] =	stream.linear.scatter [tilespmem:s10], [sflag:$0x5], $0x1000, $0x38;
	[tilespmem:$0x7400] =	vst v63  }
0x3cb: {  	_ =	swait.ge [sflag:s6], $0x1000  }
0x3cc: {  	s16 =	sld [smem:$0x7F8]  }
0x3cd: {  	[sflag:s6] =	ssyncset.done $0x0  }
0x3ce: {  	[sflag:s6] =	ssyncadd.s32 $0xFFFFF000  }
0x3cf: {  	[tilespmem:s10], [sflag:$0x3] =	stream.indirect.gather [hbm4b:s4+s7], $0x20, s16, s7, $0xb8;
	[tilespmem:$0x7400] =	vst v63  }
0x3d0: {  	_ =	swait.ge [sflag:s15], $0x1000  }
0x3d1: {  	s16 =	sld [smem:$0x78F]  }
0x3d2: {  	[sflag:s15] =	ssyncset.done $0x0  }
0x3d3: {  	[sflag:s15] =	ssyncadd.s32 $0xFFFFF000  }
0x3d4: {  	[hbm4b:s16+s2] =	stream.linear.scatter [tilespmem:s11], [sflag:$0x5], $0x1000, $0x38;
	[tilespmem:$0x7400] =	vst v63  }
0x3d5: {  	_ =	swait.ge [sflag:s6], $0x1000  }
0x3d6: {  	s16 =	sld [smem:$0x7F9]  }
0x3d7: {  	[sflag:s6] =	ssyncset.done $0x0  }
0x3d8: {  	[sflag:s6] =	ssyncadd.s32 $0xFFFFF000  }
0x3d9: {  	[tilespmem:s11], [sflag:$0x4] =	stream.indirect.gather [hbm4b:s4+s7], $0x20, s16, s7, $0xb8;
	[tilespmem:$0x7400] =	vst v63  }
0x3da: {  	_ =	swait.ge [sflag:s12], $0x1000  }
0x3db: {  	s16 =	sld [smem:$0x790]  }
0x3dc: {  	[sflag:s12] =	ssyncset.done $0x0  }
0x3dd: {  	[sflag:s12] =	ssyncadd.s32 $0xFFFFF000  }
0x3de: {  	[hbm4b:s16+s2] =	stream.linear.scatter [tilespmem:s8], [sflag:$0x5], $0x1000, $0x38;
	[tilespmem:$0x7400] =	vst v63  }
0x3df: {  	_ =	swait.ge [sflag:s6], $0x1000  }
0x3e0: {  	s16 =	sld [smem:$0x7FA]  }
0x3e1: {  	[sflag:s6] =	ssyncset.done $0x0  }
0x3e2: {  	[sflag:s6] =	ssyncadd.s32 $0xFFFFF000  }
0x3e3: {  	[tilespmem:s8], [sflag:$0x1] =	stream.indirect.gather [hbm4b:s4+s7], $0x20, s16, s7, $0xb8;
	[tilespmem:$0x7400] =	vst v63  }
0x3e4: {  	_ =	swait.ge [sflag:s13], $0x1000  }
0x3e5: {  	s16 =	sld [smem:$0x791]  }
0x3e6: {  	[sflag:s13] =	ssyncset.done $0x0  }
0x3e7: {  	[sflag:s13] =	ssyncadd.s32 $0xFFFFF000  }
0x3e8: {  	[hbm4b:s16+s2] =	stream.linear.scatter [tilespmem:s9], [sflag:$0x5], $0x1000, $0x38;
	[tilespmem:$0x7400] =	vst v63  }
0x3e9: {  	_ =	swait.ge [sflag:s6], $0x1000  }
0x3ea: {  	s16 =	sld [smem:$0x7FB]  }
0x3eb: {  	[sflag:s6] =	ssyncset.done $0x0  }
0x3ec: {  	[sflag:s6] =	ssyncadd.s32 $0xFFFFF000  }
0x3ed: {  	[tilespmem:s9], [sflag:$0x2] =	stream.indirect.gather [hbm4b:s4+s7], $0x20, s16, s7, $0xb8;
	[tilespmem:$0x7400] =	vst v63  }
0x3ee: {  	_ =	swait.ge [sflag:s14], $0x1000  }
0x3ef: {  	s16 =	sld [smem:$0x792]  }
0x3f0: {  	[sflag:s14] =	ssyncset.done $0x0  }
0x3f1: {  	[sflag:s14] =	ssyncadd.s32 $0xFFFFF000  }
0x3f2: {  	[hbm4b:s16+s2] =	stream.linear.scatter [tilespmem:s10], [sflag:$0x5], $0x1000, $0x38;
	[tilespmem:$0x7400] =	vst v63  }
0x3f3: {  	_ =	swait.ge [sflag:s6], $0x1000  }
0x3f4: {  	s16 =	sld [smem:$0x7FC]  }
0x3f5: {  	[sflag:s6] =	ssyncset.done $0x0  }
0x3f6: {  	[sflag:s6] =	ssyncadd.s32 $0xFFFFF000  }
0x3f7: {  	[tilespmem:s10], [sflag:$0x3] =	stream.indirect.gather [hbm4b:s4+s7], $0x20, s16, s7, $0xb8;
	[tilespmem:$0x7400] =	vst v63  }
0x3f8: {  	_ =	swait.ge [sflag:s15], $0x1000  }
0x3f9: {  	s16 =	sld [smem:$0x793]  }
0x3fa: {  	[sflag:s15] =	ssyncset.done $0x0  }
0x3fb: {  	[sflag:s15] =	ssyncadd.s32 $0xFFFFF000  }
0x3fc: {  	[hbm4b:s16+s2] =	stream.linear.scatter [tilespmem:s11], [sflag:$0x5], $0x1000, $0x38;
	[tilespmem:$0x7400] =	vst v63  }
0x3fd: {  	_ =	swait.ge [sflag:s6], $0x1000  }
0x3fe: {  	s16 =	sld [smem:$0x7FD]  }
0x3ff: {  	[sflag:s6] =	ssyncset.done $0x0  }
0x400: {  	[sflag:s6] =	ssyncadd.s32 $0xFFFFF000  }
0x401: {  	[tilespmem:s11], [sflag:$0x4] =	stream.indirect.gather [hbm4b:s4+s7], $0x20, s16, s7, $0xb8;
	[tilespmem:$0x7400] =	vst v63  }
0x402: {  	_ =	swait.ge [sflag:s12], $0x1000  }
0x403: {  	s16 =	sld [smem:$0x794]  }
0x404: {  	[sflag:s12] =	ssyncset.done $0x0  }
0x405: {  	[sflag:s12] =	ssyncadd.s32 $0xFFFFF000  }
0x406: {  	[hbm4b:s16+s2] =	stream.linear.scatter [tilespmem:s8], [sflag:$0x5], $0x1000, $0x38;
	[tilespmem:$0x7400] =	vst v63  }
0x407: {  	_ =	swait.ge [sflag:s6], $0x1000  }
0x408: {  	[sflag:s6] =	ssyncset.done $0x0  }
0x409: {  	s16 =	simm.s32 $0x2C00;
	[sflag:s6] =	ssyncadd.s32 $0xFFFFF000  }
0x40a: {  	[tilespmem:s8], [sflag:$0x1] =	stream.indirect.gather [hbm4b:s4+s7], $0x20, s16, s7, $0xb8;
	[tilespmem:$0x7400] =	vst v63  }
0x40b: {  	_ =	swait.ge [sflag:s13], $0x1000  }
0x40c: {  	s16 =	sld [smem:$0x795]  }
0x40d: {  	[sflag:s13] =	ssyncset.done $0x0  }
0x40e: {  	[sflag:s13] =	ssyncadd.s32 $0xFFFFF000  }
0x40f: {  	[hbm4b:s16+s2] =	stream.linear.scatter [tilespmem:s9], [sflag:$0x5], $0x1000, $0x38;
	[tilespmem:$0x7400] =	vst v63  }
0x410: {  	_ =	swait.ge [sflag:s6], $0x1000  }
0x411: {  	[sflag:s6] =	ssyncset.done $0x0  }
0x412: {  	[sflag:s6] =	ssyncadd.s32 $0xFFFFF000  }
0x413: {  	[tilespmem:s9], [sflag:$0x2] =	stream.indirect.gather [hbm4b:s4+s7], $0x20, s17, s7, $0xb8;
	[tilespmem:$0x7400] =	vst v63  }
0x414: {  	_ =	swait.ge [sflag:s14], $0x1000  }
0x415: {  	s16 =	sld [smem:$0x796]  }
0x416: {  	[sflag:s14] =	ssyncset.done $0x0  }
0x417: {  	[sflag:s14] =	ssyncadd.s32 $0xFFFFF000  }
0x418: {  	[hbm4b:s16+s2] =	stream.linear.scatter [tilespmem:s10], [sflag:$0x5], $0x1000, $0x38;
	[tilespmem:$0x7400] =	vst v63  }
0x419: {  	_ =	swait.ge [sflag:s6], $0x1000  }
0x41a: {  	[sflag:s6] =	ssyncset.done $0x0  }
0x41b: {  	[sflag:s6] =	ssyncadd.s32 $0xFFFFF000  }
0x41c: {  	[tilespmem:s10], [sflag:$0x3] =	stream.indirect.gather [hbm4b:s4+s7], $0x20, s18, s7, $0xb8;
	[tilespmem:$0x7400] =	vst v63  }
0x41d: {  	_ =	swait.ge [sflag:s15], $0x1000  }
0x41e: {  	s16 =	sld [smem:$0x797]  }
0x41f: {  	[sflag:s15] =	ssyncset.done $0x0  }
0x420: {  	[sflag:s15] =	ssyncadd.s32 $0xFFFFF000  }
0x421: {  	[hbm4b:s16+s2] =	stream.linear.scatter [tilespmem:s11], [sflag:$0x5], $0x1000, $0x38;
	[tilespmem:$0x7400] =	vst v63  }
0x422: {  	_ =	swait.ge [sflag:s6], $0x1000  }
0x423: {  	[sflag:s6] =	ssyncset.done $0x0  }
0x424: {  	[sflag:s6] =	ssyncadd.s32 $0xFFFFF000  }
0x425: {  	[tilespmem:s11], [sflag:$0x4] =	stream.indirect.gather [hbm4b:s4+s7], $0x20, s19, s7, $0xb8;
	[tilespmem:$0x7400] =	vst v63  }
0x426: {  	_ =	swait.ge [sflag:s12], $0x1000  }
0x427: {  	s16 =	sld [smem:$0x798]  }
0x428: {  	[sflag:s12] =	ssyncset.done $0x0  }
0x429: {  	[sflag:s12] =	ssyncadd.s32 $0xFFFFF000  }
0x42a: {  	[hbm4b:s16+s2] =	stream.linear.scatter [tilespmem:s8], [sflag:$0x5], $0x1000, $0x38;
	[tilespmem:$0x7400] =	vst v63  }
0x42b: {  	_ =	swait.ge [sflag:s6], $0x1000  }
0x42c: {  	[sflag:s6] =	ssyncset.done $0x0  }
0x42d: {  	[sflag:s6] =	ssyncadd.s32 $0xFFFFF000  }
0x42e: {  	[tilespmem:s8], [sflag:$0x1] =	stream.indirect.gather [hbm4b:s4+s7], $0x20, s20, s7, $0xb8;
	[tilespmem:$0x7400] =	vst v63  }
0x42f: {  	_ =	swait.ge [sflag:s13], $0x1000  }
0x430: {  	s16 =	sld [smem:$0x799]  }
0x431: {  	[sflag:s13] =	ssyncset.done $0x0  }
0x432: {  	[sflag:s13] =	ssyncadd.s32 $0xFFFFF000  }
0x433: {  	[hbm4b:s16+s2] =	stream.linear.scatter [tilespmem:s9], [sflag:$0x5], $0x1000, $0x38;
	[tilespmem:$0x7400] =	vst v63  }
0x434: {  	_ =	swait.ge [sflag:s6], $0x1000  }
0x435: {  	[sflag:s6] =	ssyncset.done $0x0  }
0x436: {  	[sflag:s6] =	ssyncadd.s32 $0xFFFFF000  }
0x437: {  	[tilespmem:s9], [sflag:$0x2] =	stream.indirect.gather [hbm4b:s4+s7], $0x20, s21, s7, $0xb8;
	[tilespmem:$0x7400] =	vst v63  }
0x438: {  	_ =	swait.ge [sflag:s14], $0x1000  }
0x439: {  	s16 =	sld [smem:$0x79A]  }
0x43a: {  	[sflag:s14] =	ssyncset.done $0x0  }
0x43b: {  	[sflag:s14] =	ssyncadd.s32 $0xFFFFF000  }
0x43c: {  	[hbm4b:s16+s2] =	stream.linear.scatter [tilespmem:s10], [sflag:$0x5], $0x1000, $0x38;
	[tilespmem:$0x7400] =	vst v63  }
0x43d: {  	_ =	swait.ge [sflag:s6], $0x1000  }
0x43e: {  	[sflag:s6] =	ssyncset.done $0x0  }
0x43f: {  	[sflag:s6] =	ssyncadd.s32 $0xFFFFF000  }
0x440: {  	[tilespmem:s10], [sflag:$0x3] =	stream.indirect.gather [hbm4b:s4+s7], $0x20, s22, s7, $0xb8;
	[tilespmem:$0x7400] =	vst v63  }
0x441: {  	_ =	swait.ge [sflag:s15], $0x1000  }
0x442: {  	s16 =	sld [smem:$0x79B]  }
0x443: {  	[sflag:s15] =	ssyncset.done $0x0  }
0x444: {  	[sflag:s15] =	ssyncadd.s32 $0xFFFFF000  }
0x445: {  	[hbm4b:s16+s2] =	stream.linear.scatter [tilespmem:s11], [sflag:$0x5], $0x1000, $0x38;
	[tilespmem:$0x7400] =	vst v63  }
0x446: {  	_ =	swait.ge [sflag:s6], $0x1000  }
0x447: {  	[sflag:s6] =	ssyncset.done $0x0  }
0x448: {  	[sflag:s6] =	ssyncadd.s32 $0xFFFFF000  }
0x449: {  	[tilespmem:s11], [sflag:$0x4] =	stream.indirect.gather [hbm4b:s4+s7], $0x20, s23, s7, $0xb8;
	[tilespmem:$0x7400] =	vst v63  }
0x44a: {  	_ =	swait.ge [sflag:s12], $0x1000  }
0x44b: {  	s16 =	sld [smem:$0x79C]  }
0x44c: {  	[sflag:s12] =	ssyncset.done $0x0  }
0x44d: {  	[sflag:s12] =	ssyncadd.s32 $0xFFFFF000  }
0x44e: {  	[hbm4b:s16+s2] =	stream.linear.scatter [tilespmem:s8], [sflag:$0x5], $0x1000, $0x38;
	[tilespmem:$0x7400] =	vst v63  }
0x44f: {  	_ =	swait.ge [sflag:s6], $0x1000  }
0x450: {  	[sflag:s6] =	ssyncset.done $0x0  }
0x451: {  	[sflag:s6] =	ssyncadd.s32 $0xFFFFF000  }
0x452: {  	[tilespmem:s8], [sflag:$0x1] =	stream.indirect.gather [hbm4b:s4+s7], $0x20, s24, s7, $0xb8;
	[tilespmem:$0x7400] =	vst v63  }
0x453: {  	_ =	swait.ge [sflag:s13], $0x1000  }
0x454: {  	s16 =	sld [smem:$0x79D]  }
0x455: {  	[sflag:s13] =	ssyncset.done $0x0  }
0x456: {  	[sflag:s13] =	ssyncadd.s32 $0xFFFFF000  }
0x457: {  	[hbm4b:s16+s2] =	stream.linear.scatter [tilespmem:s9], [sflag:$0x5], $0x1000, $0x38;
	[tilespmem:$0x7400] =	vst v63  }
0x458: {  	_ =	swait.ge [sflag:s6], $0x1000  }
0x459: {  	[sflag:s6] =	ssyncset.done $0x0  }
0x45a: {  	[sflag:s6] =	ssyncadd.s32 $0xFFFFF000  }
0x45b: {  	[tilespmem:s9], [sflag:$0x2] =	stream.indirect.gather [hbm4b:s4+s7], $0x20, s25, s7, $0xb8;
	[tilespmem:$0x7400] =	vst v63  }
0x45c: {  	_ =	swait.ge [sflag:s14], $0x1000  }
0x45d: {  	s16 =	sld [smem:$0x79E]  }
0x45e: {  	[sflag:s14] =	ssyncset.done $0x0  }
0x45f: {  	[sflag:s14] =	ssyncadd.s32 $0xFFFFF000  }
0x460: {  	[hbm4b:s16+s2] =	stream.linear.scatter [tilespmem:s10], [sflag:$0x5], $0x1000, $0x38;
	[tilespmem:$0x7400] =	vst v63  }
0x461: {  	_ =	swait.ge [sflag:s6], $0x1000  }
0x462: {  	[sflag:s6] =	ssyncset.done $0x0  }
0x463: {  	[sflag:s6] =	ssyncadd.s32 $0xFFFFF000  }
0x464: {  	[tilespmem:s10], [sflag:$0x3] =	stream.indirect.gather [hbm4b:s4+s7], $0x20, s26, s7, $0xb8;
	[tilespmem:$0x7400] =	vst v63  }
0x465: {  	_ =	swait.ge [sflag:s15], $0x1000  }
0x466: {  	s16 =	sld [smem:$0x79F]  }
0x467: {  	[sflag:s15] =	ssyncset.done $0x0  }
0x468: {  	[sflag:s15] =	ssyncadd.s32 $0xFFFFF000  }
0x469: {  	[hbm4b:s16+s2] =	stream.linear.scatter [tilespmem:s11], [sflag:$0x5], $0x1000, $0x38;
	[tilespmem:$0x7400] =	vst v63  }
0x46a: {  	_ =	swait.ge [sflag:s6], $0x1000  }
0x46b: {  	[sflag:s6] =	ssyncset.done $0x0  }
0x46c: {  	[sflag:s6] =	ssyncadd.s32 $0xFFFFF000  }
0x46d: {  	[tilespmem:s11], [sflag:$0x4] =	stream.indirect.gather [hbm4b:s4+s7], $0x20, s28, s7, $0xb8;
	[tilespmem:$0x7400] =	vst v63  }
0x46e: {  	_ =	swait.ge [sflag:s12], $0x1000  }
0x46f: {  	s16 =	sld [smem:$0x7A0]  }
0x470: {  	[sflag:s12] =	ssyncset.done $0x0  }
0x471: {  	[sflag:s12] =	ssyncadd.s32 $0xFFFFF000  }
0x472: {  	[hbm4b:s16+s2] =	stream.linear.scatter [tilespmem:s8], [sflag:$0x5], $0x1000, $0x38;
	[tilespmem:$0x7400] =	vst v63  }
0x473: {  	_ =	swait.ge [sflag:s6], $0x1000  }
0x474: {  	[sflag:s6] =	ssyncset.done $0x0  }
0x475: {  	[sflag:s6] =	ssyncadd.s32 $0xFFFFF000  }
0x476: {  	[tilespmem:s8], [sflag:$0x1] =	stream.indirect.gather [hbm4b:s4+s7], $0x20, s29, s7, $0xb8;
	[tilespmem:$0x7400] =	vst v63  }
0x477: {  	_ =	swait.ge [sflag:s13], $0x1000  }
0x478: {  	s16 =	sld [smem:$0x7A1]  }
0x479: {  	[sflag:s13] =	ssyncset.done $0x0  }
0x47a: {  	[sflag:s13] =	ssyncadd.s32 $0xFFFFF000  }
0x47b: {  	[hbm4b:s16+s2] =	stream.linear.scatter [tilespmem:s9], [sflag:$0x5], $0x1000, $0x38;
	[tilespmem:$0x7400] =	vst v63  }
0x47c: {  	_ =	swait.ge [sflag:s6], $0x1000  }
0x47d: {  	[sflag:s6] =	ssyncset.done $0x0  }
0x47e: {  	[sflag:s6] =	ssyncadd.s32 $0xFFFFF000  }
0x47f: {  	[tilespmem:s9], [sflag:$0x2] =	stream.indirect.gather [hbm4b:s4+s7], $0x20, s30, s7, $0xb8;
	[tilespmem:$0x7400] =	vst v63  }
0x480: {  	_ =	swait.ge [sflag:s14], $0x1000  }
0x481: {  	s16 =	sld [smem:$0x7A2]  }
0x482: {  	[sflag:s14] =	ssyncset.done $0x0  }
0x483: {  	[sflag:s14] =	ssyncadd.s32 $0xFFFFF000  }
0x484: {  	[hbm4b:s16+s2] =	stream.linear.scatter [tilespmem:s10], [sflag:$0x5], $0x1000, $0x38;
	[tilespmem:$0x7400] =	vst v63  }
0x485: {  	_ =	swait.ge [sflag:s6], $0x1000  }
0x486: {  	[sflag:s6] =	ssyncset.done $0x0  }
0x487: {  	[sflag:s6] =	ssyncadd.s32 $0xFFFFF000  }
0x488: {  	[tilespmem:s10], [sflag:$0x3] =	stream.indirect.gather [hbm4b:s4+s7], $0x20, s31, s7, $0xb8;
	[tilespmem:$0x7400] =	vst v63  }
0x489: {  	_ =	swait.ge [sflag:s15], $0x1000  }
0x48a: {  	s16 =	sld [smem:$0x7A3]  }
0x48b: {  	[sflag:s15] =	ssyncset.done $0x0  }
0x48c: {  	[sflag:s15] =	ssyncadd.s32 $0xFFFFF000  }
0x48d: {  	[hbm4b:s16+s2] =	stream.linear.scatter [tilespmem:s11], [sflag:$0x5], $0x1000, $0x38;
	[tilespmem:$0x7400] =	vst v63  }
0x48e: {  	_ =	swait.ge [sflag:s6], $0x1000  }
0x48f: {  	[sflag:s6] =	ssyncset.done $0x0  }
0x490: {  	[sflag:s6] =	ssyncadd.s32 $0xFFFFF000  }
0x491: {  	[tilespmem:s11], [sflag:$0x4] =	stream.indirect.gather [hbm4b:s4+s7], $0x20, s1, s7, $0xb8;
	[tilespmem:$0x7400] =	vst v63  }
0x492: {  	_ =	swait.ge [sflag:s12], $0x1000  }
0x493: {  	s16 =	sld [smem:$0x7A4]  }
0x494: {  	[sflag:s12] =	ssyncset.done $0x0  }
0x495: {  	[sflag:s12] =	ssyncadd.s32 $0xFFFFF000  }
0x496: {  	[hbm4b:s16+s2] =	stream.linear.scatter [tilespmem:s8], [sflag:$0x5], $0x1000, $0x38;
	[tilespmem:$0x7400] =	vst v63  }
0x497: {  	_ =	swait.ge [sflag:s6], $0x1000  }
0x498: {  	[sflag:s6] =	ssyncset.done $0x0  }
0x499: {  	[sflag:s6] =	ssyncadd.s32 $0xFFFFF000  }
0x49a: {  	_ =	swait.ge [sflag:s13], $0x1000  }
0x49b: {  	s16 =	sld [smem:$0x7A5]  }
0x49c: {  	[sflag:s13] =	ssyncset.done $0x0  }
0x49d: {  	[sflag:s13] =	ssyncadd.s32 $0xFFFFF000  }
0x49e: {  	[hbm4b:s16+s2] =	stream.linear.scatter [tilespmem:s9], [sflag:$0x5], $0x1000, $0x38;
	[tilespmem:$0x7400] =	vst v63  }
0x49f: {  	_ =	swait.ge [sflag:s6], $0x1000  }
0x4a0: {  	[sflag:s6] =	ssyncset.done $0x0  }
0x4a1: {  	[sflag:s6] =	ssyncadd.s32 $0xFFFFF000  }
0x4a2: {  	_ =	swait.ge [sflag:s14], $0x1000  }
0x4a3: {  	s16 =	sld [smem:$0x7A6]  }
0x4a4: {  	[sflag:s14] =	ssyncset.done $0x0  }
0x4a5: {  	[sflag:s14] =	ssyncadd.s32 $0xFFFFF000  }
0x4a6: {  	[hbm4b:s16+s2] =	stream.linear.scatter [tilespmem:s10], [sflag:$0x5], $0x1000, $0x38;
	[tilespmem:$0x7400] =	vst v63  }
0x4a7: {  	_ =	swait.ge [sflag:s6], $0x1000  }
0x4a8: {  	[sflag:s6] =	ssyncset.done $0x0  }
0x4a9: {  	[sflag:s6] =	ssyncadd.s32 $0xFFFFF000  }
0x4aa: {  	_ =	swait.ge [sflag:s15], $0x1000  }
0x4ab: {  	s16 =	sld [smem:$0x7A7]  }
0x4ac: {  	p0 =	sne.s32 s5, $0x1;
	[sflag:s15] =	ssyncset.done $0x0  }
.Ltmp0:
0x4ad: {  	[sflag:s15] =	ssyncadd.s32 $0xFFFFF000;
	(pc) =	sbr.rel @p0 .LBB2_1-.Ltmp0, $4  }
0x4ae: {  	[hbm4b:s16+s2] =	stream.linear.scatter [tilespmem:s11], [sflag:$0x5], $0x1000, $0x38;
	[tilespmem:$0x7400] =	vst v63  }
0x4af: {  	_ =	swait.ge [sflag:s6], $0x1000  }
0x4b0: {  	[sflag:s6] =	ssyncset.done $0x0  }
0x4b1: {  	s5 =	sadd.s32 $0xFFFFFFFF, s5;
	[sflag:s6] =	ssyncadd.s32 $0xFFFFF000  }
0x4b2: {  	_ =	sfence.sel $0x180000  }
0x4b3: {  	[bflag:$0x0] =	sbarrier.arrive $0xFFFF  }
0x4b4: {  	_ =	strace $0x90000047  }
0x4b5: {  	s0 =	stileid.u32;
	[bflag:$0x2] =	sbarrier.arrive $0xFFFF  }
0x4b6: {  	p0 =	sne.s32 s0, $0x0;
	s0 =	rddreg [dreg:$0x3]  }
0x4b7: {  	s0 =	sadd.s32 @!p0 $0x100000, s0  }
0x4b8: {  	[sflag:s0] =	ssyncadd.tile.s32 @!p0 $0x1;
	_ =	shalt  }
.Lfunc_end2:
_tile_overlayer_lowered:
.L_overlay_start_2:
0x4b9: {  	(tag) =	ssettag $0x2  }
0x4ba: {  	s0 =	rddreg [dreg:$0x0];
	s2 =	stileid.u32  }
0x4bb: {  	s1 =	rddreg [dreg:$0x1];
	p0 =	sne.s32 s2, $0x0  }
0x4bc: {  	s3 =	rddreg [dreg:$0x2];
	[bflag:$0x3] =	sbarrier.arrive $0xFFFF;
	s2 =	simm.s32 @!p0 $0x1C05  }
0x4bd: {  	[timem:s3], [sflag:s2] =	dma.local @!p0 [hbm:s0], s1  }
0x4be: {  	s0 =	simm.s32 @!p0 $0x5  }
0x4bf: {  	_ =	swait.ge @!p0 [sflag:s0], s1  }
0x4c0: {  	s1 =	ssub.s32 @!p0 $0x0, s1;
	[sflag:s0] =	ssyncset.done @!p0 $0x0  }
0x4c1: {  	[sflag:s0] =	ssyncadd.s32 @!p0 s1  }
0x4c2: {  	[bflag:$0x3] =	sbarrier.arrive $0xFFFF  }
0x4c3: {  	_ =	shalt  }

</sc_bundles>
